<compile_context>
chip_gen: v7x
topology: tpu7x:2x2x1
jax: 0.10.2.dev20260603
libtpu: 0.0.44.dev20260713+nightly
codegen_flags: <defaults>
</compile_context>

<pallas_src>
import functools

import jax
import jax.numpy as jnp
from jax import lax
from jax.experimental import pallas as pl
from jax.experimental.pallas import tpu as pltpu
from jax.experimental.pallas import tpu_sc as plsc

F32 = jnp.float32
I32 = jnp.int32

D = 64
BLK = 512
NPAD = 50176
HALF = NPAD // 2
ACC_ROWS = 25344
ZPT = ACC_ROWS // 16
OPT = HALF // 16
CH = 128
EPAD = 802816
CPT = EPAD // (16 * CH)
EPT = EPAD // 16
PCH = EPT // 8
CAP = EPT + 2 * CH


def _embed_body(x_ref, wt_ref, wj_ref, bt_ref, bj_ref, o_ref):
    i = pl.program_id(0)
    rows = i * BLK + lax.broadcasted_iota(I32, (BLK, 1), 0)
    is_torso = (rows % 9) == 0
    xb = x_ref[...]
    ht = jnp.dot(xb, wt_ref[...], preferred_element_type=F32) + bt_ref[0, :]
    hj = jnp.dot(xb, wj_ref[...], preferred_element_type=F32) + bj_ref[0, :]
    o_ref[...] = jnp.where(is_torso, ht, hj)


def _embed(x, wt, wj, bt, bj):
    return pl.pallas_call(
        _embed_body,
        grid=(NPAD // BLK,),
        in_specs=[
            pl.BlockSpec((BLK, 11), lambda i: (i, 0)),
            pl.BlockSpec((11, D), lambda i: (0, 0)),
            pl.BlockSpec((11, D), lambda i: (0, 0)),
            pl.BlockSpec((8, D), lambda i: (0, 0)),
            pl.BlockSpec((8, D), lambda i: (0, 0)),
        ],
        out_specs=pl.BlockSpec((BLK, D), lambda i: (i, 0)),
        out_shape=jax.ShapeDtypeStruct((NPAD, D), F32),
    )(x, wt, wj, bt, bj)


def _combine_body(a_ref, h_ref, wr_ref, wo_ref, b_ref, o_ref):
    acc = jnp.dot(a_ref[...], wr_ref[...], preferred_element_type=F32)
    acc += jnp.dot(h_ref[...], wo_ref[...], preferred_element_type=F32)
    o_ref[...] = jnp.tanh(acc + b_ref[0, :])


def _combine(agg, h, wr, wo, b):
    return pl.pallas_call(
        _combine_body,
        grid=(NPAD // BLK,),
        in_specs=[
            pl.BlockSpec((BLK, D), lambda i: (i, 0)),
            pl.BlockSpec((BLK, D), lambda i: (i, 0)),
            pl.BlockSpec((D, D), lambda i: (0, 0)),
            pl.BlockSpec((D, D), lambda i: (0, 0)),
            pl.BlockSpec((8, D), lambda i: (0, 0)),
        ],
        out_specs=pl.BlockSpec((BLK, D), lambda i: (i, 0)),
        out_shape=jax.ShapeDtypeStruct((NPAD, D), F32),
    )(agg, h, wr, wo, b)


_SP_BIAS = 0.5413248538970947
HB = 64
HROWS = HB * 9
HNB = 87


def _heads_body(h_ref, w_ref, b_ref, loc_ref, sc_ref):
    hb = h_ref[...].reshape(HB, 9, D)
    loc_cols, sc_cols = [], []
    for i in range(8):
        ji = hb[:, i + 1, :]
        r = jnp.dot(ji, w_ref[i], preferred_element_type=F32)
        lc = r[:, 0:1] + b_ref[i:i + 1, 0:1]
        sr = r[:, 1:2] + b_ref[i:i + 1, 1:2] + _SP_BIAS
        sp = jnp.maximum(sr, 0.0) + jnp.log(1.0 + jnp.exp(-jnp.abs(sr)))
        loc_cols.append(lc)
        sc_cols.append(jnp.maximum(sp, 1e-4))
    loc_ref[...] = jnp.concatenate(loc_cols, axis=1)
    sc_ref[...] = jnp.concatenate(sc_cols, axis=1)


def _heads(h2, w, b):
    return pl.pallas_call(
        _heads_body,
        grid=(HNB,),
        in_specs=[
            pl.BlockSpec((HROWS, D), lambda j: (j, 0)),
            pl.BlockSpec((8, D, 8), lambda j: (0, 0, 0)),
            pl.BlockSpec((8, 8), lambda j: (0, 0)),
        ],
        out_specs=[
            pl.BlockSpec((HB, 8), lambda j: (j, 0)),
            pl.BlockSpec((HB, 8), lambda j: (j, 0)),
        ],
        out_shape=[
            jax.ShapeDtypeStruct((HNB * HB, 8), F32),
            jax.ShapeDtypeStruct((HNB * HB, 8), F32),
        ],
    )(h2, w, b)


@functools.lru_cache(maxsize=1)
def _make_seg():
    mesh = plsc.VectorSubcoreMesh(core_axis_name="c", subcore_axis_name="s")

    @functools.partial(
        pl.kernel,
        mesh=mesh,
        out_type=jax.ShapeDtypeStruct((NPAD, D), F32),
        compiler_params=pltpu.CompilerParams(use_tc_tiling_on_sc=False),
        scratch_types=[
            pltpu.VMEM((3, CH), I32),
            pltpu.VMEM((3, CH), I32),
            pltpu.VMEM((3, CH, D), F32),
            pltpu.VMEM_SHARED((ACC_ROWS, D), F32),
            pltpu.SemaphoreType.DMA((3,)),
            pltpu.SemaphoreType.DMA,
        ],
    )
    def seg(h_hbm, src_hbm, dst_hbm, zero_hbm, out_hbm,
            src_v, dstl_v, rows_v, acc_sh, gsem, ssem):
        c = lax.axis_index("c")
        s = lax.axis_index("s")
        lo = c * HALF

        pltpu.sync_copy(zero_hbm, acc_sh.at[pl.ds(s * ZPT, ZPT)])
        plsc.subcore_barrier()

        dump = HALF + s * 16 + lax.iota(I32, 16)

        def prep(j, b):
            base = (s * CPT + j) * CH
            pltpu.sync_copy(src_hbm.at[pl.ds(base, CH)], src_v.at[b])
            pltpu.sync_copy(dst_hbm.at[pl.ds(base, CH)], dstl_v.at[b])
            for g in range(CH // 16):
                d = dstl_v[b, pl.ds(g * 16, 16)]
                keep = (d >= lo) & (d < lo + HALF)
                dstl_v[b, pl.ds(g * 16, 16)] = jnp.where(keep, d - lo, dump)
                sr = src_v[b, pl.ds(g * 16, 16)]
                src_v[b, pl.ds(g * 16, 16)] = jnp.where(keep, sr, 0)
            pltpu.async_copy(h_hbm.at[src_v.at[b]], rows_v.at[b], gsem.at[b])

        def wait_gather(b):
            pltpu.make_async_copy(
                h_hbm.at[src_v.at[b]], rows_v.at[b], gsem.at[b]).wait()

        def start_scatter(b):
            pltpu.async_copy(
                rows_v.at[b], acc_sh.at[dstl_v.at[b]], ssem, add=True)

        def drain_scatter():
            pltpu.make_async_copy(
                rows_v.at[0], acc_sh.at[dstl_v.at[0]], ssem).wait()

        prep(0, 0)
        prep(1, 1)

        def body(j, carry):
            b = lax.rem(j, 3)
            nb = lax.rem(j + 2, 3)

            @pl.when(j >= 1)
            def _():
                drain_scatter()

            prep(j + 2, nb)
            wait_gather(b)
            start_scatter(b)
            return carry

        lax.fori_loop(0, CPT - 2, body, 0)
        for j in range(CPT - 2, CPT):
            drain_scatter()
            wait_gather(j % 3)
            start_scatter(j % 3)
        drain_scatter()
        plsc.subcore_barrier()
        pltpu.sync_copy(acc_sh.at[pl.ds(s * OPT, OPT)],
                        out_hbm.at[pl.ds(c * HALF + s * OPT, OPT)])

    return seg


def kernel(x, edge_index, W_joint, b_joint, W_torso, b_torso,
           W_rel1, b_rel1, W_root1, W_rel2, b_rel2, W_root2,
           W_out, b_out):
    N = x.shape[0]
    B = N // 9
    E = edge_index.shape[1]

    wt = W_torso.T
    wj = jnp.zeros((11, D), F32).at[:2, :].set(W_joint.T)
    bt = jnp.broadcast_to(b_torso, (8, D))
    bj = jnp.broadcast_to(b_joint, (8, D))

    src = jnp.concatenate([edge_index[0], jnp.zeros((EPAD - E,), I32)])
    dst = jnp.concatenate([edge_index[1], jnp.full((EPAD - E,), NPAD, I32)])
    zero_blk = jnp.zeros((ZPT, D), F32)

    h0 = _embed(x, wt, wj, bt, bj)

    seg = _make_seg()
    agg1 = seg(h0, src, dst, zero_blk)
    h1 = _combine(agg1, h0, W_rel1.T, W_root1.T, jnp.broadcast_to(b_rel1, (8, D)))

    agg2 = seg(h1, src, dst, zero_blk)
    h2 = _combine(agg2, h1, W_rel2.T, W_root2.T, jnp.broadcast_to(b_rel2, (8, D)))

    w_h = jnp.zeros((8, D, 8), F32).at[:, :, :2].set(W_out.transpose(0, 2, 1))
    b_h = jnp.zeros((8, 8), F32).at[:, :2].set(b_out)

    loc8, scale8 = _heads(h2, w_h, b_h)
    return (loc8[:B], scale8[:B])

# --- scband reference (transcript-rebuilt; emitter-appended) ---
"""Pipeline reference for scband-joint-actor-28690381537988 (READ-ONLY COPY).

The authoritative reference and input builder live on the scoring server;
editing this copy changes nothing except your own understanding.
"""

import jax, jax.numpy as jnp
import numpy as np

N_NODES = 49995
N_EDGES = 799920
D = 64


def setup_inputs(seed: int = 0) -> dict:
    key = jax.random.key(seed)
    ks = jax.random.split(key, 16)
    x = jax.random.normal(ks[0], (N_NODES, 11), dtype=jnp.float32)
    edge_index = jax.random.randint(ks[1], (2, N_EDGES), 0, N_NODES, dtype=jnp.int32)
    s = 0.1
    W_joint = jax.random.normal(ks[2], (D, 2), dtype=jnp.float32) * s
    b_joint = jax.random.normal(ks[3], (D,), dtype=jnp.float32) * s
    W_torso = jax.random.normal(ks[4], (D, 11), dtype=jnp.float32) * s
    b_torso = jax.random.normal(ks[5], (D,), dtype=jnp.float32) * s
    W_rel1 = jax.random.normal(ks[6], (D, D), dtype=jnp.float32) * s
    b_rel1 = jax.random.normal(ks[7], (D,), dtype=jnp.float32) * s
    W_root1 = jax.random.normal(ks[8], (D, D), dtype=jnp.float32) * s
    W_rel2 = jax.random.normal(ks[9], (D, D), dtype=jnp.float32) * s
    b_rel2 = jax.random.normal(ks[10], (D,), dtype=jnp.float32) * s
    W_root2 = jax.random.normal(ks[11], (D, D), dtype=jnp.float32) * s
    W_out = jax.random.normal(ks[12], (8, 2, D), dtype=jnp.float32) * s
    b_out = jax.random.normal(ks[13], (8, 2), dtype=jnp.float32) * s
    return {
        "x": x, "edge_index": edge_index,
        "W_joint": W_joint, "b_joint": b_joint,
        "W_torso": W_torso, "b_torso": b_torso,
        "W_rel1": W_rel1, "b_rel1": b_rel1, "W_root1": W_root1,
        "W_rel2": W_rel2, "b_rel2": b_rel2, "W_root2": W_root2,
        "W_out": W_out, "b_out": b_out,
    }


def reference(x, edge_index, W_joint, b_joint, W_torso, b_torso,
              W_rel1, b_rel1, W_root1, W_rel2, b_rel2, W_root2,
              W_out, b_out):
    N = x.shape[0]
    is_torso = (jnp.arange(N) % 9) == 0
    # torso nodes use all 11 features; joint nodes use first 2
    h_t = x @ W_torso.T + b_torso
    h_j = x[:, :2] @ W_joint.T + b_joint
    h = jnp.where(is_torso[:, None], h_t, h_j)
    src = edge_index[0]
    dst = edge_index[1]
    # GraphConv layer 1: out = lin_rel(sum_{j in N(i)} h_j) + lin_root(h_i)
    agg = jax.ops.segment_sum(h[src], dst, num_segments=N)
    h = jnp.tanh(agg @ W_rel1.T + b_rel1 + h @ W_root1.T)
    # GraphConv layer 2
    agg = jax.ops.segment_sum(h[src], dst, num_segments=N)
    h = jnp.tanh(agg @ W_rel2.T + b_rel2 + h @ W_root2.T)
    B = N // 9
    # joints are the 8 non-torso nodes per body (contiguous layout, torso every 9th)
    joints = h.reshape(B, 9, h.shape[-1])[:, 1:, :]
    # per-joint output heads
    out = jnp.einsum('bif,iof->bio', joints, W_out) + b_out[None, :, :]
    loc = out[..., 0]
    scale_raw = out[..., 1]
    # NormalParamExtractor default: biased softplus with softplus(bias)=1.0, lb=1e-4
    bias = float(np.log(np.expm1(1.0)))
    scale = jnp.clip(jax.nn.softplus(scale_raw + bias), 1e-4, None)
    return (loc, scale)

if __name__ == "__main__":
    import jax
    _d = setup_inputs()
    print(jax.jit(kernel)(*tuple(_d.values())))

</pallas_src>

<mosaic_0001>
#map = affine_map<(d0, d1) -> (0, 0)>
#map1 = affine_map<(d0, d1) -> (0)>
module attributes {stable_mosaic.version = 14 : i64} {
  func.func @seg(%arg0: i32, %arg1: i32, %arg2: memref<50176x64xf32, #tpu.memory_space<hbm>>, %arg3: memref<802816xi32, #tpu.memory_space<hbm>>, %arg4: memref<802816xi32, #tpu.memory_space<hbm>>, %arg5: memref<1584x64xf32, #tpu.memory_space<hbm>>, %arg6: memref<50176x64xf32, #tpu.memory_space<hbm>>, %arg7: memref<3x128xi32, #tpu.memory_space<vmem>>, %arg8: memref<3x128xi32, #tpu.memory_space<vmem>>, %arg9: memref<3x128x64xf32, #tpu.memory_space<vmem>>, %arg10: memref<25344x64xf32, #tpu.memory_space<vmem_shared>>, %arg11: memref<3x!tpu.dma_semaphore, #tpu.memory_space<semaphore_mem>>, %arg12: memref<!tpu.dma_semaphore, #tpu.memory_space<semaphore_mem>>) attributes {dimension_semantics = [#tpu.dimension_semantics<core_parallel>, #tpu.dimension_semantics<subcore_parallel>], iteration_bounds = array<i64: 2, 16>, scalar_prefetch = 0 : i64, scratch_operands = 6 : i64, tpu.core_type = #tpu.core_type<sc_vector_subcore>, window_params = [{transform_indices = #map}, {transform_indices = #map1}, {transform_indices = #map1}, {transform_indices = #map}, {transform_indices = #map}]} {
    %mul3A = arith.constant 25088 : i32
    %mul3A_0 = arith.muli %arg0, %mul3A : i32
    %mul3A_1 = arith.constant 1584 : i32
    %mul3A_2 = arith.muli %arg1, %mul3A_1 : i32
    "tpu.region"() ({
      %run_scoped3A_705 = tpu.sem_alloc : memref<!tpu.dma_semaphore, #tpu.memory_space<semaphore_mem>>
      %dma_start3A_706 = arith.constant 0 : i32
      %dma_start3A_707 = tpu.memref_slice %arg10[%mul3A_2, %dma_start3A_706] : memref<25344x64xf32, #tpu.memory_space<vmem_shared>> -> memref<1584x64xf32, #tpu.memory_space<vmem_shared>>
      tpu.enqueue_dma source(%arg5 : memref<1584x64xf32, #tpu.memory_space<hbm>>) target(%dma_start3A_707 : memref<1584x64xf32, #tpu.memory_space<vmem_shared>>) target_semaphore(%run_scoped3A_705 : memref<!tpu.dma_semaphore, #tpu.memory_space<semaphore_mem>>)
      %dma_wait3A_708 = arith.constant 0 : i32
      %dma_wait3A_709 = tpu.memref_slice %arg10[%mul3A_2, %dma_wait3A_708] : memref<25344x64xf32, #tpu.memory_space<vmem_shared>> -> memref<1584x64xf32, #tpu.memory_space<vmem_shared>>
      tpu.wait_dma2 semaphore(%run_scoped3A_705 : memref<!tpu.dma_semaphore, #tpu.memory_space<semaphore_mem>>) src(%arg5 : memref<1584x64xf32, #tpu.memory_space<hbm>>) dst(%dma_wait3A_709 : memref<1584x64xf32, #tpu.memory_space<vmem_shared>>)
      tpu.yield
    }) : () -> ()
    %barrier3A = arith.constant 0 : index
    tpu.barrier barrier_id(%barrier3A)
    %mul3A_3 = arith.constant 16 : i32
    %mul3A_4 = arith.muli %arg1, %mul3A_3 : i32
    %add3A = arith.constant 25088 : i32
    %add3A_5 = arith.addi %add3A, %mul3A_4 : i32
    %iota3A = tpu.iota {dimensions = array<i32: 0>} : vector<16xi32>
    %add3A_6 = vector.broadcast %add3A_5 : i32 to vector<16xi32>
    %add3A_7 = arith.addi %add3A_6, %iota3A : vector<16xi32>
    %mul3A_8 = arith.constant 392 : i32
    %mul3A_9 = arith.muli %arg1, %mul3A_8 : i32
    %add3A_10 = arith.constant 0 : i32
    %add3A_11 = arith.addi %mul3A_9, %add3A_10 : i32
    %mul3A_12 = arith.constant 128 : i32
    %mul3A_13 = arith.muli %add3A_11, %mul3A_12 : i32
    %run_scoped3A = arith.constant 0 : i32
    "tpu.region"() ({
      %run_scoped3A_705 = tpu.sem_alloc : memref<!tpu.dma_semaphore, #tpu.memory_space<semaphore_mem>>
      %dma_start3A_706 = arith.constant 0 : i32
      %dma_start3A_707 = tpu.memref_slice %arg7[%run_scoped3A, %dma_start3A_706] : memref<3x128xi32, #tpu.memory_space<vmem>> -> memref<1x128xi32, #tpu.memory_space<vmem>>
      %dma_start3A_708 = tpu.memref_squeeze %dma_start3A_707 : memref<1x128xi32, #tpu.memory_space<vmem>> -> memref<128xi32, #tpu.memory_space<vmem>>
      %dma_start3A_709 = tpu.memref_slice %arg3[%mul3A_13] : memref<802816xi32, #tpu.memory_space<hbm>> -> memref<128xi32, #tpu.memory_space<hbm>>
      %dma_start3A_710 = arith.constant 0 : i32
      %dma_start3A_711 = tpu.memref_slice %arg7[%run_scoped3A, %dma_start3A_710] : memref<3x128xi32, #tpu.memory_space<vmem>> -> memref<1x128xi32, #tpu.memory_space<vmem>>
      %dma_start3A_712 = tpu.memref_squeeze %dma_start3A_711 : memref<1x128xi32, #tpu.memory_space<vmem>> -> memref<128xi32, #tpu.memory_space<vmem>>
      %dma_start3A_713 = tpu.memref_slice %arg3[%mul3A_13] : memref<802816xi32, #tpu.memory_space<hbm>> -> memref<128xi32, #tpu.memory_space<hbm>>
      tpu.enqueue_dma source(%dma_start3A_713 : memref<128xi32, #tpu.memory_space<hbm>>) target(%dma_start3A_712 : memref<128xi32, #tpu.memory_space<vmem>>) target_semaphore(%run_scoped3A_705 : memref<!tpu.dma_semaphore, #tpu.memory_space<semaphore_mem>>)
      %dma_wait3A_714 = arith.constant 0 : i32
      %dma_wait3A_715 = tpu.memref_slice %arg7[%run_scoped3A, %dma_wait3A_714] : memref<3x128xi32, #tpu.memory_space<vmem>> -> memref<1x128xi32, #tpu.memory_space<vmem>>
      %dma_wait3A_716 = tpu.memref_squeeze %dma_wait3A_715 : memref<1x128xi32, #tpu.memory_space<vmem>> -> memref<128xi32, #tpu.memory_space<vmem>>
      %dma_wait3A_717 = tpu.memref_slice %arg3[%mul3A_13] : memref<802816xi32, #tpu.memory_space<hbm>> -> memref<128xi32, #tpu.memory_space<hbm>>
      %dma_wait3A_718 = arith.constant 0 : i32
      %dma_wait3A_719 = tpu.memref_slice %arg7[%run_scoped3A, %dma_wait3A_718] : memref<3x128xi32, #tpu.memory_space<vmem>> -> memref<1x128xi32, #tpu.memory_space<vmem>>
      %dma_wait3A_720 = tpu.memref_squeeze %dma_wait3A_719 : memref<1x128xi32, #tpu.memory_space<vmem>> -> memref<128xi32, #tpu.memory_space<vmem>>
      %dma_wait3A_721 = tpu.memref_slice %arg3[%mul3A_13] : memref<802816xi32, #tpu.memory_space<hbm>> -> memref<128xi32, #tpu.memory_space<hbm>>
      tpu.wait_dma2 semaphore(%run_scoped3A_705 : memref<!tpu.dma_semaphore, #tpu.memory_space<semaphore_mem>>) src(%dma_wait3A_721 : memref<128xi32, #tpu.memory_space<hbm>>) dst(%dma_wait3A_720 : memref<128xi32, #tpu.memory_space<vmem>>)
      tpu.yield
    }) : () -> ()
    %run_scoped3A_14 = arith.constant 0 : i32
    "tpu.region"() ({
      %run_scoped3A_705 = tpu.sem_alloc : memref<!tpu.dma_semaphore, #tpu.memory_space<semaphore_mem>>
      %dma_start3A_706 = arith.constant 0 : i32
      %dma_start3A_707 = tpu.memref_slice %arg8[%run_scoped3A_14, %dma_start3A_706] : memref<3x128xi32, #tpu.memory_space<vmem>> -> memref<1x128xi32, #tpu.memory_space<vmem>>
      %dma_start3A_708 = tpu.memref_squeeze %dma_start3A_707 : memref<1x128xi32, #tpu.memory_space<vmem>> -> memref<128xi32, #tpu.memory_space<vmem>>
      %dma_start3A_709 = tpu.memref_slice %arg4[%mul3A_13] : memref<802816xi32, #tpu.memory_space<hbm>> -> memref<128xi32, #tpu.memory_space<hbm>>
      %dma_start3A_710 = arith.constant 0 : i32
      %dma_start3A_711 = tpu.memref_slice %arg8[%run_scoped3A_14, %dma_start3A_710] : memref<3x128xi32, #tpu.memory_space<vmem>> -> memref<1x128xi32, #tpu.memory_space<vmem>>
      %dma_start3A_712 = tpu.memref_squeeze %dma_start3A_711 : memref<1x128xi32, #tpu.memory_space<vmem>> -> memref<128xi32, #tpu.memory_space<vmem>>
      %dma_start3A_713 = tpu.memref_slice %arg4[%mul3A_13] : memref<802816xi32, #tpu.memory_space<hbm>> -> memref<128xi32, #tpu.memory_space<hbm>>
      tpu.enqueue_dma source(%dma_start3A_713 : memref<128xi32, #tpu.memory_space<hbm>>) target(%dma_start3A_712 : memref<128xi32, #tpu.memory_space<vmem>>) target_semaphore(%run_scoped3A_705 : memref<!tpu.dma_semaphore, #tpu.memory_space<semaphore_mem>>)
      %dma_wait3A_714 = arith.constant 0 : i32
      %dma_wait3A_715 = tpu.memref_slice %arg8[%run_scoped3A_14, %dma_wait3A_714] : memref<3x128xi32, #tpu.memory_space<vmem>> -> memref<1x128xi32, #tpu.memory_space<vmem>>
      %dma_wait3A_716 = tpu.memref_squeeze %dma_wait3A_715 : memref<1x128xi32, #tpu.memory_space<vmem>> -> memref<128xi32, #tpu.memory_space<vmem>>
      %dma_wait3A_717 = tpu.memref_slice %arg4[%mul3A_13] : memref<802816xi32, #tpu.memory_space<hbm>> -> memref<128xi32, #tpu.memory_space<hbm>>
      %dma_wait3A_718 = arith.constant 0 : i32
      %dma_wait3A_719 = tpu.memref_slice %arg8[%run_scoped3A_14, %dma_wait3A_718] : memref<3x128xi32, #tpu.memory_space<vmem>> -> memref<1x128xi32, #tpu.memory_space<vmem>>
      %dma_wait3A_720 = tpu.memref_squeeze %dma_wait3A_719 : memref<1x128xi32, #tpu.memory_space<vmem>> -> memref<128xi32, #tpu.memory_space<vmem>>
      %dma_wait3A_721 = tpu.memref_slice %arg4[%mul3A_13] : memref<802816xi32, #tpu.memory_space<hbm>> -> memref<128xi32, #tpu.memory_space<hbm>>
      tpu.wait_dma2 semaphore(%run_scoped3A_705 : memref<!tpu.dma_semaphore, #tpu.memory_space<semaphore_mem>>) src(%dma_wait3A_721 : memref<128xi32, #tpu.memory_space<hbm>>) dst(%dma_wait3A_720 : memref<128xi32, #tpu.memory_space<vmem>>)
      tpu.yield
    }) : () -> ()
    %get3A = arith.constant 0 : i32
    %get3A_15 = arith.index_cast %get3A : i32 to index
    %get3A_16 = arith.constant 0 : index
    %get3A_17 = tpu.vector_load %arg8[%get3A_15, %get3A_16] {strides = array<i32>} : memref<3x128xi32, #tpu.memory_space<vmem>>, vector<1x16xi32>,
    %get3A_18 = vector.shape_cast %get3A_17 : vector<1x16xi32> to vector<16xi32>
    %ge3A = vector.broadcast %mul3A_0 : i32 to vector<16xi32>
    %ge3A_19 = arith.cmpi sge, %get3A_18, %ge3A : vector<16xi32>
    %add3A_20 = arith.constant 25088 : i32
    %add3A_21 = arith.addi %mul3A_0, %add3A_20 : i32
    %lt3A = vector.broadcast %add3A_21 : i32 to vector<16xi32>
    %lt3A_22 = arith.cmpi slt, %get3A_18, %lt3A : vector<16xi32>
    %and3A = arith.andi %ge3A_19, %lt3A_22 : vector<16xi1>
    %sub3A = vector.broadcast %mul3A_0 : i32 to vector<16xi32>
    %sub3A_23 = arith.subi %get3A_18, %sub3A : vector<16xi32>
    %select_n3A = arith.select %and3A, %sub3A_23, %add3A_7 : vector<16xi1>, vector<16xi32>
    %swap3A = arith.constant 0 : i32
    %swap3A_24 = arith.index_cast %swap3A : i32 to index
    %swap3A_25 = arith.constant 0 : index
    %swap3A_26 = tpu.vector_load %arg8[%swap3A_24, %swap3A_25] {strides = array<i32>} : memref<3x128xi32, #tpu.memory_space<vmem>>, vector<1x16xi32>,
    %swap3A_27 = vector.shape_cast %swap3A_26 : vector<1x16xi32> to vector<16xi32>
    %swap3A_28 = vector.shape_cast %select_n3A : vector<16xi32> to vector<1x16xi32>
    tpu.vector_store %arg8[%swap3A_24, %swap3A_25], %swap3A_28 {strides = array<i32>} : memref<3x128xi32, #tpu.memory_space<vmem>>, vector<1x16xi32>,
    %get3A_29 = arith.constant 0 : i32
    %get3A_30 = arith.index_cast %get3A_29 : i32 to index
    %get3A_31 = arith.constant 0 : index
    %get3A_32 = tpu.vector_load %arg7[%get3A_30, %get3A_31] {strides = array<i32>} : memref<3x128xi32, #tpu.memory_space<vmem>>, vector<1x16xi32>,
    %get3A_33 = vector.shape_cast %get3A_32 : vector<1x16xi32> to vector<16xi32>
    %jit3A = arith.constant 0 : i32
    %broadcast_in_dim3A = vector.broadcast %jit3A : i32 to vector<16xi32>
    %select_n3A_34 = arith.select %and3A, %get3A_33, %broadcast_in_dim3A : vector<16xi1>, vector<16xi32>
    %swap3A_35 = arith.constant 0 : i32
    %swap3A_36 = arith.index_cast %swap3A_35 : i32 to index
    %swap3A_37 = arith.constant 0 : index
    %swap3A_38 = tpu.vector_load %arg7[%swap3A_36, %swap3A_37] {strides = array<i32>} : memref<3x128xi32, #tpu.memory_space<vmem>>, vector<1x16xi32>,
    %swap3A_39 = vector.shape_cast %swap3A_38 : vector<1x16xi32> to vector<16xi32>
    %swap3A_40 = vector.shape_cast %select_n3A_34 : vector<16xi32> to vector<1x16xi32>
    tpu.vector_store %arg7[%swap3A_36, %swap3A_37], %swap3A_40 {strides = array<i32>} : memref<3x128xi32, #tpu.memory_space<vmem>>, vector<1x16xi32>,
    %get3A_41 = arith.constant 0 : i32
    %get3A_42 = arith.index_cast %get3A_41 : i32 to index
    %get3A_43 = arith.constant 16 : index
    %get3A_44 = tpu.vector_load %arg8[%get3A_42, %get3A_43] {strides = array<i32>} : memref<3x128xi32, #tpu.memory_space<vmem>>, vector<1x16xi32>,
    %get3A_45 = vector.shape_cast %get3A_44 : vector<1x16xi32> to vector<16xi32>
    %ge3A_46 = vector.broadcast %mul3A_0 : i32 to vector<16xi32>
    %ge3A_47 = arith.cmpi sge, %get3A_45, %ge3A_46 : vector<16xi32>
    %add3A_48 = arith.constant 25088 : i32
    %add3A_49 = arith.addi %mul3A_0, %add3A_48 : i32
    %lt3A_50 = vector.broadcast %add3A_49 : i32 to vector<16xi32>
    %lt3A_51 = arith.cmpi slt, %get3A_45, %lt3A_50 : vector<16xi32>
    %and3A_52 = arith.andi %ge3A_47, %lt3A_51 : vector<16xi1>
    %sub3A_53 = vector.broadcast %mul3A_0 : i32 to vector<16xi32>
    %sub3A_54 = arith.subi %get3A_45, %sub3A_53 : vector<16xi32>
    %select_n3A_55 = arith.select %and3A_52, %sub3A_54, %add3A_7 : vector<16xi1>, vector<16xi32>
    %swap3A_56 = arith.constant 0 : i32
    %swap3A_57 = arith.index_cast %swap3A_56 : i32 to index
    %swap3A_58 = arith.constant 16 : index
    %swap3A_59 = tpu.vector_load %arg8[%swap3A_57, %swap3A_58] {strides = array<i32>} : memref<3x128xi32, #tpu.memory_space<vmem>>, vector<1x16xi32>,
    %swap3A_60 = vector.shape_cast %swap3A_59 : vector<1x16xi32> to vector<16xi32>
    %swap3A_61 = vector.shape_cast %select_n3A_55 : vector<16xi32> to vector<1x16xi32>
    tpu.vector_store %arg8[%swap3A_57, %swap3A_58], %swap3A_61 {strides = array<i32>} : memref<3x128xi32, #tpu.memory_space<vmem>>, vector<1x16xi32>,
    %get3A_62 = arith.constant 0 : i32
    %get3A_63 = arith.index_cast %get3A_62 : i32 to index
    %get3A_64 = arith.constant 16 : index
    %get3A_65 = tpu.vector_load %arg7[%get3A_63, %get3A_64] {strides = array<i32>} : memref<3x128xi32, #tpu.memory_space<vmem>>, vector<1x16xi32>,
    %get3A_66 = vector.shape_cast %get3A_65 : vector<1x16xi32> to vector<16xi32>
    %jit3A_67 = arith.constant 0 : i32
    %broadcast_in_dim3A_68 = vector.broadcast %jit3A_67 : i32 to vector<16xi32>
    %select_n3A_69 = arith.select %and3A_52, %get3A_66, %broadcast_in_dim3A_68 : vector<16xi1>, vector<16xi32>
    %swap3A_70 = arith.constant 0 : i32
    %swap3A_71 = arith.index_cast %swap3A_70 : i32 to index
    %swap3A_72 = arith.constant 16 : index
    %swap3A_73 = tpu.vector_load %arg7[%swap3A_71, %swap3A_72] {strides = array<i32>} : memref<3x128xi32, #tpu.memory_space<vmem>>, vector<1x16xi32>,
    %swap3A_74 = vector.shape_cast %swap3A_73 : vector<1x16xi32> to vector<16xi32>
    %swap3A_75 = vector.shape_cast %select_n3A_69 : vector<16xi32> to vector<1x16xi32>
    tpu.vector_store %arg7[%swap3A_71, %swap3A_72], %swap3A_75 {strides = array<i32>} : memref<3x128xi32, #tpu.memory_space<vmem>>, vector<1x16xi32>,
    %get3A_76 = arith.constant 0 : i32
    %get3A_77 = arith.index_cast %get3A_76 : i32 to index
    %get3A_78 = arith.constant 32 : index
    %get3A_79 = tpu.vector_load %arg8[%get3A_77, %get3A_78] {strides = array<i32>} : memref<3x128xi32, #tpu.memory_space<vmem>>, vector<1x16xi32>,
    %get3A_80 = vector.shape_cast %get3A_79 : vector<1x16xi32> to vector<16xi32>
    %ge3A_81 = vector.broadcast %mul3A_0 : i32 to vector<16xi32>
    %ge3A_82 = arith.cmpi sge, %get3A_80, %ge3A_81 : vector<16xi32>
    %add3A_83 = arith.constant 25088 : i32
    %add3A_84 = arith.addi %mul3A_0, %add3A_83 : i32
    %lt3A_85 = vector.broadcast %add3A_84 : i32 to vector<16xi32>
    %lt3A_86 = arith.cmpi slt, %get3A_80, %lt3A_85 : vector<16xi32>
    %and3A_87 = arith.andi %ge3A_82, %lt3A_86 : vector<16xi1>
    %sub3A_88 = vector.broadcast %mul3A_0 : i32 to vector<16xi32>
    %sub3A_89 = arith.subi %get3A_80, %sub3A_88 : vector<16xi32>
    %select_n3A_90 = arith.select %and3A_87, %sub3A_89, %add3A_7 : vector<16xi1>, vector<16xi32>
    %swap3A_91 = arith.constant 0 : i32
    %swap3A_92 = arith.index_cast %swap3A_91 : i32 to index
    %swap3A_93 = arith.constant 32 : index
    %swap3A_94 = tpu.vector_load %arg8[%swap3A_92, %swap3A_93] {strides = array<i32>} : memref<3x128xi32, #tpu.memory_space<vmem>>, vector<1x16xi32>,
    %swap3A_95 = vector.shape_cast %swap3A_94 : vector<1x16xi32> to vector<16xi32>
    %swap3A_96 = vector.shape_cast %select_n3A_90 : vector<16xi32> to vector<1x16xi32>
    tpu.vector_store %arg8[%swap3A_92, %swap3A_93], %swap3A_96 {strides = array<i32>} : memref<3x128xi32, #tpu.memory_space<vmem>>, vector<1x16xi32>,
    %get3A_97 = arith.constant 0 : i32
    %get3A_98 = arith.index_cast %get3A_97 : i32 to index
    %get3A_99 = arith.constant 32 : index
    %get3A_100 = tpu.vector_load %arg7[%get3A_98, %get3A_99] {strides = array<i32>} : memref<3x128xi32, #tpu.memory_space<vmem>>, vector<1x16xi32>,
    %get3A_101 = vector.shape_cast %get3A_100 : vector<1x16xi32> to vector<16xi32>
    %jit3A_102 = arith.constant 0 : i32
    %broadcast_in_dim3A_103 = vector.broadcast %jit3A_102 : i32 to vector<16xi32>
    %select_n3A_104 = arith.select %and3A_87, %get3A_101, %broadcast_in_dim3A_103 : vector<16xi1>, vector<16xi32>
    %swap3A_105 = arith.constant 0 : i32
    %swap3A_106 = arith.index_cast %swap3A_105 : i32 to index
    %swap3A_107 = arith.constant 32 : index
    %swap3A_108 = tpu.vector_load %arg7[%swap3A_106, %swap3A_107] {strides = array<i32>} : memref<3x128xi32, #tpu.memory_space<vmem>>, vector<1x16xi32>,
    %swap3A_109 = vector.shape_cast %swap3A_108 : vector<1x16xi32> to vector<16xi32>
    %swap3A_110 = vector.shape_cast %select_n3A_104 : vector<16xi32> to vector<1x16xi32>
    tpu.vector_store %arg7[%swap3A_106, %swap3A_107], %swap3A_110 {strides = array<i32>} : memref<3x128xi32, #tpu.memory_space<vmem>>, vector<1x16xi32>,
    %get3A_111 = arith.constant 0 : i32
    %get3A_112 = arith.index_cast %get3A_111 : i32 to index
    %get3A_113 = arith.constant 48 : index
    %get3A_114 = tpu.vector_load %arg8[%get3A_112, %get3A_113] {strides = array<i32>} : memref<3x128xi32, #tpu.memory_space<vmem>>, vector<1x16xi32>,
    %get3A_115 = vector.shape_cast %get3A_114 : vector<1x16xi32> to vector<16xi32>
    %ge3A_116 = vector.broadcast %mul3A_0 : i32 to vector<16xi32>
    %ge3A_117 = arith.cmpi sge, %get3A_115, %ge3A_116 : vector<16xi32>
    %add3A_118 = arith.constant 25088 : i32
    %add3A_119 = arith.addi %mul3A_0, %add3A_118 : i32
    %lt3A_120 = vector.broadcast %add3A_119 : i32 to vector<16xi32>
    %lt3A_121 = arith.cmpi slt, %get3A_115, %lt3A_120 : vector<16xi32>
    %and3A_122 = arith.andi %ge3A_117, %lt3A_121 : vector<16xi1>
    %sub3A_123 = vector.broadcast %mul3A_0 : i32 to vector<16xi32>
    %sub3A_124 = arith.subi %get3A_115, %sub3A_123 : vector<16xi32>
    %select_n3A_125 = arith.select %and3A_122, %sub3A_124, %add3A_7 : vector<16xi1>, vector<16xi32>
    %swap3A_126 = arith.constant 0 : i32
    %swap3A_127 = arith.index_cast %swap3A_126 : i32 to index
    %swap3A_128 = arith.constant 48 : index
    %swap3A_129 = tpu.vector_load %arg8[%swap3A_127, %swap3A_128] {strides = array<i32>} : memref<3x128xi32, #tpu.memory_space<vmem>>, vector<1x16xi32>,
    %swap3A_130 = vector.shape_cast %swap3A_129 : vector<1x16xi32> to vector<16xi32>
    %swap3A_131 = vector.shape_cast %select_n3A_125 : vector<16xi32> to vector<1x16xi32>
    tpu.vector_store %arg8[%swap3A_127, %swap3A_128], %swap3A_131 {strides = array<i32>} : memref<3x128xi32, #tpu.memory_space<vmem>>, vector<1x16xi32>,
    %get3A_132 = arith.constant 0 : i32
    %get3A_133 = arith.index_cast %get3A_132 : i32 to index
    %get3A_134 = arith.constant 48 : index
    %get3A_135 = tpu.vector_load %arg7[%get3A_133, %get3A_134] {strides = array<i32>} : memref<3x128xi32, #tpu.memory_space<vmem>>, vector<1x16xi32>,
    %get3A_136 = vector.shape_cast %get3A_135 : vector<1x16xi32> to vector<16xi32>
    %jit3A_137 = arith.constant 0 : i32
    %broadcast_in_dim3A_138 = vector.broadcast %jit3A_137 : i32 to vector<16xi32>
    %select_n3A_139 = arith.select %and3A_122, %get3A_136, %broadcast_in_dim3A_138 : vector<16xi1>, vector<16xi32>
    %swap3A_140 = arith.constant 0 : i32
    %swap3A_141 = arith.index_cast %swap3A_140 : i32 to index
    %swap3A_142 = arith.constant 48 : index
    %swap3A_143 = tpu.vector_load %arg7[%swap3A_141, %swap3A_142] {strides = array<i32>} : memref<3x128xi32, #tpu.memory_space<vmem>>, vector<1x16xi32>,
    %swap3A_144 = vector.shape_cast %swap3A_143 : vector<1x16xi32> to vector<16xi32>
    %swap3A_145 = vector.shape_cast %select_n3A_139 : vector<16xi32> to vector<1x16xi32>
    tpu.vector_store %arg7[%swap3A_141, %swap3A_142], %swap3A_145 {strides = array<i32>} : memref<3x128xi32, #tpu.memory_space<vmem>>, vector<1x16xi32>,
    %get3A_146 = arith.constant 0 : i32
    %get3A_147 = arith.index_cast %get3A_146 : i32 to index
    %get3A_148 = arith.constant 64 : index
    %get3A_149 = tpu.vector_load %arg8[%get3A_147, %get3A_148] {strides = array<i32>} : memref<3x128xi32, #tpu.memory_space<vmem>>, vector<1x16xi32>,
    %get3A_150 = vector.shape_cast %get3A_149 : vector<1x16xi32> to vector<16xi32>
    %ge3A_151 = vector.broadcast %mul3A_0 : i32 to vector<16xi32>
    %ge3A_152 = arith.cmpi sge, %get3A_150, %ge3A_151 : vector<16xi32>
    %add3A_153 = arith.constant 25088 : i32
    %add3A_154 = arith.addi %mul3A_0, %add3A_153 : i32
    %lt3A_155 = vector.broadcast %add3A_154 : i32 to vector<16xi32>
    %lt3A_156 = arith.cmpi slt, %get3A_150, %lt3A_155 : vector<16xi32>
    %and3A_157 = arith.andi %ge3A_152, %lt3A_156 : vector<16xi1>
    %sub3A_158 = vector.broadcast %mul3A_0 : i32 to vector<16xi32>
    %sub3A_159 = arith.subi %get3A_150, %sub3A_158 : vector<16xi32>
    %select_n3A_160 = arith.select %and3A_157, %sub3A_159, %add3A_7 : vector<16xi1>, vector<16xi32>
    %swap3A_161 = arith.constant 0 : i32
    %swap3A_162 = arith.index_cast %swap3A_161 : i32 to index
    %swap3A_163 = arith.constant 64 : index
    %swap3A_164 = tpu.vector_load %arg8[%swap3A_162, %swap3A_163] {strides = array<i32>} : memref<3x128xi32, #tpu.memory_space<vmem>>, vector<1x16xi32>,
    %swap3A_165 = vector.shape_cast %swap3A_164 : vector<1x16xi32> to vector<16xi32>
    %swap3A_166 = vector.shape_cast %select_n3A_160 : vector<16xi32> to vector<1x16xi32>
    tpu.vector_store %arg8[%swap3A_162, %swap3A_163], %swap3A_166 {strides = array<i32>} : memref<3x128xi32, #tpu.memory_space<vmem>>, vector<1x16xi32>,
    %get3A_167 = arith.constant 0 : i32
    %get3A_168 = arith.index_cast %get3A_167 : i32 to index
    %get3A_169 = arith.constant 64 : index
    %get3A_170 = tpu.vector_load %arg7[%get3A_168, %get3A_169] {strides = array<i32>} : memref<3x128xi32, #tpu.memory_space<vmem>>, vector<1x16xi32>,
    %get3A_171 = vector.shape_cast %get3A_170 : vector<1x16xi32> to vector<16xi32>
    %jit3A_172 = arith.constant 0 : i32
    %broadcast_in_dim3A_173 = vector.broadcast %jit3A_172 : i32 to vector<16xi32>
    %select_n3A_174 = arith.select %and3A_157, %get3A_171, %broadcast_in_dim3A_173 : vector<16xi1>, vector<16xi32>
    %swap3A_175 = arith.constant 0 : i32
    %swap3A_176 = arith.index_cast %swap3A_175 : i32 to index
    %swap3A_177 = arith.constant 64 : index
    %swap3A_178 = tpu.vector_load %arg7[%swap3A_176, %swap3A_177] {strides = array<i32>} : memref<3x128xi32, #tpu.memory_space<vmem>>, vector<1x16xi32>,
    %swap3A_179 = vector.shape_cast %swap3A_178 : vector<1x16xi32> to vector<16xi32>
    %swap3A_180 = vector.shape_cast %select_n3A_174 : vector<16xi32> to vector<1x16xi32>
    tpu.vector_store %arg7[%swap3A_176, %swap3A_177], %swap3A_180 {strides = array<i32>} : memref<3x128xi32, #tpu.memory_space<vmem>>, vector<1x16xi32>,
    %get3A_181 = arith.constant 0 : i32
    %get3A_182 = arith.index_cast %get3A_181 : i32 to index
    %get3A_183 = arith.constant 80 : index
    %get3A_184 = tpu.vector_load %arg8[%get3A_182, %get3A_183] {strides = array<i32>} : memref<3x128xi32, #tpu.memory_space<vmem>>, vector<1x16xi32>,
    %get3A_185 = vector.shape_cast %get3A_184 : vector<1x16xi32> to vector<16xi32>
    %ge3A_186 = vector.broadcast %mul3A_0 : i32 to vector<16xi32>
    %ge3A_187 = arith.cmpi sge, %get3A_185, %ge3A_186 : vector<16xi32>
    %add3A_188 = arith.constant 25088 : i32
    %add3A_189 = arith.addi %mul3A_0, %add3A_188 : i32
    %lt3A_190 = vector.broadcast %add3A_189 : i32 to vector<16xi32>
    %lt3A_191 = arith.cmpi slt, %get3A_185, %lt3A_190 : vector<16xi32>
    %and3A_192 = arith.andi %ge3A_187, %lt3A_191 : vector<16xi1>
    %sub3A_193 = vector.broadcast %mul3A_0 : i32 to vector<16xi32>
    %sub3A_194 = arith.subi %get3A_185, %sub3A_193 : vector<16xi32>
    %select_n3A_195 = arith.select %and3A_192, %sub3A_194, %add3A_7 : vector<16xi1>, vector<16xi32>
    %swap3A_196 = arith.constant 0 : i32
    %swap3A_197 = arith.index_cast %swap3A_196 : i32 to index
    %swap3A_198 = arith.constant 80 : index
    %swap3A_199 = tpu.vector_load %arg8[%swap3A_197, %swap3A_198] {strides = array<i32>} : memref<3x128xi32, #tpu.memory_space<vmem>>, vector<1x16xi32>,
    %swap3A_200 = vector.shape_cast %swap3A_199 : vector<1x16xi32> to vector<16xi32>
    %swap3A_201 = vector.shape_cast %select_n3A_195 : vector<16xi32> to vector<1x16xi32>
    tpu.vector_store %arg8[%swap3A_197, %swap3A_198], %swap3A_201 {strides = array<i32>} : memref<3x128xi32, #tpu.memory_space<vmem>>, vector<1x16xi32>,
    %get3A_202 = arith.constant 0 : i32
    %get3A_203 = arith.index_cast %get3A_202 : i32 to index
    %get3A_204 = arith.constant 80 : index
    %get3A_205 = tpu.vector_load %arg7[%get3A_203, %get3A_204] {strides = array<i32>} : memref<3x128xi32, #tpu.memory_space<vmem>>, vector<1x16xi32>,
    %get3A_206 = vector.shape_cast %get3A_205 : vector<1x16xi32> to vector<16xi32>
    %jit3A_207 = arith.constant 0 : i32
    %broadcast_in_dim3A_208 = vector.broadcast %jit3A_207 : i32 to vector<16xi32>
    %select_n3A_209 = arith.select %and3A_192, %get3A_206, %broadcast_in_dim3A_208 : vector<16xi1>, vector<16xi32>
    %swap3A_210 = arith.constant 0 : i32
    %swap3A_211 = arith.index_cast %swap3A_210 : i32 to index
    %swap3A_212 = arith.constant 80 : index
    %swap3A_213 = tpu.vector_load %arg7[%swap3A_211, %swap3A_212] {strides = array<i32>} : memref<3x128xi32, #tpu.memory_space<vmem>>, vector<1x16xi32>,
    %swap3A_214 = vector.shape_cast %swap3A_213 : vector<1x16xi32> to vector<16xi32>
    %swap3A_215 = vector.shape_cast %select_n3A_209 : vector<16xi32> to vector<1x16xi32>
    tpu.vector_store %arg7[%swap3A_211, %swap3A_212], %swap3A_215 {strides = array<i32>} : memref<3x128xi32, #tpu.memory_space<vmem>>, vector<1x16xi32>,
    %get3A_216 = arith.constant 0 : i32
    %get3A_217 = arith.index_cast %get3A_216 : i32 to index
    %get3A_218 = arith.constant 96 : index
    %get3A_219 = tpu.vector_load %arg8[%get3A_217, %get3A_218] {strides = array<i32>} : memref<3x128xi32, #tpu.memory_space<vmem>>, vector<1x16xi32>,
    %get3A_220 = vector.shape_cast %get3A_219 : vector<1x16xi32> to vector<16xi32>
    %ge3A_221 = vector.broadcast %mul3A_0 : i32 to vector<16xi32>
    %ge3A_222 = arith.cmpi sge, %get3A_220, %ge3A_221 : vector<16xi32>
    %add3A_223 = arith.constant 25088 : i32
    %add3A_224 = arith.addi %mul3A_0, %add3A_223 : i32
    %lt3A_225 = vector.broadcast %add3A_224 : i32 to vector<16xi32>
    %lt3A_226 = arith.cmpi slt, %get3A_220, %lt3A_225 : vector<16xi32>
    %and3A_227 = arith.andi %ge3A_222, %lt3A_226 : vector<16xi1>
    %sub3A_228 = vector.broadcast %mul3A_0 : i32 to vector<16xi32>
    %sub3A_229 = arith.subi %get3A_220, %sub3A_228 : vector<16xi32>
    %select_n3A_230 = arith.select %and3A_227, %sub3A_229, %add3A_7 : vector<16xi1>, vector<16xi32>
    %swap3A_231 = arith.constant 0 : i32
    %swap3A_232 = arith.index_cast %swap3A_231 : i32 to index
    %swap3A_233 = arith.constant 96 : index
    %swap3A_234 = tpu.vector_load %arg8[%swap3A_232, %swap3A_233] {strides = array<i32>} : memref<3x128xi32, #tpu.memory_space<vmem>>, vector<1x16xi32>,
    %swap3A_235 = vector.shape_cast %swap3A_234 : vector<1x16xi32> to vector<16xi32>
    %swap3A_236 = vector.shape_cast %select_n3A_230 : vector<16xi32> to vector<1x16xi32>
    tpu.vector_store %arg8[%swap3A_232, %swap3A_233], %swap3A_236 {strides = array<i32>} : memref<3x128xi32, #tpu.memory_space<vmem>>, vector<1x16xi32>,
    %get3A_237 = arith.constant 0 : i32
    %get3A_238 = arith.index_cast %get3A_237 : i32 to index
    %get3A_239 = arith.constant 96 : index
    %get3A_240 = tpu.vector_load %arg7[%get3A_238, %get3A_239] {strides = array<i32>} : memref<3x128xi32, #tpu.memory_space<vmem>>, vector<1x16xi32>,
    %get3A_241 = vector.shape_cast %get3A_240 : vector<1x16xi32> to vector<16xi32>
    %jit3A_242 = arith.constant 0 : i32
    %broadcast_in_dim3A_243 = vector.broadcast %jit3A_242 : i32 to vector<16xi32>
    %select_n3A_244 = arith.select %and3A_227, %get3A_241, %broadcast_in_dim3A_243 : vector<16xi1>, vector<16xi32>
    %swap3A_245 = arith.constant 0 : i32
    %swap3A_246 = arith.index_cast %swap3A_245 : i32 to index
    %swap3A_247 = arith.constant 96 : index
    %swap3A_248 = tpu.vector_load %arg7[%swap3A_246, %swap3A_247] {strides = array<i32>} : memref<3x128xi32, #tpu.memory_space<vmem>>, vector<1x16xi32>,
    %swap3A_249 = vector.shape_cast %swap3A_248 : vector<1x16xi32> to vector<16xi32>
    %swap3A_250 = vector.shape_cast %select_n3A_244 : vector<16xi32> to vector<1x16xi32>
    tpu.vector_store %arg7[%swap3A_246, %swap3A_247], %swap3A_250 {strides = array<i32>} : memref<3x128xi32, #tpu.memory_space<vmem>>, vector<1x16xi32>,
    %get3A_251 = arith.constant 0 : i32
    %get3A_252 = arith.index_cast %get3A_251 : i32 to index
    %get3A_253 = arith.constant 112 : index
    %get3A_254 = tpu.vector_load %arg8[%get3A_252, %get3A_253] {strides = array<i32>} : memref<3x128xi32, #tpu.memory_space<vmem>>, vector<1x16xi32>,
    %get3A_255 = vector.shape_cast %get3A_254 : vector<1x16xi32> to vector<16xi32>
    %ge3A_256 = vector.broadcast %mul3A_0 : i32 to vector<16xi32>
    %ge3A_257 = arith.cmpi sge, %get3A_255, %ge3A_256 : vector<16xi32>
    %add3A_258 = arith.constant 25088 : i32
    %add3A_259 = arith.addi %mul3A_0, %add3A_258 : i32
    %lt3A_260 = vector.broadcast %add3A_259 : i32 to vector<16xi32>
    %lt3A_261 = arith.cmpi slt, %get3A_255, %lt3A_260 : vector<16xi32>
    %and3A_262 = arith.andi %ge3A_257, %lt3A_261 : vector<16xi1>
    %sub3A_263 = vector.broadcast %mul3A_0 : i32 to vector<16xi32>
    %sub3A_264 = arith.subi %get3A_255, %sub3A_263 : vector<16xi32>
    %select_n3A_265 = arith.select %and3A_262, %sub3A_264, %add3A_7 : vector<16xi1>, vector<16xi32>
    %swap3A_266 = arith.constant 0 : i32
    %swap3A_267 = arith.index_cast %swap3A_266 : i32 to index
    %swap3A_268 = arith.constant 112 : index
    %swap3A_269 = tpu.vector_load %arg8[%swap3A_267, %swap3A_268] {strides = array<i32>} : memref<3x128xi32, #tpu.memory_space<vmem>>, vector<1x16xi32>,
    %swap3A_270 = vector.shape_cast %swap3A_269 : vector<1x16xi32> to vector<16xi32>
    %swap3A_271 = vector.shape_cast %select_n3A_265 : vector<16xi32> to vector<1x16xi32>
    tpu.vector_store %arg8[%swap3A_267, %swap3A_268], %swap3A_271 {strides = array<i32>} : memref<3x128xi32, #tpu.memory_space<vmem>>, vector<1x16xi32>,
    %get3A_272 = arith.constant 0 : i32
    %get3A_273 = arith.index_cast %get3A_272 : i32 to index
    %get3A_274 = arith.constant 112 : index
    %get3A_275 = tpu.vector_load %arg7[%get3A_273, %get3A_274] {strides = array<i32>} : memref<3x128xi32, #tpu.memory_space<vmem>>, vector<1x16xi32>,
    %get3A_276 = vector.shape_cast %get3A_275 : vector<1x16xi32> to vector<16xi32>
    %jit3A_277 = arith.constant 0 : i32
    %broadcast_in_dim3A_278 = vector.broadcast %jit3A_277 : i32 to vector<16xi32>
    %select_n3A_279 = arith.select %and3A_262, %get3A_276, %broadcast_in_dim3A_278 : vector<16xi1>, vector<16xi32>
    %swap3A_280 = arith.constant 0 : i32
    %swap3A_281 = arith.index_cast %swap3A_280 : i32 to index
    %swap3A_282 = arith.constant 112 : index
    %swap3A_283 = tpu.vector_load %arg7[%swap3A_281, %swap3A_282] {strides = array<i32>} : memref<3x128xi32, #tpu.memory_space<vmem>>, vector<1x16xi32>,
    %swap3A_284 = vector.shape_cast %swap3A_283 : vector<1x16xi32> to vector<16xi32>
    %swap3A_285 = vector.shape_cast %select_n3A_279 : vector<16xi32> to vector<1x16xi32>
    tpu.vector_store %arg7[%swap3A_281, %swap3A_282], %swap3A_285 {strides = array<i32>} : memref<3x128xi32, #tpu.memory_space<vmem>>, vector<1x16xi32>,
    %dma_start3A = arith.constant 0 : i32
    %dma_start3A_286 = arith.constant 0 : i32
    %dma_start3A_287 = arith.constant 0 : i32
    %dma_start3A_288 = arith.constant 0 : i32
    %dma_start3A_289 = arith.constant 0 : i32
    %dma_start3A_290 = tpu.memref_slice %arg9[%dma_start3A_286, %dma_start3A_288, %dma_start3A_289] : memref<3x128x64xf32, #tpu.memory_space<vmem>> -> memref<1x128x64xf32, #tpu.memory_space<vmem>>
    %dma_start3A_291 = tpu.memref_squeeze %dma_start3A_290 : memref<1x128x64xf32, #tpu.memory_space<vmem>> -> memref<128x64xf32, #tpu.memory_space<vmem>>
    %dma_start3A_292 = arith.constant 0 : i32
    %dma_start3A_293 = tpu.memref_slice %arg7[%dma_start3A, %dma_start3A_292] : memref<3x128xi32, #tpu.memory_space<vmem>> -> memref<1x128xi32, #tpu.memory_space<vmem>>
    %dma_start3A_294 = tpu.memref_squeeze %dma_start3A_293 : memref<1x128xi32, #tpu.memory_space<vmem>> -> memref<128xi32, #tpu.memory_space<vmem>>
    %dma_start3A_295 = arith.constant 0 : i32
    %dma_start3A_296 = arith.constant 0 : i32
    %dma_start3A_297 = tpu.memref_slice %arg2[%dma_start3A_295, %dma_start3A_296] : memref<50176x64xf32, #tpu.memory_space<hbm>> -> memref<50176x64xf32, #tpu.memory_space<hbm>>
    %dma_start3A_298 = tpu.memref_slice %arg11[%dma_start3A_287] : memref<3x!tpu.dma_semaphore, #tpu.memory_space<semaphore_mem>> -> memref<1x!tpu.dma_semaphore, #tpu.memory_space<semaphore_mem>>
    %dma_start3A_299 = tpu.memref_squeeze %dma_start3A_298 : memref<1x!tpu.dma_semaphore, #tpu.memory_space<semaphore_mem>> -> memref<!tpu.dma_semaphore, #tpu.memory_space<semaphore_mem>>
    tpu.enqueue_indirect_dma source(%dma_start3A_297 : memref<50176x64xf32, #tpu.memory_space<hbm>>) target(%dma_start3A_291 : memref<128x64xf32, #tpu.memory_space<vmem>>) offsets(%dma_start3A_294 : memref<128xi32, #tpu.memory_space<vmem>>) semaphore(%dma_start3A_299 : memref<!tpu.dma_semaphore, #tpu.memory_space<semaphore_mem>>)
    %mul3A_300 = arith.constant 392 : i32
    %mul3A_301 = arith.muli %arg1, %mul3A_300 : i32
    %add3A_302 = arith.constant 1 : i32
    %add3A_303 = arith.addi %mul3A_301, %add3A_302 : i32
    %mul3A_304 = arith.constant 128 : i32
    %mul3A_305 = arith.muli %add3A_303, %mul3A_304 : i32
    %run_scoped3A_306 = arith.constant 1 : i32
    "tpu.region"() ({
      %run_scoped3A_705 = tpu.sem_alloc : memref<!tpu.dma_semaphore, #tpu.memory_space<semaphore_mem>>
      %dma_start3A_706 = arith.constant 0 : i32
      %dma_start3A_707 = tpu.memref_slice %arg7[%run_scoped3A_306, %dma_start3A_706] : memref<3x128xi32, #tpu.memory_space<vmem>> -> memref<1x128xi32, #tpu.memory_space<vmem>>
      %dma_start3A_708 = tpu.memref_squeeze %dma_start3A_707 : memref<1x128xi32, #tpu.memory_space<vmem>> -> memref<128xi32, #tpu.memory_space<vmem>>
      %dma_start3A_709 = tpu.memref_slice %arg3[%mul3A_305] : memref<802816xi32, #tpu.memory_space<hbm>> -> memref<128xi32, #tpu.memory_space<hbm>>
      %dma_start3A_710 = arith.constant 0 : i32
      %dma_start3A_711 = tpu.memref_slice %arg7[%run_scoped3A_306, %dma_start3A_710] : memref<3x128xi32, #tpu.memory_space<vmem>> -> memref<1x128xi32, #tpu.memory_space<vmem>>
      %dma_start3A_712 = tpu.memref_squeeze %dma_start3A_711 : memref<1x128xi32, #tpu.memory_space<vmem>> -> memref<128xi32, #tpu.memory_space<vmem>>
      %dma_start3A_713 = tpu.memref_slice %arg3[%mul3A_305] : memref<802816xi32, #tpu.memory_space<hbm>> -> memref<128xi32, #tpu.memory_space<hbm>>
      tpu.enqueue_dma source(%dma_start3A_713 : memref<128xi32, #tpu.memory_space<hbm>>) target(%dma_start3A_712 : memref<128xi32, #tpu.memory_space<vmem>>) target_semaphore(%run_scoped3A_705 : memref<!tpu.dma_semaphore, #tpu.memory_space<semaphore_mem>>)
      %dma_wait3A_714 = arith.constant 0 : i32
      %dma_wait3A_715 = tpu.memref_slice %arg7[%run_scoped3A_306, %dma_wait3A_714] : memref<3x128xi32, #tpu.memory_space<vmem>> -> memref<1x128xi32, #tpu.memory_space<vmem>>
      %dma_wait3A_716 = tpu.memref_squeeze %dma_wait3A_715 : memref<1x128xi32, #tpu.memory_space<vmem>> -> memref<128xi32, #tpu.memory_space<vmem>>
      %dma_wait3A_717 = tpu.memref_slice %arg3[%mul3A_305] : memref<802816xi32, #tpu.memory_space<hbm>> -> memref<128xi32, #tpu.memory_space<hbm>>
      %dma_wait3A_718 = arith.constant 0 : i32
      %dma_wait3A_719 = tpu.memref_slice %arg7[%run_scoped3A_306, %dma_wait3A_718] : memref<3x128xi32, #tpu.memory_space<vmem>> -> memref<1x128xi32, #tpu.memory_space<vmem>>
      %dma_wait3A_720 = tpu.memref_squeeze %dma_wait3A_719 : memref<1x128xi32, #tpu.memory_space<vmem>> -> memref<128xi32, #tpu.memory_space<vmem>>
      %dma_wait3A_721 = tpu.memref_slice %arg3[%mul3A_305] : memref<802816xi32, #tpu.memory_space<hbm>> -> memref<128xi32, #tpu.memory_space<hbm>>
      tpu.wait_dma2 semaphore(%run_scoped3A_705 : memref<!tpu.dma_semaphore, #tpu.memory_space<semaphore_mem>>) src(%dma_wait3A_721 : memref<128xi32, #tpu.memory_space<hbm>>) dst(%dma_wait3A_720 : memref<128xi32, #tpu.memory_space<vmem>>)
      tpu.yield
    }) : () -> ()
    %run_scoped3A_307 = arith.constant 1 : i32
    "tpu.region"() ({
      %run_scoped3A_705 = tpu.sem_alloc : memref<!tpu.dma_semaphore, #tpu.memory_space<semaphore_mem>>
      %dma_start3A_706 = arith.constant 0 : i32
      %dma_start3A_707 = tpu.memref_slice %arg8[%run_scoped3A_307, %dma_start3A_706] : memref<3x128xi32, #tpu.memory_space<vmem>> -> memref<1x128xi32, #tpu.memory_space<vmem>>
      %dma_start3A_708 = tpu.memref_squeeze %dma_start3A_707 : memref<1x128xi32, #tpu.memory_space<vmem>> -> memref<128xi32, #tpu.memory_space<vmem>>
      %dma_start3A_709 = tpu.memref_slice %arg4[%mul3A_305] : memref<802816xi32, #tpu.memory_space<hbm>> -> memref<128xi32, #tpu.memory_space<hbm>>
      %dma_start3A_710 = arith.constant 0 : i32
      %dma_start3A_711 = tpu.memref_slice %arg8[%run_scoped3A_307, %dma_start3A_710] : memref<3x128xi32, #tpu.memory_space<vmem>> -> memref<1x128xi32, #tpu.memory_space<vmem>>
      %dma_start3A_712 = tpu.memref_squeeze %dma_start3A_711 : memref<1x128xi32, #tpu.memory_space<vmem>> -> memref<128xi32, #tpu.memory_space<vmem>>
      %dma_start3A_713 = tpu.memref_slice %arg4[%mul3A_305] : memref<802816xi32, #tpu.memory_space<hbm>> -> memref<128xi32, #tpu.memory_space<hbm>>
      tpu.enqueue_dma source(%dma_start3A_713 : memref<128xi32, #tpu.memory_space<hbm>>) target(%dma_start3A_712 : memref<128xi32, #tpu.memory_space<vmem>>) target_semaphore(%run_scoped3A_705 : memref<!tpu.dma_semaphore, #tpu.memory_space<semaphore_mem>>)
      %dma_wait3A_714 = arith.constant 0 : i32
      %dma_wait3A_715 = tpu.memref_slice %arg8[%run_scoped3A_307, %dma_wait3A_714] : memref<3x128xi32, #tpu.memory_space<vmem>> -> memref<1x128xi32, #tpu.memory_space<vmem>>
      %dma_wait3A_716 = tpu.memref_squeeze %dma_wait3A_715 : memref<1x128xi32, #tpu.memory_space<vmem>> -> memref<128xi32, #tpu.memory_space<vmem>>
      %dma_wait3A_717 = tpu.memref_slice %arg4[%mul3A_305] : memref<802816xi32, #tpu.memory_space<hbm>> -> memref<128xi32, #tpu.memory_space<hbm>>
      %dma_wait3A_718 = arith.constant 0 : i32
      %dma_wait3A_719 = tpu.memref_slice %arg8[%run_scoped3A_307, %dma_wait3A_718] : memref<3x128xi32, #tpu.memory_space<vmem>> -> memref<1x128xi32, #tpu.memory_space<vmem>>
      %dma_wait3A_720 = tpu.memref_squeeze %dma_wait3A_719 : memref<1x128xi32, #tpu.memory_space<vmem>> -> memref<128xi32, #tpu.memory_space<vmem>>
      %dma_wait3A_721 = tpu.memref_slice %arg4[%mul3A_305] : memref<802816xi32, #tpu.memory_space<hbm>> -> memref<128xi32, #tpu.memory_space<hbm>>
      tpu.wait_dma2 semaphore(%run_scoped3A_705 : memref<!tpu.dma_semaphore, #tpu.memory_space<semaphore_mem>>) src(%dma_wait3A_721 : memref<128xi32, #tpu.memory_space<hbm>>) dst(%dma_wait3A_720 : memref<128xi32, #tpu.memory_space<vmem>>)
      tpu.yield
    }) : () -> ()
    %get3A_308 = arith.constant 1 : i32
    %get3A_309 = arith.index_cast %get3A_308 : i32 to index
    %get3A_310 = arith.constant 0 : index
    %get3A_311 = tpu.vector_load %arg8[%get3A_309, %get3A_310] {strides = array<i32>} : memref<3x128xi32, #tpu.memory_space<vmem>>, vector<1x16xi32>,
    %get3A_312 = vector.shape_cast %get3A_311 : vector<1x16xi32> to vector<16xi32>
    %ge3A_313 = vector.broadcast %mul3A_0 : i32 to vector<16xi32>
    %ge3A_314 = arith.cmpi sge, %get3A_312, %ge3A_313 : vector<16xi32>
    %add3A_315 = arith.constant 25088 : i32
    %add3A_316 = arith.addi %mul3A_0, %add3A_315 : i32
    %lt3A_317 = vector.broadcast %add3A_316 : i32 to vector<16xi32>
    %lt3A_318 = arith.cmpi slt, %get3A_312, %lt3A_317 : vector<16xi32>
    %and3A_319 = arith.andi %ge3A_314, %lt3A_318 : vector<16xi1>
    %sub3A_320 = vector.broadcast %mul3A_0 : i32 to vector<16xi32>
    %sub3A_321 = arith.subi %get3A_312, %sub3A_320 : vector<16xi32>
    %select_n3A_322 = arith.select %and3A_319, %sub3A_321, %add3A_7 : vector<16xi1>, vector<16xi32>
    %swap3A_323 = arith.constant 1 : i32
    %swap3A_324 = arith.index_cast %swap3A_323 : i32 to index
    %swap3A_325 = arith.constant 0 : index
    %swap3A_326 = tpu.vector_load %arg8[%swap3A_324, %swap3A_325] {strides = array<i32>} : memref<3x128xi32, #tpu.memory_space<vmem>>, vector<1x16xi32>,
    %swap3A_327 = vector.shape_cast %swap3A_326 : vector<1x16xi32> to vector<16xi32>
    %swap3A_328 = vector.shape_cast %select_n3A_322 : vector<16xi32> to vector<1x16xi32>
    tpu.vector_store %arg8[%swap3A_324, %swap3A_325], %swap3A_328 {strides = array<i32>} : memref<3x128xi32, #tpu.memory_space<vmem>>, vector<1x16xi32>,
    %get3A_329 = arith.constant 1 : i32
    %get3A_330 = arith.index_cast %get3A_329 : i32 to index
    %get3A_331 = arith.constant 0 : index
    %get3A_332 = tpu.vector_load %arg7[%get3A_330, %get3A_331] {strides = array<i32>} : memref<3x128xi32, #tpu.memory_space<vmem>>, vector<1x16xi32>,
    %get3A_333 = vector.shape_cast %get3A_332 : vector<1x16xi32> to vector<16xi32>
    %jit3A_334 = arith.constant 0 : i32
    %broadcast_in_dim3A_335 = vector.broadcast %jit3A_334 : i32 to vector<16xi32>
    %select_n3A_336 = arith.select %and3A_319, %get3A_333, %broadcast_in_dim3A_335 : vector<16xi1>, vector<16xi32>
    %swap3A_337 = arith.constant 1 : i32
    %swap3A_338 = arith.index_cast %swap3A_337 : i32 to index
    %swap3A_339 = arith.constant 0 : index
    %swap3A_340 = tpu.vector_load %arg7[%swap3A_338, %swap3A_339] {strides = array<i32>} : memref<3x128xi32, #tpu.memory_space<vmem>>, vector<1x16xi32>,
    %swap3A_341 = vector.shape_cast %swap3A_340 : vector<1x16xi32> to vector<16xi32>
    %swap3A_342 = vector.shape_cast %select_n3A_336 : vector<16xi32> to vector<1x16xi32>
    tpu.vector_store %arg7[%swap3A_338, %swap3A_339], %swap3A_342 {strides = array<i32>} : memref<3x128xi32, #tpu.memory_space<vmem>>, vector<1x16xi32>,
    %get3A_343 = arith.constant 1 : i32
    %get3A_344 = arith.index_cast %get3A_343 : i32 to index
    %get3A_345 = arith.constant 16 : index
    %get3A_346 = tpu.vector_load %arg8[%get3A_344, %get3A_345] {strides = array<i32>} : memref<3x128xi32, #tpu.memory_space<vmem>>, vector<1x16xi32>,
    %get3A_347 = vector.shape_cast %get3A_346 : vector<1x16xi32> to vector<16xi32>
    %ge3A_348 = vector.broadcast %mul3A_0 : i32 to vector<16xi32>
    %ge3A_349 = arith.cmpi sge, %get3A_347, %ge3A_348 : vector<16xi32>
    %add3A_350 = arith.constant 25088 : i32
    %add3A_351 = arith.addi %mul3A_0, %add3A_350 : i32
    %lt3A_352 = vector.broadcast %add3A_351 : i32 to vector<16xi32>
    %lt3A_353 = arith.cmpi slt, %get3A_347, %lt3A_352 : vector<16xi32>
    %and3A_354 = arith.andi %ge3A_349, %lt3A_353 : vector<16xi1>
    %sub3A_355 = vector.broadcast %mul3A_0 : i32 to vector<16xi32>
    %sub3A_356 = arith.subi %get3A_347, %sub3A_355 : vector<16xi32>
    %select_n3A_357 = arith.select %and3A_354, %sub3A_356, %add3A_7 : vector<16xi1>, vector<16xi32>
    %swap3A_358 = arith.constant 1 : i32
    %swap3A_359 = arith.index_cast %swap3A_358 : i32 to index
    %swap3A_360 = arith.constant 16 : index
    %swap3A_361 = tpu.vector_load %arg8[%swap3A_359, %swap3A_360] {strides = array<i32>} : memref<3x128xi32, #tpu.memory_space<vmem>>, vector<1x16xi32>,
    %swap3A_362 = vector.shape_cast %swap3A_361 : vector<1x16xi32> to vector<16xi32>
    %swap3A_363 = vector.shape_cast %select_n3A_357 : vector<16xi32> to vector<1x16xi32>
    tpu.vector_store %arg8[%swap3A_359, %swap3A_360], %swap3A_363 {strides = array<i32>} : memref<3x128xi32, #tpu.memory_space<vmem>>, vector<1x16xi32>,
    %get3A_364 = arith.constant 1 : i32
    %get3A_365 = arith.index_cast %get3A_364 : i32 to index
    %get3A_366 = arith.constant 16 : index
    %get3A_367 = tpu.vector_load %arg7[%get3A_365, %get3A_366] {strides = array<i32>} : memref<3x128xi32, #tpu.memory_space<vmem>>, vector<1x16xi32>,
    %get3A_368 = vector.shape_cast %get3A_367 : vector<1x16xi32> to vector<16xi32>
    %jit3A_369 = arith.constant 0 : i32
    %broadcast_in_dim3A_370 = vector.broadcast %jit3A_369 : i32 to vector<16xi32>
    %select_n3A_371 = arith.select %and3A_354, %get3A_368, %broadcast_in_dim3A_370 : vector<16xi1>, vector<16xi32>
    %swap3A_372 = arith.constant 1 : i32
    %swap3A_373 = arith.index_cast %swap3A_372 : i32 to index
    %swap3A_374 = arith.constant 16 : index
    %swap3A_375 = tpu.vector_load %arg7[%swap3A_373, %swap3A_374] {strides = array<i32>} : memref<3x128xi32, #tpu.memory_space<vmem>>, vector<1x16xi32>,
    %swap3A_376 = vector.shape_cast %swap3A_375 : vector<1x16xi32> to vector<16xi32>
    %swap3A_377 = vector.shape_cast %select_n3A_371 : vector<16xi32> to vector<1x16xi32>
    tpu.vector_store %arg7[%swap3A_373, %swap3A_374], %swap3A_377 {strides = array<i32>} : memref<3x128xi32, #tpu.memory_space<vmem>>, vector<1x16xi32>,
    %get3A_378 = arith.constant 1 : i32
    %get3A_379 = arith.index_cast %get3A_378 : i32 to index
    %get3A_380 = arith.constant 32 : index
    %get3A_381 = tpu.vector_load %arg8[%get3A_379, %get3A_380] {strides = array<i32>} : memref<3x128xi32, #tpu.memory_space<vmem>>, vector<1x16xi32>,
    %get3A_382 = vector.shape_cast %get3A_381 : vector<1x16xi32> to vector<16xi32>
    %ge3A_383 = vector.broadcast %mul3A_0 : i32 to vector<16xi32>
    %ge3A_384 = arith.cmpi sge, %get3A_382, %ge3A_383 : vector<16xi32>
    %add3A_385 = arith.constant 25088 : i32
    %add3A_386 = arith.addi %mul3A_0, %add3A_385 : i32
    %lt3A_387 = vector.broadcast %add3A_386 : i32 to vector<16xi32>
    %lt3A_388 = arith.cmpi slt, %get3A_382, %lt3A_387 : vector<16xi32>
    %and3A_389 = arith.andi %ge3A_384, %lt3A_388 : vector<16xi1>
    %sub3A_390 = vector.broadcast %mul3A_0 : i32 to vector<16xi32>
    %sub3A_391 = arith.subi %get3A_382, %sub3A_390 : vector<16xi32>
    %select_n3A_392 = arith.select %and3A_389, %sub3A_391, %add3A_7 : vector<16xi1>, vector<16xi32>
    %swap3A_393 = arith.constant 1 : i32
    %swap3A_394 = arith.index_cast %swap3A_393 : i32 to index
    %swap3A_395 = arith.constant 32 : index
    %swap3A_396 = tpu.vector_load %arg8[%swap3A_394, %swap3A_395] {strides = array<i32>} : memref<3x128xi32, #tpu.memory_space<vmem>>, vector<1x16xi32>,
    %swap3A_397 = vector.shape_cast %swap3A_396 : vector<1x16xi32> to vector<16xi32>
    %swap3A_398 = vector.shape_cast %select_n3A_392 : vector<16xi32> to vector<1x16xi32>
    tpu.vector_store %arg8[%swap3A_394, %swap3A_395], %swap3A_398 {strides = array<i32>} : memref<3x128xi32, #tpu.memory_space<vmem>>, vector<1x16xi32>,
    %get3A_399 = arith.constant 1 : i32
    %get3A_400 = arith.index_cast %get3A_399 : i32 to index
    %get3A_401 = arith.constant 32 : index
    %get3A_402 = tpu.vector_load %arg7[%get3A_400, %get3A_401] {strides = array<i32>} : memref<3x128xi32, #tpu.memory_space<vmem>>, vector<1x16xi32>,
    %get3A_403 = vector.shape_cast %get3A_402 : vector<1x16xi32> to vector<16xi32>
    %jit3A_404 = arith.constant 0 : i32
    %broadcast_in_dim3A_405 = vector.broadcast %jit3A_404 : i32 to vector<16xi32>
    %select_n3A_406 = arith.select %and3A_389, %get3A_403, %broadcast_in_dim3A_405 : vector<16xi1>, vector<16xi32>
    %swap3A_407 = arith.constant 1 : i32
    %swap3A_408 = arith.index_cast %swap3A_407 : i32 to index
    %swap3A_409 = arith.constant 32 : index
    %swap3A_410 = tpu.vector_load %arg7[%swap3A_408, %swap3A_409] {strides = array<i32>} : memref<3x128xi32, #tpu.memory_space<vmem>>, vector<1x16xi32>,
    %swap3A_411 = vector.shape_cast %swap3A_410 : vector<1x16xi32> to vector<16xi32>
    %swap3A_412 = vector.shape_cast %select_n3A_406 : vector<16xi32> to vector<1x16xi32>
    tpu.vector_store %arg7[%swap3A_408, %swap3A_409], %swap3A_412 {strides = array<i32>} : memref<3x128xi32, #tpu.memory_space<vmem>>, vector<1x16xi32>,
    %get3A_413 = arith.constant 1 : i32
    %get3A_414 = arith.index_cast %get3A_413 : i32 to index
    %get3A_415 = arith.constant 48 : index
    %get3A_416 = tpu.vector_load %arg8[%get3A_414, %get3A_415] {strides = array<i32>} : memref<3x128xi32, #tpu.memory_space<vmem>>, vector<1x16xi32>,
    %get3A_417 = vector.shape_cast %get3A_416 : vector<1x16xi32> to vector<16xi32>
    %ge3A_418 = vector.broadcast %mul3A_0 : i32 to vector<16xi32>
    %ge3A_419 = arith.cmpi sge, %get3A_417, %ge3A_418 : vector<16xi32>
    %add3A_420 = arith.constant 25088 : i32
    %add3A_421 = arith.addi %mul3A_0, %add3A_420 : i32
    %lt3A_422 = vector.broadcast %add3A_421 : i32 to vector<16xi32>
    %lt3A_423 = arith.cmpi slt, %get3A_417, %lt3A_422 : vector<16xi32>
    %and3A_424 = arith.andi %ge3A_419, %lt3A_423 : vector<16xi1>
    %sub3A_425 = vector.broadcast %mul3A_0 : i32 to vector<16xi32>
    %sub3A_426 = arith.subi %get3A_417, %sub3A_425 : vector<16xi32>
    %select_n3A_427 = arith.select %and3A_424, %sub3A_426, %add3A_7 : vector<16xi1>, vector<16xi32>
    %swap3A_428 = arith.constant 1 : i32
    %swap3A_429 = arith.index_cast %swap3A_428 : i32 to index
    %swap3A_430 = arith.constant 48 : index
    %swap3A_431 = tpu.vector_load %arg8[%swap3A_429, %swap3A_430] {strides = array<i32>} : memref<3x128xi32, #tpu.memory_space<vmem>>, vector<1x16xi32>,
    %swap3A_432 = vector.shape_cast %swap3A_431 : vector<1x16xi32> to vector<16xi32>
    %swap3A_433 = vector.shape_cast %select_n3A_427 : vector<16xi32> to vector<1x16xi32>
    tpu.vector_store %arg8[%swap3A_429, %swap3A_430], %swap3A_433 {strides = array<i32>} : memref<3x128xi32, #tpu.memory_space<vmem>>, vector<1x16xi32>,
    %get3A_434 = arith.constant 1 : i32
    %get3A_435 = arith.index_cast %get3A_434 : i32 to index
    %get3A_436 = arith.constant 48 : index
    %get3A_437 = tpu.vector_load %arg7[%get3A_435, %get3A_436] {strides = array<i32>} : memref<3x128xi32, #tpu.memory_space<vmem>>, vector<1x16xi32>,
    %get3A_438 = vector.shape_cast %get3A_437 : vector<1x16xi32> to vector<16xi32>
    %jit3A_439 = arith.constant 0 : i32
    %broadcast_in_dim3A_440 = vector.broadcast %jit3A_439 : i32 to vector<16xi32>
    %select_n3A_441 = arith.select %and3A_424, %get3A_438, %broadcast_in_dim3A_440 : vector<16xi1>, vector<16xi32>
    %swap3A_442 = arith.constant 1 : i32
    %swap3A_443 = arith.index_cast %swap3A_442 : i32 to index
    %swap3A_444 = arith.constant 48 : index
    %swap3A_445 = tpu.vector_load %arg7[%swap3A_443, %swap3A_444] {strides = array<i32>} : memref<3x128xi32, #tpu.memory_space<vmem>>, vector<1x16xi32>,
    %swap3A_446 = vector.shape_cast %swap3A_445 : vector<1x16xi32> to vector<16xi32>
    %swap3A_447 = vector.shape_cast %select_n3A_441 : vector<16xi32> to vector<1x16xi32>
    tpu.vector_store %arg7[%swap3A_443, %swap3A_444], %swap3A_447 {strides = array<i32>} : memref<3x128xi32, #tpu.memory_space<vmem>>, vector<1x16xi32>,
    %get3A_448 = arith.constant 1 : i32
    %get3A_449 = arith.index_cast %get3A_448 : i32 to index
    %get3A_450 = arith.constant 64 : index
    %get3A_451 = tpu.vector_load %arg8[%get3A_449, %get3A_450] {strides = array<i32>} : memref<3x128xi32, #tpu.memory_space<vmem>>, vector<1x16xi32>,
    %get3A_452 = vector.shape_cast %get3A_451 : vector<1x16xi32> to vector<16xi32>
    %ge3A_453 = vector.broadcast %mul3A_0 : i32 to vector<16xi32>
    %ge3A_454 = arith.cmpi sge, %get3A_452, %ge3A_453 : vector<16xi32>
    %add3A_455 = arith.constant 25088 : i32
    %add3A_456 = arith.addi %mul3A_0, %add3A_455 : i32
    %lt3A_457 = vector.broadcast %add3A_456 : i32 to vector<16xi32>
    %lt3A_458 = arith.cmpi slt, %get3A_452, %lt3A_457 : vector<16xi32>
    %and3A_459 = arith.andi %ge3A_454, %lt3A_458 : vector<16xi1>
    %sub3A_460 = vector.broadcast %mul3A_0 : i32 to vector<16xi32>
    %sub3A_461 = arith.subi %get3A_452, %sub3A_460 : vector<16xi32>
    %select_n3A_462 = arith.select %and3A_459, %sub3A_461, %add3A_7 : vector<16xi1>, vector<16xi32>
    %swap3A_463 = arith.constant 1 : i32
    %swap3A_464 = arith.index_cast %swap3A_463 : i32 to index
    %swap3A_465 = arith.constant 64 : index
    %swap3A_466 = tpu.vector_load %arg8[%swap3A_464, %swap3A_465] {strides = array<i32>} : memref<3x128xi32, #tpu.memory_space<vmem>>, vector<1x16xi32>,
    %swap3A_467 = vector.shape_cast %swap3A_466 : vector<1x16xi32> to vector<16xi32>
    %swap3A_468 = vector.shape_cast %select_n3A_462 : vector<16xi32> to vector<1x16xi32>
    tpu.vector_store %arg8[%swap3A_464, %swap3A_465], %swap3A_468 {strides = array<i32>} : memref<3x128xi32, #tpu.memory_space<vmem>>, vector<1x16xi32>,
    %get3A_469 = arith.constant 1 : i32
    %get3A_470 = arith.index_cast %get3A_469 : i32 to index
    %get3A_471 = arith.constant 64 : index
    %get3A_472 = tpu.vector_load %arg7[%get3A_470, %get3A_471] {strides = array<i32>} : memref<3x128xi32, #tpu.memory_space<vmem>>, vector<1x16xi32>,
    %get3A_473 = vector.shape_cast %get3A_472 : vector<1x16xi32> to vector<16xi32>
    %jit3A_474 = arith.constant 0 : i32
    %broadcast_in_dim3A_475 = vector.broadcast %jit3A_474 : i32 to vector<16xi32>
    %select_n3A_476 = arith.select %and3A_459, %get3A_473, %broadcast_in_dim3A_475 : vector<16xi1>, vector<16xi32>
    %swap3A_477 = arith.constant 1 : i32
    %swap3A_478 = arith.index_cast %swap3A_477 : i32 to index
    %swap3A_479 = arith.constant 64 : index
    %swap3A_480 = tpu.vector_load %arg7[%swap3A_478, %swap3A_479] {strides = array<i32>} : memref<3x128xi32, #tpu.memory_space<vmem>>, vector<1x16xi32>,
    %swap3A_481 = vector.shape_cast %swap3A_480 : vector<1x16xi32> to vector<16xi32>
    %swap3A_482 = vector.shape_cast %select_n3A_476 : vector<16xi32> to vector<1x16xi32>
    tpu.vector_store %arg7[%swap3A_478, %swap3A_479], %swap3A_482 {strides = array<i32>} : memref<3x128xi32, #tpu.memory_space<vmem>>, vector<1x16xi32>,
    %get3A_483 = arith.constant 1 : i32
    %get3A_484 = arith.index_cast %get3A_483 : i32 to index
    %get3A_485 = arith.constant 80 : index
    %get3A_486 = tpu.vector_load %arg8[%get3A_484, %get3A_485] {strides = array<i32>} : memref<3x128xi32, #tpu.memory_space<vmem>>, vector<1x16xi32>,
    %get3A_487 = vector.shape_cast %get3A_486 : vector<1x16xi32> to vector<16xi32>
    %ge3A_488 = vector.broadcast %mul3A_0 : i32 to vector<16xi32>
    %ge3A_489 = arith.cmpi sge, %get3A_487, %ge3A_488 : vector<16xi32>
    %add3A_490 = arith.constant 25088 : i32
    %add3A_491 = arith.addi %mul3A_0, %add3A_490 : i32
    %lt3A_492 = vector.broadcast %add3A_491 : i32 to vector<16xi32>
    %lt3A_493 = arith.cmpi slt, %get3A_487, %lt3A_492 : vector<16xi32>
    %and3A_494 = arith.andi %ge3A_489, %lt3A_493 : vector<16xi1>
    %sub3A_495 = vector.broadcast %mul3A_0 : i32 to vector<16xi32>
    %sub3A_496 = arith.subi %get3A_487, %sub3A_495 : vector<16xi32>
    %select_n3A_497 = arith.select %and3A_494, %sub3A_496, %add3A_7 : vector<16xi1>, vector<16xi32>
    %swap3A_498 = arith.constant 1 : i32
    %swap3A_499 = arith.index_cast %swap3A_498 : i32 to index
    %swap3A_500 = arith.constant 80 : index
    %swap3A_501 = tpu.vector_load %arg8[%swap3A_499, %swap3A_500] {strides = array<i32>} : memref<3x128xi32, #tpu.memory_space<vmem>>, vector<1x16xi32>,
    %swap3A_502 = vector.shape_cast %swap3A_501 : vector<1x16xi32> to vector<16xi32>
    %swap3A_503 = vector.shape_cast %select_n3A_497 : vector<16xi32> to vector<1x16xi32>
    tpu.vector_store %arg8[%swap3A_499, %swap3A_500], %swap3A_503 {strides = array<i32>} : memref<3x128xi32, #tpu.memory_space<vmem>>, vector<1x16xi32>,
    %get3A_504 = arith.constant 1 : i32
    %get3A_505 = arith.index_cast %get3A_504 : i32 to index
    %get3A_506 = arith.constant 80 : index
    %get3A_507 = tpu.vector_load %arg7[%get3A_505, %get3A_506] {strides = array<i32>} : memref<3x128xi32, #tpu.memory_space<vmem>>, vector<1x16xi32>,
    %get3A_508 = vector.shape_cast %get3A_507 : vector<1x16xi32> to vector<16xi32>
    %jit3A_509 = arith.constant 0 : i32
    %broadcast_in_dim3A_510 = vector.broadcast %jit3A_509 : i32 to vector<16xi32>
    %select_n3A_511 = arith.select %and3A_494, %get3A_508, %broadcast_in_dim3A_510 : vector<16xi1>, vector<16xi32>
    %swap3A_512 = arith.constant 1 : i32
    %swap3A_513 = arith.index_cast %swap3A_512 : i32 to index
    %swap3A_514 = arith.constant 80 : index
    %swap3A_515 = tpu.vector_load %arg7[%swap3A_513, %swap3A_514] {strides = array<i32>} : memref<3x128xi32, #tpu.memory_space<vmem>>, vector<1x16xi32>,
    %swap3A_516 = vector.shape_cast %swap3A_515 : vector<1x16xi32> to vector<16xi32>
    %swap3A_517 = vector.shape_cast %select_n3A_511 : vector<16xi32> to vector<1x16xi32>
    tpu.vector_store %arg7[%swap3A_513, %swap3A_514], %swap3A_517 {strides = array<i32>} : memref<3x128xi32, #tpu.memory_space<vmem>>, vector<1x16xi32>,
    %get3A_518 = arith.constant 1 : i32
    %get3A_519 = arith.index_cast %get3A_518 : i32 to index
    %get3A_520 = arith.constant 96 : index
    %get3A_521 = tpu.vector_load %arg8[%get3A_519, %get3A_520] {strides = array<i32>} : memref<3x128xi32, #tpu.memory_space<vmem>>, vector<1x16xi32>,
    %get3A_522 = vector.shape_cast %get3A_521 : vector<1x16xi32> to vector<16xi32>
    %ge3A_523 = vector.broadcast %mul3A_0 : i32 to vector<16xi32>
    %ge3A_524 = arith.cmpi sge, %get3A_522, %ge3A_523 : vector<16xi32>
    %add3A_525 = arith.constant 25088 : i32
    %add3A_526 = arith.addi %mul3A_0, %add3A_525 : i32
    %lt3A_527 = vector.broadcast %add3A_526 : i32 to vector<16xi32>
    %lt3A_528 = arith.cmpi slt, %get3A_522, %lt3A_527 : vector<16xi32>
    %and3A_529 = arith.andi %ge3A_524, %lt3A_528 : vector<16xi1>
    %sub3A_530 = vector.broadcast %mul3A_0 : i32 to vector<16xi32>
    %sub3A_531 = arith.subi %get3A_522, %sub3A_530 : vector<16xi32>
    %select_n3A_532 = arith.select %and3A_529, %sub3A_531, %add3A_7 : vector<16xi1>, vector<16xi32>
    %swap3A_533 = arith.constant 1 : i32
    %swap3A_534 = arith.index_cast %swap3A_533 : i32 to index
    %swap3A_535 = arith.constant 96 : index
    %swap3A_536 = tpu.vector_load %arg8[%swap3A_534, %swap3A_535] {strides = array<i32>} : memref<3x128xi32, #tpu.memory_space<vmem>>, vector<1x16xi32>,
    %swap3A_537 = vector.shape_cast %swap3A_536 : vector<1x16xi32> to vector<16xi32>
    %swap3A_538 = vector.shape_cast %select_n3A_532 : vector<16xi32> to vector<1x16xi32>
    tpu.vector_store %arg8[%swap3A_534, %swap3A_535], %swap3A_538 {strides = array<i32>} : memref<3x128xi32, #tpu.memory_space<vmem>>, vector<1x16xi32>,
    %get3A_539 = arith.constant 1 : i32
    %get3A_540 = arith.index_cast %get3A_539 : i32 to index
    %get3A_541 = arith.constant 96 : index
    %get3A_542 = tpu.vector_load %arg7[%get3A_540, %get3A_541] {strides = array<i32>} : memref<3x128xi32, #tpu.memory_space<vmem>>, vector<1x16xi32>,
    %get3A_543 = vector.shape_cast %get3A_542 : vector<1x16xi32> to vector<16xi32>
    %jit3A_544 = arith.constant 0 : i32
    %broadcast_in_dim3A_545 = vector.broadcast %jit3A_544 : i32 to vector<16xi32>
    %select_n3A_546 = arith.select %and3A_529, %get3A_543, %broadcast_in_dim3A_545 : vector<16xi1>, vector<16xi32>
    %swap3A_547 = arith.constant 1 : i32
    %swap3A_548 = arith.index_cast %swap3A_547 : i32 to index
    %swap3A_549 = arith.constant 96 : index
    %swap3A_550 = tpu.vector_load %arg7[%swap3A_548, %swap3A_549] {strides = array<i32>} : memref<3x128xi32, #tpu.memory_space<vmem>>, vector<1x16xi32>,
    %swap3A_551 = vector.shape_cast %swap3A_550 : vector<1x16xi32> to vector<16xi32>
    %swap3A_552 = vector.shape_cast %select_n3A_546 : vector<16xi32> to vector<1x16xi32>
    tpu.vector_store %arg7[%swap3A_548, %swap3A_549], %swap3A_552 {strides = array<i32>} : memref<3x128xi32, #tpu.memory_space<vmem>>, vector<1x16xi32>,
    %get3A_553 = arith.constant 1 : i32
    %get3A_554 = arith.index_cast %get3A_553 : i32 to index
    %get3A_555 = arith.constant 112 : index
    %get3A_556 = tpu.vector_load %arg8[%get3A_554, %get3A_555] {strides = array<i32>} : memref<3x128xi32, #tpu.memory_space<vmem>>, vector<1x16xi32>,
    %get3A_557 = vector.shape_cast %get3A_556 : vector<1x16xi32> to vector<16xi32>
    %ge3A_558 = vector.broadcast %mul3A_0 : i32 to vector<16xi32>
    %ge3A_559 = arith.cmpi sge, %get3A_557, %ge3A_558 : vector<16xi32>
    %add3A_560 = arith.constant 25088 : i32
    %add3A_561 = arith.addi %mul3A_0, %add3A_560 : i32
    %lt3A_562 = vector.broadcast %add3A_561 : i32 to vector<16xi32>
    %lt3A_563 = arith.cmpi slt, %get3A_557, %lt3A_562 : vector<16xi32>
    %and3A_564 = arith.andi %ge3A_559, %lt3A_563 : vector<16xi1>
    %sub3A_565 = vector.broadcast %mul3A_0 : i32 to vector<16xi32>
    %sub3A_566 = arith.subi %get3A_557, %sub3A_565 : vector<16xi32>
    %select_n3A_567 = arith.select %and3A_564, %sub3A_566, %add3A_7 : vector<16xi1>, vector<16xi32>
    %swap3A_568 = arith.constant 1 : i32
    %swap3A_569 = arith.index_cast %swap3A_568 : i32 to index
    %swap3A_570 = arith.constant 112 : index
    %swap3A_571 = tpu.vector_load %arg8[%swap3A_569, %swap3A_570] {strides = array<i32>} : memref<3x128xi32, #tpu.memory_space<vmem>>, vector<1x16xi32>,
    %swap3A_572 = vector.shape_cast %swap3A_571 : vector<1x16xi32> to vector<16xi32>
    %swap3A_573 = vector.shape_cast %select_n3A_567 : vector<16xi32> to vector<1x16xi32>
    tpu.vector_store %arg8[%swap3A_569, %swap3A_570], %swap3A_573 {strides = array<i32>} : memref<3x128xi32, #tpu.memory_space<vmem>>, vector<1x16xi32>,
    %get3A_574 = arith.constant 1 : i32
    %get3A_575 = arith.index_cast %get3A_574 : i32 to index
    %get3A_576 = arith.constant 112 : index
    %get3A_577 = tpu.vector_load %arg7[%get3A_575, %get3A_576] {strides = array<i32>} : memref<3x128xi32, #tpu.memory_space<vmem>>, vector<1x16xi32>,
    %get3A_578 = vector.shape_cast %get3A_577 : vector<1x16xi32> to vector<16xi32>
    %jit3A_579 = arith.constant 0 : i32
    %broadcast_in_dim3A_580 = vector.broadcast %jit3A_579 : i32 to vector<16xi32>
    %select_n3A_581 = arith.select %and3A_564, %get3A_578, %broadcast_in_dim3A_580 : vector<16xi1>, vector<16xi32>
    %swap3A_582 = arith.constant 1 : i32
    %swap3A_583 = arith.index_cast %swap3A_582 : i32 to index
    %swap3A_584 = arith.constant 112 : index
    %swap3A_585 = tpu.vector_load %arg7[%swap3A_583, %swap3A_584] {strides = array<i32>} : memref<3x128xi32, #tpu.memory_space<vmem>>, vector<1x16xi32>,
    %swap3A_586 = vector.shape_cast %swap3A_585 : vector<1x16xi32> to vector<16xi32>
    %swap3A_587 = vector.shape_cast %select_n3A_581 : vector<16xi32> to vector<1x16xi32>
    tpu.vector_store %arg7[%swap3A_583, %swap3A_584], %swap3A_587 {strides = array<i32>} : memref<3x128xi32, #tpu.memory_space<vmem>>, vector<1x16xi32>,
    %dma_start3A_588 = arith.constant 1 : i32
    %dma_start3A_589 = arith.constant 1 : i32
    %dma_start3A_590 = arith.constant 1 : i32
    %dma_start3A_591 = arith.constant 0 : i32
    %dma_start3A_592 = arith.constant 0 : i32
    %dma_start3A_593 = tpu.memref_slice %arg9[%dma_start3A_589, %dma_start3A_591, %dma_start3A_592] : memref<3x128x64xf32, #tpu.memory_space<vmem>> -> memref<1x128x64xf32, #tpu.memory_space<vmem>>
    %dma_start3A_594 = tpu.memref_squeeze %dma_start3A_593 : memref<1x128x64xf32, #tpu.memory_space<vmem>> -> memref<128x64xf32, #tpu.memory_space<vmem>>
    %dma_start3A_595 = arith.constant 0 : i32
    %dma_start3A_596 = tpu.memref_slice %arg7[%dma_start3A_588, %dma_start3A_595] : memref<3x128xi32, #tpu.memory_space<vmem>> -> memref<1x128xi32, #tpu.memory_space<vmem>>
    %dma_start3A_597 = tpu.memref_squeeze %dma_start3A_596 : memref<1x128xi32, #tpu.memory_space<vmem>> -> memref<128xi32, #tpu.memory_space<vmem>>
    %dma_start3A_598 = arith.constant 0 : i32
    %dma_start3A_599 = arith.constant 0 : i32
    %dma_start3A_600 = tpu.memref_slice %arg2[%dma_start3A_598, %dma_start3A_599] : memref<50176x64xf32, #tpu.memory_space<hbm>> -> memref<50176x64xf32, #tpu.memory_space<hbm>>
    %dma_start3A_601 = tpu.memref_slice %arg11[%dma_start3A_590] : memref<3x!tpu.dma_semaphore, #tpu.memory_space<semaphore_mem>> -> memref<1x!tpu.dma_semaphore, #tpu.memory_space<semaphore_mem>>
    %dma_start3A_602 = tpu.memref_squeeze %dma_start3A_601 : memref<1x!tpu.dma_semaphore, #tpu.memory_space<semaphore_mem>> -> memref<!tpu.dma_semaphore, #tpu.memory_space<semaphore_mem>>
    tpu.enqueue_indirect_dma source(%dma_start3A_600 : memref<50176x64xf32, #tpu.memory_space<hbm>>) target(%dma_start3A_594 : memref<128x64xf32, #tpu.memory_space<vmem>>) offsets(%dma_start3A_597 : memref<128xi32, #tpu.memory_space<vmem>>) semaphore(%dma_start3A_602 : memref<!tpu.dma_semaphore, #tpu.memory_space<semaphore_mem>>)
    %scan3A = arith.constant 0 : i32
    %scan3A_603 = arith.constant 0 : i32
    %scan3A_604 = arith.constant 390 : i32
    %scan3A_605 = arith.addi %scan3A_603, %scan3A_604 : i32
    %scan3A_606 = arith.constant 1 : i32
    scf.for %scan3A_705 = %scan3A_603 to %scan3A_605 step %scan3A_606  : i32 {
      %rem3A = arith.constant 3 : i32
      %rem3A_706 = arith.remsi %scan3A_705, %rem3A : i32
      %add3A_707 = arith.constant 2 : i32
      %add3A_708 = arith.addi %scan3A_705, %add3A_707 : i32
      %rem3A_709 = arith.constant 3 : i32
      %rem3A_710 = arith.remsi %add3A_708, %rem3A_709 : i32
      %ge3A_711 = arith.constant 1 : i32
      %ge3A_712 = arith.cmpi sge, %scan3A_705, %ge3A_711 : i32
      %convert_element_type3A = arith.extui %ge3A_712 : i1 to i32
      %cond3A = arith.constant 0 : i32
      %cond3A_713 = arith.cmpi ne, %convert_element_type3A, %cond3A : i32
      scf.if %cond3A_713 {
        %dma_wait3A_1003 = arith.constant 0 : i32
        %dma_wait3A_1004 = arith.constant 0 : i32
        %dma_wait3A_1005 = arith.constant 0 : i32
        %dma_wait3A_1006 = arith.constant 0 : i32
        %dma_wait3A_1007 = tpu.memref_slice %arg9[%dma_wait3A_1003, %dma_wait3A_1005, %dma_wait3A_1006] : memref<3x128x64xf32, #tpu.memory_space<vmem>> -> memref<1x128x64xf32, #tpu.memory_space<vmem>>
        %dma_wait3A_1008 = tpu.memref_squeeze %dma_wait3A_1007 : memref<1x128x64xf32, #tpu.memory_space<vmem>> -> memref<128x64xf32, #tpu.memory_space<vmem>>
        %dma_wait3A_1009 = arith.constant 0 : i32
        %dma_wait3A_1010 = tpu.memref_slice %arg8[%dma_wait3A_1004, %dma_wait3A_1009] : memref<3x128xi32, #tpu.memory_space<vmem>> -> memref<1x128xi32, #tpu.memory_space<vmem>>
        %dma_wait3A_1011 = tpu.memref_squeeze %dma_wait3A_1010 : memref<1x128xi32, #tpu.memory_space<vmem>> -> memref<128xi32, #tpu.memory_space<vmem>>
        %dma_wait3A_1012 = arith.constant 0 : i32
        %dma_wait3A_1013 = arith.constant 0 : i32
        %dma_wait3A_1014 = tpu.memref_slice %arg10[%dma_wait3A_1012, %dma_wait3A_1013] : memref<25344x64xf32, #tpu.memory_space<vmem_shared>> -> memref<25344x64xf32, #tpu.memory_space<vmem_shared>>
        tpu.wait_indirect_dma semaphore(%arg12 : memref<!tpu.dma_semaphore, #tpu.memory_space<semaphore_mem>>) src(%dma_wait3A_1008 : memref<128x64xf32, #tpu.memory_space<vmem>>) dst(%dma_wait3A_1014 : memref<25344x64xf32, #tpu.memory_space<vmem_shared>>)
      } else {
      }
      %add3A_714 = arith.constant 2 : i32
      %add3A_715 = arith.addi %scan3A_705, %add3A_714 : i32
      %mul3A_716 = arith.constant 392 : i32
      %mul3A_717 = arith.muli %arg1, %mul3A_716 : i32
      %add3A_718 = arith.addi %mul3A_717, %add3A_715 : i32
      %mul3A_719 = arith.constant 128 : i32
      %mul3A_720 = arith.muli %add3A_718, %mul3A_719 : i32
      "tpu.region"() ({
        %run_scoped3A_1003 = tpu.sem_alloc : memref<!tpu.dma_semaphore, #tpu.memory_space<semaphore_mem>>
        %dma_start3A_1004 = arith.constant 0 : i32
        %dma_start3A_1005 = tpu.memref_slice %arg7[%rem3A_710, %dma_start3A_1004] : memref<3x128xi32, #tpu.memory_space<vmem>> -> memref<1x128xi32, #tpu.memory_space<vmem>>
        %dma_start3A_1006 = tpu.memref_squeeze %dma_start3A_1005 : memref<1x128xi32, #tpu.memory_space<vmem>> -> memref<128xi32, #tpu.memory_space<vmem>>
        %dma_start3A_1007 = tpu.memref_slice %arg3[%mul3A_720] : memref<802816xi32, #tpu.memory_space<hbm>> -> memref<128xi32, #tpu.memory_space<hbm>>
        %dma_start3A_1008 = arith.constant 0 : i32
        %dma_start3A_1009 = tpu.memref_slice %arg7[%rem3A_710, %dma_start3A_1008] : memref<3x128xi32, #tpu.memory_space<vmem>> -> memref<1x128xi32, #tpu.memory_space<vmem>>
        %dma_start3A_1010 = tpu.memref_squeeze %dma_start3A_1009 : memref<1x128xi32, #tpu.memory_space<vmem>> -> memref<128xi32, #tpu.memory_space<vmem>>
        %dma_start3A_1011 = tpu.memref_slice %arg3[%mul3A_720] : memref<802816xi32, #tpu.memory_space<hbm>> -> memref<128xi32, #tpu.memory_space<hbm>>
        tpu.enqueue_dma source(%dma_start3A_1011 : memref<128xi32, #tpu.memory_space<hbm>>) target(%dma_start3A_1010 : memref<128xi32, #tpu.memory_space<vmem>>) target_semaphore(%run_scoped3A_1003 : memref<!tpu.dma_semaphore, #tpu.memory_space<semaphore_mem>>)
        %dma_wait3A_1012 = arith.constant 0 : i32
        %dma_wait3A_1013 = tpu.memref_slice %arg7[%rem3A_710, %dma_wait3A_1012] : memref<3x128xi32, #tpu.memory_space<vmem>> -> memref<1x128xi32, #tpu.memory_space<vmem>>
        %dma_wait3A_1014 = tpu.memref_squeeze %dma_wait3A_1013 : memref<1x128xi32, #tpu.memory_space<vmem>> -> memref<128xi32, #tpu.memory_space<vmem>>
        %dma_wait3A_1015 = tpu.memref_slice %arg3[%mul3A_720] : memref<802816xi32, #tpu.memory_space<hbm>> -> memref<128xi32, #tpu.memory_space<hbm>>
        %dma_wait3A_1016 = arith.constant 0 : i32
        %dma_wait3A_1017 = tpu.memref_slice %arg7[%rem3A_710, %dma_wait3A_1016] : memref<3x128xi32, #tpu.memory_space<vmem>> -> memref<1x128xi32, #tpu.memory_space<vmem>>
        %dma_wait3A_1018 = tpu.memref_squeeze %dma_wait3A_1017 : memref<1x128xi32, #tpu.memory_space<vmem>> -> memref<128xi32, #tpu.memory_space<vmem>>
        %dma_wait3A_1019 = tpu.memref_slice %arg3[%mul3A_720] : memref<802816xi32, #tpu.memory_space<hbm>> -> memref<128xi32, #tpu.memory_space<hbm>>
        tpu.wait_dma2 semaphore(%run_scoped3A_1003 : memref<!tpu.dma_semaphore, #tpu.memory_space<semaphore_mem>>) src(%dma_wait3A_1019 : memref<128xi32, #tpu.memory_space<hbm>>) dst(%dma_wait3A_1018 : memref<128xi32, #tpu.memory_space<vmem>>)
        tpu.yield
      }) : () -> ()
      "tpu.region"() ({
        %run_scoped3A_1003 = tpu.sem_alloc : memref<!tpu.dma_semaphore, #tpu.memory_space<semaphore_mem>>
        %dma_start3A_1004 = arith.constant 0 : i32
        %dma_start3A_1005 = tpu.memref_slice %arg8[%rem3A_710, %dma_start3A_1004] : memref<3x128xi32, #tpu.memory_space<vmem>> -> memref<1x128xi32, #tpu.memory_space<vmem>>
        %dma_start3A_1006 = tpu.memref_squeeze %dma_start3A_1005 : memref<1x128xi32, #tpu.memory_space<vmem>> -> memref<128xi32, #tpu.memory_space<vmem>>
        %dma_start3A_1007 = tpu.memref_slice %arg4[%mul3A_720] : memref<802816xi32, #tpu.memory_space<hbm>> -> memref<128xi32, #tpu.memory_space<hbm>>
        %dma_start3A_1008 = arith.constant 0 : i32
        %dma_start3A_1009 = tpu.memref_slice %arg8[%rem3A_710, %dma_start3A_1008] : memref<3x128xi32, #tpu.memory_space<vmem>> -> memref<1x128xi32, #tpu.memory_space<vmem>>
        %dma_start3A_1010 = tpu.memref_squeeze %dma_start3A_1009 : memref<1x128xi32, #tpu.memory_space<vmem>> -> memref<128xi32, #tpu.memory_space<vmem>>
        %dma_start3A_1011 = tpu.memref_slice %arg4[%mul3A_720] : memref<802816xi32, #tpu.memory_space<hbm>> -> memref<128xi32, #tpu.memory_space<hbm>>
        tpu.enqueue_dma source(%dma_start3A_1011 : memref<128xi32, #tpu.memory_space<hbm>>) target(%dma_start3A_1010 : memref<128xi32, #tpu.memory_space<vmem>>) target_semaphore(%run_scoped3A_1003 : memref<!tpu.dma_semaphore, #tpu.memory_space<semaphore_mem>>)
        %dma_wait3A_1012 = arith.constant 0 : i32
        %dma_wait3A_1013 = tpu.memref_slice %arg8[%rem3A_710, %dma_wait3A_1012] : memref<3x128xi32, #tpu.memory_space<vmem>> -> memref<1x128xi32, #tpu.memory_space<vmem>>
        %dma_wait3A_1014 = tpu.memref_squeeze %dma_wait3A_1013 : memref<1x128xi32, #tpu.memory_space<vmem>> -> memref<128xi32, #tpu.memory_space<vmem>>
        %dma_wait3A_1015 = tpu.memref_slice %arg4[%mul3A_720] : memref<802816xi32, #tpu.memory_space<hbm>> -> memref<128xi32, #tpu.memory_space<hbm>>
        %dma_wait3A_1016 = arith.constant 0 : i32
        %dma_wait3A_1017 = tpu.memref_slice %arg8[%rem3A_710, %dma_wait3A_1016] : memref<3x128xi32, #tpu.memory_space<vmem>> -> memref<1x128xi32, #tpu.memory_space<vmem>>
        %dma_wait3A_1018 = tpu.memref_squeeze %dma_wait3A_1017 : memref<1x128xi32, #tpu.memory_space<vmem>> -> memref<128xi32, #tpu.memory_space<vmem>>
        %dma_wait3A_1019 = tpu.memref_slice %arg4[%mul3A_720] : memref<802816xi32, #tpu.memory_space<hbm>> -> memref<128xi32, #tpu.memory_space<hbm>>
        tpu.wait_dma2 semaphore(%run_scoped3A_1003 : memref<!tpu.dma_semaphore, #tpu.memory_space<semaphore_mem>>) src(%dma_wait3A_1019 : memref<128xi32, #tpu.memory_space<hbm>>) dst(%dma_wait3A_1018 : memref<128xi32, #tpu.memory_space<vmem>>)
        tpu.yield
      }) : () -> ()
      %get3A_721 = arith.index_cast %rem3A_710 : i32 to index
      %get3A_722 = arith.constant 0 : index
      %get3A_723 = tpu.vector_load %arg8[%get3A_721, %get3A_722] {strides = array<i32>} : memref<3x128xi32, #tpu.memory_space<vmem>>, vector<1x16xi32>,
      %get3A_724 = vector.shape_cast %get3A_723 : vector<1x16xi32> to vector<16xi32>
      %ge3A_725 = vector.broadcast %mul3A_0 : i32 to vector<16xi32>
      %ge3A_726 = arith.cmpi sge, %get3A_724, %ge3A_725 : vector<16xi32>
      %add3A_727 = arith.constant 25088 : i32
      %add3A_728 = arith.addi %mul3A_0, %add3A_727 : i32
      %lt3A_729 = vector.broadcast %add3A_728 : i32 to vector<16xi32>
      %lt3A_730 = arith.cmpi slt, %get3A_724, %lt3A_729 : vector<16xi32>
      %and3A_731 = arith.andi %ge3A_726, %lt3A_730 : vector<16xi1>
      %sub3A_732 = vector.broadcast %mul3A_0 : i32 to vector<16xi32>
      %sub3A_733 = arith.subi %get3A_724, %sub3A_732 : vector<16xi32>
      %select_n3A_734 = arith.select %and3A_731, %sub3A_733, %add3A_7 : vector<16xi1>, vector<16xi32>
      %swap3A_735 = arith.index_cast %rem3A_710 : i32 to index
      %swap3A_736 = arith.constant 0 : index
      %swap3A_737 = tpu.vector_load %arg8[%swap3A_735, %swap3A_736] {strides = array<i32>} : memref<3x128xi32, #tpu.memory_space<vmem>>, vector<1x16xi32>,
      %swap3A_738 = vector.shape_cast %swap3A_737 : vector<1x16xi32> to vector<16xi32>
      %swap3A_739 = vector.shape_cast %select_n3A_734 : vector<16xi32> to vector<1x16xi32>
      tpu.vector_store %arg8[%swap3A_735, %swap3A_736], %swap3A_739 {strides = array<i32>} : memref<3x128xi32, #tpu.memory_space<vmem>>, vector<1x16xi32>,
      %get3A_740 = arith.index_cast %rem3A_710 : i32 to index
      %get3A_741 = arith.constant 0 : index
      %get3A_742 = tpu.vector_load %arg7[%get3A_740, %get3A_741] {strides = array<i32>} : memref<3x128xi32, #tpu.memory_space<vmem>>, vector<1x16xi32>,
      %get3A_743 = vector.shape_cast %get3A_742 : vector<1x16xi32> to vector<16xi32>
      %jit3A_744 = arith.constant 0 : i32
      %broadcast_in_dim3A_745 = vector.broadcast %jit3A_744 : i32 to vector<16xi32>
      %select_n3A_746 = arith.select %and3A_731, %get3A_743, %broadcast_in_dim3A_745 : vector<16xi1>, vector<16xi32>
      %swap3A_747 = arith.index_cast %rem3A_710 : i32 to index
      %swap3A_748 = arith.constant 0 : index
      %swap3A_749 = tpu.vector_load %arg7[%swap3A_747, %swap3A_748] {strides = array<i32>} : memref<3x128xi32, #tpu.memory_space<vmem>>, vector<1x16xi32>,
      %swap3A_750 = vector.shape_cast %swap3A_749 : vector<1x16xi32> to vector<16xi32>
      %swap3A_751 = vector.shape_cast %select_n3A_746 : vector<16xi32> to vector<1x16xi32>
      tpu.vector_store %arg7[%swap3A_747, %swap3A_748], %swap3A_751 {strides = array<i32>} : memref<3x128xi32, #tpu.memory_space<vmem>>, vector<1x16xi32>,
      %get3A_752 = arith.index_cast %rem3A_710 : i32 to index
      %get3A_753 = arith.constant 16 : index
      %get3A_754 = tpu.vector_load %arg8[%get3A_752, %get3A_753] {strides = array<i32>} : memref<3x128xi32, #tpu.memory_space<vmem>>, vector<1x16xi32>,
      %get3A_755 = vector.shape_cast %get3A_754 : vector<1x16xi32> to vector<16xi32>
      %ge3A_756 = vector.broadcast %mul3A_0 : i32 to vector<16xi32>
      %ge3A_757 = arith.cmpi sge, %get3A_755, %ge3A_756 : vector<16xi32>
      %add3A_758 = arith.constant 25088 : i32
      %add3A_759 = arith.addi %mul3A_0, %add3A_758 : i32
      %lt3A_760 = vector.broadcast %add3A_759 : i32 to vector<16xi32>
      %lt3A_761 = arith.cmpi slt, %get3A_755, %lt3A_760 : vector<16xi32>
      %and3A_762 = arith.andi %ge3A_757, %lt3A_761 : vector<16xi1>
      %sub3A_763 = vector.broadcast %mul3A_0 : i32 to vector<16xi32>
      %sub3A_764 = arith.subi %get3A_755, %sub3A_763 : vector<16xi32>
      %select_n3A_765 = arith.select %and3A_762, %sub3A_764, %add3A_7 : vector<16xi1>, vector<16xi32>
      %swap3A_766 = arith.index_cast %rem3A_710 : i32 to index
      %swap3A_767 = arith.constant 16 : index
      %swap3A_768 = tpu.vector_load %arg8[%swap3A_766, %swap3A_767] {strides = array<i32>} : memref<3x128xi32, #tpu.memory_space<vmem>>, vector<1x16xi32>,
      %swap3A_769 = vector.shape_cast %swap3A_768 : vector<1x16xi32> to vector<16xi32>
      %swap3A_770 = vector.shape_cast %select_n3A_765 : vector<16xi32> to vector<1x16xi32>
      tpu.vector_store %arg8[%swap3A_766, %swap3A_767], %swap3A_770 {strides = array<i32>} : memref<3x128xi32, #tpu.memory_space<vmem>>, vector<1x16xi32>,
      %get3A_771 = arith.index_cast %rem3A_710 : i32 to index
      %get3A_772 = arith.constant 16 : index
      %get3A_773 = tpu.vector_load %arg7[%get3A_771, %get3A_772] {strides = array<i32>} : memref<3x128xi32, #tpu.memory_space<vmem>>, vector<1x16xi32>,
      %get3A_774 = vector.shape_cast %get3A_773 : vector<1x16xi32> to vector<16xi32>
      %jit3A_775 = arith.constant 0 : i32
      %broadcast_in_dim3A_776 = vector.broadcast %jit3A_775 : i32 to vector<16xi32>
      %select_n3A_777 = arith.select %and3A_762, %get3A_774, %broadcast_in_dim3A_776 : vector<16xi1>, vector<16xi32>
      %swap3A_778 = arith.index_cast %rem3A_710 : i32 to index
      %swap3A_779 = arith.constant 16 : index
      %swap3A_780 = tpu.vector_load %arg7[%swap3A_778, %swap3A_779] {strides = array<i32>} : memref<3x128xi32, #tpu.memory_space<vmem>>, vector<1x16xi32>,
      %swap3A_781 = vector.shape_cast %swap3A_780 : vector<1x16xi32> to vector<16xi32>
      %swap3A_782 = vector.shape_cast %select_n3A_777 : vector<16xi32> to vector<1x16xi32>
      tpu.vector_store %arg7[%swap3A_778, %swap3A_779], %swap3A_782 {strides = array<i32>} : memref<3x128xi32, #tpu.memory_space<vmem>>, vector<1x16xi32>,
      %get3A_783 = arith.index_cast %rem3A_710 : i32 to index
      %get3A_784 = arith.constant 32 : index
      %get3A_785 = tpu.vector_load %arg8[%get3A_783, %get3A_784] {strides = array<i32>} : memref<3x128xi32, #tpu.memory_space<vmem>>, vector<1x16xi32>,
      %get3A_786 = vector.shape_cast %get3A_785 : vector<1x16xi32> to vector<16xi32>
      %ge3A_787 = vector.broadcast %mul3A_0 : i32 to vector<16xi32>
      %ge3A_788 = arith.cmpi sge, %get3A_786, %ge3A_787 : vector<16xi32>
      %add3A_789 = arith.constant 25088 : i32
      %add3A_790 = arith.addi %mul3A_0, %add3A_789 : i32
      %lt3A_791 = vector.broadcast %add3A_790 : i32 to vector<16xi32>
      %lt3A_792 = arith.cmpi slt, %get3A_786, %lt3A_791 : vector<16xi32>
      %and3A_793 = arith.andi %ge3A_788, %lt3A_792 : vector<16xi1>
      %sub3A_794 = vector.broadcast %mul3A_0 : i32 to vector<16xi32>
      %sub3A_795 = arith.subi %get3A_786, %sub3A_794 : vector<16xi32>
      %select_n3A_796 = arith.select %and3A_793, %sub3A_795, %add3A_7 : vector<16xi1>, vector<16xi32>
      %swap3A_797 = arith.index_cast %rem3A_710 : i32 to index
      %swap3A_798 = arith.constant 32 : index
      %swap3A_799 = tpu.vector_load %arg8[%swap3A_797, %swap3A_798] {strides = array<i32>} : memref<3x128xi32, #tpu.memory_space<vmem>>, vector<1x16xi32>,
      %swap3A_800 = vector.shape_cast %swap3A_799 : vector<1x16xi32> to vector<16xi32>
      %swap3A_801 = vector.shape_cast %select_n3A_796 : vector<16xi32> to vector<1x16xi32>
      tpu.vector_store %arg8[%swap3A_797, %swap3A_798], %swap3A_801 {strides = array<i32>} : memref<3x128xi32, #tpu.memory_space<vmem>>, vector<1x16xi32>,
      %get3A_802 = arith.index_cast %rem3A_710 : i32 to index
      %get3A_803 = arith.constant 32 : index
      %get3A_804 = tpu.vector_load %arg7[%get3A_802, %get3A_803] {strides = array<i32>} : memref<3x128xi32, #tpu.memory_space<vmem>>, vector<1x16xi32>,
      %get3A_805 = vector.shape_cast %get3A_804 : vector<1x16xi32> to vector<16xi32>
      %jit3A_806 = arith.constant 0 : i32
      %broadcast_in_dim3A_807 = vector.broadcast %jit3A_806 : i32 to vector<16xi32>
      %select_n3A_808 = arith.select %and3A_793, %get3A_805, %broadcast_in_dim3A_807 : vector<16xi1>, vector<16xi32>
      %swap3A_809 = arith.index_cast %rem3A_710 : i32 to index
      %swap3A_810 = arith.constant 32 : index
      %swap3A_811 = tpu.vector_load %arg7[%swap3A_809, %swap3A_810] {strides = array<i32>} : memref<3x128xi32, #tpu.memory_space<vmem>>, vector<1x16xi32>,
      %swap3A_812 = vector.shape_cast %swap3A_811 : vector<1x16xi32> to vector<16xi32>
      %swap3A_813 = vector.shape_cast %select_n3A_808 : vector<16xi32> to vector<1x16xi32>
      tpu.vector_store %arg7[%swap3A_809, %swap3A_810], %swap3A_813 {strides = array<i32>} : memref<3x128xi32, #tpu.memory_space<vmem>>, vector<1x16xi32>,
      %get3A_814 = arith.index_cast %rem3A_710 : i32 to index
      %get3A_815 = arith.constant 48 : index
      %get3A_816 = tpu.vector_load %arg8[%get3A_814, %get3A_815] {strides = array<i32>} : memref<3x128xi32, #tpu.memory_space<vmem>>, vector<1x16xi32>,
      %get3A_817 = vector.shape_cast %get3A_816 : vector<1x16xi32> to vector<16xi32>
      %ge3A_818 = vector.broadcast %mul3A_0 : i32 to vector<16xi32>
      %ge3A_819 = arith.cmpi sge, %get3A_817, %ge3A_818 : vector<16xi32>
      %add3A_820 = arith.constant 25088 : i32
      %add3A_821 = arith.addi %mul3A_0, %add3A_820 : i32
      %lt3A_822 = vector.broadcast %add3A_821 : i32 to vector<16xi32>
      %lt3A_823 = arith.cmpi slt, %get3A_817, %lt3A_822 : vector<16xi32>
      %and3A_824 = arith.andi %ge3A_819, %lt3A_823 : vector<16xi1>
      %sub3A_825 = vector.broadcast %mul3A_0 : i32 to vector<16xi32>
      %sub3A_826 = arith.subi %get3A_817, %sub3A_825 : vector<16xi32>
      %select_n3A_827 = arith.select %and3A_824, %sub3A_826, %add3A_7 : vector<16xi1>, vector<16xi32>
      %swap3A_828 = arith.index_cast %rem3A_710 : i32 to index
      %swap3A_829 = arith.constant 48 : index
      %swap3A_830 = tpu.vector_load %arg8[%swap3A_828, %swap3A_829] {strides = array<i32>} : memref<3x128xi32, #tpu.memory_space<vmem>>, vector<1x16xi32>,
      %swap3A_831 = vector.shape_cast %swap3A_830 : vector<1x16xi32> to vector<16xi32>
      %swap3A_832 = vector.shape_cast %select_n3A_827 : vector<16xi32> to vector<1x16xi32>
      tpu.vector_store %arg8[%swap3A_828, %swap3A_829], %swap3A_832 {strides = array<i32>} : memref<3x128xi32, #tpu.memory_space<vmem>>, vector<1x16xi32>,
      %get3A_833 = arith.index_cast %rem3A_710 : i32 to index
      %get3A_834 = arith.constant 48 : index
      %get3A_835 = tpu.vector_load %arg7[%get3A_833, %get3A_834] {strides = array<i32>} : memref<3x128xi32, #tpu.memory_space<vmem>>, vector<1x16xi32>,
      %get3A_836 = vector.shape_cast %get3A_835 : vector<1x16xi32> to vector<16xi32>
      %jit3A_837 = arith.constant 0 : i32
      %broadcast_in_dim3A_838 = vector.broadcast %jit3A_837 : i32 to vector<16xi32>
      %select_n3A_839 = arith.select %and3A_824, %get3A_836, %broadcast_in_dim3A_838 : vector<16xi1>, vector<16xi32>
      %swap3A_840 = arith.index_cast %rem3A_710 : i32 to index
      %swap3A_841 = arith.constant 48 : index
      %swap3A_842 = tpu.vector_load %arg7[%swap3A_840, %swap3A_841] {strides = array<i32>} : memref<3x128xi32, #tpu.memory_space<vmem>>, vector<1x16xi32>,
      %swap3A_843 = vector.shape_cast %swap3A_842 : vector<1x16xi32> to vector<16xi32>
      %swap3A_844 = vector.shape_cast %select_n3A_839 : vector<16xi32> to vector<1x16xi32>
      tpu.vector_store %arg7[%swap3A_840, %swap3A_841], %swap3A_844 {strides = array<i32>} : memref<3x128xi32, #tpu.memory_space<vmem>>, vector<1x16xi32>,
      %get3A_845 = arith.index_cast %rem3A_710 : i32 to index
      %get3A_846 = arith.constant 64 : index
      %get3A_847 = tpu.vector_load %arg8[%get3A_845, %get3A_846] {strides = array<i32>} : memref<3x128xi32, #tpu.memory_space<vmem>>, vector<1x16xi32>,
      %get3A_848 = vector.shape_cast %get3A_847 : vector<1x16xi32> to vector<16xi32>
      %ge3A_849 = vector.broadcast %mul3A_0 : i32 to vector<16xi32>
      %ge3A_850 = arith.cmpi sge, %get3A_848, %ge3A_849 : vector<16xi32>
      %add3A_851 = arith.constant 25088 : i32
      %add3A_852 = arith.addi %mul3A_0, %add3A_851 : i32
      %lt3A_853 = vector.broadcast %add3A_852 : i32 to vector<16xi32>
      %lt3A_854 = arith.cmpi slt, %get3A_848, %lt3A_853 : vector<16xi32>
      %and3A_855 = arith.andi %ge3A_850, %lt3A_854 : vector<16xi1>
      %sub3A_856 = vector.broadcast %mul3A_0 : i32 to vector<16xi32>
      %sub3A_857 = arith.subi %get3A_848, %sub3A_856 : vector<16xi32>
      %select_n3A_858 = arith.select %and3A_855, %sub3A_857, %add3A_7 : vector<16xi1>, vector<16xi32>
      %swap3A_859 = arith.index_cast %rem3A_710 : i32 to index
      %swap3A_860 = arith.constant 64 : index
      %swap3A_861 = tpu.vector_load %arg8[%swap3A_859, %swap3A_860] {strides = array<i32>} : memref<3x128xi32, #tpu.memory_space<vmem>>, vector<1x16xi32>,
      %swap3A_862 = vector.shape_cast %swap3A_861 : vector<1x16xi32> to vector<16xi32>
      %swap3A_863 = vector.shape_cast %select_n3A_858 : vector<16xi32> to vector<1x16xi32>
      tpu.vector_store %arg8[%swap3A_859, %swap3A_860], %swap3A_863 {strides = array<i32>} : memref<3x128xi32, #tpu.memory_space<vmem>>, vector<1x16xi32>,
      %get3A_864 = arith.index_cast %rem3A_710 : i32 to index
      %get3A_865 = arith.constant 64 : index
      %get3A_866 = tpu.vector_load %arg7[%get3A_864, %get3A_865] {strides = array<i32>} : memref<3x128xi32, #tpu.memory_space<vmem>>, vector<1x16xi32>,
      %get3A_867 = vector.shape_cast %get3A_866 : vector<1x16xi32> to vector<16xi32>
      %jit3A_868 = arith.constant 0 : i32
      %broadcast_in_dim3A_869 = vector.broadcast %jit3A_868 : i32 to vector<16xi32>
      %select_n3A_870 = arith.select %and3A_855, %get3A_867, %broadcast_in_dim3A_869 : vector<16xi1>, vector<16xi32>
      %swap3A_871 = arith.index_cast %rem3A_710 : i32 to index
      %swap3A_872 = arith.constant 64 : index
      %swap3A_873 = tpu.vector_load %arg7[%swap3A_871, %swap3A_872] {strides = array<i32>} : memref<3x128xi32, #tpu.memory_space<vmem>>, vector<1x16xi32>,
      %swap3A_874 = vector.shape_cast %swap3A_873 : vector<1x16xi32> to vector<16xi32>
      %swap3A_875 = vector.shape_cast %select_n3A_870 : vector<16xi32> to vector<1x16xi32>
      tpu.vector_store %arg7[%swap3A_871, %swap3A_872], %swap3A_875 {strides = array<i32>} : memref<3x128xi32, #tpu.memory_space<vmem>>, vector<1x16xi32>,
      %get3A_876 = arith.index_cast %rem3A_710 : i32 to index
      %get3A_877 = arith.constant 80 : index
      %get3A_878 = tpu.vector_load %arg8[%get3A_876, %get3A_877] {strides = array<i32>} : memref<3x128xi32, #tpu.memory_space<vmem>>, vector<1x16xi32>,
      %get3A_879 = vector.shape_cast %get3A_878 : vector<1x16xi32> to vector<16xi32>
      %ge3A_880 = vector.broadcast %mul3A_0 : i32 to vector<16xi32>
      %ge3A_881 = arith.cmpi sge, %get3A_879, %ge3A_880 : vector<16xi32>
      %add3A_882 = arith.constant 25088 : i32
      %add3A_883 = arith.addi %mul3A_0, %add3A_882 : i32
      %lt3A_884 = vector.broadcast %add3A_883 : i32 to vector<16xi32>
      %lt3A_885 = arith.cmpi slt, %get3A_879, %lt3A_884 : vector<16xi32>
      %and3A_886 = arith.andi %ge3A_881, %lt3A_885 : vector<16xi1>
      %sub3A_887 = vector.broadcast %mul3A_0 : i32 to vector<16xi32>
      %sub3A_888 = arith.subi %get3A_879, %sub3A_887 : vector<16xi32>
      %select_n3A_889 = arith.select %and3A_886, %sub3A_888, %add3A_7 : vector<16xi1>, vector<16xi32>
      %swap3A_890 = arith.index_cast %rem3A_710 : i32 to index
      %swap3A_891 = arith.constant 80 : index
      %swap3A_892 = tpu.vector_load %arg8[%swap3A_890, %swap3A_891] {strides = array<i32>} : memref<3x128xi32, #tpu.memory_space<vmem>>, vector<1x16xi32>,
      %swap3A_893 = vector.shape_cast %swap3A_892 : vector<1x16xi32> to vector<16xi32>
      %swap3A_894 = vector.shape_cast %select_n3A_889 : vector<16xi32> to vector<1x16xi32>
      tpu.vector_store %arg8[%swap3A_890, %swap3A_891], %swap3A_894 {strides = array<i32>} : memref<3x128xi32, #tpu.memory_space<vmem>>, vector<1x16xi32>,
      %get3A_895 = arith.index_cast %rem3A_710 : i32 to index
      %get3A_896 = arith.constant 80 : index
      %get3A_897 = tpu.vector_load %arg7[%get3A_895, %get3A_896] {strides = array<i32>} : memref<3x128xi32, #tpu.memory_space<vmem>>, vector<1x16xi32>,
      %get3A_898 = vector.shape_cast %get3A_897 : vector<1x16xi32> to vector<16xi32>
      %jit3A_899 = arith.constant 0 : i32
      %broadcast_in_dim3A_900 = vector.broadcast %jit3A_899 : i32 to vector<16xi32>
      %select_n3A_901 = arith.select %and3A_886, %get3A_898, %broadcast_in_dim3A_900 : vector<16xi1>, vector<16xi32>
      %swap3A_902 = arith.index_cast %rem3A_710 : i32 to index
      %swap3A_903 = arith.constant 80 : index
      %swap3A_904 = tpu.vector_load %arg7[%swap3A_902, %swap3A_903] {strides = array<i32>} : memref<3x128xi32, #tpu.memory_space<vmem>>, vector<1x16xi32>,
      %swap3A_905 = vector.shape_cast %swap3A_904 : vector<1x16xi32> to vector<16xi32>
      %swap3A_906 = vector.shape_cast %select_n3A_901 : vector<16xi32> to vector<1x16xi32>
      tpu.vector_store %arg7[%swap3A_902, %swap3A_903], %swap3A_906 {strides = array<i32>} : memref<3x128xi32, #tpu.memory_space<vmem>>, vector<1x16xi32>,
      %get3A_907 = arith.index_cast %rem3A_710 : i32 to index
      %get3A_908 = arith.constant 96 : index
      %get3A_909 = tpu.vector_load %arg8[%get3A_907, %get3A_908] {strides = array<i32>} : memref<3x128xi32, #tpu.memory_space<vmem>>, vector<1x16xi32>,
      %get3A_910 = vector.shape_cast %get3A_909 : vector<1x16xi32> to vector<16xi32>
      %ge3A_911 = vector.broadcast %mul3A_0 : i32 to vector<16xi32>
      %ge3A_912 = arith.cmpi sge, %get3A_910, %ge3A_911 : vector<16xi32>
      %add3A_913 = arith.constant 25088 : i32
      %add3A_914 = arith.addi %mul3A_0, %add3A_913 : i32
      %lt3A_915 = vector.broadcast %add3A_914 : i32 to vector<16xi32>
      %lt3A_916 = arith.cmpi slt, %get3A_910, %lt3A_915 : vector<16xi32>
      %and3A_917 = arith.andi %ge3A_912, %lt3A_916 : vector<16xi1>
      %sub3A_918 = vector.broadcast %mul3A_0 : i32 to vector<16xi32>
      %sub3A_919 = arith.subi %get3A_910, %sub3A_918 : vector<16xi32>
      %select_n3A_920 = arith.select %and3A_917, %sub3A_919, %add3A_7 : vector<16xi1>, vector<16xi32>
      %swap3A_921 = arith.index_cast %rem3A_710 : i32 to index
      %swap3A_922 = arith.constant 96 : index
      %swap3A_923 = tpu.vector_load %arg8[%swap3A_921, %swap3A_922] {strides = array<i32>} : memref<3x128xi32, #tpu.memory_space<vmem>>, vector<1x16xi32>,
      %swap3A_924 = vector.shape_cast %swap3A_923 : vector<1x16xi32> to vector<16xi32>
      %swap3A_925 = vector.shape_cast %select_n3A_920 : vector<16xi32> to vector<1x16xi32>
      tpu.vector_store %arg8[%swap3A_921, %swap3A_922], %swap3A_925 {strides = array<i32>} : memref<3x128xi32, #tpu.memory_space<vmem>>, vector<1x16xi32>,
      %get3A_926 = arith.index_cast %rem3A_710 : i32 to index
      %get3A_927 = arith.constant 96 : index
      %get3A_928 = tpu.vector_load %arg7[%get3A_926, %get3A_927] {strides = array<i32>} : memref<3x128xi32, #tpu.memory_space<vmem>>, vector<1x16xi32>,
      %get3A_929 = vector.shape_cast %get3A_928 : vector<1x16xi32> to vector<16xi32>
      %jit3A_930 = arith.constant 0 : i32
      %broadcast_in_dim3A_931 = vector.broadcast %jit3A_930 : i32 to vector<16xi32>
      %select_n3A_932 = arith.select %and3A_917, %get3A_929, %broadcast_in_dim3A_931 : vector<16xi1>, vector<16xi32>
      %swap3A_933 = arith.index_cast %rem3A_710 : i32 to index
      %swap3A_934 = arith.constant 96 : index
      %swap3A_935 = tpu.vector_load %arg7[%swap3A_933, %swap3A_934] {strides = array<i32>} : memref<3x128xi32, #tpu.memory_space<vmem>>, vector<1x16xi32>,
      %swap3A_936 = vector.shape_cast %swap3A_935 : vector<1x16xi32> to vector<16xi32>
      %swap3A_937 = vector.shape_cast %select_n3A_932 : vector<16xi32> to vector<1x16xi32>
      tpu.vector_store %arg7[%swap3A_933, %swap3A_934], %swap3A_937 {strides = array<i32>} : memref<3x128xi32, #tpu.memory_space<vmem>>, vector<1x16xi32>,
      %get3A_938 = arith.index_cast %rem3A_710 : i32 to index
      %get3A_939 = arith.constant 112 : index
      %get3A_940 = tpu.vector_load %arg8[%get3A_938, %get3A_939] {strides = array<i32>} : memref<3x128xi32, #tpu.memory_space<vmem>>, vector<1x16xi32>,
      %get3A_941 = vector.shape_cast %get3A_940 : vector<1x16xi32> to vector<16xi32>
      %ge3A_942 = vector.broadcast %mul3A_0 : i32 to vector<16xi32>
      %ge3A_943 = arith.cmpi sge, %get3A_941, %ge3A_942 : vector<16xi32>
      %add3A_944 = arith.constant 25088 : i32
      %add3A_945 = arith.addi %mul3A_0, %add3A_944 : i32
      %lt3A_946 = vector.broadcast %add3A_945 : i32 to vector<16xi32>
      %lt3A_947 = arith.cmpi slt, %get3A_941, %lt3A_946 : vector<16xi32>
      %and3A_948 = arith.andi %ge3A_943, %lt3A_947 : vector<16xi1>
      %sub3A_949 = vector.broadcast %mul3A_0 : i32 to vector<16xi32>
      %sub3A_950 = arith.subi %get3A_941, %sub3A_949 : vector<16xi32>
      %select_n3A_951 = arith.select %and3A_948, %sub3A_950, %add3A_7 : vector<16xi1>, vector<16xi32>
      %swap3A_952 = arith.index_cast %rem3A_710 : i32 to index
      %swap3A_953 = arith.constant 112 : index
      %swap3A_954 = tpu.vector_load %arg8[%swap3A_952, %swap3A_953] {strides = array<i32>} : memref<3x128xi32, #tpu.memory_space<vmem>>, vector<1x16xi32>,
      %swap3A_955 = vector.shape_cast %swap3A_954 : vector<1x16xi32> to vector<16xi32>
      %swap3A_956 = vector.shape_cast %select_n3A_951 : vector<16xi32> to vector<1x16xi32>
      tpu.vector_store %arg8[%swap3A_952, %swap3A_953], %swap3A_956 {strides = array<i32>} : memref<3x128xi32, #tpu.memory_space<vmem>>, vector<1x16xi32>,
      %get3A_957 = arith.index_cast %rem3A_710 : i32 to index
      %get3A_958 = arith.constant 112 : index
      %get3A_959 = tpu.vector_load %arg7[%get3A_957, %get3A_958] {strides = array<i32>} : memref<3x128xi32, #tpu.memory_space<vmem>>, vector<1x16xi32>,
      %get3A_960 = vector.shape_cast %get3A_959 : vector<1x16xi32> to vector<16xi32>
      %jit3A_961 = arith.constant 0 : i32
      %broadcast_in_dim3A_962 = vector.broadcast %jit3A_961 : i32 to vector<16xi32>
      %select_n3A_963 = arith.select %and3A_948, %get3A_960, %broadcast_in_dim3A_962 : vector<16xi1>, vector<16xi32>
      %swap3A_964 = arith.index_cast %rem3A_710 : i32 to index
      %swap3A_965 = arith.constant 112 : index
      %swap3A_966 = tpu.vector_load %arg7[%swap3A_964, %swap3A_965] {strides = array<i32>} : memref<3x128xi32, #tpu.memory_space<vmem>>, vector<1x16xi32>,
      %swap3A_967 = vector.shape_cast %swap3A_966 : vector<1x16xi32> to vector<16xi32>
      %swap3A_968 = vector.shape_cast %select_n3A_963 : vector<16xi32> to vector<1x16xi32>
      tpu.vector_store %arg7[%swap3A_964, %swap3A_965], %swap3A_968 {strides = array<i32>} : memref<3x128xi32, #tpu.memory_space<vmem>>, vector<1x16xi32>,
      %dma_start3A_969 = arith.constant 0 : i32
      %dma_start3A_970 = arith.constant 0 : i32
      %dma_start3A_971 = tpu.memref_slice %arg9[%rem3A_710, %dma_start3A_969, %dma_start3A_970] : memref<3x128x64xf32, #tpu.memory_space<vmem>> -> memref<1x128x64xf32, #tpu.memory_space<vmem>>
      %dma_start3A_972 = tpu.memref_squeeze %dma_start3A_971 : memref<1x128x64xf32, #tpu.memory_space<vmem>> -> memref<128x64xf32, #tpu.memory_space<vmem>>
      %dma_start3A_973 = arith.constant 0 : i32
      %dma_start3A_974 = tpu.memref_slice %arg7[%rem3A_710, %dma_start3A_973] : memref<3x128xi32, #tpu.memory_space<vmem>> -> memref<1x128xi32, #tpu.memory_space<vmem>>
      %dma_start3A_975 = tpu.memref_squeeze %dma_start3A_974 : memref<1x128xi32, #tpu.memory_space<vmem>> -> memref<128xi32, #tpu.memory_space<vmem>>
      %dma_start3A_976 = arith.constant 0 : i32
      %dma_start3A_977 = arith.constant 0 : i32
      %dma_start3A_978 = tpu.memref_slice %arg2[%dma_start3A_976, %dma_start3A_977] : memref<50176x64xf32, #tpu.memory_space<hbm>> -> memref<50176x64xf32, #tpu.memory_space<hbm>>
      %dma_start3A_979 = tpu.memref_slice %arg11[%rem3A_710] : memref<3x!tpu.dma_semaphore, #tpu.memory_space<semaphore_mem>> -> memref<1x!tpu.dma_semaphore, #tpu.memory_space<semaphore_mem>>
      %dma_start3A_980 = tpu.memref_squeeze %dma_start3A_979 : memref<1x!tpu.dma_semaphore, #tpu.memory_space<semaphore_mem>> -> memref<!tpu.dma_semaphore, #tpu.memory_space<semaphore_mem>>
      tpu.enqueue_indirect_dma source(%dma_start3A_978 : memref<50176x64xf32, #tpu.memory_space<hbm>>) target(%dma_start3A_972 : memref<128x64xf32, #tpu.memory_space<vmem>>) offsets(%dma_start3A_975 : memref<128xi32, #tpu.memory_space<vmem>>) semaphore(%dma_start3A_980 : memref<!tpu.dma_semaphore, #tpu.memory_space<semaphore_mem>>)
      %dma_wait3A_981 = arith.constant 0 : i32
      %dma_wait3A_982 = arith.constant 0 : i32
      %dma_wait3A_983 = tpu.memref_slice %arg9[%rem3A_706, %dma_wait3A_981, %dma_wait3A_982] : memref<3x128x64xf32, #tpu.memory_space<vmem>> -> memref<1x128x64xf32, #tpu.memory_space<vmem>>
      %dma_wait3A_984 = tpu.memref_squeeze %dma_wait3A_983 : memref<1x128x64xf32, #tpu.memory_space<vmem>> -> memref<128x64xf32, #tpu.memory_space<vmem>>
      %dma_wait3A_985 = arith.constant 0 : i32
      %dma_wait3A_986 = tpu.memref_slice %arg7[%rem3A_706, %dma_wait3A_985] : memref<3x128xi32, #tpu.memory_space<vmem>> -> memref<1x128xi32, #tpu.memory_space<vmem>>
      %dma_wait3A_987 = tpu.memref_squeeze %dma_wait3A_986 : memref<1x128xi32, #tpu.memory_space<vmem>> -> memref<128xi32, #tpu.memory_space<vmem>>
      %dma_wait3A_988 = arith.constant 0 : i32
      %dma_wait3A_989 = arith.constant 0 : i32
      %dma_wait3A_990 = tpu.memref_slice %arg2[%dma_wait3A_988, %dma_wait3A_989] : memref<50176x64xf32, #tpu.memory_space<hbm>> -> memref<50176x64xf32, #tpu.memory_space<hbm>>
      %dma_wait3A_991 = tpu.memref_slice %arg11[%rem3A_706] : memref<3x!tpu.dma_semaphore, #tpu.memory_space<semaphore_mem>> -> memref<1x!tpu.dma_semaphore, #tpu.memory_space<semaphore_mem>>
      %dma_wait3A_992 = tpu.memref_squeeze %dma_wait3A_991 : memref<1x!tpu.dma_semaphore, #tpu.memory_space<semaphore_mem>> -> memref<!tpu.dma_semaphore, #tpu.memory_space<semaphore_mem>>
      tpu.wait_indirect_dma semaphore(%dma_wait3A_992 : memref<!tpu.dma_semaphore, #tpu.memory_space<semaphore_mem>>) src(%dma_wait3A_990 : memref<50176x64xf32, #tpu.memory_space<hbm>>) dst(%dma_wait3A_984 : memref<128x64xf32, #tpu.memory_space<vmem>>)
      %dma_start3A_993 = arith.constant 0 : i32
      %dma_start3A_994 = arith.constant 0 : i32
      %dma_start3A_995 = tpu.memref_slice %arg9[%rem3A_706, %dma_start3A_993, %dma_start3A_994] : memref<3x128x64xf32, #tpu.memory_space<vmem>> -> memref<1x128x64xf32, #tpu.memory_space<vmem>>
      %dma_start3A_996 = tpu.memref_squeeze %dma_start3A_995 : memref<1x128x64xf32, #tpu.memory_space<vmem>> -> memref<128x64xf32, #tpu.memory_space<vmem>>
      %dma_start3A_997 = arith.constant 0 : i32
      %dma_start3A_998 = tpu.memref_slice %arg8[%rem3A_706, %dma_start3A_997] : memref<3x128xi32, #tpu.memory_space<vmem>> -> memref<1x128xi32, #tpu.memory_space<vmem>>
      %dma_start3A_999 = tpu.memref_squeeze %dma_start3A_998 : memref<1x128xi32, #tpu.memory_space<vmem>> -> memref<128xi32, #tpu.memory_space<vmem>>
      %dma_start3A_1000 = arith.constant 0 : i32
      %dma_start3A_1001 = arith.constant 0 : i32
      %dma_start3A_1002 = tpu.memref_slice %arg10[%dma_start3A_1000, %dma_start3A_1001] : memref<25344x64xf32, #tpu.memory_space<vmem_shared>> -> memref<25344x64xf32, #tpu.memory_space<vmem_shared>>
      tpu.enqueue_indirect_dma source(%dma_start3A_996 : memref<128x64xf32, #tpu.memory_space<vmem>>) target(%dma_start3A_1002 : memref<25344x64xf32, #tpu.memory_space<vmem_shared>>) offsets(%dma_start3A_999 : memref<128xi32, #tpu.memory_space<vmem>>) semaphore(%arg12 : memref<!tpu.dma_semaphore, #tpu.memory_space<semaphore_mem>>) {add = true}
    }
    %scan3A_607 = arith.constant 390 : i32
    %dma_wait3A = arith.constant 0 : i32
    %dma_wait3A_608 = arith.constant 0 : i32
    %dma_wait3A_609 = arith.constant 0 : i32
    %dma_wait3A_610 = arith.constant 0 : i32
    %dma_wait3A_611 = tpu.memref_slice %arg9[%dma_wait3A, %dma_wait3A_609, %dma_wait3A_610] : memref<3x128x64xf32, #tpu.memory_space<vmem>> -> memref<1x128x64xf32, #tpu.memory_space<vmem>>
    %dma_wait3A_612 = tpu.memref_squeeze %dma_wait3A_611 : memref<1x128x64xf32, #tpu.memory_space<vmem>> -> memref<128x64xf32, #tpu.memory_space<vmem>>
    %dma_wait3A_613 = arith.constant 0 : i32
    %dma_wait3A_614 = tpu.memref_slice %arg8[%dma_wait3A_608, %dma_wait3A_613] : memref<3x128xi32, #tpu.memory_space<vmem>> -> memref<1x128xi32, #tpu.memory_space<vmem>>
    %dma_wait3A_615 = tpu.memref_squeeze %dma_wait3A_614 : memref<1x128xi32, #tpu.memory_space<vmem>> -> memref<128xi32, #tpu.memory_space<vmem>>
    %dma_wait3A_616 = arith.constant 0 : i32
    %dma_wait3A_617 = arith.constant 0 : i32
    %dma_wait3A_618 = tpu.memref_slice %arg10[%dma_wait3A_616, %dma_wait3A_617] : memref<25344x64xf32, #tpu.memory_space<vmem_shared>> -> memref<25344x64xf32, #tpu.memory_space<vmem_shared>>
    tpu.wait_indirect_dma semaphore(%arg12 : memref<!tpu.dma_semaphore, #tpu.memory_space<semaphore_mem>>) src(%dma_wait3A_612 : memref<128x64xf32, #tpu.memory_space<vmem>>) dst(%dma_wait3A_618 : memref<25344x64xf32, #tpu.memory_space<vmem_shared>>)
    %dma_wait3A_619 = arith.constant 0 : i32
    %dma_wait3A_620 = arith.constant 0 : i32
    %dma_wait3A_621 = arith.constant 0 : i32
    %dma_wait3A_622 = arith.constant 0 : i32
    %dma_wait3A_623 = arith.constant 0 : i32
    %dma_wait3A_624 = tpu.memref_slice %arg9[%dma_wait3A_620, %dma_wait3A_622, %dma_wait3A_623] : memref<3x128x64xf32, #tpu.memory_space<vmem>> -> memref<1x128x64xf32, #tpu.memory_space<vmem>>
    %dma_wait3A_625 = tpu.memref_squeeze %dma_wait3A_624 : memref<1x128x64xf32, #tpu.memory_space<vmem>> -> memref<128x64xf32, #tpu.memory_space<vmem>>
    %dma_wait3A_626 = arith.constant 0 : i32
    %dma_wait3A_627 = tpu.memref_slice %arg7[%dma_wait3A_619, %dma_wait3A_626] : memref<3x128xi32, #tpu.memory_space<vmem>> -> memref<1x128xi32, #tpu.memory_space<vmem>>
    %dma_wait3A_628 = tpu.memref_squeeze %dma_wait3A_627 : memref<1x128xi32, #tpu.memory_space<vmem>> -> memref<128xi32, #tpu.memory_space<vmem>>
    %dma_wait3A_629 = arith.constant 0 : i32
    %dma_wait3A_630 = arith.constant 0 : i32
    %dma_wait3A_631 = tpu.memref_slice %arg2[%dma_wait3A_629, %dma_wait3A_630] : memref<50176x64xf32, #tpu.memory_space<hbm>> -> memref<50176x64xf32, #tpu.memory_space<hbm>>
    %dma_wait3A_632 = tpu.memref_slice %arg11[%dma_wait3A_621] : memref<3x!tpu.dma_semaphore, #tpu.memory_space<semaphore_mem>> -> memref<1x!tpu.dma_semaphore, #tpu.memory_space<semaphore_mem>>
    %dma_wait3A_633 = tpu.memref_squeeze %dma_wait3A_632 : memref<1x!tpu.dma_semaphore, #tpu.memory_space<semaphore_mem>> -> memref<!tpu.dma_semaphore, #tpu.memory_space<semaphore_mem>>
    tpu.wait_indirect_dma semaphore(%dma_wait3A_633 : memref<!tpu.dma_semaphore, #tpu.memory_space<semaphore_mem>>) src(%dma_wait3A_631 : memref<50176x64xf32, #tpu.memory_space<hbm>>) dst(%dma_wait3A_625 : memref<128x64xf32, #tpu.memory_space<vmem>>)
    %dma_start3A_634 = arith.constant 0 : i32
    %dma_start3A_635 = arith.constant 0 : i32
    %dma_start3A_636 = arith.constant 0 : i32
    %dma_start3A_637 = arith.constant 0 : i32
    %dma_start3A_638 = tpu.memref_slice %arg9[%dma_start3A_634, %dma_start3A_636, %dma_start3A_637] : memref<3x128x64xf32, #tpu.memory_space<vmem>> -> memref<1x128x64xf32, #tpu.memory_space<vmem>>
    %dma_start3A_639 = tpu.memref_squeeze %dma_start3A_638 : memref<1x128x64xf32, #tpu.memory_space<vmem>> -> memref<128x64xf32, #tpu.memory_space<vmem>>
    %dma_start3A_640 = arith.constant 0 : i32
    %dma_start3A_641 = tpu.memref_slice %arg8[%dma_start3A_635, %dma_start3A_640] : memref<3x128xi32, #tpu.memory_space<vmem>> -> memref<1x128xi32, #tpu.memory_space<vmem>>
    %dma_start3A_642 = tpu.memref_squeeze %dma_start3A_641 : memref<1x128xi32, #tpu.memory_space<vmem>> -> memref<128xi32, #tpu.memory_space<vmem>>
    %dma_start3A_643 = arith.constant 0 : i32
    %dma_start3A_644 = arith.constant 0 : i32
    %dma_start3A_645 = tpu.memref_slice %arg10[%dma_start3A_643, %dma_start3A_644] : memref<25344x64xf32, #tpu.memory_space<vmem_shared>> -> memref<25344x64xf32, #tpu.memory_space<vmem_shared>>
    tpu.enqueue_indirect_dma source(%dma_start3A_639 : memref<128x64xf32, #tpu.memory_space<vmem>>) target(%dma_start3A_645 : memref<25344x64xf32, #tpu.memory_space<vmem_shared>>) offsets(%dma_start3A_642 : memref<128xi32, #tpu.memory_space<vmem>>) semaphore(%arg12 : memref<!tpu.dma_semaphore, #tpu.memory_space<semaphore_mem>>) {add = true}
    %dma_wait3A_646 = arith.constant 0 : i32
    %dma_wait3A_647 = arith.constant 0 : i32
    %dma_wait3A_648 = arith.constant 0 : i32
    %dma_wait3A_649 = arith.constant 0 : i32
    %dma_wait3A_650 = tpu.memref_slice %arg9[%dma_wait3A_646, %dma_wait3A_648, %dma_wait3A_649] : memref<3x128x64xf32, #tpu.memory_space<vmem>> -> memref<1x128x64xf32, #tpu.memory_space<vmem>>
    %dma_wait3A_651 = tpu.memref_squeeze %dma_wait3A_650 : memref<1x128x64xf32, #tpu.memory_space<vmem>> -> memref<128x64xf32, #tpu.memory_space<vmem>>
    %dma_wait3A_652 = arith.constant 0 : i32
    %dma_wait3A_653 = tpu.memref_slice %arg8[%dma_wait3A_647, %dma_wait3A_652] : memref<3x128xi32, #tpu.memory_space<vmem>> -> memref<1x128xi32, #tpu.memory_space<vmem>>
    %dma_wait3A_654 = tpu.memref_squeeze %dma_wait3A_653 : memref<1x128xi32, #tpu.memory_space<vmem>> -> memref<128xi32, #tpu.memory_space<vmem>>
    %dma_wait3A_655 = arith.constant 0 : i32
    %dma_wait3A_656 = arith.constant 0 : i32
    %dma_wait3A_657 = tpu.memref_slice %arg10[%dma_wait3A_655, %dma_wait3A_656] : memref<25344x64xf32, #tpu.memory_space<vmem_shared>> -> memref<25344x64xf32, #tpu.memory_space<vmem_shared>>
    tpu.wait_indirect_dma semaphore(%arg12 : memref<!tpu.dma_semaphore, #tpu.memory_space<semaphore_mem>>) src(%dma_wait3A_651 : memref<128x64xf32, #tpu.memory_space<vmem>>) dst(%dma_wait3A_657 : memref<25344x64xf32, #tpu.memory_space<vmem_shared>>)
    %dma_wait3A_658 = arith.constant 1 : i32
    %dma_wait3A_659 = arith.constant 1 : i32
    %dma_wait3A_660 = arith.constant 1 : i32
    %dma_wait3A_661 = arith.constant 0 : i32
    %dma_wait3A_662 = arith.constant 0 : i32
    %dma_wait3A_663 = tpu.memref_slice %arg9[%dma_wait3A_659, %dma_wait3A_661, %dma_wait3A_662] : memref<3x128x64xf32, #tpu.memory_space<vmem>> -> memref<1x128x64xf32, #tpu.memory_space<vmem>>
    %dma_wait3A_664 = tpu.memref_squeeze %dma_wait3A_663 : memref<1x128x64xf32, #tpu.memory_space<vmem>> -> memref<128x64xf32, #tpu.memory_space<vmem>>
    %dma_wait3A_665 = arith.constant 0 : i32
    %dma_wait3A_666 = tpu.memref_slice %arg7[%dma_wait3A_658, %dma_wait3A_665] : memref<3x128xi32, #tpu.memory_space<vmem>> -> memref<1x128xi32, #tpu.memory_space<vmem>>
    %dma_wait3A_667 = tpu.memref_squeeze %dma_wait3A_666 : memref<1x128xi32, #tpu.memory_space<vmem>> -> memref<128xi32, #tpu.memory_space<vmem>>
    %dma_wait3A_668 = arith.constant 0 : i32
    %dma_wait3A_669 = arith.constant 0 : i32
    %dma_wait3A_670 = tpu.memref_slice %arg2[%dma_wait3A_668, %dma_wait3A_669] : memref<50176x64xf32, #tpu.memory_space<hbm>> -> memref<50176x64xf32, #tpu.memory_space<hbm>>
    %dma_wait3A_671 = tpu.memref_slice %arg11[%dma_wait3A_660] : memref<3x!tpu.dma_semaphore, #tpu.memory_space<semaphore_mem>> -> memref<1x!tpu.dma_semaphore, #tpu.memory_space<semaphore_mem>>
    %dma_wait3A_672 = tpu.memref_squeeze %dma_wait3A_671 : memref<1x!tpu.dma_semaphore, #tpu.memory_space<semaphore_mem>> -> memref<!tpu.dma_semaphore, #tpu.memory_space<semaphore_mem>>
    tpu.wait_indirect_dma semaphore(%dma_wait3A_672 : memref<!tpu.dma_semaphore, #tpu.memory_space<semaphore_mem>>) src(%dma_wait3A_670 : memref<50176x64xf32, #tpu.memory_space<hbm>>) dst(%dma_wait3A_664 : memref<128x64xf32, #tpu.memory_space<vmem>>)
    %dma_start3A_673 = arith.constant 1 : i32
    %dma_start3A_674 = arith.constant 1 : i32
    %dma_start3A_675 = arith.constant 0 : i32
    %dma_start3A_676 = arith.constant 0 : i32
    %dma_start3A_677 = tpu.memref_slice %arg9[%dma_start3A_673, %dma_start3A_675, %dma_start3A_676] : memref<3x128x64xf32, #tpu.memory_space<vmem>> -> memref<1x128x64xf32, #tpu.memory_space<vmem>>
    %dma_start3A_678 = tpu.memref_squeeze %dma_start3A_677 : memref<1x128x64xf32, #tpu.memory_space<vmem>> -> memref<128x64xf32, #tpu.memory_space<vmem>>
    %dma_start3A_679 = arith.constant 0 : i32
    %dma_start3A_680 = tpu.memref_slice %arg8[%dma_start3A_674, %dma_start3A_679] : memref<3x128xi32, #tpu.memory_space<vmem>> -> memref<1x128xi32, #tpu.memory_space<vmem>>
    %dma_start3A_681 = tpu.memref_squeeze %dma_start3A_680 : memref<1x128xi32, #tpu.memory_space<vmem>> -> memref<128xi32, #tpu.memory_space<vmem>>
    %dma_start3A_682 = arith.constant 0 : i32
    %dma_start3A_683 = arith.constant 0 : i32
    %dma_start3A_684 = tpu.memref_slice %arg10[%dma_start3A_682, %dma_start3A_683] : memref<25344x64xf32, #tpu.memory_space<vmem_shared>> -> memref<25344x64xf32, #tpu.memory_space<vmem_shared>>
    tpu.enqueue_indirect_dma source(%dma_start3A_678 : memref<128x64xf32, #tpu.memory_space<vmem>>) target(%dma_start3A_684 : memref<25344x64xf32, #tpu.memory_space<vmem_shared>>) offsets(%dma_start3A_681 : memref<128xi32, #tpu.memory_space<vmem>>) semaphore(%arg12 : memref<!tpu.dma_semaphore, #tpu.memory_space<semaphore_mem>>) {add = true}
    %dma_wait3A_685 = arith.constant 0 : i32
    %dma_wait3A_686 = arith.constant 0 : i32
    %dma_wait3A_687 = arith.constant 0 : i32
    %dma_wait3A_688 = arith.constant 0 : i32
    %dma_wait3A_689 = tpu.memref_slice %arg9[%dma_wait3A_685, %dma_wait3A_687, %dma_wait3A_688] : memref<3x128x64xf32, #tpu.memory_space<vmem>> -> memref<1x128x64xf32, #tpu.memory_space<vmem>>
    %dma_wait3A_690 = tpu.memref_squeeze %dma_wait3A_689 : memref<1x128x64xf32, #tpu.memory_space<vmem>> -> memref<128x64xf32, #tpu.memory_space<vmem>>
    %dma_wait3A_691 = arith.constant 0 : i32
    %dma_wait3A_692 = tpu.memref_slice %arg8[%dma_wait3A_686, %dma_wait3A_691] : memref<3x128xi32, #tpu.memory_space<vmem>> -> memref<1x128xi32, #tpu.memory_space<vmem>>
    %dma_wait3A_693 = tpu.memref_squeeze %dma_wait3A_692 : memref<1x128xi32, #tpu.memory_space<vmem>> -> memref<128xi32, #tpu.memory_space<vmem>>
    %dma_wait3A_694 = arith.constant 0 : i32
    %dma_wait3A_695 = arith.constant 0 : i32
    %dma_wait3A_696 = tpu.memref_slice %arg10[%dma_wait3A_694, %dma_wait3A_695] : memref<25344x64xf32, #tpu.memory_space<vmem_shared>> -> memref<25344x64xf32, #tpu.memory_space<vmem_shared>>
    tpu.wait_indirect_dma semaphore(%arg12 : memref<!tpu.dma_semaphore, #tpu.memory_space<semaphore_mem>>) src(%dma_wait3A_690 : memref<128x64xf32, #tpu.memory_space<vmem>>) dst(%dma_wait3A_696 : memref<25344x64xf32, #tpu.memory_space<vmem_shared>>)
    %barrier3A_697 = arith.constant 0 : index
    tpu.barrier barrier_id(%barrier3A_697)
    %mul3A_698 = arith.constant 1568 : i32
    %mul3A_699 = arith.muli %arg1, %mul3A_698 : i32
    %mul3A_700 = arith.constant 25088 : i32
    %mul3A_701 = arith.muli %arg0, %mul3A_700 : i32
    %mul3A_702 = arith.constant 1568 : i32
    %mul3A_703 = arith.muli %arg1, %mul3A_702 : i32
    %add3A_704 = arith.addi %mul3A_701, %mul3A_703 : i32
    "tpu.region"() ({
      %run_scoped3A_705 = tpu.sem_alloc : memref<!tpu.dma_semaphore, #tpu.memory_space<semaphore_mem>>
      %dma_start3A_706 = arith.constant 0 : i32
      %dma_start3A_707 = tpu.memref_slice %arg6[%add3A_704, %dma_start3A_706] : memref<50176x64xf32, #tpu.memory_space<hbm>> -> memref<1568x64xf32, #tpu.memory_space<hbm>>
      %dma_start3A_708 = arith.constant 0 : i32
      %dma_start3A_709 = tpu.memref_slice %arg10[%mul3A_699, %dma_start3A_708] : memref<25344x64xf32, #tpu.memory_space<vmem_shared>> -> memref<1568x64xf32, #tpu.memory_space<vmem_shared>>
      tpu.enqueue_dma source(%dma_start3A_709 : memref<1568x64xf32, #tpu.memory_space<vmem_shared>>) target(%dma_start3A_707 : memref<1568x64xf32, #tpu.memory_space<hbm>>) target_semaphore(%run_scoped3A_705 : memref<!tpu.dma_semaphore, #tpu.memory_space<semaphore_mem>>)
      %dma_wait3A_710 = arith.constant 0 : i32
      %dma_wait3A_711 = tpu.memref_slice %arg6[%add3A_704, %dma_wait3A_710] : memref<50176x64xf32, #tpu.memory_space<hbm>> -> memref<1568x64xf32, #tpu.memory_space<hbm>>
      %dma_wait3A_712 = arith.constant 0 : i32
      %dma_wait3A_713 = tpu.memref_slice %arg10[%mul3A_699, %dma_wait3A_712] : memref<25344x64xf32, #tpu.memory_space<vmem_shared>> -> memref<1568x64xf32, #tpu.memory_space<vmem_shared>>
      tpu.wait_dma2 semaphore(%run_scoped3A_705 : memref<!tpu.dma_semaphore, #tpu.memory_space<semaphore_mem>>) src(%dma_wait3A_713 : memref<1568x64xf32, #tpu.memory_space<vmem_shared>>) dst(%dma_wait3A_711 : memref<1568x64xf32, #tpu.memory_space<hbm>>)
      tpu.yield
    }) : () -> ()
    return
  }
}

#map = affine_map<(d0, d1) -> (0, 0)>
#map1 = affine_map<(d0, d1) -> (0)>
module attributes {stable_mosaic.version = 14 : i64} {
  func.func @seg(%arg0: i32, %arg1: i32, %arg2: memref<50176x64xf32, #tpu.memory_space<hbm>>, %arg3: memref<802816xi32, #tpu.memory_space<hbm>>, %arg4: memref<802816xi32, #tpu.memory_space<hbm>>, %arg5: memref<1584x64xf32, #tpu.memory_space<hbm>>, %arg6: memref<50176x64xf32, #tpu.memory_space<hbm>>, %arg7: memref<3x128xi32, #tpu.memory_space<vmem>>, %arg8: memref<3x128xi32, #tpu.memory_space<vmem>>, %arg9: memref<3x128x64xf32, #tpu.memory_space<vmem>>, %arg10: memref<25344x64xf32, #tpu.memory_space<vmem_shared>>, %arg11: memref<3x!tpu.dma_semaphore, #tpu.memory_space<semaphore_mem>>, %arg12: memref<!tpu.dma_semaphore, #tpu.memory_space<semaphore_mem>>) attributes {dimension_semantics = [#tpu.dimension_semantics<core_parallel>, #tpu.dimension_semantics<subcore_parallel>], iteration_bounds = array<i64: 2, 16>, scalar_prefetch = 0 : i64, scratch_operands = 6 : i64, tpu.core_type = #tpu.core_type<sc_vector_subcore>, window_params = [{transform_indices = #map}, {transform_indices = #map1}, {transform_indices = #map1}, {transform_indices = #map}, {transform_indices = #map}]} {
    %mul3A = arith.constant 25088 : i32
    %mul3A_0 = arith.muli %arg0, %mul3A : i32
    %mul3A_1 = arith.constant 1584 : i32
    %mul3A_2 = arith.muli %arg1, %mul3A_1 : i32
    "tpu.region"() ({
      %run_scoped3A_705 = tpu.sem_alloc : memref<!tpu.dma_semaphore, #tpu.memory_space<semaphore_mem>>
      %dma_start3A_706 = arith.constant 0 : i32
      %dma_start3A_707 = tpu.memref_slice %arg10[%mul3A_2, %dma_start3A_706] : memref<25344x64xf32, #tpu.memory_space<vmem_shared>> -> memref<1584x64xf32, #tpu.memory_space<vmem_shared>>
      tpu.enqueue_dma source(%arg5 : memref<1584x64xf32, #tpu.memory_space<hbm>>) target(%dma_start3A_707 : memref<1584x64xf32, #tpu.memory_space<vmem_shared>>) target_semaphore(%run_scoped3A_705 : memref<!tpu.dma_semaphore, #tpu.memory_space<semaphore_mem>>)
      %dma_wait3A_708 = arith.constant 0 : i32
      %dma_wait3A_709 = tpu.memref_slice %arg10[%mul3A_2, %dma_wait3A_708] : memref<25344x64xf32, #tpu.memory_space<vmem_shared>> -> memref<1584x64xf32, #tpu.memory_space<vmem_shared>>
      tpu.wait_dma2 semaphore(%run_scoped3A_705 : memref<!tpu.dma_semaphore, #tpu.memory_space<semaphore_mem>>) src(%arg5 : memref<1584x64xf32, #tpu.memory_space<hbm>>) dst(%dma_wait3A_709 : memref<1584x64xf32, #tpu.memory_space<vmem_shared>>)
      tpu.yield
    }) : () -> ()
    %barrier3A = arith.constant 0 : index
    tpu.barrier barrier_id(%barrier3A)
    %mul3A_3 = arith.constant 16 : i32
    %mul3A_4 = arith.muli %arg1, %mul3A_3 : i32
    %add3A = arith.constant 25088 : i32
    %add3A_5 = arith.addi %add3A, %mul3A_4 : i32
    %iota3A = tpu.iota {dimensions = array<i32: 0>} : vector<16xi32>
    %add3A_6 = vector.broadcast %add3A_5 : i32 to vector<16xi32>
    %add3A_7 = arith.addi %add3A_6, %iota3A : vector<16xi32>
    %mul3A_8 = arith.constant 392 : i32
    %mul3A_9 = arith.muli %arg1, %mul3A_8 : i32
    %add3A_10 = arith.constant 0 : i32
    %add3A_11 = arith.addi %mul3A_9, %add3A_10 : i32
    %mul3A_12 = arith.constant 128 : i32
    %mul3A_13 = arith.muli %add3A_11, %mul3A_12 : i32
    %run_scoped3A = arith.constant 0 : i32
    "tpu.region"() ({
      %run_scoped3A_705 = tpu.sem_alloc : memref<!tpu.dma_semaphore, #tpu.memory_space<semaphore_mem>>
      %dma_start3A_706 = arith.constant 0 : i32
      %dma_start3A_707 = tpu.memref_slice %arg7[%run_scoped3A, %dma_start3A_706] : memref<3x128xi32, #tpu.memory_space<vmem>> -> memref<1x128xi32, #tpu.memory_space<vmem>>
      %dma_start3A_708 = tpu.memref_squeeze %dma_start3A_707 : memref<1x128xi32, #tpu.memory_space<vmem>> -> memref<128xi32, #tpu.memory_space<vmem>>
      %dma_start3A_709 = tpu.memref_slice %arg3[%mul3A_13] : memref<802816xi32, #tpu.memory_space<hbm>> -> memref<128xi32, #tpu.memory_space<hbm>>
      %dma_start3A_710 = arith.constant 0 : i32
      %dma_start3A_711 = tpu.memref_slice %arg7[%run_scoped3A, %dma_start3A_710] : memref<3x128xi32, #tpu.memory_space<vmem>> -> memref<1x128xi32, #tpu.memory_space<vmem>>
      %dma_start3A_712 = tpu.memref_squeeze %dma_start3A_711 : memref<1x128xi32, #tpu.memory_space<vmem>> -> memref<128xi32, #tpu.memory_space<vmem>>
      %dma_start3A_713 = tpu.memref_slice %arg3[%mul3A_13] : memref<802816xi32, #tpu.memory_space<hbm>> -> memref<128xi32, #tpu.memory_space<hbm>>
      tpu.enqueue_dma source(%dma_start3A_713 : memref<128xi32, #tpu.memory_space<hbm>>) target(%dma_start3A_712 : memref<128xi32, #tpu.memory_space<vmem>>) target_semaphore(%run_scoped3A_705 : memref<!tpu.dma_semaphore, #tpu.memory_space<semaphore_mem>>)
      %dma_wait3A_714 = arith.constant 0 : i32
      %dma_wait3A_715 = tpu.memref_slice %arg7[%run_scoped3A, %dma_wait3A_714] : memref<3x128xi32, #tpu.memory_space<vmem>> -> memref<1x128xi32, #tpu.memory_space<vmem>>
      %dma_wait3A_716 = tpu.memref_squeeze %dma_wait3A_715 : memref<1x128xi32, #tpu.memory_space<vmem>> -> memref<128xi32, #tpu.memory_space<vmem>>
      %dma_wait3A_717 = tpu.memref_slice %arg3[%mul3A_13] : memref<802816xi32, #tpu.memory_space<hbm>> -> memref<128xi32, #tpu.memory_space<hbm>>
      %dma_wait3A_718 = arith.constant 0 : i32
      %dma_wait3A_719 = tpu.memref_slice %arg7[%run_scoped3A, %dma_wait3A_718] : memref<3x128xi32, #tpu.memory_space<vmem>> -> memref<1x128xi32, #tpu.memory_space<vmem>>
      %dma_wait3A_720 = tpu.memref_squeeze %dma_wait3A_719 : memref<1x128xi32, #tpu.memory_space<vmem>> -> memref<128xi32, #tpu.memory_space<vmem>>
      %dma_wait3A_721 = tpu.memref_slice %arg3[%mul3A_13] : memref<802816xi32, #tpu.memory_space<hbm>> -> memref<128xi32, #tpu.memory_space<hbm>>
      tpu.wait_dma2 semaphore(%run_scoped3A_705 : memref<!tpu.dma_semaphore, #tpu.memory_space<semaphore_mem>>) src(%dma_wait3A_721 : memref<128xi32, #tpu.memory_space<hbm>>) dst(%dma_wait3A_720 : memref<128xi32, #tpu.memory_space<vmem>>)
      tpu.yield
    }) : () -> ()
    %run_scoped3A_14 = arith.constant 0 : i32
    "tpu.region"() ({
      %run_scoped3A_705 = tpu.sem_alloc : memref<!tpu.dma_semaphore, #tpu.memory_space<semaphore_mem>>
      %dma_start3A_706 = arith.constant 0 : i32
      %dma_start3A_707 = tpu.memref_slice %arg8[%run_scoped3A_14, %dma_start3A_706] : memref<3x128xi32, #tpu.memory_space<vmem>> -> memref<1x128xi32, #tpu.memory_space<vmem>>
      %dma_start3A_708 = tpu.memref_squeeze %dma_start3A_707 : memref<1x128xi32, #tpu.memory_space<vmem>> -> memref<128xi32, #tpu.memory_space<vmem>>
      %dma_start3A_709 = tpu.memref_slice %arg4[%mul3A_13] : memref<802816xi32, #tpu.memory_space<hbm>> -> memref<128xi32, #tpu.memory_space<hbm>>
      %dma_start3A_710 = arith.constant 0 : i32
      %dma_start3A_711 = tpu.memref_slice %arg8[%run_scoped3A_14, %dma_start3A_710] : memref<3x128xi32, #tpu.memory_space<vmem>> -> memref<1x128xi32, #tpu.memory_space<vmem>>
      %dma_start3A_712 = tpu.memref_squeeze %dma_start3A_711 : memref<1x128xi32, #tpu.memory_space<vmem>> -> memref<128xi32, #tpu.memory_space<vmem>>
      %dma_start3A_713 = tpu.memref_slice %arg4[%mul3A_13] : memref<802816xi32, #tpu.memory_space<hbm>> -> memref<128xi32, #tpu.memory_space<hbm>>
      tpu.enqueue_dma source(%dma_start3A_713 : memref<128xi32, #tpu.memory_space<hbm>>) target(%dma_start3A_712 : memref<128xi32, #tpu.memory_space<vmem>>) target_semaphore(%run_scoped3A_705 : memref<!tpu.dma_semaphore, #tpu.memory_space<semaphore_mem>>)
      %dma_wait3A_714 = arith.constant 0 : i32
      %dma_wait3A_715 = tpu.memref_slice %arg8[%run_scoped3A_14, %dma_wait3A_714] : memref<3x128xi32, #tpu.memory_space<vmem>> -> memref<1x128xi32, #tpu.memory_space<vmem>>
      %dma_wait3A_716 = tpu.memref_squeeze %dma_wait3A_715 : memref<1x128xi32, #tpu.memory_space<vmem>> -> memref<128xi32, #tpu.memory_space<vmem>>
      %dma_wait3A_717 = tpu.memref_slice %arg4[%mul3A_13] : memref<802816xi32, #tpu.memory_space<hbm>> -> memref<128xi32, #tpu.memory_space<hbm>>
      %dma_wait3A_718 = arith.constant 0 : i32
      %dma_wait3A_719 = tpu.memref_slice %arg8[%run_scoped3A_14, %dma_wait3A_718] : memref<3x128xi32, #tpu.memory_space<vmem>> -> memref<1x128xi32, #tpu.memory_space<vmem>>
      %dma_wait3A_720 = tpu.memref_squeeze %dma_wait3A_719 : memref<1x128xi32, #tpu.memory_space<vmem>> -> memref<128xi32, #tpu.memory_space<vmem>>
      %dma_wait3A_721 = tpu.memref_slice %arg4[%mul3A_13] : memref<802816xi32, #tpu.memory_space<hbm>> -> memref<128xi32, #tpu.memory_space<hbm>>
      tpu.wait_dma2 semaphore(%run_scoped3A_705 : memref<!tpu.dma_semaphore, #tpu.memory_space<semaphore_mem>>) src(%dma_wait3A_721 : memref<128xi32, #tpu.memory_space<hbm>>) dst(%dma_wait3A_720 : memref<128xi32, #tpu.memory_space<vmem>>)
      tpu.yield
    }) : () -> ()
    %get3A = arith.constant 0 : i32
    %get3A_15 = arith.index_cast %get3A : i32 to index
    %get3A_16 = arith.constant 0 : index
    %get3A_17 = tpu.vector_load %arg8[%get3A_15, %get3A_16] {strides = array<i32>} : memref<3x128xi32, #tpu.memory_space<vmem>>, vector<1x16xi32>,
    %get3A_18 = vector.shape_cast %get3A_17 : vector<1x16xi32> to vector<16xi32>
    %ge3A = vector.broadcast %mul3A_0 : i32 to vector<16xi32>
    %ge3A_19 = arith.cmpi sge, %get3A_18, %ge3A : vector<16xi32>
    %add3A_20 = arith.constant 25088 : i32
    %add3A_21 = arith.addi %mul3A_0, %add3A_20 : i32
    %lt3A = vector.broadcast %add3A_21 : i32 to vector<16xi32>
    %lt3A_22 = arith.cmpi slt, %get3A_18, %lt3A : vector<16xi32>
    %and3A = arith.andi %ge3A_19, %lt3A_22 : vector<16xi1>
    %sub3A = vector.broadcast %mul3A_0 : i32 to vector<16xi32>
    %sub3A_23 = arith.subi %get3A_18, %sub3A : vector<16xi32>
    %select_n3A = arith.select %and3A, %sub3A_23, %add3A_7 : vector<16xi1>, vector<16xi32>
    %swap3A = arith.constant 0 : i32
    %swap3A_24 = arith.index_cast %swap3A : i32 to index
    %swap3A_25 = arith.constant 0 : index
    %swap3A_26 = tpu.vector_load %arg8[%swap3A_24, %swap3A_25] {strides = array<i32>} : memref<3x128xi32, #tpu.memory_space<vmem>>, vector<1x16xi32>,
    %swap3A_27 = vector.shape_cast %swap3A_26 : vector<1x16xi32> to vector<16xi32>
    %swap3A_28 = vector.shape_cast %select_n3A : vector<16xi32> to vector<1x16xi32>
    tpu.vector_store %arg8[%swap3A_24, %swap3A_25], %swap3A_28 {strides = array<i32>} : memref<3x128xi32, #tpu.memory_space<vmem>>, vector<1x16xi32>,
    %get3A_29 = arith.constant 0 : i32
    %get3A_30 = arith.index_cast %get3A_29 : i32 to index
    %get3A_31 = arith.constant 0 : index
    %get3A_32 = tpu.vector_load %arg7[%get3A_30, %get3A_31] {strides = array<i32>} : memref<3x128xi32, #tpu.memory_space<vmem>>, vector<1x16xi32>,
    %get3A_33 = vector.shape_cast %get3A_32 : vector<1x16xi32> to vector<16xi32>
    %jit3A = arith.constant 0 : i32
    %broadcast_in_dim3A = vector.broadcast %jit3A : i32 to vector<16xi32>
    %select_n3A_34 = arith.select %and3A, %get3A_33, %broadcast_in_dim3A : vector<16xi1>, vector<16xi32>
    %swap3A_35 = arith.constant 0 : i32
    %swap3A_36 = arith.index_cast %swap3A_35 : i32 to index
    %swap3A_37 = arith.constant 0 : index
    %swap3A_38 = tpu.vector_load %arg7[%swap3A_36, %swap3A_37] {strides = array<i32>} : memref<3x128xi32, #tpu.memory_space<vmem>>, vector<1x16xi32>,
    %swap3A_39 = vector.shape_cast %swap3A_38 : vector<1x16xi32> to vector<16xi32>
    %swap3A_40 = vector.shape_cast %select_n3A_34 : vector<16xi32> to vector<1x16xi32>
    tpu.vector_store %arg7[%swap3A_36, %swap3A_37], %swap3A_40 {strides = array<i32>} : memref<3x128xi32, #tpu.memory_space<vmem>>, vector<1x16xi32>,
    %get3A_41 = arith.constant 0 : i32
    %get3A_42 = arith.index_cast %get3A_41 : i32 to index
    %get3A_43 = arith.constant 16 : index
    %get3A_44 = tpu.vector_load %arg8[%get3A_42, %get3A_43] {strides = array<i32>} : memref<3x128xi32, #tpu.memory_space<vmem>>, vector<1x16xi32>,
    %get3A_45 = vector.shape_cast %get3A_44 : vector<1x16xi32> to vector<16xi32>
    %ge3A_46 = vector.broadcast %mul3A_0 : i32 to vector<16xi32>
    %ge3A_47 = arith.cmpi sge, %get3A_45, %ge3A_46 : vector<16xi32>
    %add3A_48 = arith.constant 25088 : i32
    %add3A_49 = arith.addi %mul3A_0, %add3A_48 : i32
    %lt3A_50 = vector.broadcast %add3A_49 : i32 to vector<16xi32>
    %lt3A_51 = arith.cmpi slt, %get3A_45, %lt3A_50 : vector<16xi32>
    %and3A_52 = arith.andi %ge3A_47, %lt3A_51 : vector<16xi1>
    %sub3A_53 = vector.broadcast %mul3A_0 : i32 to vector<16xi32>
    %sub3A_54 = arith.subi %get3A_45, %sub3A_53 : vector<16xi32>
    %select_n3A_55 = arith.select %and3A_52, %sub3A_54, %add3A_7 : vector<16xi1>, vector<16xi32>
    %swap3A_56 = arith.constant 0 : i32
    %swap3A_57 = arith.index_cast %swap3A_56 : i32 to index
    %swap3A_58 = arith.constant 16 : index
    %swap3A_59 = tpu.vector_load %arg8[%swap3A_57, %swap3A_58] {strides = array<i32>} : memref<3x128xi32, #tpu.memory_space<vmem>>, vector<1x16xi32>,
    %swap3A_60 = vector.shape_cast %swap3A_59 : vector<1x16xi32> to vector<16xi32>
    %swap3A_61 = vector.shape_cast %select_n3A_55 : vector<16xi32> to vector<1x16xi32>
    tpu.vector_store %arg8[%swap3A_57, %swap3A_58], %swap3A_61 {strides = array<i32>} : memref<3x128xi32, #tpu.memory_space<vmem>>, vector<1x16xi32>,
    %get3A_62 = arith.constant 0 : i32
    %get3A_63 = arith.index_cast %get3A_62 : i32 to index
    %get3A_64 = arith.constant 16 : index
    %get3A_65 = tpu.vector_load %arg7[%get3A_63, %get3A_64] {strides = array<i32>} : memref<3x128xi32, #tpu.memory_space<vmem>>, vector<1x16xi32>,
    %get3A_66 = vector.shape_cast %get3A_65 : vector<1x16xi32> to vector<16xi32>
    %jit3A_67 = arith.constant 0 : i32
    %broadcast_in_dim3A_68 = vector.broadcast %jit3A_67 : i32 to vector<16xi32>
    %select_n3A_69 = arith.select %and3A_52, %get3A_66, %broadcast_in_dim3A_68 : vector<16xi1>, vector<16xi32>
    %swap3A_70 = arith.constant 0 : i32
    %swap3A_71 = arith.index_cast %swap3A_70 : i32 to index
    %swap3A_72 = arith.constant 16 : index
    %swap3A_73 = tpu.vector_load %arg7[%swap3A_71, %swap3A_72] {strides = array<i32>} : memref<3x128xi32, #tpu.memory_space<vmem>>, vector<1x16xi32>,
    %swap3A_74 = vector.shape_cast %swap3A_73 : vector<1x16xi32> to vector<16xi32>
    %swap3A_75 = vector.shape_cast %select_n3A_69 : vector<16xi32> to vector<1x16xi32>
    tpu.vector_store %arg7[%swap3A_71, %swap3A_72], %swap3A_75 {strides = array<i32>} : memref<3x128xi32, #tpu.memory_space<vmem>>, vector<1x16xi32>,
    %get3A_76 = arith.constant 0 : i32
    %get3A_77 = arith.index_cast %get3A_76 : i32 to index
    %get3A_78 = arith.constant 32 : index
    %get3A_79 = tpu.vector_load %arg8[%get3A_77, %get3A_78] {strides = array<i32>} : memref<3x128xi32, #tpu.memory_space<vmem>>, vector<1x16xi32>,
    %get3A_80 = vector.shape_cast %get3A_79 : vector<1x16xi32> to vector<16xi32>
    %ge3A_81 = vector.broadcast %mul3A_0 : i32 to vector<16xi32>
    %ge3A_82 = arith.cmpi sge, %get3A_80, %ge3A_81 : vector<16xi32>
    %add3A_83 = arith.constant 25088 : i32
    %add3A_84 = arith.addi %mul3A_0, %add3A_83 : i32
    %lt3A_85 = vector.broadcast %add3A_84 : i32 to vector<16xi32>
    %lt3A_86 = arith.cmpi slt, %get3A_80, %lt3A_85 : vector<16xi32>
    %and3A_87 = arith.andi %ge3A_82, %lt3A_86 : vector<16xi1>
    %sub3A_88 = vector.broadcast %mul3A_0 : i32 to vector<16xi32>
    %sub3A_89 = arith.subi %get3A_80, %sub3A_88 : vector<16xi32>
    %select_n3A_90 = arith.select %and3A_87, %sub3A_89, %add3A_7 : vector<16xi1>, vector<16xi32>
    %swap3A_91 = arith.constant 0 : i32
    %swap3A_92 = arith.index_cast %swap3A_91 : i32 to index
    %swap3A_93 = arith.constant 32 : index
    %swap3A_94 = tpu.vector_load %arg8[%swap3A_92, %swap3A_93] {strides = array<i32>} : memref<3x128xi32, #tpu.memory_space<vmem>>, vector<1x16xi32>,
    %swap3A_95 = vector.shape_cast %swap3A_94 : vector<1x16xi32> to vector<16xi32>
    %swap3A_96 = vector.shape_cast %select_n3A_90 : vector<16xi32> to vector<1x16xi32>
    tpu.vector_store %arg8[%swap3A_92, %swap3A_93], %swap3A_96 {strides = array<i32>} : memref<3x128xi32, #tpu.memory_space<vmem>>, vector<1x16xi32>,
    %get3A_97 = arith.constant 0 : i32
    %get3A_98 = arith.index_cast %get3A_97 : i32 to index
    %get3A_99 = arith.constant 32 : index
    %get3A_100 = tpu.vector_load %arg7[%get3A_98, %get3A_99] {strides = array<i32>} : memref<3x128xi32, #tpu.memory_space<vmem>>, vector<1x16xi32>,
    %get3A_101 = vector.shape_cast %get3A_100 : vector<1x16xi32> to vector<16xi32>
    %jit3A_102 = arith.constant 0 : i32
    %broadcast_in_dim3A_103 = vector.broadcast %jit3A_102 : i32 to vector<16xi32>
    %select_n3A_104 = arith.select %and3A_87, %get3A_101, %broadcast_in_dim3A_103 : vector<16xi1>, vector<16xi32>
    %swap3A_105 = arith.constant 0 : i32
    %swap3A_106 = arith.index_cast %swap3A_105 : i32 to index
    %swap3A_107 = arith.constant 32 : index
    %swap3A_108 = tpu.vector_load %arg7[%swap3A_106, %swap3A_107] {strides = array<i32>} : memref<3x128xi32, #tpu.memory_space<vmem>>, vector<1x16xi32>,
    %swap3A_109 = vector.shape_cast %swap3A_108 : vector<1x16xi32> to vector<16xi32>
    %swap3A_110 = vector.shape_cast %select_n3A_104 : vector<16xi32> to vector<1x16xi32>
    tpu.vector_store %arg7[%swap3A_106, %swap3A_107], %swap3A_110 {strides = array<i32>} : memref<3x128xi32, #tpu.memory_space<vmem>>, vector<1x16xi32>,
    %get3A_111 = arith.constant 0 : i32
    %get3A_112 = arith.index_cast %get3A_111 : i32 to index
    %get3A_113 = arith.constant 48 : index
    %get3A_114 = tpu.vector_load %arg8[%get3A_112, %get3A_113] {strides = array<i32>} : memref<3x128xi32, #tpu.memory_space<vmem>>, vector<1x16xi32>,
    %get3A_115 = vector.shape_cast %get3A_114 : vector<1x16xi32> to vector<16xi32>
    %ge3A_116 = vector.broadcast %mul3A_0 : i32 to vector<16xi32>
    %ge3A_117 = arith.cmpi sge, %get3A_115, %ge3A_116 : vector<16xi32>
    %add3A_118 = arith.constant 25088 : i32
    %add3A_119 = arith.addi %mul3A_0, %add3A_118 : i32
    %lt3A_120 = vector.broadcast %add3A_119 : i32 to vector<16xi32>
    %lt3A_121 = arith.cmpi slt, %get3A_115, %lt3A_120 : vector<16xi32>
    %and3A_122 = arith.andi %ge3A_117, %lt3A_121 : vector<16xi1>
    %sub3A_123 = vector.broadcast %mul3A_0 : i32 to vector<16xi32>
    %sub3A_124 = arith.subi %get3A_115, %sub3A_123 : vector<16xi32>
    %select_n3A_125 = arith.select %and3A_122, %sub3A_124, %add3A_7 : vector<16xi1>, vector<16xi32>
    %swap3A_126 = arith.constant 0 : i32
    %swap3A_127 = arith.index_cast %swap3A_126 : i32 to index
    %swap3A_128 = arith.constant 48 : index
    %swap3A_129 = tpu.vector_load %arg8[%swap3A_127, %swap3A_128] {strides = array<i32>} : memref<3x128xi32, #tpu.memory_space<vmem>>, vector<1x16xi32>,
    %swap3A_130 = vector.shape_cast %swap3A_129 : vector<1x16xi32> to vector<16xi32>
    %swap3A_131 = vector.shape_cast %select_n3A_125 : vector<16xi32> to vector<1x16xi32>
    tpu.vector_store %arg8[%swap3A_127, %swap3A_128], %swap3A_131 {strides = array<i32>} : memref<3x128xi32, #tpu.memory_space<vmem>>, vector<1x16xi32>,
    %get3A_132 = arith.constant 0 : i32
    %get3A_133 = arith.index_cast %get3A_132 : i32 to index
    %get3A_134 = arith.constant 48 : index
    %get3A_135 = tpu.vector_load %arg7[%get3A_133, %get3A_134] {strides = array<i32>} : memref<3x128xi32, #tpu.memory_space<vmem>>, vector<1x16xi32>,
    %get3A_136 = vector.shape_cast %get3A_135 : vector<1x16xi32> to vector<16xi32>
    %jit3A_137 = arith.constant 0 : i32
    %broadcast_in_dim3A_138 = vector.broadcast %jit3A_137 : i32 to vector<16xi32>
    %select_n3A_139 = arith.select %and3A_122, %get3A_136, %broadcast_in_dim3A_138 : vector<16xi1>, vector<16xi32>
    %swap3A_140 = arith.constant 0 : i32
    %swap3A_141 = arith.index_cast %swap3A_140 : i32 to index
    %swap3A_142 = arith.constant 48 : index
    %swap3A_143 = tpu.vector_load %arg7[%swap3A_141, %swap3A_142] {strides = array<i32>} : memref<3x128xi32, #tpu.memory_space<vmem>>, vector<1x16xi32>,
    %swap3A_144 = vector.shape_cast %swap3A_143 : vector<1x16xi32> to vector<16xi32>
    %swap3A_145 = vector.shape_cast %select_n3A_139 : vector<16xi32> to vector<1x16xi32>
    tpu.vector_store %arg7[%swap3A_141, %swap3A_142], %swap3A_145 {strides = array<i32>} : memref<3x128xi32, #tpu.memory_space<vmem>>, vector<1x16xi32>,
    %get3A_146 = arith.constant 0 : i32
    %get3A_147 = arith.index_cast %get3A_146 : i32 to index
    %get3A_148 = arith.constant 64 : index
    %get3A_149 = tpu.vector_load %arg8[%get3A_147, %get3A_148] {strides = array<i32>} : memref<3x128xi32, #tpu.memory_space<vmem>>, vector<1x16xi32>,
    %get3A_150 = vector.shape_cast %get3A_149 : vector<1x16xi32> to vector<16xi32>
    %ge3A_151 = vector.broadcast %mul3A_0 : i32 to vector<16xi32>
    %ge3A_152 = arith.cmpi sge, %get3A_150, %ge3A_151 : vector<16xi32>
    %add3A_153 = arith.constant 25088 : i32
    %add3A_154 = arith.addi %mul3A_0, %add3A_153 : i32
    %lt3A_155 = vector.broadcast %add3A_154 : i32 to vector<16xi32>
    %lt3A_156 = arith.cmpi slt, %get3A_150, %lt3A_155 : vector<16xi32>
    %and3A_157 = arith.andi %ge3A_152, %lt3A_156 : vector<16xi1>
    %sub3A_158 = vector.broadcast %mul3A_0 : i32 to vector<16xi32>
    %sub3A_159 = arith.subi %get3A_150, %sub3A_158 : vector<16xi32>
    %select_n3A_160 = arith.select %and3A_157, %sub3A_159, %add3A_7 : vector<16xi1>, vector<16xi32>
    %swap3A_161 = arith.constant 0 : i32
    %swap3A_162 = arith.index_cast %swap3A_161 : i32 to index
    %swap3A_163 = arith.constant 64 : index
    %swap3A_164 = tpu.vector_load %arg8[%swap3A_162, %swap3A_163] {strides = array<i32>} : memref<3x128xi32, #tpu.memory_space<vmem>>, vector<1x16xi32>,
    %swap3A_165 = vector.shape_cast %swap3A_164 : vector<1x16xi32> to vector<16xi32>
    %swap3A_166 = vector.shape_cast %select_n3A_160 : vector<16xi32> to vector<1x16xi32>
    tpu.vector_store %arg8[%swap3A_162, %swap3A_163], %swap3A_166 {strides = array<i32>} : memref<3x128xi32, #tpu.memory_space<vmem>>, vector<1x16xi32>,
    %get3A_167 = arith.constant 0 : i32
    %get3A_168 = arith.index_cast %get3A_167 : i32 to index
    %get3A_169 = arith.constant 64 : index
    %get3A_170 = tpu.vector_load %arg7[%get3A_168, %get3A_169] {strides = array<i32>} : memref<3x128xi32, #tpu.memory_space<vmem>>, vector<1x16xi32>,
    %get3A_171 = vector.shape_cast %get3A_170 : vector<1x16xi32> to vector<16xi32>
    %jit3A_172 = arith.constant 0 : i32
    %broadcast_in_dim3A_173 = vector.broadcast %jit3A_172 : i32 to vector<16xi32>
    %select_n3A_174 = arith.select %and3A_157, %get3A_171, %broadcast_in_dim3A_173 : vector<16xi1>, vector<16xi32>
    %swap3A_175 = arith.constant 0 : i32
    %swap3A_176 = arith.index_cast %swap3A_175 : i32 to index
    %swap3A_177 = arith.constant 64 : index
    %swap3A_178 = tpu.vector_load %arg7[%swap3A_176, %swap3A_177] {strides = array<i32>} : memref<3x128xi32, #tpu.memory_space<vmem>>, vector<1x16xi32>,
    %swap3A_179 = vector.shape_cast %swap3A_178 : vector<1x16xi32> to vector<16xi32>
    %swap3A_180 = vector.shape_cast %select_n3A_174 : vector<16xi32> to vector<1x16xi32>
    tpu.vector_store %arg7[%swap3A_176, %swap3A_177], %swap3A_180 {strides = array<i32>} : memref<3x128xi32, #tpu.memory_space<vmem>>, vector<1x16xi32>,
    %get3A_181 = arith.constant 0 : i32
    %get3A_182 = arith.index_cast %get3A_181 : i32 to index
    %get3A_183 = arith.constant 80 : index
    %get3A_184 = tpu.vector_load %arg8[%get3A_182, %get3A_183] {strides = array<i32>} : memref<3x128xi32, #tpu.memory_space<vmem>>, vector<1x16xi32>,
    %get3A_185 = vector.shape_cast %get3A_184 : vector<1x16xi32> to vector<16xi32>
    %ge3A_186 = vector.broadcast %mul3A_0 : i32 to vector<16xi32>
    %ge3A_187 = arith.cmpi sge, %get3A_185, %ge3A_186 : vector<16xi32>
    %add3A_188 = arith.constant 25088 : i32
    %add3A_189 = arith.addi %mul3A_0, %add3A_188 : i32
    %lt3A_190 = vector.broadcast %add3A_189 : i32 to vector<16xi32>
    %lt3A_191 = arith.cmpi slt, %get3A_185, %lt3A_190 : vector<16xi32>
    %and3A_192 = arith.andi %ge3A_187, %lt3A_191 : vector<16xi1>
    %sub3A_193 = vector.broadcast %mul3A_0 : i32 to vector<16xi32>
    %sub3A_194 = arith.subi %get3A_185, %sub3A_193 : vector<16xi32>
    %select_n3A_195 = arith.select %and3A_192, %sub3A_194, %add3A_7 : vector<16xi1>, vector<16xi32>
    %swap3A_196 = arith.constant 0 : i32
    %swap3A_197 = arith.index_cast %swap3A_196 : i32 to index
    %swap3A_198 = arith.constant 80 : index
    %swap3A_199 = tpu.vector_load %arg8[%swap3A_197, %swap3A_198] {strides = array<i32>} : memref<3x128xi32, #tpu.memory_space<vmem>>, vector<1x16xi32>,
    %swap3A_200 = vector.shape_cast %swap3A_199 : vector<1x16xi32> to vector<16xi32>
    %swap3A_201 = vector.shape_cast %select_n3A_195 : vector<16xi32> to vector<1x16xi32>
    tpu.vector_store %arg8[%swap3A_197, %swap3A_198], %swap3A_201 {strides = array<i32>} : memref<3x128xi32, #tpu.memory_space<vmem>>, vector<1x16xi32>,
    %get3A_202 = arith.constant 0 : i32
    %get3A_203 = arith.index_cast %get3A_202 : i32 to index
    %get3A_204 = arith.constant 80 : index
    %get3A_205 = tpu.vector_load %arg7[%get3A_203, %get3A_204] {strides = array<i32>} : memref<3x128xi32, #tpu.memory_space<vmem>>, vector<1x16xi32>,
    %get3A_206 = vector.shape_cast %get3A_205 : vector<1x16xi32> to vector<16xi32>
    %jit3A_207 = arith.constant 0 : i32
    %broadcast_in_dim3A_208 = vector.broadcast %jit3A_207 : i32 to vector<16xi32>
    %select_n3A_209 = arith.select %and3A_192, %get3A_206, %broadcast_in_dim3A_208 : vector<16xi1>, vector<16xi32>
    %swap3A_210 = arith.constant 0 : i32
    %swap3A_211 = arith.index_cast %swap3A_210 : i32 to index
    %swap3A_212 = arith.constant 80 : index
    %swap3A_213 = tpu.vector_load %arg7[%swap3A_211, %swap3A_212] {strides = array<i32>} : memref<3x128xi32, #tpu.memory_space<vmem>>, vector<1x16xi32>,
    %swap3A_214 = vector.shape_cast %swap3A_213 : vector<1x16xi32> to vector<16xi32>
    %swap3A_215 = vector.shape_cast %select_n3A_209 : vector<16xi32> to vector<1x16xi32>
    tpu.vector_store %arg7[%swap3A_211, %swap3A_212], %swap3A_215 {strides = array<i32>} : memref<3x128xi32, #tpu.memory_space<vmem>>, vector<1x16xi32>,
    %get3A_216 = arith.constant 0 : i32
    %get3A_217 = arith.index_cast %get3A_216 : i32 to index
    %get3A_218 = arith.constant 96 : index
    %get3A_219 = tpu.vector_load %arg8[%get3A_217, %get3A_218] {strides = array<i32>} : memref<3x128xi32, #tpu.memory_space<vmem>>, vector<1x16xi32>,
    %get3A_220 = vector.shape_cast %get3A_219 : vector<1x16xi32> to vector<16xi32>
    %ge3A_221 = vector.broadcast %mul3A_0 : i32 to vector<16xi32>
    %ge3A_222 = arith.cmpi sge, %get3A_220, %ge3A_221 : vector<16xi32>
    %add3A_223 = arith.constant 25088 : i32
    %add3A_224 = arith.addi %mul3A_0, %add3A_223 : i32
    %lt3A_225 = vector.broadcast %add3A_224 : i32 to vector<16xi32>
    %lt3A_226 = arith.cmpi slt, %get3A_220, %lt3A_225 : vector<16xi32>
    %and3A_227 = arith.andi %ge3A_222, %lt3A_226 : vector<16xi1>
    %sub3A_228 = vector.broadcast %mul3A_0 : i32 to vector<16xi32>
    %sub3A_229 = arith.subi %get3A_220, %sub3A_228 : vector<16xi32>
    %select_n3A_230 = arith.select %and3A_227, %sub3A_229, %add3A_7 : vector<16xi1>, vector<16xi32>
    %swap3A_231 = arith.constant 0 : i32
    %swap3A_232 = arith.index_cast %swap3A_231 : i32 to index
    %swap3A_233 = arith.constant 96 : index
    %swap3A_234 = tpu.vector_load %arg8[%swap3A_232, %swap3A_233] {strides = array<i32>} : memref<3x128xi32, #tpu.memory_space<vmem>>, vector<1x16xi32>,
    %swap3A_235 = vector.shape_cast %swap3A_234 : vector<1x16xi32> to vector<16xi32>
    %swap3A_236 = vector.shape_cast %select_n3A_230 : vector<16xi32> to vector<1x16xi32>
    tpu.vector_store %arg8[%swap3A_232, %swap3A_233], %swap3A_236 {strides = array<i32>} : memref<3x128xi32, #tpu.memory_space<vmem>>, vector<1x16xi32>,
    %get3A_237 = arith.constant 0 : i32
    %get3A_238 = arith.index_cast %get3A_237 : i32 to index
    %get3A_239 = arith.constant 96 : index
    %get3A_240 = tpu.vector_load %arg7[%get3A_238, %get3A_239] {strides = array<i32>} : memref<3x128xi32, #tpu.memory_space<vmem>>, vector<1x16xi32>,
    %get3A_241 = vector.shape_cast %get3A_240 : vector<1x16xi32> to vector<16xi32>
    %jit3A_242 = arith.constant 0 : i32
    %broadcast_in_dim3A_243 = vector.broadcast %jit3A_242 : i32 to vector<16xi32>
    %select_n3A_244 = arith.select %and3A_227, %get3A_241, %broadcast_in_dim3A_243 : vector<16xi1>, vector<16xi32>
    %swap3A_245 = arith.constant 0 : i32
    %swap3A_246 = arith.index_cast %swap3A_245 : i32 to index
    %swap3A_247 = arith.constant 96 : index
    %swap3A_248 = tpu.vector_load %arg7[%swap3A_246, %swap3A_247] {strides = array<i32>} : memref<3x128xi32, #tpu.memory_space<vmem>>, vector<1x16xi32>,
    %swap3A_249 = vector.shape_cast %swap3A_248 : vector<1x16xi32> to vector<16xi32>
    %swap3A_250 = vector.shape_cast %select_n3A_244 : vector<16xi32> to vector<1x16xi32>
    tpu.vector_store %arg7[%swap3A_246, %swap3A_247], %swap3A_250 {strides = array<i32>} : memref<3x128xi32, #tpu.memory_space<vmem>>, vector<1x16xi32>,
    %get3A_251 = arith.constant 0 : i32
    %get3A_252 = arith.index_cast %get3A_251 : i32 to index
    %get3A_253 = arith.constant 112 : index
    %get3A_254 = tpu.vector_load %arg8[%get3A_252, %get3A_253] {strides = array<i32>} : memref<3x128xi32, #tpu.memory_space<vmem>>, vector<1x16xi32>,
    %get3A_255 = vector.shape_cast %get3A_254 : vector<1x16xi32> to vector<16xi32>
    %ge3A_256 = vector.broadcast %mul3A_0 : i32 to vector<16xi32>
    %ge3A_257 = arith.cmpi sge, %get3A_255, %ge3A_256 : vector<16xi32>
    %add3A_258 = arith.constant 25088 : i32
    %add3A_259 = arith.addi %mul3A_0, %add3A_258 : i32
    %lt3A_260 = vector.broadcast %add3A_259 : i32 to vector<16xi32>
    %lt3A_261 = arith.cmpi slt, %get3A_255, %lt3A_260 : vector<16xi32>
    %and3A_262 = arith.andi %ge3A_257, %lt3A_261 : vector<16xi1>
    %sub3A_263 = vector.broadcast %mul3A_0 : i32 to vector<16xi32>
    %sub3A_264 = arith.subi %get3A_255, %sub3A_263 : vector<16xi32>
    %select_n3A_265 = arith.select %and3A_262, %sub3A_264, %add3A_7 : vector<16xi1>, vector<16xi32>
    %swap3A_266 = arith.constant 0 : i32
    %swap3A_267 = arith.index_cast %swap3A_266 : i32 to index
    %swap3A_268 = arith.constant 112 : index
    %swap3A_269 = tpu.vector_load %arg8[%swap3A_267, %swap3A_268] {strides = array<i32>} : memref<3x128xi32, #tpu.memory_space<vmem>>, vector<1x16xi32>,
    %swap3A_270 = vector.shape_cast %swap3A_269 : vector<1x16xi32> to vector<16xi32>
    %swap3A_271 = vector.shape_cast %select_n3A_265 : vector<16xi32> to vector<1x16xi32>
    tpu.vector_store %arg8[%swap3A_267, %swap3A_268], %swap3A_271 {strides = array<i32>} : memref<3x128xi32, #tpu.memory_space<vmem>>, vector<1x16xi32>,
    %get3A_272 = arith.constant 0 : i32
    %get3A_273 = arith.index_cast %get3A_272 : i32 to index
    %get3A_274 = arith.constant 112 : index
    %get3A_275 = tpu.vector_load %arg7[%get3A_273, %get3A_274] {strides = array<i32>} : memref<3x128xi32, #tpu.memory_space<vmem>>, vector<1x16xi32>,
    %get3A_276 = vector.shape_cast %get3A_275 : vector<1x16xi32> to vector<16xi32>
    %jit3A_277 = arith.constant 0 : i32
    %broadcast_in_dim3A_278 = vector.broadcast %jit3A_277 : i32 to vector<16xi32>
    %select_n3A_279 = arith.select %and3A_262, %get3A_276, %broadcast_in_dim3A_278 : vector<16xi1>, vector<16xi32>
    %swap3A_280 = arith.constant 0 : i32
    %swap3A_281 = arith.index_cast %swap3A_280 : i32 to index
    %swap3A_282 = arith.constant 112 : index
    %swap3A_283 = tpu.vector_load %arg7[%swap3A_281, %swap3A_282] {strides = array<i32>} : memref<3x128xi32, #tpu.memory_space<vmem>>, vector<1x16xi32>,
    %swap3A_284 = vector.shape_cast %swap3A_283 : vector<1x16xi32> to vector<16xi32>
    %swap3A_285 = vector.shape_cast %select_n3A_279 : vector<16xi32> to vector<1x16xi32>
    tpu.vector_store %arg7[%swap3A_281, %swap3A_282], %swap3A_285 {strides = array<i32>} : memref<3x128xi32, #tpu.memory_space<vmem>>, vector<1x16xi32>,
    %dma_start3A = arith.constant 0 : i32
    %dma_start3A_286 = arith.constant 0 : i32
    %dma_start3A_287 = arith.constant 0 : i32
    %dma_start3A_288 = arith.constant 0 : i32
    %dma_start3A_289 = arith.constant 0 : i32
    %dma_start3A_290 = tpu.memref_slice %arg9[%dma_start3A_286, %dma_start3A_288, %dma_start3A_289] : memref<3x128x64xf32, #tpu.memory_space<vmem>> -> memref<1x128x64xf32, #tpu.memory_space<vmem>>
    %dma_start3A_291 = tpu.memref_squeeze %dma_start3A_290 : memref<1x128x64xf32, #tpu.memory_space<vmem>> -> memref<128x64xf32, #tpu.memory_space<vmem>>
    %dma_start3A_292 = arith.constant 0 : i32
    %dma_start3A_293 = tpu.memref_slice %arg7[%dma_start3A, %dma_start3A_292] : memref<3x128xi32, #tpu.memory_space<vmem>> -> memref<1x128xi32, #tpu.memory_space<vmem>>
    %dma_start3A_294 = tpu.memref_squeeze %dma_start3A_293 : memref<1x128xi32, #tpu.memory_space<vmem>> -> memref<128xi32, #tpu.memory_space<vmem>>
    %dma_start3A_295 = arith.constant 0 : i32
    %dma_start3A_296 = arith.constant 0 : i32
    %dma_start3A_297 = tpu.memref_slice %arg2[%dma_start3A_295, %dma_start3A_296] : memref<50176x64xf32, #tpu.memory_space<hbm>> -> memref<50176x64xf32, #tpu.memory_space<hbm>>
    %dma_start3A_298 = tpu.memref_slice %arg11[%dma_start3A_287] : memref<3x!tpu.dma_semaphore, #tpu.memory_space<semaphore_mem>> -> memref<1x!tpu.dma_semaphore, #tpu.memory_space<semaphore_mem>>
    %dma_start3A_299 = tpu.memref_squeeze %dma_start3A_298 : memref<1x!tpu.dma_semaphore, #tpu.memory_space<semaphore_mem>> -> memref<!tpu.dma_semaphore, #tpu.memory_space<semaphore_mem>>
    tpu.enqueue_indirect_dma source(%dma_start3A_297 : memref<50176x64xf32, #tpu.memory_space<hbm>>) target(%dma_start3A_291 : memref<128x64xf32, #tpu.memory_space<vmem>>) offsets(%dma_start3A_294 : memref<128xi32, #tpu.memory_space<vmem>>) semaphore(%dma_start3A_299 : memref<!tpu.dma_semaphore, #tpu.memory_space<semaphore_mem>>)
    %mul3A_300 = arith.constant 392 : i32
    %mul3A_301 = arith.muli %arg1, %mul3A_300 : i32
    %add3A_302 = arith.constant 1 : i32
    %add3A_303 = arith.addi %mul3A_301, %add3A_302 : i32
    %mul3A_304 = arith.constant 128 : i32
    %mul3A_305 = arith.muli %add3A_303, %mul3A_304 : i32
    %run_scoped3A_306 = arith.constant 1 : i32
    "tpu.region"() ({
      %run_scoped3A_705 = tpu.sem_alloc : memref<!tpu.dma_semaphore, #tpu.memory_space<semaphore_mem>>
      %dma_start3A_706 = arith.constant 0 : i32
      %dma_start3A_707 = tpu.memref_slice %arg7[%run_scoped3A_306, %dma_start3A_706] : memref<3x128xi32, #tpu.memory_space<vmem>> -> memref<1x128xi32, #tpu.memory_space<vmem>>
      %dma_start3A_708 = tpu.memref_squeeze %dma_start3A_707 : memref<1x128xi32, #tpu.memory_space<vmem>> -> memref<128xi32, #tpu.memory_space<vmem>>
      %dma_start3A_709 = tpu.memref_slice %arg3[%mul3A_305] : memref<802816xi32, #tpu.memory_space<hbm>> -> memref<128xi32, #tpu.memory_space<hbm>>
      %dma_start3A_710 = arith.constant 0 : i32
      %dma_start3A_711 = tpu.memref_slice %arg7[%run_scoped3A_306, %dma_start3A_710] : memref<3x128xi32, #tpu.memory_space<vmem>> -> memref<1x128xi32, #tpu.memory_space<vmem>>
      %dma_start3A_712 = tpu.memref_squeeze %dma_start3A_711 : memref<1x128xi32, #tpu.memory_space<vmem>> -> memref<128xi32, #tpu.memory_space<vmem>>
      %dma_start3A_713 = tpu.memref_slice %arg3[%mul3A_305] : memref<802816xi32, #tpu.memory_space<hbm>> -> memref<128xi32, #tpu.memory_space<hbm>>
      tpu.enqueue_dma source(%dma_start3A_713 : memref<128xi32, #tpu.memory_space<hbm>>) target(%dma_start3A_712 : memref<128xi32, #tpu.memory_space<vmem>>) target_semaphore(%run_scoped3A_705 : memref<!tpu.dma_semaphore, #tpu.memory_space<semaphore_mem>>)
      %dma_wait3A_714 = arith.constant 0 : i32
      %dma_wait3A_715 = tpu.memref_slice %arg7[%run_scoped3A_306, %dma_wait3A_714] : memref<3x128xi32, #tpu.memory_space<vmem>> -> memref<1x128xi32, #tpu.memory_space<vmem>>
      %dma_wait3A_716 = tpu.memref_squeeze %dma_wait3A_715 : memref<1x128xi32, #tpu.memory_space<vmem>> -> memref<128xi32, #tpu.memory_space<vmem>>
      %dma_wait3A_717 = tpu.memref_slice %arg3[%mul3A_305] : memref<802816xi32, #tpu.memory_space<hbm>> -> memref<128xi32, #tpu.memory_space<hbm>>
      %dma_wait3A_718 = arith.constant 0 : i32
      %dma_wait3A_719 = tpu.memref_slice %arg7[%run_scoped3A_306, %dma_wait3A_718] : memref<3x128xi32, #tpu.memory_space<vmem>> -> memref<1x128xi32, #tpu.memory_space<vmem>>
      %dma_wait3A_720 = tpu.memref_squeeze %dma_wait3A_719 : memref<1x128xi32, #tpu.memory_space<vmem>> -> memref<128xi32, #tpu.memory_space<vmem>>
      %dma_wait3A_721 = tpu.memref_slice %arg3[%mul3A_305] : memref<802816xi32, #tpu.memory_space<hbm>> -> memref<128xi32, #tpu.memory_space<hbm>>
      tpu.wait_dma2 semaphore(%run_scoped3A_705 : memref<!tpu.dma_semaphore, #tpu.memory_space<semaphore_mem>>) src(%dma_wait3A_721 : memref<128xi32, #tpu.memory_space<hbm>>) dst(%dma_wait3A_720 : memref<128xi32, #tpu.memory_space<vmem>>)
      tpu.yield
    }) : () -> ()
    %run_scoped3A_307 = arith.constant 1 : i32
    "tpu.region"() ({
      %run_scoped3A_705 = tpu.sem_alloc : memref<!tpu.dma_semaphore, #tpu.memory_space<semaphore_mem>>
      %dma_start3A_706 = arith.constant 0 : i32
      %dma_start3A_707 = tpu.memref_slice %arg8[%run_scoped3A_307, %dma_start3A_706] : memref<3x128xi32, #tpu.memory_space<vmem>> -> memref<1x128xi32, #tpu.memory_space<vmem>>
      %dma_start3A_708 = tpu.memref_squeeze %dma_start3A_707 : memref<1x128xi32, #tpu.memory_space<vmem>> -> memref<128xi32, #tpu.memory_space<vmem>>
      %dma_start3A_709 = tpu.memref_slice %arg4[%mul3A_305] : memref<802816xi32, #tpu.memory_space<hbm>> -> memref<128xi32, #tpu.memory_space<hbm>>
      %dma_start3A_710 = arith.constant 0 : i32
      %dma_start3A_711 = tpu.memref_slice %arg8[%run_scoped3A_307, %dma_start3A_710] : memref<3x128xi32, #tpu.memory_space<vmem>> -> memref<1x128xi32, #tpu.memory_space<vmem>>
      %dma_start3A_712 = tpu.memref_squeeze %dma_start3A_711 : memref<1x128xi32, #tpu.memory_space<vmem>> -> memref<128xi32, #tpu.memory_space<vmem>>
      %dma_start3A_713 = tpu.memref_slice %arg4[%mul3A_305] : memref<802816xi32, #tpu.memory_space<hbm>> -> memref<128xi32, #tpu.memory_space<hbm>>
      tpu.enqueue_dma source(%dma_start3A_713 : memref<128xi32, #tpu.memory_space<hbm>>) target(%dma_start3A_712 : memref<128xi32, #tpu.memory_space<vmem>>) target_semaphore(%run_scoped3A_705 : memref<!tpu.dma_semaphore, #tpu.memory_space<semaphore_mem>>)
      %dma_wait3A_714 = arith.constant 0 : i32
      %dma_wait3A_715 = tpu.memref_slice %arg8[%run_scoped3A_307, %dma_wait3A_714] : memref<3x128xi32, #tpu.memory_space<vmem>> -> memref<1x128xi32, #tpu.memory_space<vmem>>
      %dma_wait3A_716 = tpu.memref_squeeze %dma_wait3A_715 : memref<1x128xi32, #tpu.memory_space<vmem>> -> memref<128xi32, #tpu.memory_space<vmem>>
      %dma_wait3A_717 = tpu.memref_slice %arg4[%mul3A_305] : memref<802816xi32, #tpu.memory_space<hbm>> -> memref<128xi32, #tpu.memory_space<hbm>>
      %dma_wait3A_718 = arith.constant 0 : i32
      %dma_wait3A_719 = tpu.memref_slice %arg8[%run_scoped3A_307, %dma_wait3A_718] : memref<3x128xi32, #tpu.memory_space<vmem>> -> memref<1x128xi32, #tpu.memory_space<vmem>>
      %dma_wait3A_720 = tpu.memref_squeeze %dma_wait3A_719 : memref<1x128xi32, #tpu.memory_space<vmem>> -> memref<128xi32, #tpu.memory_space<vmem>>
      %dma_wait3A_721 = tpu.memref_slice %arg4[%mul3A_305] : memref<802816xi32, #tpu.memory_space<hbm>> -> memref<128xi32, #tpu.memory_space<hbm>>
      tpu.wait_dma2 semaphore(%run_scoped3A_705 : memref<!tpu.dma_semaphore, #tpu.memory_space<semaphore_mem>>) src(%dma_wait3A_721 : memref<128xi32, #tpu.memory_space<hbm>>) dst(%dma_wait3A_720 : memref<128xi32, #tpu.memory_space<vmem>>)
      tpu.yield
    }) : () -> ()
    %get3A_308 = arith.constant 1 : i32
    %get3A_309 = arith.index_cast %get3A_308 : i32 to index
    %get3A_310 = arith.constant 0 : index
    %get3A_311 = tpu.vector_load %arg8[%get3A_309, %get3A_310] {strides = array<i32>} : memref<3x128xi32, #tpu.memory_space<vmem>>, vector<1x16xi32>,
    %get3A_312 = vector.shape_cast %get3A_311 : vector<1x16xi32> to vector<16xi32>
    %ge3A_313 = vector.broadcast %mul3A_0 : i32 to vector<16xi32>
    %ge3A_314 = arith.cmpi sge, %get3A_312, %ge3A_313 : vector<16xi32>
    %add3A_315 = arith.constant 25088 : i32
    %add3A_316 = arith.addi %mul3A_0, %add3A_315 : i32
    %lt3A_317 = vector.broadcast %add3A_316 : i32 to vector<16xi32>
    %lt3A_318 = arith.cmpi slt, %get3A_312, %lt3A_317 : vector<16xi32>
    %and3A_319 = arith.andi %ge3A_314, %lt3A_318 : vector<16xi1>
    %sub3A_320 = vector.broadcast %mul3A_0 : i32 to vector<16xi32>
    %sub3A_321 = arith.subi %get3A_312, %sub3A_320 : vector<16xi32>
    %select_n3A_322 = arith.select %and3A_319, %sub3A_321, %add3A_7 : vector<16xi1>, vector<16xi32>
    %swap3A_323 = arith.constant 1 : i32
    %swap3A_324 = arith.index_cast %swap3A_323 : i32 to index
    %swap3A_325 = arith.constant 0 : index
    %swap3A_326 = tpu.vector_load %arg8[%swap3A_324, %swap3A_325] {strides = array<i32>} : memref<3x128xi32, #tpu.memory_space<vmem>>, vector<1x16xi32>,
    %swap3A_327 = vector.shape_cast %swap3A_326 : vector<1x16xi32> to vector<16xi32>
    %swap3A_328 = vector.shape_cast %select_n3A_322 : vector<16xi32> to vector<1x16xi32>
    tpu.vector_store %arg8[%swap3A_324, %swap3A_325], %swap3A_328 {strides = array<i32>} : memref<3x128xi32, #tpu.memory_space<vmem>>, vector<1x16xi32>,
    %get3A_329 = arith.constant 1 : i32
    %get3A_330 = arith.index_cast %get3A_329 : i32 to index
    %get3A_331 = arith.constant 0 : index
    %get3A_332 = tpu.vector_load %arg7[%get3A_330, %get3A_331] {strides = array<i32>} : memref<3x128xi32, #tpu.memory_space<vmem>>, vector<1x16xi32>,
    %get3A_333 = vector.shape_cast %get3A_332 : vector<1x16xi32> to vector<16xi32>
    %jit3A_334 = arith.constant 0 : i32
    %broadcast_in_dim3A_335 = vector.broadcast %jit3A_334 : i32 to vector<16xi32>
    %select_n3A_336 = arith.select %and3A_319, %get3A_333, %broadcast_in_dim3A_335 : vector<16xi1>, vector<16xi32>
    %swap3A_337 = arith.constant 1 : i32
    %swap3A_338 = arith.index_cast %swap3A_337 : i32 to index
    %swap3A_339 = arith.constant 0 : index
    %swap3A_340 = tpu.vector_load %arg7[%swap3A_338, %swap3A_339] {strides = array<i32>} : memref<3x128xi32, #tpu.memory_space<vmem>>, vector<1x16xi32>,
    %swap3A_341 = vector.shape_cast %swap3A_340 : vector<1x16xi32> to vector<16xi32>
    %swap3A_342 = vector.shape_cast %select_n3A_336 : vector<16xi32> to vector<1x16xi32>
    tpu.vector_store %arg7[%swap3A_338, %swap3A_339], %swap3A_342 {strides = array<i32>} : memref<3x128xi32, #tpu.memory_space<vmem>>, vector<1x16xi32>,
    %get3A_343 = arith.constant 1 : i32
    %get3A_344 = arith.index_cast %get3A_343 : i32 to index
    %get3A_345 = arith.constant 16 : index
    %get3A_346 = tpu.vector_load %arg8[%get3A_344, %get3A_345] {strides = array<i32>} : memref<3x128xi32, #tpu.memory_space<vmem>>, vector<1x16xi32>,
    %get3A_347 = vector.shape_cast %get3A_346 : vector<1x16xi32> to vector<16xi32>
    %ge3A_348 = vector.broadcast %mul3A_0 : i32 to vector<16xi32>
    %ge3A_349 = arith.cmpi sge, %get3A_347, %ge3A_348 : vector<16xi32>
    %add3A_350 = arith.constant 25088 : i32
    %add3A_351 = arith.addi %mul3A_0, %add3A_350 : i32
    %lt3A_352 = vector.broadcast %add3A_351 : i32 to vector<16xi32>
    %lt3A_353 = arith.cmpi slt, %get3A_347, %lt3A_352 : vector<16xi32>
    %and3A_354 = arith.andi %ge3A_349, %lt3A_353 : vector<16xi1>
    %sub3A_355 = vector.broadcast %mul3A_0 : i32 to vector<16xi32>
    %sub3A_356 = arith.subi %get3A_347, %sub3A_355 : vector<16xi32>
    %select_n3A_357 = arith.select %and3A_354, %sub3A_356, %add3A_7 : vector<16xi1>, vector<16xi32>
    %swap3A_358 = arith.constant 1 : i32
    %swap3A_359 = arith.index_cast %swap3A_358 : i32 to index
    %swap3A_360 = arith.constant 16 : index
    %swap3A_361 = tpu.vector_load %arg8[%swap3A_359, %swap3A_360] {strides = array<i32>} : memref<3x128xi32, #tpu.memory_space<vmem>>, vector<1x16xi32>,
    %swap3A_362 = vector.shape_cast %swap3A_361 : vector<1x16xi32> to vector<16xi32>
    %swap3A_363 = vector.shape_cast %select_n3A_357 : vector<16xi32> to vector<1x16xi32>
    tpu.vector_store %arg8[%swap3A_359, %swap3A_360], %swap3A_363 {strides = array<i32>} : memref<3x128xi32, #tpu.memory_space<vmem>>, vector<1x16xi32>,
    %get3A_364 = arith.constant 1 : i32
    %get3A_365 = arith.index_cast %get3A_364 : i32 to index
    %get3A_366 = arith.constant 16 : index
    %get3A_367 = tpu.vector_load %arg7[%get3A_365, %get3A_366] {strides = array<i32>} : memref<3x128xi32, #tpu.memory_space<vmem>>, vector<1x16xi32>,
    %get3A_368 = vector.shape_cast %get3A_367 : vector<1x16xi32> to vector<16xi32>
    %jit3A_369 = arith.constant 0 : i32
    %broadcast_in_dim3A_370 = vector.broadcast %jit3A_369 : i32 to vector<16xi32>
    %select_n3A_371 = arith.select %and3A_354, %get3A_368, %broadcast_in_dim3A_370 : vector<16xi1>, vector<16xi32>
    %swap3A_372 = arith.constant 1 : i32
    %swap3A_373 = arith.index_cast %swap3A_372 : i32 to index
    %swap3A_374 = arith.constant 16 : index
    %swap3A_375 = tpu.vector_load %arg7[%swap3A_373, %swap3A_374] {strides = array<i32>} : memref<3x128xi32, #tpu.memory_space<vmem>>, vector<1x16xi32>,
    %swap3A_376 = vector.shape_cast %swap3A_375 : vector<1x16xi32> to vector<16xi32>
    %swap3A_377 = vector.shape_cast %select_n3A_371 : vector<16xi32> to vector<1x16xi32>
    tpu.vector_store %arg7[%swap3A_373, %swap3A_374], %swap3A_377 {strides = array<i32>} : memref<3x128xi32, #tpu.memory_space<vmem>>, vector<1x16xi32>,
    %get3A_378 = arith.constant 1 : i32
    %get3A_379 = arith.index_cast %get3A_378 : i32 to index
    %get3A_380 = arith.constant 32 : index
    %get3A_381 = tpu.vector_load %arg8[%get3A_379, %get3A_380] {strides = array<i32>} : memref<3x128xi32, #tpu.memory_space<vmem>>, vector<1x16xi32>,
    %get3A_382 = vector.shape_cast %get3A_381 : vector<1x16xi32> to vector<16xi32>
    %ge3A_383 = vector.broadcast %mul3A_0 : i32 to vector<16xi32>
    %ge3A_384 = arith.cmpi sge, %get3A_382, %ge3A_383 : vector<16xi32>
    %add3A_385 = arith.constant 25088 : i32
    %add3A_386 = arith.addi %mul3A_0, %add3A_385 : i32
    %lt3A_387 = vector.broadcast %add3A_386 : i32 to vector<16xi32>
    %lt3A_388 = arith.cmpi slt, %get3A_382, %lt3A_387 : vector<16xi32>
    %and3A_389 = arith.andi %ge3A_384, %lt3A_388 : vector<16xi1>
    %sub3A_390 = vector.broadcast %mul3A_0 : i32 to vector<16xi32>
    %sub3A_391 = arith.subi %get3A_382, %sub3A_390 : vector<16xi32>
    %select_n3A_392 = arith.select %and3A_389, %sub3A_391, %add3A_7 : vector<16xi1>, vector<16xi32>
    %swap3A_393 = arith.constant 1 : i32
    %swap3A_394 = arith.index_cast %swap3A_393 : i32 to index
    %swap3A_395 = arith.constant 32 : index
    %swap3A_396 = tpu.vector_load %arg8[%swap3A_394, %swap3A_395] {strides = array<i32>} : memref<3x128xi32, #tpu.memory_space<vmem>>, vector<1x16xi32>,
    %swap3A_397 = vector.shape_cast %swap3A_396 : vector<1x16xi32> to vector<16xi32>
    %swap3A_398 = vector.shape_cast %select_n3A_392 : vector<16xi32> to vector<1x16xi32>
    tpu.vector_store %arg8[%swap3A_394, %swap3A_395], %swap3A_398 {strides = array<i32>} : memref<3x128xi32, #tpu.memory_space<vmem>>, vector<1x16xi32>,
    %get3A_399 = arith.constant 1 : i32
    %get3A_400 = arith.index_cast %get3A_399 : i32 to index
    %get3A_401 = arith.constant 32 : index
    %get3A_402 = tpu.vector_load %arg7[%get3A_400, %get3A_401] {strides = array<i32>} : memref<3x128xi32, #tpu.memory_space<vmem>>, vector<1x16xi32>,
    %get3A_403 = vector.shape_cast %get3A_402 : vector<1x16xi32> to vector<16xi32>
    %jit3A_404 = arith.constant 0 : i32
    %broadcast_in_dim3A_405 = vector.broadcast %jit3A_404 : i32 to vector<16xi32>
    %select_n3A_406 = arith.select %and3A_389, %get3A_403, %broadcast_in_dim3A_405 : vector<16xi1>, vector<16xi32>
    %swap3A_407 = arith.constant 1 : i32
    %swap3A_408 = arith.index_cast %swap3A_407 : i32 to index
    %swap3A_409 = arith.constant 32 : index
    %swap3A_410 = tpu.vector_load %arg7[%swap3A_408, %swap3A_409] {strides = array<i32>} : memref<3x128xi32, #tpu.memory_space<vmem>>, vector<1x16xi32>,
    %swap3A_411 = vector.shape_cast %swap3A_410 : vector<1x16xi32> to vector<16xi32>
    %swap3A_412 = vector.shape_cast %select_n3A_406 : vector<16xi32> to vector<1x16xi32>
    tpu.vector_store %arg7[%swap3A_408, %swap3A_409], %swap3A_412 {strides = array<i32>} : memref<3x128xi32, #tpu.memory_space<vmem>>, vector<1x16xi32>,
    %get3A_413 = arith.constant 1 : i32
    %get3A_414 = arith.index_cast %get3A_413 : i32 to index
    %get3A_415 = arith.constant 48 : index
    %get3A_416 = tpu.vector_load %arg8[%get3A_414, %get3A_415] {strides = array<i32>} : memref<3x128xi32, #tpu.memory_space<vmem>>, vector<1x16xi32>,
    %get3A_417 = vector.shape_cast %get3A_416 : vector<1x16xi32> to vector<16xi32>
    %ge3A_418 = vector.broadcast %mul3A_0 : i32 to vector<16xi32>
    %ge3A_419 = arith.cmpi sge, %get3A_417, %ge3A_418 : vector<16xi32>
    %add3A_420 = arith.constant 25088 : i32
    %add3A_421 = arith.addi %mul3A_0, %add3A_420 : i32
    %lt3A_422 = vector.broadcast %add3A_421 : i32 to vector<16xi32>
    %lt3A_423 = arith.cmpi slt, %get3A_417, %lt3A_422 : vector<16xi32>
    %and3A_424 = arith.andi %ge3A_419, %lt3A_423 : vector<16xi1>
    %sub3A_425 = vector.broadcast %mul3A_0 : i32 to vector<16xi32>
    %sub3A_426 = arith.subi %get3A_417, %sub3A_425 : vector<16xi32>
    %select_n3A_427 = arith.select %and3A_424, %sub3A_426, %add3A_7 : vector<16xi1>, vector<16xi32>
    %swap3A_428 = arith.constant 1 : i32
    %swap3A_429 = arith.index_cast %swap3A_428 : i32 to index
    %swap3A_430 = arith.constant 48 : index
    %swap3A_431 = tpu.vector_load %arg8[%swap3A_429, %swap3A_430] {strides = array<i32>} : memref<3x128xi32, #tpu.memory_space<vmem>>, vector<1x16xi32>,
    %swap3A_432 = vector.shape_cast %swap3A_431 : vector<1x16xi32> to vector<16xi32>
    %swap3A_433 = vector.shape_cast %select_n3A_427 : vector<16xi32> to vector<1x16xi32>
    tpu.vector_store %arg8[%swap3A_429, %swap3A_430], %swap3A_433 {strides = array<i32>} : memref<3x128xi32, #tpu.memory_space<vmem>>, vector<1x16xi32>,
    %get3A_434 = arith.constant 1 : i32
    %get3A_435 = arith.index_cast %get3A_434 : i32 to index
    %get3A_436 = arith.constant 48 : index
    %get3A_437 = tpu.vector_load %arg7[%get3A_435, %get3A_436] {strides = array<i32>} : memref<3x128xi32, #tpu.memory_space<vmem>>, vector<1x16xi32>,
    %get3A_438 = vector.shape_cast %get3A_437 : vector<1x16xi32> to vector<16xi32>
    %jit3A_439 = arith.constant 0 : i32
    %broadcast_in_dim3A_440 = vector.broadcast %jit3A_439 : i32 to vector<16xi32>
    %select_n3A_441 = arith.select %and3A_424, %get3A_438, %broadcast_in_dim3A_440 : vector<16xi1>, vector<16xi32>
    %swap3A_442 = arith.constant 1 : i32
    %swap3A_443 = arith.index_cast %swap3A_442 : i32 to index
    %swap3A_444 = arith.constant 48 : index
    %swap3A_445 = tpu.vector_load %arg7[%swap3A_443, %swap3A_444] {strides = array<i32>} : memref<3x128xi32, #tpu.memory_space<vmem>>, vector<1x16xi32>,
    %swap3A_446 = vector.shape_cast %swap3A_445 : vector<1x16xi32> to vector<16xi32>
    %swap3A_447 = vector.shape_cast %select_n3A_441 : vector<16xi32> to vector<1x16xi32>
    tpu.vector_store %arg7[%swap3A_443, %swap3A_444], %swap3A_447 {strides = array<i32>} : memref<3x128xi32, #tpu.memory_space<vmem>>, vector<1x16xi32>,
    %get3A_448 = arith.constant 1 : i32
    %get3A_449 = arith.index_cast %get3A_448 : i32 to index
    %get3A_450 = arith.constant 64 : index
    %get3A_451 = tpu.vector_load %arg8[%get3A_449, %get3A_450] {strides = array<i32>} : memref<3x128xi32, #tpu.memory_space<vmem>>, vector<1x16xi32>,
    %get3A_452 = vector.shape_cast %get3A_451 : vector<1x16xi32> to vector<16xi32>
    %ge3A_453 = vector.broadcast %mul3A_0 : i32 to vector<16xi32>
    %ge3A_454 = arith.cmpi sge, %get3A_452, %ge3A_453 : vector<16xi32>
    %add3A_455 = arith.constant 25088 : i32
    %add3A_456 = arith.addi %mul3A_0, %add3A_455 : i32
    %lt3A_457 = vector.broadcast %add3A_456 : i32 to vector<16xi32>
    %lt3A_458 = arith.cmpi slt, %get3A_452, %lt3A_457 : vector<16xi32>
    %and3A_459 = arith.andi %ge3A_454, %lt3A_458 : vector<16xi1>
    %sub3A_460 = vector.broadcast %mul3A_0 : i32 to vector<16xi32>
    %sub3A_461 = arith.subi %get3A_452, %sub3A_460 : vector<16xi32>
    %select_n3A_462 = arith.select %and3A_459, %sub3A_461, %add3A_7 : vector<16xi1>, vector<16xi32>
    %swap3A_463 = arith.constant 1 : i32
    %swap3A_464 = arith.index_cast %swap3A_463 : i32 to index
    %swap3A_465 = arith.constant 64 : index
    %swap3A_466 = tpu.vector_load %arg8[%swap3A_464, %swap3A_465] {strides = array<i32>} : memref<3x128xi32, #tpu.memory_space<vmem>>, vector<1x16xi32>,
    %swap3A_467 = vector.shape_cast %swap3A_466 : vector<1x16xi32> to vector<16xi32>
    %swap3A_468 = vector.shape_cast %select_n3A_462 : vector<16xi32> to vector<1x16xi32>
    tpu.vector_store %arg8[%swap3A_464, %swap3A_465], %swap3A_468 {strides = array<i32>} : memref<3x128xi32, #tpu.memory_space<vmem>>, vector<1x16xi32>,
    %get3A_469 = arith.constant 1 : i32
    %get3A_470 = arith.index_cast %get3A_469 : i32 to index
    %get3A_471 = arith.constant 64 : index
    %get3A_472 = tpu.vector_load %arg7[%get3A_470, %get3A_471] {strides = array<i32>} : memref<3x128xi32, #tpu.memory_space<vmem>>, vector<1x16xi32>,
    %get3A_473 = vector.shape_cast %get3A_472 : vector<1x16xi32> to vector<16xi32>
    %jit3A_474 = arith.constant 0 : i32
    %broadcast_in_dim3A_475 = vector.broadcast %jit3A_474 : i32 to vector<16xi32>
    %select_n3A_476 = arith.select %and3A_459, %get3A_473, %broadcast_in_dim3A_475 : vector<16xi1>, vector<16xi32>
    %swap3A_477 = arith.constant 1 : i32
    %swap3A_478 = arith.index_cast %swap3A_477 : i32 to index
    %swap3A_479 = arith.constant 64 : index
    %swap3A_480 = tpu.vector_load %arg7[%swap3A_478, %swap3A_479] {strides = array<i32>} : memref<3x128xi32, #tpu.memory_space<vmem>>, vector<1x16xi32>,
    %swap3A_481 = vector.shape_cast %swap3A_480 : vector<1x16xi32> to vector<16xi32>
    %swap3A_482 = vector.shape_cast %select_n3A_476 : vector<16xi32> to vector<1x16xi32>
    tpu.vector_store %arg7[%swap3A_478, %swap3A_479], %swap3A_482 {strides = array<i32>} : memref<3x128xi32, #tpu.memory_space<vmem>>, vector<1x16xi32>,
    %get3A_483 = arith.constant 1 : i32
    %get3A_484 = arith.index_cast %get3A_483 : i32 to index
    %get3A_485 = arith.constant 80 : index
    %get3A_486 = tpu.vector_load %arg8[%get3A_484, %get3A_485] {strides = array<i32>} : memref<3x128xi32, #tpu.memory_space<vmem>>, vector<1x16xi32>,
    %get3A_487 = vector.shape_cast %get3A_486 : vector<1x16xi32> to vector<16xi32>
    %ge3A_488 = vector.broadcast %mul3A_0 : i32 to vector<16xi32>
    %ge3A_489 = arith.cmpi sge, %get3A_487, %ge3A_488 : vector<16xi32>
    %add3A_490 = arith.constant 25088 : i32
    %add3A_491 = arith.addi %mul3A_0, %add3A_490 : i32
    %lt3A_492 = vector.broadcast %add3A_491 : i32 to vector<16xi32>
    %lt3A_493 = arith.cmpi slt, %get3A_487, %lt3A_492 : vector<16xi32>
    %and3A_494 = arith.andi %ge3A_489, %lt3A_493 : vector<16xi1>
    %sub3A_495 = vector.broadcast %mul3A_0 : i32 to vector<16xi32>
    %sub3A_496 = arith.subi %get3A_487, %sub3A_495 : vector<16xi32>
    %select_n3A_497 = arith.select %and3A_494, %sub3A_496, %add3A_7 : vector<16xi1>, vector<16xi32>
    %swap3A_498 = arith.constant 1 : i32
    %swap3A_499 = arith.index_cast %swap3A_498 : i32 to index
    %swap3A_500 = arith.constant 80 : index
    %swap3A_501 = tpu.vector_load %arg8[%swap3A_499, %swap3A_500] {strides = array<i32>} : memref<3x128xi32, #tpu.memory_space<vmem>>, vector<1x16xi32>,
    %swap3A_502 = vector.shape_cast %swap3A_501 : vector<1x16xi32> to vector<16xi32>
    %swap3A_503 = vector.shape_cast %select_n3A_497 : vector<16xi32> to vector<1x16xi32>
    tpu.vector_store %arg8[%swap3A_499, %swap3A_500], %swap3A_503 {strides = array<i32>} : memref<3x128xi32, #tpu.memory_space<vmem>>, vector<1x16xi32>,
    %get3A_504 = arith.constant 1 : i32
    %get3A_505 = arith.index_cast %get3A_504 : i32 to index
    %get3A_506 = arith.constant 80 : index
    %get3A_507 = tpu.vector_load %arg7[%get3A_505, %get3A_506] {strides = array<i32>} : memref<3x128xi32, #tpu.memory_space<vmem>>, vector<1x16xi32>,
    %get3A_508 = vector.shape_cast %get3A_507 : vector<1x16xi32> to vector<16xi32>
    %jit3A_509 = arith.constant 0 : i32
    %broadcast_in_dim3A_510 = vector.broadcast %jit3A_509 : i32 to vector<16xi32>
    %select_n3A_511 = arith.select %and3A_494, %get3A_508, %broadcast_in_dim3A_510 : vector<16xi1>, vector<16xi32>
    %swap3A_512 = arith.constant 1 : i32
    %swap3A_513 = arith.index_cast %swap3A_512 : i32 to index
    %swap3A_514 = arith.constant 80 : index
    %swap3A_515 = tpu.vector_load %arg7[%swap3A_513, %swap3A_514] {strides = array<i32>} : memref<3x128xi32, #tpu.memory_space<vmem>>, vector<1x16xi32>,
    %swap3A_516 = vector.shape_cast %swap3A_515 : vector<1x16xi32> to vector<16xi32>
    %swap3A_517 = vector.shape_cast %select_n3A_511 : vector<16xi32> to vector<1x16xi32>
    tpu.vector_store %arg7[%swap3A_513, %swap3A_514], %swap3A_517 {strides = array<i32>} : memref<3x128xi32, #tpu.memory_space<vmem>>, vector<1x16xi32>,
    %get3A_518 = arith.constant 1 : i32
    %get3A_519 = arith.index_cast %get3A_518 : i32 to index
    %get3A_520 = arith.constant 96 : index
    %get3A_521 = tpu.vector_load %arg8[%get3A_519, %get3A_520] {strides = array<i32>} : memref<3x128xi32, #tpu.memory_space<vmem>>, vector<1x16xi32>,
    %get3A_522 = vector.shape_cast %get3A_521 : vector<1x16xi32> to vector<16xi32>
    %ge3A_523 = vector.broadcast %mul3A_0 : i32 to vector<16xi32>
    %ge3A_524 = arith.cmpi sge, %get3A_522, %ge3A_523 : vector<16xi32>
    %add3A_525 = arith.constant 25088 : i32
    %add3A_526 = arith.addi %mul3A_0, %add3A_525 : i32
    %lt3A_527 = vector.broadcast %add3A_526 : i32 to vector<16xi32>
    %lt3A_528 = arith.cmpi slt, %get3A_522, %lt3A_527 : vector<16xi32>
    %and3A_529 = arith.andi %ge3A_524, %lt3A_528 : vector<16xi1>
    %sub3A_530 = vector.broadcast %mul3A_0 : i32 to vector<16xi32>
    %sub3A_531 = arith.subi %get3A_522, %sub3A_530 : vector<16xi32>
    %select_n3A_532 = arith.select %and3A_529, %sub3A_531, %add3A_7 : vector<16xi1>, vector<16xi32>
    %swap3A_533 = arith.constant 1 : i32
    %swap3A_534 = arith.index_cast %swap3A_533 : i32 to index
    %swap3A_535 = arith.constant 96 : index
    %swap3A_536 = tpu.vector_load %arg8[%swap3A_534, %swap3A_535] {strides = array<i32>} : memref<3x128xi32, #tpu.memory_space<vmem>>, vector<1x16xi32>,
    %swap3A_537 = vector.shape_cast %swap3A_536 : vector<1x16xi32> to vector<16xi32>
    %swap3A_538 = vector.shape_cast %select_n3A_532 : vector<16xi32> to vector<1x16xi32>
    tpu.vector_store %arg8[%swap3A_534, %swap3A_535], %swap3A_538 {strides = array<i32>} : memref<3x128xi32, #tpu.memory_space<vmem>>, vector<1x16xi32>,
    %get3A_539 = arith.constant 1 : i32
    %get3A_540 = arith.index_cast %get3A_539 : i32 to index
    %get3A_541 = arith.constant 96 : index
    %get3A_542 = tpu.vector_load %arg7[%get3A_540, %get3A_541] {strides = array<i32>} : memref<3x128xi32, #tpu.memory_space<vmem>>, vector<1x16xi32>,
    %get3A_543 = vector.shape_cast %get3A_542 : vector<1x16xi32> to vector<16xi32>
    %jit3A_544 = arith.constant 0 : i32
    %broadcast_in_dim3A_545 = vector.broadcast %jit3A_544 : i32 to vector<16xi32>
    %select_n3A_546 = arith.select %and3A_529, %get3A_543, %broadcast_in_dim3A_545 : vector<16xi1>, vector<16xi32>
    %swap3A_547 = arith.constant 1 : i32
    %swap3A_548 = arith.index_cast %swap3A_547 : i32 to index
    %swap3A_549 = arith.constant 96 : index
    %swap3A_550 = tpu.vector_load %arg7[%swap3A_548, %swap3A_549] {strides = array<i32>} : memref<3x128xi32, #tpu.memory_space<vmem>>, vector<1x16xi32>,
    %swap3A_551 = vector.shape_cast %swap3A_550 : vector<1x16xi32> to vector<16xi32>
    %swap3A_552 = vector.shape_cast %select_n3A_546 : vector<16xi32> to vector<1x16xi32>
    tpu.vector_store %arg7[%swap3A_548, %swap3A_549], %swap3A_552 {strides = array<i32>} : memref<3x128xi32, #tpu.memory_space<vmem>>, vector<1x16xi32>,
    %get3A_553 = arith.constant 1 : i32
    %get3A_554 = arith.index_cast %get3A_553 : i32 to index
    %get3A_555 = arith.constant 112 : index
    %get3A_556 = tpu.vector_load %arg8[%get3A_554, %get3A_555] {strides = array<i32>} : memref<3x128xi32, #tpu.memory_space<vmem>>, vector<1x16xi32>,
    %get3A_557 = vector.shape_cast %get3A_556 : vector<1x16xi32> to vector<16xi32>
    %ge3A_558 = vector.broadcast %mul3A_0 : i32 to vector<16xi32>
    %ge3A_559 = arith.cmpi sge, %get3A_557, %ge3A_558 : vector<16xi32>
    %add3A_560 = arith.constant 25088 : i32
    %add3A_561 = arith.addi %mul3A_0, %add3A_560 : i32
    %lt3A_562 = vector.broadcast %add3A_561 : i32 to vector<16xi32>
    %lt3A_563 = arith.cmpi slt, %get3A_557, %lt3A_562 : vector<16xi32>
    %and3A_564 = arith.andi %ge3A_559, %lt3A_563 : vector<16xi1>
    %sub3A_565 = vector.broadcast %mul3A_0 : i32 to vector<16xi32>
    %sub3A_566 = arith.subi %get3A_557, %sub3A_565 : vector<16xi32>
    %select_n3A_567 = arith.select %and3A_564, %sub3A_566, %add3A_7 : vector<16xi1>, vector<16xi32>
    %swap3A_568 = arith.constant 1 : i32
    %swap3A_569 = arith.index_cast %swap3A_568 : i32 to index
    %swap3A_570 = arith.constant 112 : index
    %swap3A_571 = tpu.vector_load %arg8[%swap3A_569, %swap3A_570] {strides = array<i32>} : memref<3x128xi32, #tpu.memory_space<vmem>>, vector<1x16xi32>,
    %swap3A_572 = vector.shape_cast %swap3A_571 : vector<1x16xi32> to vector<16xi32>
    %swap3A_573 = vector.shape_cast %select_n3A_567 : vector<16xi32> to vector<1x16xi32>
    tpu.vector_store %arg8[%swap3A_569, %swap3A_570], %swap3A_573 {strides = array<i32>} : memref<3x128xi32, #tpu.memory_space<vmem>>, vector<1x16xi32>,
    %get3A_574 = arith.constant 1 : i32
    %get3A_575 = arith.index_cast %get3A_574 : i32 to index
    %get3A_576 = arith.constant 112 : index
    %get3A_577 = tpu.vector_load %arg7[%get3A_575, %get3A_576] {strides = array<i32>} : memref<3x128xi32, #tpu.memory_space<vmem>>, vector<1x16xi32>,
    %get3A_578 = vector.shape_cast %get3A_577 : vector<1x16xi32> to vector<16xi32>
    %jit3A_579 = arith.constant 0 : i32
    %broadcast_in_dim3A_580 = vector.broadcast %jit3A_579 : i32 to vector<16xi32>
    %select_n3A_581 = arith.select %and3A_564, %get3A_578, %broadcast_in_dim3A_580 : vector<16xi1>, vector<16xi32>
    %swap3A_582 = arith.constant 1 : i32
    %swap3A_583 = arith.index_cast %swap3A_582 : i32 to index
    %swap3A_584 = arith.constant 112 : index
    %swap3A_585 = tpu.vector_load %arg7[%swap3A_583, %swap3A_584] {strides = array<i32>} : memref<3x128xi32, #tpu.memory_space<vmem>>, vector<1x16xi32>,
    %swap3A_586 = vector.shape_cast %swap3A_585 : vector<1x16xi32> to vector<16xi32>
    %swap3A_587 = vector.shape_cast %select_n3A_581 : vector<16xi32> to vector<1x16xi32>
    tpu.vector_store %arg7[%swap3A_583, %swap3A_584], %swap3A_587 {strides = array<i32>} : memref<3x128xi32, #tpu.memory_space<vmem>>, vector<1x16xi32>,
    %dma_start3A_588 = arith.constant 1 : i32
    %dma_start3A_589 = arith.constant 1 : i32
    %dma_start3A_590 = arith.constant 1 : i32
    %dma_start3A_591 = arith.constant 0 : i32
    %dma_start3A_592 = arith.constant 0 : i32
    %dma_start3A_593 = tpu.memref_slice %arg9[%dma_start3A_589, %dma_start3A_591, %dma_start3A_592] : memref<3x128x64xf32, #tpu.memory_space<vmem>> -> memref<1x128x64xf32, #tpu.memory_space<vmem>>
    %dma_start3A_594 = tpu.memref_squeeze %dma_start3A_593 : memref<1x128x64xf32, #tpu.memory_space<vmem>> -> memref<128x64xf32, #tpu.memory_space<vmem>>
    %dma_start3A_595 = arith.constant 0 : i32
    %dma_start3A_596 = tpu.memref_slice %arg7[%dma_start3A_588, %dma_start3A_595] : memref<3x128xi32, #tpu.memory_space<vmem>> -> memref<1x128xi32, #tpu.memory_space<vmem>>
    %dma_start3A_597 = tpu.memref_squeeze %dma_start3A_596 : memref<1x128xi32, #tpu.memory_space<vmem>> -> memref<128xi32, #tpu.memory_space<vmem>>
    %dma_start3A_598 = arith.constant 0 : i32
    %dma_start3A_599 = arith.constant 0 : i32
    %dma_start3A_600 = tpu.memref_slice %arg2[%dma_start3A_598, %dma_start3A_599] : memref<50176x64xf32, #tpu.memory_space<hbm>> -> memref<50176x64xf32, #tpu.memory_space<hbm>>
    %dma_start3A_601 = tpu.memref_slice %arg11[%dma_start3A_590] : memref<3x!tpu.dma_semaphore, #tpu.memory_space<semaphore_mem>> -> memref<1x!tpu.dma_semaphore, #tpu.memory_space<semaphore_mem>>
    %dma_start3A_602 = tpu.memref_squeeze %dma_start3A_601 : memref<1x!tpu.dma_semaphore, #tpu.memory_space<semaphore_mem>> -> memref<!tpu.dma_semaphore, #tpu.memory_space<semaphore_mem>>
    tpu.enqueue_indirect_dma source(%dma_start3A_600 : memref<50176x64xf32, #tpu.memory_space<hbm>>) target(%dma_start3A_594 : memref<128x64xf32, #tpu.memory_space<vmem>>) offsets(%dma_start3A_597 : memref<128xi32, #tpu.memory_space<vmem>>) semaphore(%dma_start3A_602 : memref<!tpu.dma_semaphore, #tpu.memory_space<semaphore_mem>>)
    %scan3A = arith.constant 0 : i32
    %scan3A_603 = arith.constant 0 : i32
    %scan3A_604 = arith.constant 390 : i32
    %scan3A_605 = arith.addi %scan3A_603, %scan3A_604 : i32
    %scan3A_606 = arith.constant 1 : i32
    scf.for %scan3A_705 = %scan3A_603 to %scan3A_605 step %scan3A_606  : i32 {
      %rem3A = arith.constant 3 : i32
      %rem3A_706 = arith.remsi %scan3A_705, %rem3A : i32
      %add3A_707 = arith.constant 2 : i32
      %add3A_708 = arith.addi %scan3A_705, %add3A_707 : i32
      %rem3A_709 = arith.constant 3 : i32
      %rem3A_710 = arith.remsi %add3A_708, %rem3A_709 : i32
      %ge3A_711 = arith.constant 1 : i32
      %ge3A_712 = arith.cmpi sge, %scan3A_705, %ge3A_711 : i32
      %convert_element_type3A = arith.extui %ge3A_712 : i1 to i32
      %cond3A = arith.constant 0 : i32
      %cond3A_713 = arith.cmpi ne, %convert_element_type3A, %cond3A : i32
      scf.if %cond3A_713 {
        %dma_wait3A_1003 = arith.constant 0 : i32
        %dma_wait3A_1004 = arith.constant 0 : i32
        %dma_wait3A_1005 = arith.constant 0 : i32
        %dma_wait3A_1006 = arith.constant 0 : i32
        %dma_wait3A_1007 = tpu.memref_slice %arg9[%dma_wait3A_1003, %dma_wait3A_1005, %dma_wait3A_1006] : memref<3x128x64xf32, #tpu.memory_space<vmem>> -> memref<1x128x64xf32, #tpu.memory_space<vmem>>
        %dma_wait3A_1008 = tpu.memref_squeeze %dma_wait3A_1007 : memref<1x128x64xf32, #tpu.memory_space<vmem>> -> memref<128x64xf32, #tpu.memory_space<vmem>>
        %dma_wait3A_1009 = arith.constant 0 : i32
        %dma_wait3A_1010 = tpu.memref_slice %arg8[%dma_wait3A_1004, %dma_wait3A_1009] : memref<3x128xi32, #tpu.memory_space<vmem>> -> memref<1x128xi32, #tpu.memory_space<vmem>>
        %dma_wait3A_1011 = tpu.memref_squeeze %dma_wait3A_1010 : memref<1x128xi32, #tpu.memory_space<vmem>> -> memref<128xi32, #tpu.memory_space<vmem>>
        %dma_wait3A_1012 = arith.constant 0 : i32
        %dma_wait3A_1013 = arith.constant 0 : i32
        %dma_wait3A_1014 = tpu.memref_slice %arg10[%dma_wait3A_1012, %dma_wait3A_1013] : memref<25344x64xf32, #tpu.memory_space<vmem_shared>> -> memref<25344x64xf32, #tpu.memory_space<vmem_shared>>
        tpu.wait_indirect_dma semaphore(%arg12 : memref<!tpu.dma_semaphore, #tpu.memory_space<semaphore_mem>>) src(%dma_wait3A_1008 : memref<128x64xf32, #tpu.memory_space<vmem>>) dst(%dma_wait3A_1014 : memref<25344x64xf32, #tpu.memory_space<vmem_shared>>)
      } else {
      }
      %add3A_714 = arith.constant 2 : i32
      %add3A_715 = arith.addi %scan3A_705, %add3A_714 : i32
      %mul3A_716 = arith.constant 392 : i32
      %mul3A_717 = arith.muli %arg1, %mul3A_716 : i32
      %add3A_718 = arith.addi %mul3A_717, %add3A_715 : i32
      %mul3A_719 = arith.constant 128 : i32
      %mul3A_720 = arith.muli %add3A_718, %mul3A_719 : i32
      "tpu.region"() ({
        %run_scoped3A_1003 = tpu.sem_alloc : memref<!tpu.dma_semaphore, #tpu.memory_space<semaphore_mem>>
        %dma_start3A_1004 = arith.constant 0 : i32
        %dma_start3A_1005 = tpu.memref_slice %arg7[%rem3A_710, %dma_start3A_1004] : memref<3x128xi32, #tpu.memory_space<vmem>> -> memref<1x128xi32, #tpu.memory_space<vmem>>
        %dma_start3A_1006 = tpu.memref_squeeze %dma_start3A_1005 : memref<1x128xi32, #tpu.memory_space<vmem>> -> memref<128xi32, #tpu.memory_space<vmem>>
        %dma_start3A_1007 = tpu.memref_slice %arg3[%mul3A_720] : memref<802816xi32, #tpu.memory_space<hbm>> -> memref<128xi32, #tpu.memory_space<hbm>>
        %dma_start3A_1008 = arith.constant 0 : i32
        %dma_start3A_1009 = tpu.memref_slice %arg7[%rem3A_710, %dma_start3A_1008] : memref<3x128xi32, #tpu.memory_space<vmem>> -> memref<1x128xi32, #tpu.memory_space<vmem>>
        %dma_start3A_1010 = tpu.memref_squeeze %dma_start3A_1009 : memref<1x128xi32, #tpu.memory_space<vmem>> -> memref<128xi32, #tpu.memory_space<vmem>>
        %dma_start3A_1011 = tpu.memref_slice %arg3[%mul3A_720] : memref<802816xi32, #tpu.memory_space<hbm>> -> memref<128xi32, #tpu.memory_space<hbm>>
        tpu.enqueue_dma source(%dma_start3A_1011 : memref<128xi32, #tpu.memory_space<hbm>>) target(%dma_start3A_1010 : memref<128xi32, #tpu.memory_space<vmem>>) target_semaphore(%run_scoped3A_1003 : memref<!tpu.dma_semaphore, #tpu.memory_space<semaphore_mem>>)
        %dma_wait3A_1012 = arith.constant 0 : i32
        %dma_wait3A_1013 = tpu.memref_slice %arg7[%rem3A_710, %dma_wait3A_1012] : memref<3x128xi32, #tpu.memory_space<vmem>> -> memref<1x128xi32, #tpu.memory_space<vmem>>
        %dma_wait3A_1014 = tpu.memref_squeeze %dma_wait3A_1013 : memref<1x128xi32, #tpu.memory_space<vmem>> -> memref<128xi32, #tpu.memory_space<vmem>>
        %dma_wait3A_1015 = tpu.memref_slice %arg3[%mul3A_720] : memref<802816xi32, #tpu.memory_space<hbm>> -> memref<128xi32, #tpu.memory_space<hbm>>
        %dma_wait3A_1016 = arith.constant 0 : i32
        %dma_wait3A_1017 = tpu.memref_slice %arg7[%rem3A_710, %dma_wait3A_1016] : memref<3x128xi32, #tpu.memory_space<vmem>> -> memref<1x128xi32, #tpu.memory_space<vmem>>
        %dma_wait3A_1018 = tpu.memref_squeeze %dma_wait3A_1017 : memref<1x128xi32, #tpu.memory_space<vmem>> -> memref<128xi32, #tpu.memory_space<vmem>>
        %dma_wait3A_1019 = tpu.memref_slice %arg3[%mul3A_720] : memref<802816xi32, #tpu.memory_space<hbm>> -> memref<128xi32, #tpu.memory_space<hbm>>
        tpu.wait_dma2 semaphore(%run_scoped3A_1003 : memref<!tpu.dma_semaphore, #tpu.memory_space<semaphore_mem>>) src(%dma_wait3A_1019 : memref<128xi32, #tpu.memory_space<hbm>>) dst(%dma_wait3A_1018 : memref<128xi32, #tpu.memory_space<vmem>>)
        tpu.yield
      }) : () -> ()
      "tpu.region"() ({
        %run_scoped3A_1003 = tpu.sem_alloc : memref<!tpu.dma_semaphore, #tpu.memory_space<semaphore_mem>>
        %dma_start3A_1004 = arith.constant 0 : i32
        %dma_start3A_1005 = tpu.memref_slice %arg8[%rem3A_710, %dma_start3A_1004] : memref<3x128xi32, #tpu.memory_space<vmem>> -> memref<1x128xi32, #tpu.memory_space<vmem>>
        %dma_start3A_1006 = tpu.memref_squeeze %dma_start3A_1005 : memref<1x128xi32, #tpu.memory_space<vmem>> -> memref<128xi32, #tpu.memory_space<vmem>>
        %dma_start3A_1007 = tpu.memref_slice %arg4[%mul3A_720] : memref<802816xi32, #tpu.memory_space<hbm>> -> memref<128xi32, #tpu.memory_space<hbm>>
        %dma_start3A_1008 = arith.constant 0 : i32
        %dma_start3A_1009 = tpu.memref_slice %arg8[%rem3A_710, %dma_start3A_1008] : memref<3x128xi32, #tpu.memory_space<vmem>> -> memref<1x128xi32, #tpu.memory_space<vmem>>
        %dma_start3A_1010 = tpu.memref_squeeze %dma_start3A_1009 : memref<1x128xi32, #tpu.memory_space<vmem>> -> memref<128xi32, #tpu.memory_space<vmem>>
        %dma_start3A_1011 = tpu.memref_slice %arg4[%mul3A_720] : memref<802816xi32, #tpu.memory_space<hbm>> -> memref<128xi32, #tpu.memory_space<hbm>>
        tpu.enqueue_dma source(%dma_start3A_1011 : memref<128xi32, #tpu.memory_space<hbm>>) target(%dma_start3A_1010 : memref<128xi32, #tpu.memory_space<vmem>>) target_semaphore(%run_scoped3A_1003 : memref<!tpu.dma_semaphore, #tpu.memory_space<semaphore_mem>>)
        %dma_wait3A_1012 = arith.constant 0 : i32
        %dma_wait3A_1013 = tpu.memref_slice %arg8[%rem3A_710, %dma_wait3A_1012] : memref<3x128xi32, #tpu.memory_space<vmem>> -> memref<1x128xi32, #tpu.memory_space<vmem>>
        %dma_wait3A_1014 = tpu.memref_squeeze %dma_wait3A_1013 : memref<1x128xi32, #tpu.memory_space<vmem>> -> memref<128xi32, #tpu.memory_space<vmem>>
        %dma_wait3A_1015 = tpu.memref_slice %arg4[%mul3A_720] : memref<802816xi32, #tpu.memory_space<hbm>> -> memref<128xi32, #tpu.memory_space<hbm>>
        %dma_wait3A_1016 = arith.constant 0 : i32
        %dma_wait3A_1017 = tpu.memref_slice %arg8[%rem3A_710, %dma_wait3A_1016] : memref<3x128xi32, #tpu.memory_space<vmem>> -> memref<1x128xi32, #tpu.memory_space<vmem>>
        %dma_wait3A_1018 = tpu.memref_squeeze %dma_wait3A_1017 : memref<1x128xi32, #tpu.memory_space<vmem>> -> memref<128xi32, #tpu.memory_space<vmem>>
        %dma_wait3A_1019 = tpu.memref_slice %arg4[%mul3A_720] : memref<802816xi32, #tpu.memory_space<hbm>> -> memref<128xi32, #tpu.memory_space<hbm>>
        tpu.wait_dma2 semaphore(%run_scoped3A_1003 : memref<!tpu.dma_semaphore, #tpu.memory_space<semaphore_mem>>) src(%dma_wait3A_1019 : memref<128xi32, #tpu.memory_space<hbm>>) dst(%dma_wait3A_1018 : memref<128xi32, #tpu.memory_space<vmem>>)
        tpu.yield
      }) : () -> ()
      %get3A_721 = arith.index_cast %rem3A_710 : i32 to index
      %get3A_722 = arith.constant 0 : index
      %get3A_723 = tpu.vector_load %arg8[%get3A_721, %get3A_722] {strides = array<i32>} : memref<3x128xi32, #tpu.memory_space<vmem>>, vector<1x16xi32>,
      %get3A_724 = vector.shape_cast %get3A_723 : vector<1x16xi32> to vector<16xi32>
      %ge3A_725 = vector.broadcast %mul3A_0 : i32 to vector<16xi32>
      %ge3A_726 = arith.cmpi sge, %get3A_724, %ge3A_725 : vector<16xi32>
      %add3A_727 = arith.constant 25088 : i32
      %add3A_728 = arith.addi %mul3A_0, %add3A_727 : i32
      %lt3A_729 = vector.broadcast %add3A_728 : i32 to vector<16xi32>
      %lt3A_730 = arith.cmpi slt, %get3A_724, %lt3A_729 : vector<16xi32>
      %and3A_731 = arith.andi %ge3A_726, %lt3A_730 : vector<16xi1>
      %sub3A_732 = vector.broadcast %mul3A_0 : i32 to vector<16xi32>
      %sub3A_733 = arith.subi %get3A_724, %sub3A_732 : vector<16xi32>
      %select_n3A_734 = arith.select %and3A_731, %sub3A_733, %add3A_7 : vector<16xi1>, vector<16xi32>
      %swap3A_735 = arith.index_cast %rem3A_710 : i32 to index
      %swap3A_736 = arith.constant 0 : index
      %swap3A_737 = tpu.vector_load %arg8[%swap3A_735, %swap3A_736] {strides = array<i32>} : memref<3x128xi32, #tpu.memory_space<vmem>>, vector<1x16xi32>,
      %swap3A_738 = vector.shape_cast %swap3A_737 : vector<1x16xi32> to vector<16xi32>
      %swap3A_739 = vector.shape_cast %select_n3A_734 : vector<16xi32> to vector<1x16xi32>
      tpu.vector_store %arg8[%swap3A_735, %swap3A_736], %swap3A_739 {strides = array<i32>} : memref<3x128xi32, #tpu.memory_space<vmem>>, vector<1x16xi32>,
      %get3A_740 = arith.index_cast %rem3A_710 : i32 to index
      %get3A_741 = arith.constant 0 : index
      %get3A_742 = tpu.vector_load %arg7[%get3A_740, %get3A_741] {strides = array<i32>} : memref<3x128xi32, #tpu.memory_space<vmem>>, vector<1x16xi32>,
      %get3A_743 = vector.shape_cast %get3A_742 : vector<1x16xi32> to vector<16xi32>
      %jit3A_744 = arith.constant 0 : i32
      %broadcast_in_dim3A_745 = vector.broadcast %jit3A_744 : i32 to vector<16xi32>
      %select_n3A_746 = arith.select %and3A_731, %get3A_743, %broadcast_in_dim3A_745 : vector<16xi1>, vector<16xi32>
      %swap3A_747 = arith.index_cast %rem3A_710 : i32 to index
      %swap3A_748 = arith.constant 0 : index
      %swap3A_749 = tpu.vector_load %arg7[%swap3A_747, %swap3A_748] {strides = array<i32>} : memref<3x128xi32, #tpu.memory_space<vmem>>, vector<1x16xi32>,
      %swap3A_750 = vector.shape_cast %swap3A_749 : vector<1x16xi32> to vector<16xi32>
      %swap3A_751 = vector.shape_cast %select_n3A_746 : vector<16xi32> to vector<1x16xi32>
      tpu.vector_store %arg7[%swap3A_747, %swap3A_748], %swap3A_751 {strides = array<i32>} : memref<3x128xi32, #tpu.memory_space<vmem>>, vector<1x16xi32>,
      %get3A_752 = arith.index_cast %rem3A_710 : i32 to index
      %get3A_753 = arith.constant 16 : index
      %get3A_754 = tpu.vector_load %arg8[%get3A_752, %get3A_753] {strides = array<i32>} : memref<3x128xi32, #tpu.memory_space<vmem>>, vector<1x16xi32>,
      %get3A_755 = vector.shape_cast %get3A_754 : vector<1x16xi32> to vector<16xi32>
      %ge3A_756 = vector.broadcast %mul3A_0 : i32 to vector<16xi32>
      %ge3A_757 = arith.cmpi sge, %get3A_755, %ge3A_756 : vector<16xi32>
      %add3A_758 = arith.constant 25088 : i32
      %add3A_759 = arith.addi %mul3A_0, %add3A_758 : i32
      %lt3A_760 = vector.broadcast %add3A_759 : i32 to vector<16xi32>
      %lt3A_761 = arith.cmpi slt, %get3A_755, %lt3A_760 : vector<16xi32>
      %and3A_762 = arith.andi %ge3A_757, %lt3A_761 : vector<16xi1>
      %sub3A_763 = vector.broadcast %mul3A_0 : i32 to vector<16xi32>
      %sub3A_764 = arith.subi %get3A_755, %sub3A_763 : vector<16xi32>
      %select_n3A_765 = arith.select %and3A_762, %sub3A_764, %add3A_7 : vector<16xi1>, vector<16xi32>
      %swap3A_766 = arith.index_cast %rem3A_710 : i32 to index
      %swap3A_767 = arith.constant 16 : index
      %swap3A_768 = tpu.vector_load %arg8[%swap3A_766, %swap3A_767] {strides = array<i32>} : memref<3x128xi32, #tpu.memory_space<vmem>>, vector<1x16xi32>,
      %swap3A_769 = vector.shape_cast %swap3A_768 : vector<1x16xi32> to vector<16xi32>
      %swap3A_770 = vector.shape_cast %select_n3A_765 : vector<16xi32> to vector<1x16xi32>
      tpu.vector_store %arg8[%swap3A_766, %swap3A_767], %swap3A_770 {strides = array<i32>} : memref<3x128xi32, #tpu.memory_space<vmem>>, vector<1x16xi32>,
      %get3A_771 = arith.index_cast %rem3A_710 : i32 to index
      %get3A_772 = arith.constant 16 : index
      %get3A_773 = tpu.vector_load %arg7[%get3A_771, %get3A_772] {strides = array<i32>} : memref<3x128xi32, #tpu.memory_space<vmem>>, vector<1x16xi32>,
      %get3A_774 = vector.shape_cast %get3A_773 : vector<1x16xi32> to vector<16xi32>
      %jit3A_775 = arith.constant 0 : i32
      %broadcast_in_dim3A_776 = vector.broadcast %jit3A_775 : i32 to vector<16xi32>
      %select_n3A_777 = arith.select %and3A_762, %get3A_774, %broadcast_in_dim3A_776 : vector<16xi1>, vector<16xi32>
      %swap3A_778 = arith.index_cast %rem3A_710 : i32 to index
      %swap3A_779 = arith.constant 16 : index
      %swap3A_780 = tpu.vector_load %arg7[%swap3A_778, %swap3A_779] {strides = array<i32>} : memref<3x128xi32, #tpu.memory_space<vmem>>, vector<1x16xi32>,
      %swap3A_781 = vector.shape_cast %swap3A_780 : vector<1x16xi32> to vector<16xi32>
      %swap3A_782 = vector.shape_cast %select_n3A_777 : vector<16xi32> to vector<1x16xi32>
      tpu.vector_store %arg7[%swap3A_778, %swap3A_779], %swap3A_782 {strides = array<i32>} : memref<3x128xi32, #tpu.memory_space<vmem>>, vector<1x16xi32>,
      %get3A_783 = arith.index_cast %rem3A_710 : i32 to index
      %get3A_784 = arith.constant 32 : index
      %get3A_785 = tpu.vector_load %arg8[%get3A_783, %get3A_784] {strides = array<i32>} : memref<3x128xi32, #tpu.memory_space<vmem>>, vector<1x16xi32>,
      %get3A_786 = vector.shape_cast %get3A_785 : vector<1x16xi32> to vector<16xi32>
      %ge3A_787 = vector.broadcast %mul3A_0 : i32 to vector<16xi32>
      %ge3A_788 = arith.cmpi sge, %get3A_786, %ge3A_787 : vector<16xi32>
      %add3A_789 = arith.constant 25088 : i32
      %add3A_790 = arith.addi %mul3A_0, %add3A_789 : i32
      %lt3A_791 = vector.broadcast %add3A_790 : i32 to vector<16xi32>
      %lt3A_792 = arith.cmpi slt, %get3A_786, %lt3A_791 : vector<16xi32>
      %and3A_793 = arith.andi %ge3A_788, %lt3A_792 : vector<16xi1>
      %sub3A_794 = vector.broadcast %mul3A_0 : i32 to vector<16xi32>
      %sub3A_795 = arith.subi %get3A_786, %sub3A_794 : vector<16xi32>
      %select_n3A_796 = arith.select %and3A_793, %sub3A_795, %add3A_7 : vector<16xi1>, vector<16xi32>
      %swap3A_797 = arith.index_cast %rem3A_710 : i32 to index
      %swap3A_798 = arith.constant 32 : index
      %swap3A_799 = tpu.vector_load %arg8[%swap3A_797, %swap3A_798] {strides = array<i32>} : memref<3x128xi32, #tpu.memory_space<vmem>>, vector<1x16xi32>,
      %swap3A_800 = vector.shape_cast %swap3A_799 : vector<1x16xi32> to vector<16xi32>
      %swap3A_801 = vector.shape_cast %select_n3A_796 : vector<16xi32> to vector<1x16xi32>
      tpu.vector_store %arg8[%swap3A_797, %swap3A_798], %swap3A_801 {strides = array<i32>} : memref<3x128xi32, #tpu.memory_space<vmem>>, vector<1x16xi32>,
      %get3A_802 = arith.index_cast %rem3A_710 : i32 to index
      %get3A_803 = arith.constant 32 : index
      %get3A_804 = tpu.vector_load %arg7[%get3A_802, %get3A_803] {strides = array<i32>} : memref<3x128xi32, #tpu.memory_space<vmem>>, vector<1x16xi32>,
      %get3A_805 = vector.shape_cast %get3A_804 : vector<1x16xi32> to vector<16xi32>
      %jit3A_806 = arith.constant 0 : i32
      %broadcast_in_dim3A_807 = vector.broadcast %jit3A_806 : i32 to vector<16xi32>
      %select_n3A_808 = arith.select %and3A_793, %get3A_805, %broadcast_in_dim3A_807 : vector<16xi1>, vector<16xi32>
      %swap3A_809 = arith.index_cast %rem3A_710 : i32 to index
      %swap3A_810 = arith.constant 32 : index
      %swap3A_811 = tpu.vector_load %arg7[%swap3A_809, %swap3A_810] {strides = array<i32>} : memref<3x128xi32, #tpu.memory_space<vmem>>, vector<1x16xi32>,
      %swap3A_812 = vector.shape_cast %swap3A_811 : vector<1x16xi32> to vector<16xi32>
      %swap3A_813 = vector.shape_cast %select_n3A_808 : vector<16xi32> to vector<1x16xi32>
      tpu.vector_store %arg7[%swap3A_809, %swap3A_810], %swap3A_813 {strides = array<i32>} : memref<3x128xi32, #tpu.memory_space<vmem>>, vector<1x16xi32>,
      %get3A_814 = arith.index_cast %rem3A_710 : i32 to index
      %get3A_815 = arith.constant 48 : index
      %get3A_816 = tpu.vector_load %arg8[%get3A_814, %get3A_815] {strides = array<i32>} : memref<3x128xi32, #tpu.memory_space<vmem>>, vector<1x16xi32>,
      %get3A_817 = vector.shape_cast %get3A_816 : vector<1x16xi32> to vector<16xi32>
      %ge3A_818 = vector.broadcast %mul3A_0 : i32 to vector<16xi32>
      %ge3A_819 = arith.cmpi sge, %get3A_817, %ge3A_818 : vector<16xi32>
      %add3A_820 = arith.constant 25088 : i32
      %add3A_821 = arith.addi %mul3A_0, %add3A_820 : i32
      %lt3A_822 = vector.broadcast %add3A_821 : i32 to vector<16xi32>
      %lt3A_823 = arith.cmpi slt, %get3A_817, %lt3A_822 : vector<16xi32>
      %and3A_824 = arith.andi %ge3A_819, %lt3A_823 : vector<16xi1>
      %sub3A_825 = vector.broadcast %mul3A_0 : i32 to vector<16xi32>
      %sub3A_826 = arith.subi %get3A_817, %sub3A_825 : vector<16xi32>
      %select_n3A_827 = arith.select %and3A_824, %sub3A_826, %add3A_7 : vector<16xi1>, vector<16xi32>
      %swap3A_828 = arith.index_cast %rem3A_710 : i32 to index
      %swap3A_829 = arith.constant 48 : index
      %swap3A_830 = tpu.vector_load %arg8[%swap3A_828, %swap3A_829] {strides = array<i32>} : memref<3x128xi32, #tpu.memory_space<vmem>>, vector<1x16xi32>,
      %swap3A_831 = vector.shape_cast %swap3A_830 : vector<1x16xi32> to vector<16xi32>
      %swap3A_832 = vector.shape_cast %select_n3A_827 : vector<16xi32> to vector<1x16xi32>
      tpu.vector_store %arg8[%swap3A_828, %swap3A_829], %swap3A_832 {strides = array<i32>} : memref<3x128xi32, #tpu.memory_space<vmem>>, vector<1x16xi32>,
      %get3A_833 = arith.index_cast %rem3A_710 : i32 to index
      %get3A_834 = arith.constant 48 : index
      %get3A_835 = tpu.vector_load %arg7[%get3A_833, %get3A_834] {strides = array<i32>} : memref<3x128xi32, #tpu.memory_space<vmem>>, vector<1x16xi32>,
      %get3A_836 = vector.shape_cast %get3A_835 : vector<1x16xi32> to vector<16xi32>
      %jit3A_837 = arith.constant 0 : i32
      %broadcast_in_dim3A_838 = vector.broadcast %jit3A_837 : i32 to vector<16xi32>
      %select_n3A_839 = arith.select %and3A_824, %get3A_836, %broadcast_in_dim3A_838 : vector<16xi1>, vector<16xi32>
      %swap3A_840 = arith.index_cast %rem3A_710 : i32 to index
      %swap3A_841 = arith.constant 48 : index
      %swap3A_842 = tpu.vector_load %arg7[%swap3A_840, %swap3A_841] {strides = array<i32>} : memref<3x128xi32, #tpu.memory_space<vmem>>, vector<1x16xi32>,
      %swap3A_843 = vector.shape_cast %swap3A_842 : vector<1x16xi32> to vector<16xi32>
      %swap3A_844 = vector.shape_cast %select_n3A_839 : vector<16xi32> to vector<1x16xi32>
      tpu.vector_store %arg7[%swap3A_840, %swap3A_841], %swap3A_844 {strides = array<i32>} : memref<3x128xi32, #tpu.memory_space<vmem>>, vector<1x16xi32>,
      %get3A_845 = arith.index_cast %rem3A_710 : i32 to index
      %get3A_846 = arith.constant 64 : index
      %get3A_847 = tpu.vector_load %arg8[%get3A_845, %get3A_846] {strides = array<i32>} : memref<3x128xi32, #tpu.memory_space<vmem>>, vector<1x16xi32>,
      %get3A_848 = vector.shape_cast %get3A_847 : vector<1x16xi32> to vector<16xi32>
      %ge3A_849 = vector.broadcast %mul3A_0 : i32 to vector<16xi32>
      %ge3A_850 = arith.cmpi sge, %get3A_848, %ge3A_849 : vector<16xi32>
      %add3A_851 = arith.constant 25088 : i32
      %add3A_852 = arith.addi %mul3A_0, %add3A_851 : i32
      %lt3A_853 = vector.broadcast %add3A_852 : i32 to vector<16xi32>
      %lt3A_854 = arith.cmpi slt, %get3A_848, %lt3A_853 : vector<16xi32>
      %and3A_855 = arith.andi %ge3A_850, %lt3A_854 : vector<16xi1>
      %sub3A_856 = vector.broadcast %mul3A_0 : i32 to vector<16xi32>
      %sub3A_857 = arith.subi %get3A_848, %sub3A_856 : vector<16xi32>
      %select_n3A_858 = arith.select %and3A_855, %sub3A_857, %add3A_7 : vector<16xi1>, vector<16xi32>
      %swap3A_859 = arith.index_cast %rem3A_710 : i32 to index
      %swap3A_860 = arith.constant 64 : index
      %swap3A_861 = tpu.vector_load %arg8[%swap3A_859, %swap3A_860] {strides = array<i32>} : memref<3x128xi32, #tpu.memory_space<vmem>>, vector<1x16xi32>,
      %swap3A_862 = vector.shape_cast %swap3A_861 : vector<1x16xi32> to vector<16xi32>
      %swap3A_863 = vector.shape_cast %select_n3A_858 : vector<16xi32> to vector<1x16xi32>
      tpu.vector_store %arg8[%swap3A_859, %swap3A_860], %swap3A_863 {strides = array<i32>} : memref<3x128xi32, #tpu.memory_space<vmem>>, vector<1x16xi32>,
      %get3A_864 = arith.index_cast %rem3A_710 : i32 to index
      %get3A_865 = arith.constant 64 : index
      %get3A_866 = tpu.vector_load %arg7[%get3A_864, %get3A_865] {strides = array<i32>} : memref<3x128xi32, #tpu.memory_space<vmem>>, vector<1x16xi32>,
      %get3A_867 = vector.shape_cast %get3A_866 : vector<1x16xi32> to vector<16xi32>
      %jit3A_868 = arith.constant 0 : i32
      %broadcast_in_dim3A_869 = vector.broadcast %jit3A_868 : i32 to vector<16xi32>
      %select_n3A_870 = arith.select %and3A_855, %get3A_867, %broadcast_in_dim3A_869 : vector<16xi1>, vector<16xi32>
      %swap3A_871 = arith.index_cast %rem3A_710 : i32 to index
      %swap3A_872 = arith.constant 64 : index
      %swap3A_873 = tpu.vector_load %arg7[%swap3A_871, %swap3A_872] {strides = array<i32>} : memref<3x128xi32, #tpu.memory_space<vmem>>, vector<1x16xi32>,
      %swap3A_874 = vector.shape_cast %swap3A_873 : vector<1x16xi32> to vector<16xi32>
      %swap3A_875 = vector.shape_cast %select_n3A_870 : vector<16xi32> to vector<1x16xi32>
      tpu.vector_store %arg7[%swap3A_871, %swap3A_872], %swap3A_875 {strides = array<i32>} : memref<3x128xi32, #tpu.memory_space<vmem>>, vector<1x16xi32>,
      %get3A_876 = arith.index_cast %rem3A_710 : i32 to index
      %get3A_877 = arith.constant 80 : index
      %get3A_878 = tpu.vector_load %arg8[%get3A_876, %get3A_877] {strides = array<i32>} : memref<3x128xi32, #tpu.memory_space<vmem>>, vector<1x16xi32>,
      %get3A_879 = vector.shape_cast %get3A_878 : vector<1x16xi32> to vector<16xi32>
      %ge3A_880 = vector.broadcast %mul3A_0 : i32 to vector<16xi32>
      %ge3A_881 = arith.cmpi sge, %get3A_879, %ge3A_880 : vector<16xi32>
      %add3A_882 = arith.constant 25088 : i32
      %add3A_883 = arith.addi %mul3A_0, %add3A_882 : i32
      %lt3A_884 = vector.broadcast %add3A_883 : i32 to vector<16xi32>
      %lt3A_885 = arith.cmpi slt, %get3A_879, %lt3A_884 : vector<16xi32>
      %and3A_886 = arith.andi %ge3A_881, %lt3A_885 : vector<16xi1>
      %sub3A_887 = vector.broadcast %mul3A_0 : i32 to vector<16xi32>
      %sub3A_888 = arith.subi %get3A_879, %sub3A_887 : vector<16xi32>
      %select_n3A_889 = arith.select %and3A_886, %sub3A_888, %add3A_7 : vector<16xi1>, vector<16xi32>
      %swap3A_890 = arith.index_cast %rem3A_710 : i32 to index
      %swap3A_891 = arith.constant 80 : index
      %swap3A_892 = tpu.vector_load %arg8[%swap3A_890, %swap3A_891] {strides = array<i32>} : memref<3x128xi32, #tpu.memory_space<vmem>>, vector<1x16xi32>,
      %swap3A_893 = vector.shape_cast %swap3A_892 : vector<1x16xi32> to vector<16xi32>
      %swap3A_894 = vector.shape_cast %select_n3A_889 : vector<16xi32> to vector<1x16xi32>
      tpu.vector_store %arg8[%swap3A_890, %swap3A_891], %swap3A_894 {strides = array<i32>} : memref<3x128xi32, #tpu.memory_space<vmem>>, vector<1x16xi32>,
      %get3A_895 = arith.index_cast %rem3A_710 : i32 to index
      %get3A_896 = arith.constant 80 : index
      %get3A_897 = tpu.vector_load %arg7[%get3A_895, %get3A_896] {strides = array<i32>} : memref<3x128xi32, #tpu.memory_space<vmem>>, vector<1x16xi32>,
      %get3A_898 = vector.shape_cast %get3A_897 : vector<1x16xi32> to vector<16xi32>
      %jit3A_899 = arith.constant 0 : i32
      %broadcast_in_dim3A_900 = vector.broadcast %jit3A_899 : i32 to vector<16xi32>
      %select_n3A_901 = arith.select %and3A_886, %get3A_898, %broadcast_in_dim3A_900 : vector<16xi1>, vector<16xi32>
      %swap3A_902 = arith.index_cast %rem3A_710 : i32 to index
      %swap3A_903 = arith.constant 80 : index
      %swap3A_904 = tpu.vector_load %arg7[%swap3A_902, %swap3A_903] {strides = array<i32>} : memref<3x128xi32, #tpu.memory_space<vmem>>, vector<1x16xi32>,
      %swap3A_905 = vector.shape_cast %swap3A_904 : vector<1x16xi32> to vector<16xi32>
      %swap3A_906 = vector.shape_cast %select_n3A_901 : vector<16xi32> to vector<1x16xi32>
      tpu.vector_store %arg7[%swap3A_902, %swap3A_903], %swap3A_906 {strides = array<i32>} : memref<3x128xi32, #tpu.memory_space<vmem>>, vector<1x16xi32>,
      %get3A_907 = arith.index_cast %rem3A_710 : i32 to index
      %get3A_908 = arith.constant 96 : index
      %get3A_909 = tpu.vector_load %arg8[%get3A_907, %get3A_908] {strides = array<i32>} : memref<3x128xi32, #tpu.memory_space<vmem>>, vector<1x16xi32>,
      %get3A_910 = vector.shape_cast %get3A_909 : vector<1x16xi32> to vector<16xi32>
      %ge3A_911 = vector.broadcast %mul3A_0 : i32 to vector<16xi32>
      %ge3A_912 = arith.cmpi sge, %get3A_910, %ge3A_911 : vector<16xi32>
      %add3A_913 = arith.constant 25088 : i32
      %add3A_914 = arith.addi %mul3A_0, %add3A_913 : i32
      %lt3A_915 = vector.broadcast %add3A_914 : i32 to vector<16xi32>
      %lt3A_916 = arith.cmpi slt, %get3A_910, %lt3A_915 : vector<16xi32>
      %and3A_917 = arith.andi %ge3A_912, %lt3A_916 : vector<16xi1>
      %sub3A_918 = vector.broadcast %mul3A_0 : i32 to vector<16xi32>
      %sub3A_919 = arith.subi %get3A_910, %sub3A_918 : vector<16xi32>
      %select_n3A_920 = arith.select %and3A_917, %sub3A_919, %add3A_7 : vector<16xi1>, vector<16xi32>
      %swap3A_921 = arith.index_cast %rem3A_710 : i32 to index
      %swap3A_922 = arith.constant 96 : index
      %swap3A_923 = tpu.vector_load %arg8[%swap3A_921, %swap3A_922] {strides = array<i32>} : memref<3x128xi32, #tpu.memory_space<vmem>>, vector<1x16xi32>,
      %swap3A_924 = vector.shape_cast %swap3A_923 : vector<1x16xi32> to vector<16xi32>
      %swap3A_925 = vector.shape_cast %select_n3A_920 : vector<16xi32> to vector<1x16xi32>
      tpu.vector_store %arg8[%swap3A_921, %swap3A_922], %swap3A_925 {strides = array<i32>} : memref<3x128xi32, #tpu.memory_space<vmem>>, vector<1x16xi32>,
      %get3A_926 = arith.index_cast %rem3A_710 : i32 to index
      %get3A_927 = arith.constant 96 : index
      %get3A_928 = tpu.vector_load %arg7[%get3A_926, %get3A_927] {strides = array<i32>} : memref<3x128xi32, #tpu.memory_space<vmem>>, vector<1x16xi32>,
      %get3A_929 = vector.shape_cast %get3A_928 : vector<1x16xi32> to vector<16xi32>
      %jit3A_930 = arith.constant 0 : i32
      %broadcast_in_dim3A_931 = vector.broadcast %jit3A_930 : i32 to vector<16xi32>
      %select_n3A_932 = arith.select %and3A_917, %get3A_929, %broadcast_in_dim3A_931 : vector<16xi1>, vector<16xi32>
      %swap3A_933 = arith.index_cast %rem3A_710 : i32 to index
      %swap3A_934 = arith.constant 96 : index
      %swap3A_935 = tpu.vector_load %arg7[%swap3A_933, %swap3A_934] {strides = array<i32>} : memref<3x128xi32, #tpu.memory_space<vmem>>, vector<1x16xi32>,
      %swap3A_936 = vector.shape_cast %swap3A_935 : vector<1x16xi32> to vector<16xi32>
      %swap3A_937 = vector.shape_cast %select_n3A_932 : vector<16xi32> to vector<1x16xi32>
      tpu.vector_store %arg7[%swap3A_933, %swap3A_934], %swap3A_937 {strides = array<i32>} : memref<3x128xi32, #tpu.memory_space<vmem>>, vector<1x16xi32>,
      %get3A_938 = arith.index_cast %rem3A_710 : i32 to index
      %get3A_939 = arith.constant 112 : index
      %get3A_940 = tpu.vector_load %arg8[%get3A_938, %get3A_939] {strides = array<i32>} : memref<3x128xi32, #tpu.memory_space<vmem>>, vector<1x16xi32>,
      %get3A_941 = vector.shape_cast %get3A_940 : vector<1x16xi32> to vector<16xi32>
      %ge3A_942 = vector.broadcast %mul3A_0 : i32 to vector<16xi32>
      %ge3A_943 = arith.cmpi sge, %get3A_941, %ge3A_942 : vector<16xi32>
      %add3A_944 = arith.constant 25088 : i32
      %add3A_945 = arith.addi %mul3A_0, %add3A_944 : i32
      %lt3A_946 = vector.broadcast %add3A_945 : i32 to vector<16xi32>
      %lt3A_947 = arith.cmpi slt, %get3A_941, %lt3A_946 : vector<16xi32>
      %and3A_948 = arith.andi %ge3A_943, %lt3A_947 : vector<16xi1>
      %sub3A_949 = vector.broadcast %mul3A_0 : i32 to vector<16xi32>
      %sub3A_950 = arith.subi %get3A_941, %sub3A_949 : vector<16xi32>
      %select_n3A_951 = arith.select %and3A_948, %sub3A_950, %add3A_7 : vector<16xi1>, vector<16xi32>
      %swap3A_952 = arith.index_cast %rem3A_710 : i32 to index
      %swap3A_953 = arith.constant 112 : index
      %swap3A_954 = tpu.vector_load %arg8[%swap3A_952, %swap3A_953] {strides = array<i32>} : memref<3x128xi32, #tpu.memory_space<vmem>>, vector<1x16xi32>,
      %swap3A_955 = vector.shape_cast %swap3A_954 : vector<1x16xi32> to vector<16xi32>
      %swap3A_956 = vector.shape_cast %select_n3A_951 : vector<16xi32> to vector<1x16xi32>
      tpu.vector_store %arg8[%swap3A_952, %swap3A_953], %swap3A_956 {strides = array<i32>} : memref<3x128xi32, #tpu.memory_space<vmem>>, vector<1x16xi32>,
      %get3A_957 = arith.index_cast %rem3A_710 : i32 to index
      %get3A_958 = arith.constant 112 : index
      %get3A_959 = tpu.vector_load %arg7[%get3A_957, %get3A_958] {strides = array<i32>} : memref<3x128xi32, #tpu.memory_space<vmem>>, vector<1x16xi32>,
      %get3A_960 = vector.shape_cast %get3A_959 : vector<1x16xi32> to vector<16xi32>
      %jit3A_961 = arith.constant 0 : i32
      %broadcast_in_dim3A_962 = vector.broadcast %jit3A_961 : i32 to vector<16xi32>
      %select_n3A_963 = arith.select %and3A_948, %get3A_960, %broadcast_in_dim3A_962 : vector<16xi1>, vector<16xi32>
      %swap3A_964 = arith.index_cast %rem3A_710 : i32 to index
      %swap3A_965 = arith.constant 112 : index
      %swap3A_966 = tpu.vector_load %arg7[%swap3A_964, %swap3A_965] {strides = array<i32>} : memref<3x128xi32, #tpu.memory_space<vmem>>, vector<1x16xi32>,
      %swap3A_967 = vector.shape_cast %swap3A_966 : vector<1x16xi32> to vector<16xi32>
      %swap3A_968 = vector.shape_cast %select_n3A_963 : vector<16xi32> to vector<1x16xi32>
      tpu.vector_store %arg7[%swap3A_964, %swap3A_965], %swap3A_968 {strides = array<i32>} : memref<3x128xi32, #tpu.memory_space<vmem>>, vector<1x16xi32>,
      %dma_start3A_969 = arith.constant 0 : i32
      %dma_start3A_970 = arith.constant 0 : i32
      %dma_start3A_971 = tpu.memref_slice %arg9[%rem3A_710, %dma_start3A_969, %dma_start3A_970] : memref<3x128x64xf32, #tpu.memory_space<vmem>> -> memref<1x128x64xf32, #tpu.memory_space<vmem>>
      %dma_start3A_972 = tpu.memref_squeeze %dma_start3A_971 : memref<1x128x64xf32, #tpu.memory_space<vmem>> -> memref<128x64xf32, #tpu.memory_space<vmem>>
      %dma_start3A_973 = arith.constant 0 : i32
      %dma_start3A_974 = tpu.memref_slice %arg7[%rem3A_710, %dma_start3A_973] : memref<3x128xi32, #tpu.memory_space<vmem>> -> memref<1x128xi32, #tpu.memory_space<vmem>>
      %dma_start3A_975 = tpu.memref_squeeze %dma_start3A_974 : memref<1x128xi32, #tpu.memory_space<vmem>> -> memref<128xi32, #tpu.memory_space<vmem>>
      %dma_start3A_976 = arith.constant 0 : i32
      %dma_start3A_977 = arith.constant 0 : i32
      %dma_start3A_978 = tpu.memref_slice %arg2[%dma_start3A_976, %dma_start3A_977] : memref<50176x64xf32, #tpu.memory_space<hbm>> -> memref<50176x64xf32, #tpu.memory_space<hbm>>
      %dma_start3A_979 = tpu.memref_slice %arg11[%rem3A_710] : memref<3x!tpu.dma_semaphore, #tpu.memory_space<semaphore_mem>> -> memref<1x!tpu.dma_semaphore, #tpu.memory_space<semaphore_mem>>
      %dma_start3A_980 = tpu.memref_squeeze %dma_start3A_979 : memref<1x!tpu.dma_semaphore, #tpu.memory_space<semaphore_mem>> -> memref<!tpu.dma_semaphore, #tpu.memory_space<semaphore_mem>>
      tpu.enqueue_indirect_dma source(%dma_start3A_978 : memref<50176x64xf32, #tpu.memory_space<hbm>>) target(%dma_start3A_972 : memref<128x64xf32, #tpu.memory_space<vmem>>) offsets(%dma_start3A_975 : memref<128xi32, #tpu.memory_space<vmem>>) semaphore(%dma_start3A_980 : memref<!tpu.dma_semaphore, #tpu.memory_space<semaphore_mem>>)
      %dma_wait3A_981 = arith.constant 0 : i32
      %dma_wait3A_982 = arith.constant 0 : i32
      %dma_wait3A_983 = tpu.memref_slice %arg9[%rem3A_706, %dma_wait3A_981, %dma_wait3A_982] : memref<3x128x64xf32, #tpu.memory_space<vmem>> -> memref<1x128x64xf32, #tpu.memory_space<vmem>>
      %dma_wait3A_984 = tpu.memref_squeeze %dma_wait3A_983 : memref<1x128x64xf32, #tpu.memory_space<vmem>> -> memref<128x64xf32, #tpu.memory_space<vmem>>
      %dma_wait3A_985 = arith.constant 0 : i32
      %dma_wait3A_986 = tpu.memref_slice %arg7[%rem3A_706, %dma_wait3A_985] : memref<3x128xi32, #tpu.memory_space<vmem>> -> memref<1x128xi32, #tpu.memory_space<vmem>>
      %dma_wait3A_987 = tpu.memref_squeeze %dma_wait3A_986 : memref<1x128xi32, #tpu.memory_space<vmem>> -> memref<128xi32, #tpu.memory_space<vmem>>
      %dma_wait3A_988 = arith.constant 0 : i32
      %dma_wait3A_989 = arith.constant 0 : i32
      %dma_wait3A_990 = tpu.memref_slice %arg2[%dma_wait3A_988, %dma_wait3A_989] : memref<50176x64xf32, #tpu.memory_space<hbm>> -> memref<50176x64xf32, #tpu.memory_space<hbm>>
      %dma_wait3A_991 = tpu.memref_slice %arg11[%rem3A_706] : memref<3x!tpu.dma_semaphore, #tpu.memory_space<semaphore_mem>> -> memref<1x!tpu.dma_semaphore, #tpu.memory_space<semaphore_mem>>
      %dma_wait3A_992 = tpu.memref_squeeze %dma_wait3A_991 : memref<1x!tpu.dma_semaphore, #tpu.memory_space<semaphore_mem>> -> memref<!tpu.dma_semaphore, #tpu.memory_space<semaphore_mem>>
      tpu.wait_indirect_dma semaphore(%dma_wait3A_992 : memref<!tpu.dma_semaphore, #tpu.memory_space<semaphore_mem>>) src(%dma_wait3A_990 : memref<50176x64xf32, #tpu.memory_space<hbm>>) dst(%dma_wait3A_984 : memref<128x64xf32, #tpu.memory_space<vmem>>)
      %dma_start3A_993 = arith.constant 0 : i32
      %dma_start3A_994 = arith.constant 0 : i32
      %dma_start3A_995 = tpu.memref_slice %arg9[%rem3A_706, %dma_start3A_993, %dma_start3A_994] : memref<3x128x64xf32, #tpu.memory_space<vmem>> -> memref<1x128x64xf32, #tpu.memory_space<vmem>>
      %dma_start3A_996 = tpu.memref_squeeze %dma_start3A_995 : memref<1x128x64xf32, #tpu.memory_space<vmem>> -> memref<128x64xf32, #tpu.memory_space<vmem>>
      %dma_start3A_997 = arith.constant 0 : i32
      %dma_start3A_998 = tpu.memref_slice %arg8[%rem3A_706, %dma_start3A_997] : memref<3x128xi32, #tpu.memory_space<vmem>> -> memref<1x128xi32, #tpu.memory_space<vmem>>
      %dma_start3A_999 = tpu.memref_squeeze %dma_start3A_998 : memref<1x128xi32, #tpu.memory_space<vmem>> -> memref<128xi32, #tpu.memory_space<vmem>>
      %dma_start3A_1000 = arith.constant 0 : i32
      %dma_start3A_1001 = arith.constant 0 : i32
      %dma_start3A_1002 = tpu.memref_slice %arg10[%dma_start3A_1000, %dma_start3A_1001] : memref<25344x64xf32, #tpu.memory_space<vmem_shared>> -> memref<25344x64xf32, #tpu.memory_space<vmem_shared>>
      tpu.enqueue_indirect_dma source(%dma_start3A_996 : memref<128x64xf32, #tpu.memory_space<vmem>>) target(%dma_start3A_1002 : memref<25344x64xf32, #tpu.memory_space<vmem_shared>>) offsets(%dma_start3A_999 : memref<128xi32, #tpu.memory_space<vmem>>) semaphore(%arg12 : memref<!tpu.dma_semaphore, #tpu.memory_space<semaphore_mem>>) {add = true}
    }
    %scan3A_607 = arith.constant 390 : i32
    %dma_wait3A = arith.constant 0 : i32
    %dma_wait3A_608 = arith.constant 0 : i32
    %dma_wait3A_609 = arith.constant 0 : i32
    %dma_wait3A_610 = arith.constant 0 : i32
    %dma_wait3A_611 = tpu.memref_slice %arg9[%dma_wait3A, %dma_wait3A_609, %dma_wait3A_610] : memref<3x128x64xf32, #tpu.memory_space<vmem>> -> memref<1x128x64xf32, #tpu.memory_space<vmem>>
    %dma_wait3A_612 = tpu.memref_squeeze %dma_wait3A_611 : memref<1x128x64xf32, #tpu.memory_space<vmem>> -> memref<128x64xf32, #tpu.memory_space<vmem>>
    %dma_wait3A_613 = arith.constant 0 : i32
    %dma_wait3A_614 = tpu.memref_slice %arg8[%dma_wait3A_608, %dma_wait3A_613] : memref<3x128xi32, #tpu.memory_space<vmem>> -> memref<1x128xi32, #tpu.memory_space<vmem>>
    %dma_wait3A_615 = tpu.memref_squeeze %dma_wait3A_614 : memref<1x128xi32, #tpu.memory_space<vmem>> -> memref<128xi32, #tpu.memory_space<vmem>>
    %dma_wait3A_616 = arith.constant 0 : i32
    %dma_wait3A_617 = arith.constant 0 : i32
    %dma_wait3A_618 = tpu.memref_slice %arg10[%dma_wait3A_616, %dma_wait3A_617] : memref<25344x64xf32, #tpu.memory_space<vmem_shared>> -> memref<25344x64xf32, #tpu.memory_space<vmem_shared>>
    tpu.wait_indirect_dma semaphore(%arg12 : memref<!tpu.dma_semaphore, #tpu.memory_space<semaphore_mem>>) src(%dma_wait3A_612 : memref<128x64xf32, #tpu.memory_space<vmem>>) dst(%dma_wait3A_618 : memref<25344x64xf32, #tpu.memory_space<vmem_shared>>)
    %dma_wait3A_619 = arith.constant 0 : i32
    %dma_wait3A_620 = arith.constant 0 : i32
    %dma_wait3A_621 = arith.constant 0 : i32
    %dma_wait3A_622 = arith.constant 0 : i32
    %dma_wait3A_623 = arith.constant 0 : i32
    %dma_wait3A_624 = tpu.memref_slice %arg9[%dma_wait3A_620, %dma_wait3A_622, %dma_wait3A_623] : memref<3x128x64xf32, #tpu.memory_space<vmem>> -> memref<1x128x64xf32, #tpu.memory_space<vmem>>
    %dma_wait3A_625 = tpu.memref_squeeze %dma_wait3A_624 : memref<1x128x64xf32, #tpu.memory_space<vmem>> -> memref<128x64xf32, #tpu.memory_space<vmem>>
    %dma_wait3A_626 = arith.constant 0 : i32
    %dma_wait3A_627 = tpu.memref_slice %arg7[%dma_wait3A_619, %dma_wait3A_626] : memref<3x128xi32, #tpu.memory_space<vmem>> -> memref<1x128xi32, #tpu.memory_space<vmem>>
    %dma_wait3A_628 = tpu.memref_squeeze %dma_wait3A_627 : memref<1x128xi32, #tpu.memory_space<vmem>> -> memref<128xi32, #tpu.memory_space<vmem>>
    %dma_wait3A_629 = arith.constant 0 : i32
    %dma_wait3A_630 = arith.constant 0 : i32
    %dma_wait3A_631 = tpu.memref_slice %arg2[%dma_wait3A_629, %dma_wait3A_630] : memref<50176x64xf32, #tpu.memory_space<hbm>> -> memref<50176x64xf32, #tpu.memory_space<hbm>>
    %dma_wait3A_632 = tpu.memref_slice %arg11[%dma_wait3A_621] : memref<3x!tpu.dma_semaphore, #tpu.memory_space<semaphore_mem>> -> memref<1x!tpu.dma_semaphore, #tpu.memory_space<semaphore_mem>>
    %dma_wait3A_633 = tpu.memref_squeeze %dma_wait3A_632 : memref<1x!tpu.dma_semaphore, #tpu.memory_space<semaphore_mem>> -> memref<!tpu.dma_semaphore, #tpu.memory_space<semaphore_mem>>
    tpu.wait_indirect_dma semaphore(%dma_wait3A_633 : memref<!tpu.dma_semaphore, #tpu.memory_space<semaphore_mem>>) src(%dma_wait3A_631 : memref<50176x64xf32, #tpu.memory_space<hbm>>) dst(%dma_wait3A_625 : memref<128x64xf32, #tpu.memory_space<vmem>>)
    %dma_start3A_634 = arith.constant 0 : i32
    %dma_start3A_635 = arith.constant 0 : i32
    %dma_start3A_636 = arith.constant 0 : i32
    %dma_start3A_637 = arith.constant 0 : i32
    %dma_start3A_638 = tpu.memref_slice %arg9[%dma_start3A_634, %dma_start3A_636, %dma_start3A_637] : memref<3x128x64xf32, #tpu.memory_space<vmem>> -> memref<1x128x64xf32, #tpu.memory_space<vmem>>
    %dma_start3A_639 = tpu.memref_squeeze %dma_start3A_638 : memref<1x128x64xf32, #tpu.memory_space<vmem>> -> memref<128x64xf32, #tpu.memory_space<vmem>>
    %dma_start3A_640 = arith.constant 0 : i32
    %dma_start3A_641 = tpu.memref_slice %arg8[%dma_start3A_635, %dma_start3A_640] : memref<3x128xi32, #tpu.memory_space<vmem>> -> memref<1x128xi32, #tpu.memory_space<vmem>>
    %dma_start3A_642 = tpu.memref_squeeze %dma_start3A_641 : memref<1x128xi32, #tpu.memory_space<vmem>> -> memref<128xi32, #tpu.memory_space<vmem>>
    %dma_start3A_643 = arith.constant 0 : i32
    %dma_start3A_644 = arith.constant 0 : i32
    %dma_start3A_645 = tpu.memref_slice %arg10[%dma_start3A_643, %dma_start3A_644] : memref<25344x64xf32, #tpu.memory_space<vmem_shared>> -> memref<25344x64xf32, #tpu.memory_space<vmem_shared>>
    tpu.enqueue_indirect_dma source(%dma_start3A_639 : memref<128x64xf32, #tpu.memory_space<vmem>>) target(%dma_start3A_645 : memref<25344x64xf32, #tpu.memory_space<vmem_shared>>) offsets(%dma_start3A_642 : memref<128xi32, #tpu.memory_space<vmem>>) semaphore(%arg12 : memref<!tpu.dma_semaphore, #tpu.memory_space<semaphore_mem>>) {add = true}
    %dma_wait3A_646 = arith.constant 0 : i32
    %dma_wait3A_647 = arith.constant 0 : i32
    %dma_wait3A_648 = arith.constant 0 : i32
    %dma_wait3A_649 = arith.constant 0 : i32
    %dma_wait3A_650 = tpu.memref_slice %arg9[%dma_wait3A_646, %dma_wait3A_648, %dma_wait3A_649] : memref<3x128x64xf32, #tpu.memory_space<vmem>> -> memref<1x128x64xf32, #tpu.memory_space<vmem>>
    %dma_wait3A_651 = tpu.memref_squeeze %dma_wait3A_650 : memref<1x128x64xf32, #tpu.memory_space<vmem>> -> memref<128x64xf32, #tpu.memory_space<vmem>>
    %dma_wait3A_652 = arith.constant 0 : i32
    %dma_wait3A_653 = tpu.memref_slice %arg8[%dma_wait3A_647, %dma_wait3A_652] : memref<3x128xi32, #tpu.memory_space<vmem>> -> memref<1x128xi32, #tpu.memory_space<vmem>>
    %dma_wait3A_654 = tpu.memref_squeeze %dma_wait3A_653 : memref<1x128xi32, #tpu.memory_space<vmem>> -> memref<128xi32, #tpu.memory_space<vmem>>
    %dma_wait3A_655 = arith.constant 0 : i32
    %dma_wait3A_656 = arith.constant 0 : i32
    %dma_wait3A_657 = tpu.memref_slice %arg10[%dma_wait3A_655, %dma_wait3A_656] : memref<25344x64xf32, #tpu.memory_space<vmem_shared>> -> memref<25344x64xf32, #tpu.memory_space<vmem_shared>>
    tpu.wait_indirect_dma semaphore(%arg12 : memref<!tpu.dma_semaphore, #tpu.memory_space<semaphore_mem>>) src(%dma_wait3A_651 : memref<128x64xf32, #tpu.memory_space<vmem>>) dst(%dma_wait3A_657 : memref<25344x64xf32, #tpu.memory_space<vmem_shared>>)
    %dma_wait3A_658 = arith.constant 1 : i32
    %dma_wait3A_659 = arith.constant 1 : i32
    %dma_wait3A_660 = arith.constant 1 : i32
    %dma_wait3A_661 = arith.constant 0 : i32
    %dma_wait3A_662 = arith.constant 0 : i32
    %dma_wait3A_663 = tpu.memref_slice %arg9[%dma_wait3A_659, %dma_wait3A_661, %dma_wait3A_662] : memref<3x128x64xf32, #tpu.memory_space<vmem>> -> memref<1x128x64xf32, #tpu.memory_space<vmem>>
    %dma_wait3A_664 = tpu.memref_squeeze %dma_wait3A_663 : memref<1x128x64xf32, #tpu.memory_space<vmem>> -> memref<128x64xf32, #tpu.memory_space<vmem>>
    %dma_wait3A_665 = arith.constant 0 : i32
    %dma_wait3A_666 = tpu.memref_slice %arg7[%dma_wait3A_658, %dma_wait3A_665] : memref<3x128xi32, #tpu.memory_space<vmem>> -> memref<1x128xi32, #tpu.memory_space<vmem>>
    %dma_wait3A_667 = tpu.memref_squeeze %dma_wait3A_666 : memref<1x128xi32, #tpu.memory_space<vmem>> -> memref<128xi32, #tpu.memory_space<vmem>>
    %dma_wait3A_668 = arith.constant 0 : i32
    %dma_wait3A_669 = arith.constant 0 : i32
    %dma_wait3A_670 = tpu.memref_slice %arg2[%dma_wait3A_668, %dma_wait3A_669] : memref<50176x64xf32, #tpu.memory_space<hbm>> -> memref<50176x64xf32, #tpu.memory_space<hbm>>
    %dma_wait3A_671 = tpu.memref_slice %arg11[%dma_wait3A_660] : memref<3x!tpu.dma_semaphore, #tpu.memory_space<semaphore_mem>> -> memref<1x!tpu.dma_semaphore, #tpu.memory_space<semaphore_mem>>
    %dma_wait3A_672 = tpu.memref_squeeze %dma_wait3A_671 : memref<1x!tpu.dma_semaphore, #tpu.memory_space<semaphore_mem>> -> memref<!tpu.dma_semaphore, #tpu.memory_space<semaphore_mem>>
    tpu.wait_indirect_dma semaphore(%dma_wait3A_672 : memref<!tpu.dma_semaphore, #tpu.memory_space<semaphore_mem>>) src(%dma_wait3A_670 : memref<50176x64xf32, #tpu.memory_space<hbm>>) dst(%dma_wait3A_664 : memref<128x64xf32, #tpu.memory_space<vmem>>)
    %dma_start3A_673 = arith.constant 1 : i32
    %dma_start3A_674 = arith.constant 1 : i32
    %dma_start3A_675 = arith.constant 0 : i32
    %dma_start3A_676 = arith.constant 0 : i32
    %dma_start3A_677 = tpu.memref_slice %arg9[%dma_start3A_673, %dma_start3A_675, %dma_start3A_676] : memref<3x128x64xf32, #tpu.memory_space<vmem>> -> memref<1x128x64xf32, #tpu.memory_space<vmem>>
    %dma_start3A_678 = tpu.memref_squeeze %dma_start3A_677 : memref<1x128x64xf32, #tpu.memory_space<vmem>> -> memref<128x64xf32, #tpu.memory_space<vmem>>
    %dma_start3A_679 = arith.constant 0 : i32
    %dma_start3A_680 = tpu.memref_slice %arg8[%dma_start3A_674, %dma_start3A_679] : memref<3x128xi32, #tpu.memory_space<vmem>> -> memref<1x128xi32, #tpu.memory_space<vmem>>
    %dma_start3A_681 = tpu.memref_squeeze %dma_start3A_680 : memref<1x128xi32, #tpu.memory_space<vmem>> -> memref<128xi32, #tpu.memory_space<vmem>>
    %dma_start3A_682 = arith.constant 0 : i32
    %dma_start3A_683 = arith.constant 0 : i32
    %dma_start3A_684 = tpu.memref_slice %arg10[%dma_start3A_682, %dma_start3A_683] : memref<25344x64xf32, #tpu.memory_space<vmem_shared>> -> memref<25344x64xf32, #tpu.memory_space<vmem_shared>>
    tpu.enqueue_indirect_dma source(%dma_start3A_678 : memref<128x64xf32, #tpu.memory_space<vmem>>) target(%dma_start3A_684 : memref<25344x64xf32, #tpu.memory_space<vmem_shared>>) offsets(%dma_start3A_681 : memref<128xi32, #tpu.memory_space<vmem>>) semaphore(%arg12 : memref<!tpu.dma_semaphore, #tpu.memory_space<semaphore_mem>>) {add = true}
    %dma_wait3A_685 = arith.constant 0 : i32
    %dma_wait3A_686 = arith.constant 0 : i32
    %dma_wait3A_687 = arith.constant 0 : i32
    %dma_wait3A_688 = arith.constant 0 : i32
    %dma_wait3A_689 = tpu.memref_slice %arg9[%dma_wait3A_685, %dma_wait3A_687, %dma_wait3A_688] : memref<3x128x64xf32, #tpu.memory_space<vmem>> -> memref<1x128x64xf32, #tpu.memory_space<vmem>>
    %dma_wait3A_690 = tpu.memref_squeeze %dma_wait3A_689 : memref<1x128x64xf32, #tpu.memory_space<vmem>> -> memref<128x64xf32, #tpu.memory_space<vmem>>
    %dma_wait3A_691 = arith.constant 0 : i32
    %dma_wait3A_692 = tpu.memref_slice %arg8[%dma_wait3A_686, %dma_wait3A_691] : memref<3x128xi32, #tpu.memory_space<vmem>> -> memref<1x128xi32, #tpu.memory_space<vmem>>
    %dma_wait3A_693 = tpu.memref_squeeze %dma_wait3A_692 : memref<1x128xi32, #tpu.memory_space<vmem>> -> memref<128xi32, #tpu.memory_space<vmem>>
    %dma_wait3A_694 = arith.constant 0 : i32
    %dma_wait3A_695 = arith.constant 0 : i32
    %dma_wait3A_696 = tpu.memref_slice %arg10[%dma_wait3A_694, %dma_wait3A_695] : memref<25344x64xf32, #tpu.memory_space<vmem_shared>> -> memref<25344x64xf32, #tpu.memory_space<vmem_shared>>
    tpu.wait_indirect_dma semaphore(%arg12 : memref<!tpu.dma_semaphore, #tpu.memory_space<semaphore_mem>>) src(%dma_wait3A_690 : memref<128x64xf32, #tpu.memory_space<vmem>>) dst(%dma_wait3A_696 : memref<25344x64xf32, #tpu.memory_space<vmem_shared>>)
    %barrier3A_697 = arith.constant 0 : index
    tpu.barrier barrier_id(%barrier3A_697)
    %mul3A_698 = arith.constant 1568 : i32
    %mul3A_699 = arith.muli %arg1, %mul3A_698 : i32
    %mul3A_700 = arith.constant 25088 : i32
    %mul3A_701 = arith.muli %arg0, %mul3A_700 : i32
    %mul3A_702 = arith.constant 1568 : i32
    %mul3A_703 = arith.muli %arg1, %mul3A_702 : i32
    %add3A_704 = arith.addi %mul3A_701, %mul3A_703 : i32
    "tpu.region"() ({
      %run_scoped3A_705 = tpu.sem_alloc : memref<!tpu.dma_semaphore, #tpu.memory_space<semaphore_mem>>
      %dma_start3A_706 = arith.constant 0 : i32
      %dma_start3A_707 = tpu.memref_slice %arg6[%add3A_704, %dma_start3A_706] : memref<50176x64xf32, #tpu.memory_space<hbm>> -> memref<1568x64xf32, #tpu.memory_space<hbm>>
      %dma_start3A_708 = arith.constant 0 : i32
      %dma_start3A_709 = tpu.memref_slice %arg10[%mul3A_699, %dma_start3A_708] : memref<25344x64xf32, #tpu.memory_space<vmem_shared>> -> memref<1568x64xf32, #tpu.memory_space<vmem_shared>>
      tpu.enqueue_dma source(%dma_start3A_709 : memref<1568x64xf32, #tpu.memory_space<vmem_shared>>) target(%dma_start3A_707 : memref<1568x64xf32, #tpu.memory_space<hbm>>) target_semaphore(%run_scoped3A_705 : memref<!tpu.dma_semaphore, #tpu.memory_space<semaphore_mem>>)
      %dma_wait3A_710 = arith.constant 0 : i32
      %dma_wait3A_711 = tpu.memref_slice %arg6[%add3A_704, %dma_wait3A_710] : memref<50176x64xf32, #tpu.memory_space<hbm>> -> memref<1568x64xf32, #tpu.memory_space<hbm>>
      %dma_wait3A_712 = arith.constant 0 : i32
      %dma_wait3A_713 = tpu.memref_slice %arg10[%mul3A_699, %dma_wait3A_712] : memref<25344x64xf32, #tpu.memory_space<vmem_shared>> -> memref<1568x64xf32, #tpu.memory_space<vmem_shared>>
      tpu.wait_dma2 semaphore(%run_scoped3A_705 : memref<!tpu.dma_semaphore, #tpu.memory_space<semaphore_mem>>) src(%dma_wait3A_713 : memref<1568x64xf32, #tpu.memory_space<vmem_shared>>) dst(%dma_wait3A_711 : memref<1568x64xf32, #tpu.memory_space<hbm>>)
      tpu.yield
    }) : () -> ()
    return
  }
}

module attributes {stable_mosaic.version = 14 : i64} {
  func.func @_embed_body(%arg0: i32, %arg1: memref<512x11xf32, #tpu.memory_space<vmem>>, %arg2: memref<11x64xf32, #tpu.memory_space<vmem>>, %arg3: memref<11x64xf32, #tpu.memory_space<vmem>>, %arg4: memref<8x64xf32, #tpu.memory_space<vmem>>, %arg5: memref<8x64xf32, #tpu.memory_space<vmem>>, %arg6: memref<512x64xf32, #tpu.memory_space<vmem>>) attributes {dimension_semantics = [#tpu.dimension_semantics<arbitrary>], iteration_bounds = array<i64: 98>, scalar_prefetch = 0 : i64, scratch_operands = 0 : i64, tpu.core_type = #tpu.core_type<tc>, window_params = [{transform_indices = @transform_0, window_bounds = array<i64: 512, 11>}, {pipeline_mode = #tpu.pipeline_mode<synchronous>, transform_indices = @transform_1, window_bounds = array<i64: 11, 64>}, {pipeline_mode = #tpu.pipeline_mode<synchronous>, transform_indices = @transform_2, window_bounds = array<i64: 11, 64>}, {pipeline_mode = #tpu.pipeline_mode<synchronous>, transform_indices = @transform_3, window_bounds = array<i64: 8, 64>}, {pipeline_mode = #tpu.pipeline_mode<synchronous>, transform_indices = @transform_4, window_bounds = array<i64: 8, 64>}, {transform_indices = @transform_5, window_bounds = array<i64: 512, 64>}]} {
    %mul3A = arith.constant 512 : i32
    %mul3A_0 = arith.muli %arg0, %mul3A : i32
    %iota3A = tpu.iota {dimensions = array<i32: 0>} : vector<512x1xi32>
    %add3A = vector.broadcast %mul3A_0 : i32 to vector<512x1xi32>
    %add3A_1 = arith.addi %add3A, %iota3A : vector<512x1xi32>
    %jit3A = arith.constant 9 : i32
    %eq3A = arith.constant 0 : i32
    %eq3A_2 = arith.cmpi eq, %jit3A, %eq3A : i32
    %jit3A_3 = arith.constant 1 : i32
    %select_n3A = arith.select %eq3A_2, %jit3A_3, %jit3A : i32
    %rem3A = vector.broadcast %select_n3A : i32 to vector<512x1xi32>
    %rem3A_4 = arith.remsi %add3A_1, %rem3A : vector<512x1xi32>
    %ne3A = arith.constant 0 : i32
    %ne3A_5 = vector.broadcast %ne3A : i32 to vector<512x1xi32>
    %ne3A_6 = arith.cmpi ne, %rem3A_4, %ne3A_5 : vector<512x1xi32>
    %lt3A = arith.constant 0 : i32
    %lt3A_7 = vector.broadcast %lt3A : i32 to vector<512x1xi32>
    %lt3A_8 = arith.cmpi slt, %rem3A_4, %lt3A_7 : vector<512x1xi32>
    %lt3A_9 = arith.constant 0 : i32
    %lt3A_10 = arith.cmpi slt, %select_n3A, %lt3A_9 : i32
    %ne3A_11 = vector.broadcast %lt3A_10 : i1 to vector<512x1xi1>
    %ne3A_12 = vector.broadcast %ne3A_11 : vector<512x1xi1> to vector<512x1xi1>
    %ne3A_13 = arith.xori %lt3A_8, %ne3A_12 : vector<512x1xi1>
    %and3A = arith.andi %ne3A_13, %ne3A_6 : vector<512x1xi1>
    %add3A_14 = vector.broadcast %select_n3A : i32 to vector<512x1xi32>
    %add3A_15 = arith.addi %rem3A_4, %add3A_14 : vector<512x1xi32>
    %select_n3A_16 = arith.select %and3A, %add3A_15, %rem3A_4 : vector<512x1xi1>, vector<512x1xi32>
    %eq3A_17 = arith.constant 0 : i32
    %eq3A_18 = vector.broadcast %eq3A_17 : i32 to vector<512x1xi32>
    %eq3A_19 = arith.cmpi eq, %select_n3A_16, %eq3A_18 : vector<512x1xi32>
    %get3A = arith.constant 0 : index
    %get3A_20 = arith.constant 0 : index
    %get3A_21 = vector.load %arg1[%get3A, %get3A_20] : memref<512x11xf32, #tpu.memory_space<vmem>>, vector<512x11xf32>
    %get3A_22 = arith.constant 0 : index
    %get3A_23 = arith.constant 0 : index
    %get3A_24 = vector.load %arg2[%get3A_22, %get3A_23] : memref<11x64xf32, #tpu.memory_space<vmem>>, vector<11x64xf32>
    %dot_general3A = arith.constant dense<0.000000e+00> : vector<512x64xf32>
    %dot_general3A_25 = tpu.matmul %get3A_21, %get3A_24, %dot_general3A {dimension_numbers = #tpu.dot_dimension_numbers<[1], [0], [0], [1], [0, 0, 1, 1], [], []>, transpose_lhs_hint = false} : vector<512x11xf32>, vector<11x64xf32>, vector<512x64xf32> -> vector<512x64xf32>
    %get3A_26 = arith.constant 0 : index
    %get3A_27 = arith.constant 0 : index
    %get3A_28 = vector.load %arg4[%get3A_26, %get3A_27] : memref<8x64xf32, #tpu.memory_space<vmem>>, vector<1x64xf32>
    %get3A_29 = vector.shape_cast %get3A_28 : vector<1x64xf32> to vector<64xf32>
    %broadcast_in_dim3A = vector.shape_cast %get3A_29 : vector<64xf32> to vector<1x64xf32>
    %add3A_30 = vector.broadcast %broadcast_in_dim3A : vector<1x64xf32> to vector<512x64xf32>
    %add3A_31 = arith.addf %dot_general3A_25, %add3A_30 : vector<512x64xf32>
    %get3A_32 = arith.constant 0 : index
    %get3A_33 = arith.constant 0 : index
    %get3A_34 = vector.load %arg3[%get3A_32, %get3A_33] : memref<11x64xf32, #tpu.memory_space<vmem>>, vector<11x64xf32>
    %dot_general3A_35 = arith.constant dense<0.000000e+00> : vector<512x64xf32>
    %dot_general3A_36 = tpu.matmul %get3A_21, %get3A_34, %dot_general3A_35 {dimension_numbers = #tpu.dot_dimension_numbers<[1], [0], [0], [1], [0, 0, 1, 1], [], []>, transpose_lhs_hint = false} : vector<512x11xf32>, vector<11x64xf32>, vector<512x64xf32> -> vector<512x64xf32>
    %get3A_37 = arith.constant 0 : index
    %get3A_38 = arith.constant 0 : index
    %get3A_39 = vector.load %arg5[%get3A_37, %get3A_38] : memref<8x64xf32, #tpu.memory_space<vmem>>, vector<1x64xf32>
    %get3A_40 = vector.shape_cast %get3A_39 : vector<1x64xf32> to vector<64xf32>
    %broadcast_in_dim3A_41 = vector.shape_cast %get3A_40 : vector<64xf32> to vector<1x64xf32>
    %add3A_42 = vector.broadcast %broadcast_in_dim3A_41 : vector<1x64xf32> to vector<512x64xf32>
    %add3A_43 = arith.addf %dot_general3A_36, %add3A_42 : vector<512x64xf32>
    %broadcast_in_dim3A_44 = vector.shape_cast %eq3A_19 : vector<512x1xi1> to vector<512x1xi1>
    %broadcast_in_dim3A_45 = vector.broadcast %broadcast_in_dim3A_44 : vector<512x1xi1> to vector<512x64xi1>
    %select_n3A_46 = arith.select %broadcast_in_dim3A_45, %add3A_31, %add3A_43 : vector<512x64xi1>, vector<512x64xf32>
    %swap3A = arith.constant 0 : index
    %swap3A_47 = arith.constant 0 : index
    %swap3A_48 = vector.load %arg6[%swap3A, %swap3A_47] : memref<512x64xf32, #tpu.memory_space<vmem>>, vector<512x64xf32>
    tpu.vector_store %arg6[%swap3A, %swap3A_47], %select_n3A_46 {strides = array<i32>} : memref<512x64xf32, #tpu.memory_space<vmem>>, vector<512x64xf32>,
    return
  }
  func.func @transform_0(%arg0: i32) -> (i32, i32) {
    %c0_i32 = arith.constant 0 : i32
    %c0_i32_0 = arith.constant 0 : i32
    return %arg0, %c0_i32 : i32, i32
  }
  func.func @transform_1(%arg0: i32) -> (i32, i32) {
    %c0_i32 = arith.constant 0 : i32
    %c0_i32_0 = arith.constant 0 : i32
    %c0_i32_1 = arith.constant 0 : i32
    return %c0_i32, %c0_i32_0 : i32, i32
  }
  func.func @transform_2(%arg0: i32) -> (i32, i32) {
    %c0_i32 = arith.constant 0 : i32
    %c0_i32_0 = arith.constant 0 : i32
    %c0_i32_1 = arith.constant 0 : i32
    return %c0_i32, %c0_i32_0 : i32, i32
  }
  func.func @transform_3(%arg0: i32) -> (i32, i32) {
    %c0_i32 = arith.constant 0 : i32
    %c0_i32_0 = arith.constant 0 : i32
    %c0_i32_1 = arith.constant 0 : i32
    return %c0_i32, %c0_i32_0 : i32, i32
  }
  func.func @transform_4(%arg0: i32) -> (i32, i32) {
    %c0_i32 = arith.constant 0 : i32
    %c0_i32_0 = arith.constant 0 : i32
    %c0_i32_1 = arith.constant 0 : i32
    return %c0_i32, %c0_i32_0 : i32, i32
  }
  func.func @transform_5(%arg0: i32) -> (i32, i32) {
    %c0_i32 = arith.constant 0 : i32
    %c0_i32_0 = arith.constant 0 : i32
    return %arg0, %c0_i32 : i32, i32
  }
}

module attributes {stable_mosaic.version = 14 : i64} {
  func.func @_combine_body(%arg0: i32, %arg1: memref<512x64xf32, #tpu.memory_space<vmem>>, %arg2: memref<512x64xf32, #tpu.memory_space<vmem>>, %arg3: memref<64x64xf32, #tpu.memory_space<vmem>>, %arg4: memref<64x64xf32, #tpu.memory_space<vmem>>, %arg5: memref<8x64xf32, #tpu.memory_space<vmem>>, %arg6: memref<512x64xf32, #tpu.memory_space<vmem>>) attributes {dimension_semantics = [#tpu.dimension_semantics<arbitrary>], iteration_bounds = array<i64: 98>, scalar_prefetch = 0 : i64, scratch_operands = 0 : i64, tpu.core_type = #tpu.core_type<tc>, window_params = [{transform_indices = @transform_0, window_bounds = array<i64: 512, 64>}, {transform_indices = @transform_1, window_bounds = array<i64: 512, 64>}, {pipeline_mode = #tpu.pipeline_mode<synchronous>, transform_indices = @transform_2, window_bounds = array<i64: 64, 64>}, {pipeline_mode = #tpu.pipeline_mode<synchronous>, transform_indices = @transform_3, window_bounds = array<i64: 64, 64>}, {pipeline_mode = #tpu.pipeline_mode<synchronous>, transform_indices = @transform_4, window_bounds = array<i64: 8, 64>}, {transform_indices = @transform_5, window_bounds = array<i64: 512, 64>}]} {
    %get3A = arith.constant 0 : index
    %get3A_0 = arith.constant 0 : index
    %get3A_1 = vector.load %arg1[%get3A, %get3A_0] : memref<512x64xf32, #tpu.memory_space<vmem>>, vector<512x64xf32>
    %get3A_2 = arith.constant 0 : index
    %get3A_3 = arith.constant 0 : index
    %get3A_4 = vector.load %arg3[%get3A_2, %get3A_3] : memref<64x64xf32, #tpu.memory_space<vmem>>, vector<64x64xf32>
    %dot_general3A = arith.constant dense<0.000000e+00> : vector<512x64xf32>
    %dot_general3A_5 = tpu.matmul %get3A_1, %get3A_4, %dot_general3A {dimension_numbers = #tpu.dot_dimension_numbers<[1], [0], [0], [1], [0, 0, 1, 1], [], []>, transpose_lhs_hint = false} : vector<512x64xf32>, vector<64x64xf32>, vector<512x64xf32> -> vector<512x64xf32>
    %get3A_6 = arith.constant 0 : index
    %get3A_7 = arith.constant 0 : index
    %get3A_8 = vector.load %arg2[%get3A_6, %get3A_7] : memref<512x64xf32, #tpu.memory_space<vmem>>, vector<512x64xf32>
    %get3A_9 = arith.constant 0 : index
    %get3A_10 = arith.constant 0 : index
    %get3A_11 = vector.load %arg4[%get3A_9, %get3A_10] : memref<64x64xf32, #tpu.memory_space<vmem>>, vector<64x64xf32>
    %dot_general3A_12 = arith.constant dense<0.000000e+00> : vector<512x64xf32>
    %dot_general3A_13 = tpu.matmul %get3A_8, %get3A_11, %dot_general3A_12 {dimension_numbers = #tpu.dot_dimension_numbers<[1], [0], [0], [1], [0, 0, 1, 1], [], []>, transpose_lhs_hint = false} : vector<512x64xf32>, vector<64x64xf32>, vector<512x64xf32> -> vector<512x64xf32>
    %add3A = arith.addf %dot_general3A_5, %dot_general3A_13 : vector<512x64xf32>
    %get3A_14 = arith.constant 0 : index
    %get3A_15 = arith.constant 0 : index
    %get3A_16 = vector.load %arg5[%get3A_14, %get3A_15] : memref<8x64xf32, #tpu.memory_space<vmem>>, vector<1x64xf32>
    %get3A_17 = vector.shape_cast %get3A_16 : vector<1x64xf32> to vector<64xf32>
    %broadcast_in_dim3A = vector.shape_cast %get3A_17 : vector<64xf32> to vector<1x64xf32>
    %add3A_18 = vector.broadcast %broadcast_in_dim3A : vector<1x64xf32> to vector<512x64xf32>
    %add3A_19 = arith.addf %add3A, %add3A_18 : vector<512x64xf32>
    %tanh3A = math.tanh %add3A_19 : vector<512x64xf32>
    %swap3A = arith.constant 0 : index
    %swap3A_20 = arith.constant 0 : index
    %swap3A_21 = vector.load %arg6[%swap3A, %swap3A_20] : memref<512x64xf32, #tpu.memory_space<vmem>>, vector<512x64xf32>
    tpu.vector_store %arg6[%swap3A, %swap3A_20], %tanh3A {strides = array<i32>} : memref<512x64xf32, #tpu.memory_space<vmem>>, vector<512x64xf32>,
    return
  }
  func.func @transform_0(%arg0: i32) -> (i32, i32) {
    %c0_i32 = arith.constant 0 : i32
    %c0_i32_0 = arith.constant 0 : i32
    return %arg0, %c0_i32 : i32, i32
  }
  func.func @transform_1(%arg0: i32) -> (i32, i32) {
    %c0_i32 = arith.constant 0 : i32
    %c0_i32_0 = arith.constant 0 : i32
    return %arg0, %c0_i32 : i32, i32
  }
  func.func @transform_2(%arg0: i32) -> (i32, i32) {
    %c0_i32 = arith.constant 0 : i32
    %c0_i32_0 = arith.constant 0 : i32
    %c0_i32_1 = arith.constant 0 : i32
    return %c0_i32, %c0_i32_0 : i32, i32
  }
  func.func @transform_3(%arg0: i32) -> (i32, i32) {
    %c0_i32 = arith.constant 0 : i32
    %c0_i32_0 = arith.constant 0 : i32
    %c0_i32_1 = arith.constant 0 : i32
    return %c0_i32, %c0_i32_0 : i32, i32
  }
  func.func @transform_4(%arg0: i32) -> (i32, i32) {
    %c0_i32 = arith.constant 0 : i32
    %c0_i32_0 = arith.constant 0 : i32
    %c0_i32_1 = arith.constant 0 : i32
    return %c0_i32, %c0_i32_0 : i32, i32
  }
  func.func @transform_5(%arg0: i32) -> (i32, i32) {
    %c0_i32 = arith.constant 0 : i32
    %c0_i32_0 = arith.constant 0 : i32
    return %arg0, %c0_i32 : i32, i32
  }
}

module attributes {stable_mosaic.version = 14 : i64} {
  func.func @_heads_body(%arg0: i32, %arg1: memref<576x64xf32, #tpu.memory_space<vmem>>, %arg2: memref<8x64x8xf32, #tpu.memory_space<vmem>>, %arg3: memref<8x8xf32, #tpu.memory_space<vmem>>, %arg4: memref<64x8xf32, #tpu.memory_space<vmem>>, %arg5: memref<64x8xf32, #tpu.memory_space<vmem>>) attributes {dimension_semantics = [#tpu.dimension_semantics<arbitrary>], iteration_bounds = array<i64: 87>, scalar_prefetch = 0 : i64, scratch_operands = 0 : i64, tpu.core_type = #tpu.core_type<tc>, window_params = [{transform_indices = @transform_0, window_bounds = array<i64: 576, 64>}, {pipeline_mode = #tpu.pipeline_mode<synchronous>, transform_indices = @transform_1, window_bounds = array<i64: 8, 64, 8>}, {pipeline_mode = #tpu.pipeline_mode<synchronous>, transform_indices = @transform_2, window_bounds = array<i64: 8, 8>}, {transform_indices = @transform_3, window_bounds = array<i64: 64, 8>}, {transform_indices = @transform_4, window_bounds = array<i64: 64, 8>}]} {
    %get3A = arith.constant 0 : index
    %get3A_0 = arith.constant 0 : index
    %get3A_1 = vector.load %arg1[%get3A, %get3A_0] : memref<576x64xf32, #tpu.memory_space<vmem>>, vector<576x64xf32>
    %reshape3A = vector.shape_cast %get3A_1 : vector<576x64xf32> to vector<64x9x64xf32>
    %slice3A = vector.extract_strided_slice %reshape3A {offsets = [0, 1, 0], sizes = [64, 1, 64], strides = [1, 1, 1]} : vector<64x9x64xf32> to vector<64x1x64xf32>
    %squeeze3A = vector.shape_cast %slice3A : vector<64x1x64xf32> to vector<64x64xf32>
    %get3A_2 = arith.constant 0 : index
    %get3A_3 = arith.constant 0 : index
    %get3A_4 = arith.constant 0 : index
    %get3A_5 = vector.load %arg2[%get3A_2, %get3A_3, %get3A_4] : memref<8x64x8xf32, #tpu.memory_space<vmem>>, vector<1x64x8xf32>
    %get3A_6 = vector.shape_cast %get3A_5 : vector<1x64x8xf32> to vector<64x8xf32>
    %dot_general3A = arith.constant dense<0.000000e+00> : vector<64x8xf32>
    %dot_general3A_7 = tpu.matmul %squeeze3A, %get3A_6, %dot_general3A {dimension_numbers = #tpu.dot_dimension_numbers<[1], [0], [0], [1], [0, 0, 1, 1], [], []>, transpose_lhs_hint = false} : vector<64x64xf32>, vector<64x8xf32>, vector<64x8xf32> -> vector<64x8xf32>
    %slice3A_8 = vector.extract_strided_slice %dot_general3A_7 {offsets = [0, 0], sizes = [64, 1], strides = [1, 1]} : vector<64x8xf32> to vector<64x1xf32>
    %get3A_9 = arith.constant 0 : index
    %get3A_10 = arith.constant 0 : index
    %get3A_11 = vector.load %arg3[%get3A_9, %get3A_10] : memref<8x8xf32, #tpu.memory_space<vmem>>, vector<1x1xf32>
    %add3A = vector.broadcast %get3A_11 : vector<1x1xf32> to vector<64x1xf32>
    %add3A_12 = arith.addf %slice3A_8, %add3A : vector<64x1xf32>
    %slice3A_13 = vector.extract_strided_slice %dot_general3A_7 {offsets = [0, 1], sizes = [64, 1], strides = [1, 1]} : vector<64x8xf32> to vector<64x1xf32>
    %get3A_14 = arith.constant 0 : index
    %get3A_15 = arith.constant 1 : index
    %get3A_16 = vector.load %arg3[%get3A_14, %get3A_15] : memref<8x8xf32, #tpu.memory_space<vmem>>, vector<1x1xf32>
    %add3A_17 = vector.broadcast %get3A_16 : vector<1x1xf32> to vector<64x1xf32>
    %add3A_18 = arith.addf %slice3A_13, %add3A_17 : vector<64x1xf32>
    %add3A_19 = arith.constant 0.541324854 : f32
    %add3A_20 = vector.broadcast %add3A_19 : f32 to vector<64x1xf32>
    %add3A_21 = arith.addf %add3A_18, %add3A_20 : vector<64x1xf32>
    %max3A = arith.constant 0.000000e+00 : f32
    %max3A_22 = vector.broadcast %max3A : f32 to vector<64x1xf32>
    %max3A_23 = arith.maximumf %add3A_21, %max3A_22 : vector<64x1xf32>
    %abs3A = math.absf %add3A_21 : vector<64x1xf32>
    %neg3A = arith.constant 0.000000e+00 : f32
    %neg3A_24 = vector.broadcast %neg3A : f32 to vector<64x1xf32>
    %neg3A_25 = arith.subf %neg3A_24, %abs3A : vector<64x1xf32>
    %exp3A = math.exp %neg3A_25 : vector<64x1xf32>
    %add3A_26 = arith.constant 1.000000e+00 : f32
    %add3A_27 = vector.broadcast %add3A_26 : f32 to vector<64x1xf32>
    %add3A_28 = arith.addf %add3A_27, %exp3A : vector<64x1xf32>
    %log3A = math.log %add3A_28 : vector<64x1xf32>
    %add3A_29 = arith.addf %max3A_23, %log3A : vector<64x1xf32>
    %max3A_30 = arith.constant 9.99999974E-5 : f32
    %max3A_31 = vector.broadcast %max3A_30 : f32 to vector<64x1xf32>
    %max3A_32 = arith.maximumf %add3A_29, %max3A_31 : vector<64x1xf32>
    %slice3A_33 = vector.extract_strided_slice %reshape3A {offsets = [0, 2, 0], sizes = [64, 1, 64], strides = [1, 1, 1]} : vector<64x9x64xf32> to vector<64x1x64xf32>
    %squeeze3A_34 = vector.shape_cast %slice3A_33 : vector<64x1x64xf32> to vector<64x64xf32>
    %get3A_35 = arith.constant 1 : index
    %get3A_36 = arith.constant 0 : index
    %get3A_37 = arith.constant 0 : index
    %get3A_38 = vector.load %arg2[%get3A_35, %get3A_36, %get3A_37] : memref<8x64x8xf32, #tpu.memory_space<vmem>>, vector<1x64x8xf32>
    %get3A_39 = vector.shape_cast %get3A_38 : vector<1x64x8xf32> to vector<64x8xf32>
    %dot_general3A_40 = arith.constant dense<0.000000e+00> : vector<64x8xf32>
    %dot_general3A_41 = tpu.matmul %squeeze3A_34, %get3A_39, %dot_general3A_40 {dimension_numbers = #tpu.dot_dimension_numbers<[1], [0], [0], [1], [0, 0, 1, 1], [], []>, transpose_lhs_hint = false} : vector<64x64xf32>, vector<64x8xf32>, vector<64x8xf32> -> vector<64x8xf32>
    %slice3A_42 = vector.extract_strided_slice %dot_general3A_41 {offsets = [0, 0], sizes = [64, 1], strides = [1, 1]} : vector<64x8xf32> to vector<64x1xf32>
    %get3A_43 = arith.constant 1 : index
    %get3A_44 = arith.constant 0 : index
    %get3A_45 = vector.load %arg3[%get3A_43, %get3A_44] : memref<8x8xf32, #tpu.memory_space<vmem>>, vector<1x1xf32>
    %add3A_46 = vector.broadcast %get3A_45 : vector<1x1xf32> to vector<64x1xf32>
    %add3A_47 = arith.addf %slice3A_42, %add3A_46 : vector<64x1xf32>
    %slice3A_48 = vector.extract_strided_slice %dot_general3A_41 {offsets = [0, 1], sizes = [64, 1], strides = [1, 1]} : vector<64x8xf32> to vector<64x1xf32>
    %get3A_49 = arith.constant 1 : index
    %get3A_50 = arith.constant 1 : index
    %get3A_51 = vector.load %arg3[%get3A_49, %get3A_50] : memref<8x8xf32, #tpu.memory_space<vmem>>, vector<1x1xf32>
    %add3A_52 = vector.broadcast %get3A_51 : vector<1x1xf32> to vector<64x1xf32>
    %add3A_53 = arith.addf %slice3A_48, %add3A_52 : vector<64x1xf32>
    %add3A_54 = arith.constant 0.541324854 : f32
    %add3A_55 = vector.broadcast %add3A_54 : f32 to vector<64x1xf32>
    %add3A_56 = arith.addf %add3A_53, %add3A_55 : vector<64x1xf32>
    %max3A_57 = arith.constant 0.000000e+00 : f32
    %max3A_58 = vector.broadcast %max3A_57 : f32 to vector<64x1xf32>
    %max3A_59 = arith.maximumf %add3A_56, %max3A_58 : vector<64x1xf32>
    %abs3A_60 = math.absf %add3A_56 : vector<64x1xf32>
    %neg3A_61 = arith.constant 0.000000e+00 : f32
    %neg3A_62 = vector.broadcast %neg3A_61 : f32 to vector<64x1xf32>
    %neg3A_63 = arith.subf %neg3A_62, %abs3A_60 : vector<64x1xf32>
    %exp3A_64 = math.exp %neg3A_63 : vector<64x1xf32>
    %add3A_65 = arith.constant 1.000000e+00 : f32
    %add3A_66 = vector.broadcast %add3A_65 : f32 to vector<64x1xf32>
    %add3A_67 = arith.addf %add3A_66, %exp3A_64 : vector<64x1xf32>
    %log3A_68 = math.log %add3A_67 : vector<64x1xf32>
    %add3A_69 = arith.addf %max3A_59, %log3A_68 : vector<64x1xf32>
    %max3A_70 = arith.constant 9.99999974E-5 : f32
    %max3A_71 = vector.broadcast %max3A_70 : f32 to vector<64x1xf32>
    %max3A_72 = arith.maximumf %add3A_69, %max3A_71 : vector<64x1xf32>
    %slice3A_73 = vector.extract_strided_slice %reshape3A {offsets = [0, 3, 0], sizes = [64, 1, 64], strides = [1, 1, 1]} : vector<64x9x64xf32> to vector<64x1x64xf32>
    %squeeze3A_74 = vector.shape_cast %slice3A_73 : vector<64x1x64xf32> to vector<64x64xf32>
    %get3A_75 = arith.constant 2 : index
    %get3A_76 = arith.constant 0 : index
    %get3A_77 = arith.constant 0 : index
    %get3A_78 = vector.load %arg2[%get3A_75, %get3A_76, %get3A_77] : memref<8x64x8xf32, #tpu.memory_space<vmem>>, vector<1x64x8xf32>
    %get3A_79 = vector.shape_cast %get3A_78 : vector<1x64x8xf32> to vector<64x8xf32>
    %dot_general3A_80 = arith.constant dense<0.000000e+00> : vector<64x8xf32>
    %dot_general3A_81 = tpu.matmul %squeeze3A_74, %get3A_79, %dot_general3A_80 {dimension_numbers = #tpu.dot_dimension_numbers<[1], [0], [0], [1], [0, 0, 1, 1], [], []>, transpose_lhs_hint = false} : vector<64x64xf32>, vector<64x8xf32>, vector<64x8xf32> -> vector<64x8xf32>
    %slice3A_82 = vector.extract_strided_slice %dot_general3A_81 {offsets = [0, 0], sizes = [64, 1], strides = [1, 1]} : vector<64x8xf32> to vector<64x1xf32>
    %get3A_83 = arith.constant 2 : index
    %get3A_84 = arith.constant 0 : index
    %get3A_85 = vector.load %arg3[%get3A_83, %get3A_84] : memref<8x8xf32, #tpu.memory_space<vmem>>, vector<1x1xf32>
    %add3A_86 = vector.broadcast %get3A_85 : vector<1x1xf32> to vector<64x1xf32>
    %add3A_87 = arith.addf %slice3A_82, %add3A_86 : vector<64x1xf32>
    %slice3A_88 = vector.extract_strided_slice %dot_general3A_81 {offsets = [0, 1], sizes = [64, 1], strides = [1, 1]} : vector<64x8xf32> to vector<64x1xf32>
    %get3A_89 = arith.constant 2 : index
    %get3A_90 = arith.constant 1 : index
    %get3A_91 = vector.load %arg3[%get3A_89, %get3A_90] : memref<8x8xf32, #tpu.memory_space<vmem>>, vector<1x1xf32>
    %add3A_92 = vector.broadcast %get3A_91 : vector<1x1xf32> to vector<64x1xf32>
    %add3A_93 = arith.addf %slice3A_88, %add3A_92 : vector<64x1xf32>
    %add3A_94 = arith.constant 0.541324854 : f32
    %add3A_95 = vector.broadcast %add3A_94 : f32 to vector<64x1xf32>
    %add3A_96 = arith.addf %add3A_93, %add3A_95 : vector<64x1xf32>
    %max3A_97 = arith.constant 0.000000e+00 : f32
    %max3A_98 = vector.broadcast %max3A_97 : f32 to vector<64x1xf32>
    %max3A_99 = arith.maximumf %add3A_96, %max3A_98 : vector<64x1xf32>
    %abs3A_100 = math.absf %add3A_96 : vector<64x1xf32>
    %neg3A_101 = arith.constant 0.000000e+00 : f32
    %neg3A_102 = vector.broadcast %neg3A_101 : f32 to vector<64x1xf32>
    %neg3A_103 = arith.subf %neg3A_102, %abs3A_100 : vector<64x1xf32>
    %exp3A_104 = math.exp %neg3A_103 : vector<64x1xf32>
    %add3A_105 = arith.constant 1.000000e+00 : f32
    %add3A_106 = vector.broadcast %add3A_105 : f32 to vector<64x1xf32>
    %add3A_107 = arith.addf %add3A_106, %exp3A_104 : vector<64x1xf32>
    %log3A_108 = math.log %add3A_107 : vector<64x1xf32>
    %add3A_109 = arith.addf %max3A_99, %log3A_108 : vector<64x1xf32>
    %max3A_110 = arith.constant 9.99999974E-5 : f32
    %max3A_111 = vector.broadcast %max3A_110 : f32 to vector<64x1xf32>
    %max3A_112 = arith.maximumf %add3A_109, %max3A_111 : vector<64x1xf32>
    %slice3A_113 = vector.extract_strided_slice %reshape3A {offsets = [0, 4, 0], sizes = [64, 1, 64], strides = [1, 1, 1]} : vector<64x9x64xf32> to vector<64x1x64xf32>
    %squeeze3A_114 = vector.shape_cast %slice3A_113 : vector<64x1x64xf32> to vector<64x64xf32>
    %get3A_115 = arith.constant 3 : index
    %get3A_116 = arith.constant 0 : index
    %get3A_117 = arith.constant 0 : index
    %get3A_118 = vector.load %arg2[%get3A_115, %get3A_116, %get3A_117] : memref<8x64x8xf32, #tpu.memory_space<vmem>>, vector<1x64x8xf32>
    %get3A_119 = vector.shape_cast %get3A_118 : vector<1x64x8xf32> to vector<64x8xf32>
    %dot_general3A_120 = arith.constant dense<0.000000e+00> : vector<64x8xf32>
    %dot_general3A_121 = tpu.matmul %squeeze3A_114, %get3A_119, %dot_general3A_120 {dimension_numbers = #tpu.dot_dimension_numbers<[1], [0], [0], [1], [0, 0, 1, 1], [], []>, transpose_lhs_hint = false} : vector<64x64xf32>, vector<64x8xf32>, vector<64x8xf32> -> vector<64x8xf32>
    %slice3A_122 = vector.extract_strided_slice %dot_general3A_121 {offsets = [0, 0], sizes = [64, 1], strides = [1, 1]} : vector<64x8xf32> to vector<64x1xf32>
    %get3A_123 = arith.constant 3 : index
    %get3A_124 = arith.constant 0 : index
    %get3A_125 = vector.load %arg3[%get3A_123, %get3A_124] : memref<8x8xf32, #tpu.memory_space<vmem>>, vector<1x1xf32>
    %add3A_126 = vector.broadcast %get3A_125 : vector<1x1xf32> to vector<64x1xf32>
    %add3A_127 = arith.addf %slice3A_122, %add3A_126 : vector<64x1xf32>
    %slice3A_128 = vector.extract_strided_slice %dot_general3A_121 {offsets = [0, 1], sizes = [64, 1], strides = [1, 1]} : vector<64x8xf32> to vector<64x1xf32>
    %get3A_129 = arith.constant 3 : index
    %get3A_130 = arith.constant 1 : index
    %get3A_131 = vector.load %arg3[%get3A_129, %get3A_130] : memref<8x8xf32, #tpu.memory_space<vmem>>, vector<1x1xf32>
    %add3A_132 = vector.broadcast %get3A_131 : vector<1x1xf32> to vector<64x1xf32>
    %add3A_133 = arith.addf %slice3A_128, %add3A_132 : vector<64x1xf32>
    %add3A_134 = arith.constant 0.541324854 : f32
    %add3A_135 = vector.broadcast %add3A_134 : f32 to vector<64x1xf32>
    %add3A_136 = arith.addf %add3A_133, %add3A_135 : vector<64x1xf32>
    %max3A_137 = arith.constant 0.000000e+00 : f32
    %max3A_138 = vector.broadcast %max3A_137 : f32 to vector<64x1xf32>
    %max3A_139 = arith.maximumf %add3A_136, %max3A_138 : vector<64x1xf32>
    %abs3A_140 = math.absf %add3A_136 : vector<64x1xf32>
    %neg3A_141 = arith.constant 0.000000e+00 : f32
    %neg3A_142 = vector.broadcast %neg3A_141 : f32 to vector<64x1xf32>
    %neg3A_143 = arith.subf %neg3A_142, %abs3A_140 : vector<64x1xf32>
    %exp3A_144 = math.exp %neg3A_143 : vector<64x1xf32>
    %add3A_145 = arith.constant 1.000000e+00 : f32
    %add3A_146 = vector.broadcast %add3A_145 : f32 to vector<64x1xf32>
    %add3A_147 = arith.addf %add3A_146, %exp3A_144 : vector<64x1xf32>
    %log3A_148 = math.log %add3A_147 : vector<64x1xf32>
    %add3A_149 = arith.addf %max3A_139, %log3A_148 : vector<64x1xf32>
    %max3A_150 = arith.constant 9.99999974E-5 : f32
    %max3A_151 = vector.broadcast %max3A_150 : f32 to vector<64x1xf32>
    %max3A_152 = arith.maximumf %add3A_149, %max3A_151 : vector<64x1xf32>
    %slice3A_153 = vector.extract_strided_slice %reshape3A {offsets = [0, 5, 0], sizes = [64, 1, 64], strides = [1, 1, 1]} : vector<64x9x64xf32> to vector<64x1x64xf32>
    %squeeze3A_154 = vector.shape_cast %slice3A_153 : vector<64x1x64xf32> to vector<64x64xf32>
    %get3A_155 = arith.constant 4 : index
    %get3A_156 = arith.constant 0 : index
    %get3A_157 = arith.constant 0 : index
    %get3A_158 = vector.load %arg2[%get3A_155, %get3A_156, %get3A_157] : memref<8x64x8xf32, #tpu.memory_space<vmem>>, vector<1x64x8xf32>
    %get3A_159 = vector.shape_cast %get3A_158 : vector<1x64x8xf32> to vector<64x8xf32>
    %dot_general3A_160 = arith.constant dense<0.000000e+00> : vector<64x8xf32>
    %dot_general3A_161 = tpu.matmul %squeeze3A_154, %get3A_159, %dot_general3A_160 {dimension_numbers = #tpu.dot_dimension_numbers<[1], [0], [0], [1], [0, 0, 1, 1], [], []>, transpose_lhs_hint = false} : vector<64x64xf32>, vector<64x8xf32>, vector<64x8xf32> -> vector<64x8xf32>
    %slice3A_162 = vector.extract_strided_slice %dot_general3A_161 {offsets = [0, 0], sizes = [64, 1], strides = [1, 1]} : vector<64x8xf32> to vector<64x1xf32>
    %get3A_163 = arith.constant 4 : index
    %get3A_164 = arith.constant 0 : index
    %get3A_165 = vector.load %arg3[%get3A_163, %get3A_164] : memref<8x8xf32, #tpu.memory_space<vmem>>, vector<1x1xf32>
    %add3A_166 = vector.broadcast %get3A_165 : vector<1x1xf32> to vector<64x1xf32>
    %add3A_167 = arith.addf %slice3A_162, %add3A_166 : vector<64x1xf32>
    %slice3A_168 = vector.extract_strided_slice %dot_general3A_161 {offsets = [0, 1], sizes = [64, 1], strides = [1, 1]} : vector<64x8xf32> to vector<64x1xf32>
    %get3A_169 = arith.constant 4 : index
    %get3A_170 = arith.constant 1 : index
    %get3A_171 = vector.load %arg3[%get3A_169, %get3A_170] : memref<8x8xf32, #tpu.memory_space<vmem>>, vector<1x1xf32>
    %add3A_172 = vector.broadcast %get3A_171 : vector<1x1xf32> to vector<64x1xf32>
    %add3A_173 = arith.addf %slice3A_168, %add3A_172 : vector<64x1xf32>
    %add3A_174 = arith.constant 0.541324854 : f32
    %add3A_175 = vector.broadcast %add3A_174 : f32 to vector<64x1xf32>
    %add3A_176 = arith.addf %add3A_173, %add3A_175 : vector<64x1xf32>
    %max3A_177 = arith.constant 0.000000e+00 : f32
    %max3A_178 = vector.broadcast %max3A_177 : f32 to vector<64x1xf32>
    %max3A_179 = arith.maximumf %add3A_176, %max3A_178 : vector<64x1xf32>
    %abs3A_180 = math.absf %add3A_176 : vector<64x1xf32>
    %neg3A_181 = arith.constant 0.000000e+00 : f32
    %neg3A_182 = vector.broadcast %neg3A_181 : f32 to vector<64x1xf32>
    %neg3A_183 = arith.subf %neg3A_182, %abs3A_180 : vector<64x1xf32>
    %exp3A_184 = math.exp %neg3A_183 : vector<64x1xf32>
    %add3A_185 = arith.constant 1.000000e+00 : f32
    %add3A_186 = vector.broadcast %add3A_185 : f32 to vector<64x1xf32>
    %add3A_187 = arith.addf %add3A_186, %exp3A_184 : vector<64x1xf32>
    %log3A_188 = math.log %add3A_187 : vector<64x1xf32>
    %add3A_189 = arith.addf %max3A_179, %log3A_188 : vector<64x1xf32>
    %max3A_190 = arith.constant 9.99999974E-5 : f32
    %max3A_191 = vector.broadcast %max3A_190 : f32 to vector<64x1xf32>
    %max3A_192 = arith.maximumf %add3A_189, %max3A_191 : vector<64x1xf32>
    %slice3A_193 = vector.extract_strided_slice %reshape3A {offsets = [0, 6, 0], sizes = [64, 1, 64], strides = [1, 1, 1]} : vector<64x9x64xf32> to vector<64x1x64xf32>
    %squeeze3A_194 = vector.shape_cast %slice3A_193 : vector<64x1x64xf32> to vector<64x64xf32>
    %get3A_195 = arith.constant 5 : index
    %get3A_196 = arith.constant 0 : index
    %get3A_197 = arith.constant 0 : index
    %get3A_198 = vector.load %arg2[%get3A_195, %get3A_196, %get3A_197] : memref<8x64x8xf32, #tpu.memory_space<vmem>>, vector<1x64x8xf32>
    %get3A_199 = vector.shape_cast %get3A_198 : vector<1x64x8xf32> to vector<64x8xf32>
    %dot_general3A_200 = arith.constant dense<0.000000e+00> : vector<64x8xf32>
    %dot_general3A_201 = tpu.matmul %squeeze3A_194, %get3A_199, %dot_general3A_200 {dimension_numbers = #tpu.dot_dimension_numbers<[1], [0], [0], [1], [0, 0, 1, 1], [], []>, transpose_lhs_hint = false} : vector<64x64xf32>, vector<64x8xf32>, vector<64x8xf32> -> vector<64x8xf32>
    %slice3A_202 = vector.extract_strided_slice %dot_general3A_201 {offsets = [0, 0], sizes = [64, 1], strides = [1, 1]} : vector<64x8xf32> to vector<64x1xf32>
    %get3A_203 = arith.constant 5 : index
    %get3A_204 = arith.constant 0 : index
    %get3A_205 = vector.load %arg3[%get3A_203, %get3A_204] : memref<8x8xf32, #tpu.memory_space<vmem>>, vector<1x1xf32>
    %add3A_206 = vector.broadcast %get3A_205 : vector<1x1xf32> to vector<64x1xf32>
    %add3A_207 = arith.addf %slice3A_202, %add3A_206 : vector<64x1xf32>
    %slice3A_208 = vector.extract_strided_slice %dot_general3A_201 {offsets = [0, 1], sizes = [64, 1], strides = [1, 1]} : vector<64x8xf32> to vector<64x1xf32>
    %get3A_209 = arith.constant 5 : index
    %get3A_210 = arith.constant 1 : index
    %get3A_211 = vector.load %arg3[%get3A_209, %get3A_210] : memref<8x8xf32, #tpu.memory_space<vmem>>, vector<1x1xf32>
    %add3A_212 = vector.broadcast %get3A_211 : vector<1x1xf32> to vector<64x1xf32>
    %add3A_213 = arith.addf %slice3A_208, %add3A_212 : vector<64x1xf32>
    %add3A_214 = arith.constant 0.541324854 : f32
    %add3A_215 = vector.broadcast %add3A_214 : f32 to vector<64x1xf32>
    %add3A_216 = arith.addf %add3A_213, %add3A_215 : vector<64x1xf32>
    %max3A_217 = arith.constant 0.000000e+00 : f32
    %max3A_218 = vector.broadcast %max3A_217 : f32 to vector<64x1xf32>
    %max3A_219 = arith.maximumf %add3A_216, %max3A_218 : vector<64x1xf32>
    %abs3A_220 = math.absf %add3A_216 : vector<64x1xf32>
    %neg3A_221 = arith.constant 0.000000e+00 : f32
    %neg3A_222 = vector.broadcast %neg3A_221 : f32 to vector<64x1xf32>
    %neg3A_223 = arith.subf %neg3A_222, %abs3A_220 : vector<64x1xf32>
    %exp3A_224 = math.exp %neg3A_223 : vector<64x1xf32>
    %add3A_225 = arith.constant 1.000000e+00 : f32
    %add3A_226 = vector.broadcast %add3A_225 : f32 to vector<64x1xf32>
    %add3A_227 = arith.addf %add3A_226, %exp3A_224 : vector<64x1xf32>
    %log3A_228 = math.log %add3A_227 : vector<64x1xf32>
    %add3A_229 = arith.addf %max3A_219, %log3A_228 : vector<64x1xf32>
    %max3A_230 = arith.constant 9.99999974E-5 : f32
    %max3A_231 = vector.broadcast %max3A_230 : f32 to vector<64x1xf32>
    %max3A_232 = arith.maximumf %add3A_229, %max3A_231 : vector<64x1xf32>
    %slice3A_233 = vector.extract_strided_slice %reshape3A {offsets = [0, 7, 0], sizes = [64, 1, 64], strides = [1, 1, 1]} : vector<64x9x64xf32> to vector<64x1x64xf32>
    %squeeze3A_234 = vector.shape_cast %slice3A_233 : vector<64x1x64xf32> to vector<64x64xf32>
    %get3A_235 = arith.constant 6 : index
    %get3A_236 = arith.constant 0 : index
    %get3A_237 = arith.constant 0 : index
    %get3A_238 = vector.load %arg2[%get3A_235, %get3A_236, %get3A_237] : memref<8x64x8xf32, #tpu.memory_space<vmem>>, vector<1x64x8xf32>
    %get3A_239 = vector.shape_cast %get3A_238 : vector<1x64x8xf32> to vector<64x8xf32>
    %dot_general3A_240 = arith.constant dense<0.000000e+00> : vector<64x8xf32>
    %dot_general3A_241 = tpu.matmul %squeeze3A_234, %get3A_239, %dot_general3A_240 {dimension_numbers = #tpu.dot_dimension_numbers<[1], [0], [0], [1], [0, 0, 1, 1], [], []>, transpose_lhs_hint = false} : vector<64x64xf32>, vector<64x8xf32>, vector<64x8xf32> -> vector<64x8xf32>
    %slice3A_242 = vector.extract_strided_slice %dot_general3A_241 {offsets = [0, 0], sizes = [64, 1], strides = [1, 1]} : vector<64x8xf32> to vector<64x1xf32>
    %get3A_243 = arith.constant 6 : index
    %get3A_244 = arith.constant 0 : index
    %get3A_245 = vector.load %arg3[%get3A_243, %get3A_244] : memref<8x8xf32, #tpu.memory_space<vmem>>, vector<1x1xf32>
    %add3A_246 = vector.broadcast %get3A_245 : vector<1x1xf32> to vector<64x1xf32>
    %add3A_247 = arith.addf %slice3A_242, %add3A_246 : vector<64x1xf32>
    %slice3A_248 = vector.extract_strided_slice %dot_general3A_241 {offsets = [0, 1], sizes = [64, 1], strides = [1, 1]} : vector<64x8xf32> to vector<64x1xf32>
    %get3A_249 = arith.constant 6 : index
    %get3A_250 = arith.constant 1 : index
    %get3A_251 = vector.load %arg3[%get3A_249, %get3A_250] : memref<8x8xf32, #tpu.memory_space<vmem>>, vector<1x1xf32>
    %add3A_252 = vector.broadcast %get3A_251 : vector<1x1xf32> to vector<64x1xf32>
    %add3A_253 = arith.addf %slice3A_248, %add3A_252 : vector<64x1xf32>
    %add3A_254 = arith.constant 0.541324854 : f32
    %add3A_255 = vector.broadcast %add3A_254 : f32 to vector<64x1xf32>
    %add3A_256 = arith.addf %add3A_253, %add3A_255 : vector<64x1xf32>
    %max3A_257 = arith.constant 0.000000e+00 : f32
    %max3A_258 = vector.broadcast %max3A_257 : f32 to vector<64x1xf32>
    %max3A_259 = arith.maximumf %add3A_256, %max3A_258 : vector<64x1xf32>
    %abs3A_260 = math.absf %add3A_256 : vector<64x1xf32>
    %neg3A_261 = arith.constant 0.000000e+00 : f32
    %neg3A_262 = vector.broadcast %neg3A_261 : f32 to vector<64x1xf32>
    %neg3A_263 = arith.subf %neg3A_262, %abs3A_260 : vector<64x1xf32>
    %exp3A_264 = math.exp %neg3A_263 : vector<64x1xf32>
    %add3A_265 = arith.constant 1.000000e+00 : f32
    %add3A_266 = vector.broadcast %add3A_265 : f32 to vector<64x1xf32>
    %add3A_267 = arith.addf %add3A_266, %exp3A_264 : vector<64x1xf32>
    %log3A_268 = math.log %add3A_267 : vector<64x1xf32>
    %add3A_269 = arith.addf %max3A_259, %log3A_268 : vector<64x1xf32>
    %max3A_270 = arith.constant 9.99999974E-5 : f32
    %max3A_271 = vector.broadcast %max3A_270 : f32 to vector<64x1xf32>
    %max3A_272 = arith.maximumf %add3A_269, %max3A_271 : vector<64x1xf32>
    %slice3A_273 = vector.extract_strided_slice %reshape3A {offsets = [0, 8, 0], sizes = [64, 1, 64], strides = [1, 1, 1]} : vector<64x9x64xf32> to vector<64x1x64xf32>
    %squeeze3A_274 = vector.shape_cast %slice3A_273 : vector<64x1x64xf32> to vector<64x64xf32>
    %get3A_275 = arith.constant 7 : index
    %get3A_276 = arith.constant 0 : index
    %get3A_277 = arith.constant 0 : index
    %get3A_278 = vector.load %arg2[%get3A_275, %get3A_276, %get3A_277] : memref<8x64x8xf32, #tpu.memory_space<vmem>>, vector<1x64x8xf32>
    %get3A_279 = vector.shape_cast %get3A_278 : vector<1x64x8xf32> to vector<64x8xf32>
    %dot_general3A_280 = arith.constant dense<0.000000e+00> : vector<64x8xf32>
    %dot_general3A_281 = tpu.matmul %squeeze3A_274, %get3A_279, %dot_general3A_280 {dimension_numbers = #tpu.dot_dimension_numbers<[1], [0], [0], [1], [0, 0, 1, 1], [], []>, transpose_lhs_hint = false} : vector<64x64xf32>, vector<64x8xf32>, vector<64x8xf32> -> vector<64x8xf32>
    %slice3A_282 = vector.extract_strided_slice %dot_general3A_281 {offsets = [0, 0], sizes = [64, 1], strides = [1, 1]} : vector<64x8xf32> to vector<64x1xf32>
    %get3A_283 = arith.constant 7 : index
    %get3A_284 = arith.constant 0 : index
    %get3A_285 = vector.load %arg3[%get3A_283, %get3A_284] : memref<8x8xf32, #tpu.memory_space<vmem>>, vector<1x1xf32>
    %add3A_286 = vector.broadcast %get3A_285 : vector<1x1xf32> to vector<64x1xf32>
    %add3A_287 = arith.addf %slice3A_282, %add3A_286 : vector<64x1xf32>
    %slice3A_288 = vector.extract_strided_slice %dot_general3A_281 {offsets = [0, 1], sizes = [64, 1], strides = [1, 1]} : vector<64x8xf32> to vector<64x1xf32>
    %get3A_289 = arith.constant 7 : index
    %get3A_290 = arith.constant 1 : index
    %get3A_291 = vector.load %arg3[%get3A_289, %get3A_290] : memref<8x8xf32, #tpu.memory_space<vmem>>, vector<1x1xf32>
    %add3A_292 = vector.broadcast %get3A_291 : vector<1x1xf32> to vector<64x1xf32>
    %add3A_293 = arith.addf %slice3A_288, %add3A_292 : vector<64x1xf32>
    %add3A_294 = arith.constant 0.541324854 : f32
    %add3A_295 = vector.broadcast %add3A_294 : f32 to vector<64x1xf32>
    %add3A_296 = arith.addf %add3A_293, %add3A_295 : vector<64x1xf32>
    %max3A_297 = arith.constant 0.000000e+00 : f32
    %max3A_298 = vector.broadcast %max3A_297 : f32 to vector<64x1xf32>
    %max3A_299 = arith.maximumf %add3A_296, %max3A_298 : vector<64x1xf32>
    %abs3A_300 = math.absf %add3A_296 : vector<64x1xf32>
    %neg3A_301 = arith.constant 0.000000e+00 : f32
    %neg3A_302 = vector.broadcast %neg3A_301 : f32 to vector<64x1xf32>
    %neg3A_303 = arith.subf %neg3A_302, %abs3A_300 : vector<64x1xf32>
    %exp3A_304 = math.exp %neg3A_303 : vector<64x1xf32>
    %add3A_305 = arith.constant 1.000000e+00 : f32
    %add3A_306 = vector.broadcast %add3A_305 : f32 to vector<64x1xf32>
    %add3A_307 = arith.addf %add3A_306, %exp3A_304 : vector<64x1xf32>
    %log3A_308 = math.log %add3A_307 : vector<64x1xf32>
    %add3A_309 = arith.addf %max3A_299, %log3A_308 : vector<64x1xf32>
    %max3A_310 = arith.constant 9.99999974E-5 : f32
    %max3A_311 = vector.broadcast %max3A_310 : f32 to vector<64x1xf32>
    %max3A_312 = arith.maximumf %add3A_309, %max3A_311 : vector<64x1xf32>
    %concatenate3A = tpu.concatenate %add3A_12, %add3A_47, %add3A_87, %add3A_127, %add3A_167, %add3A_207, %add3A_247, %add3A_287 in 1 : vector<64x1xf32>, vector<64x1xf32>, vector<64x1xf32>, vector<64x1xf32>, vector<64x1xf32>, vector<64x1xf32>, vector<64x1xf32>, vector<64x1xf32> -> vector<64x8xf32>
    %swap3A = arith.constant 0 : index
    %swap3A_313 = arith.constant 0 : index
    %swap3A_314 = vector.load %arg4[%swap3A, %swap3A_313] : memref<64x8xf32, #tpu.memory_space<vmem>>, vector<64x8xf32>
    tpu.vector_store %arg4[%swap3A, %swap3A_313], %concatenate3A {strides = array<i32>} : memref<64x8xf32, #tpu.memory_space<vmem>>, vector<64x8xf32>,
    %concatenate3A_315 = tpu.concatenate %max3A_32, %max3A_72, %max3A_112, %max3A_152, %max3A_192, %max3A_232, %max3A_272, %max3A_312 in 1 : vector<64x1xf32>, vector<64x1xf32>, vector<64x1xf32>, vector<64x1xf32>, vector<64x1xf32>, vector<64x1xf32>, vector<64x1xf32>, vector<64x1xf32> -> vector<64x8xf32>
    %swap3A_316 = arith.constant 0 : index
    %swap3A_317 = arith.constant 0 : index
    %swap3A_318 = vector.load %arg5[%swap3A_316, %swap3A_317] : memref<64x8xf32, #tpu.memory_space<vmem>>, vector<64x8xf32>
    tpu.vector_store %arg5[%swap3A_316, %swap3A_317], %concatenate3A_315 {strides = array<i32>} : memref<64x8xf32, #tpu.memory_space<vmem>>, vector<64x8xf32>,
    return
  }
  func.func @transform_0(%arg0: i32) -> (i32, i32) {
    %c0_i32 = arith.constant 0 : i32
    %c0_i32_0 = arith.constant 0 : i32
    return %arg0, %c0_i32 : i32, i32
  }
  func.func @transform_1(%arg0: i32) -> (i32, i32, i32) {
    %c0_i32 = arith.constant 0 : i32
    %c0_i32_0 = arith.constant 0 : i32
    %c0_i32_1 = arith.constant 0 : i32
    %c0_i32_2 = arith.constant 0 : i32
    return %c0_i32, %c0_i32_0, %c0_i32_1 : i32, i32, i32
  }
  func.func @transform_2(%arg0: i32) -> (i32, i32) {
    %c0_i32 = arith.constant 0 : i32
    %c0_i32_0 = arith.constant 0 : i32
    %c0_i32_1 = arith.constant 0 : i32
    return %c0_i32, %c0_i32_0 : i32, i32
  }
  func.func @transform_3(%arg0: i32) -> (i32, i32) {
    %c0_i32 = arith.constant 0 : i32
    %c0_i32_0 = arith.constant 0 : i32
    return %arg0, %c0_i32 : i32, i32
  }
  func.func @transform_4(%arg0: i32) -> (i32, i32) {
    %c0_i32 = arith.constant 0 : i32
    %c0_i32_0 = arith.constant 0 : i32
    return %arg0, %c0_i32 : i32, i32
  }
}

</mosaic_0001>

<sc_bundles>
// kernel: kernel.11.cloned.1.call-start
scs
__scs_entry_jumppad:
0x0: {  	(pc) =	sbr.rel $0x88, $3  }
0x1: {  	(tag) =	ssettag $0x0;
	lr =	simm.s32 $0x1  }
0x2: {  	[smem:$0x3F93] =	sst lr;
	_ =	strace $0xD0000000  }
0x3: {  	_ = 	snop  }
0x4: {  	_ = 	snop  }
0x5: {  	_ = 	snop  }
0x6: {  	_ = 	snop  }
0x7: {  	_ = 	snop  }
__scs_overlays_trampoline_lowered:
0x8: {  	[smem:$0x3FA2] =	sst s0  }
0x9: {  	[smem:$0x3FA3] =	sst s1  }
0xa: {  	[smem:$0x3FA4] =	sst s2  }
0xb: {  	[smem:$0x3FA5] =	sst s3  }
0xc: {  	[smem:$0x3FA6] =	sst s4  }
0xd: {  	[smem:$0x3FA7] =	sst s5  }
0xe: {  	[smem:$0x3FA8] =	sst s6  }
0xf: {  	[smem:$0x3FA9] =	sst s7  }
0x10: {  	[smem:$0x3FAA] =	sst s8  }
0x11: {  	[smem:$0x3FAB] =	sst s9;
	s0 =	simm.s32 @!p0 $0x0  }
0x12: {  	s1 =	sld [smem:$0x3F91];
	s0 =	simm.s32 @p0 $0x1  }
0x13: {  	[smem:$0x3FAC] =	sst s0;
	s0 =	simm.s32 @!p1 $0x0  }
0x14: {  	s2 =	sld [smem:$0x3F90];
	s0 =	simm.s32 @p1 $0x1  }
0x15: {  	[smem:$0x3FAD] =	sst s0;
	s0 =	simm.s32 @!p2 $0x0  }
0x16: {  	s3 =	sld [smem:$0x3FDB];
	s0 =	simm.s32 @p2 $0x1  }
0x17: {  	s4 =	simm.s32 $0x1BF5;
	[smem:$0x3FAF] =	sst s0  }
0x18: {  	s0 =	sld [smem:$0x3F92];
	_ =	swait.ge [sflag:s4], $0x0  }
0x19: {  	s7 =	sld [smem:$0x3F93]  }
0x1a: {  	s8 =	sadd.s32 $0xFFFFE003, lr  }
0x1b: {  	s9 =	sadd.s32 $0xFFFFFEF7, lr;
	s5 =	simm.s32 $0xFFFFFFFF;
	p2 =	slt.u32 s8, $0xFFFFF086  }
0x1c: {  	p1 =	slt.u32 s9, $0xF7A;
	s5 =	simm.s32 @!p2 $0x0  }
0x1d: {  	s5 =	simm.s32 @p1 $0x1;
	p0 =	seq.s32 s7, s2  }
0x1e: {  	s7 =	smul.u32 @!p0 $0xF7A, s2;
	p2 =	seq.s32 @!p0 s5, $0x0  }
0x1f: {  	s9 =	smul.u32 $0xF7A, s1;
	s8 =	simm.s32 @!p0 $0x1BF5;
	p2 =	por !p2, p0  }
0x20: {  	[sflag:s8] =	ssyncset.s32 @!p0 $0xFFFFF086;
	s6 =	sadd.s32 @!p0 s3, s7;
	s7 =	simm.s32 @!p0 $0x108  }
0x21: {  	s3 =	sadd.s32 s3, s9;
	s6 =	sadd.s32 @!p0 $0x88, s6;
	s7 =	simm.s32 @p2 $0x1082  }
0x22: {  	[simem:s7], [sflag:s8] =	dma.local @!p0 [hbm:s6], $0xF7A  }
0x23: {  	s9 =	sor.u32 $0xD0000000, s2;
	s6 =	simm.s32 $0x108;
	_ =	swait.ge @!p0 [sflag:s8], $0x0  }
0x24: {  	s3 =	sadd.s32 $0x88, s3;
	s6 =	simm.s32 @!p1 $0x1082;
	[sflag:s4] =	ssyncset.s32 $0xFFFFF086  }
0x25: {  	[simem:s6], [sflag:s4] =	dma.local [hbm:s3], $0xF7A  }
0x26: {  	[smem:$0x3F93] =	sst s1;
	(tag) =	ssettag s2;
	_ =	strace s9  }
0x27: {  	s1 =	sld [smem:$0x3FA3]  }
0x28: {  	s2 =	sld [smem:$0x3FA4]  }
0x29: {  	s4 =	sld [smem:$0x3FA6]  }
0x2a: {  	p0 =	seq.s32 s5, $0x0;
	s5 =	sld [smem:$0x3FA7]  }
0x2b: {  	s6 =	sld [smem:$0x3FA8]  }
0x2c: {  	s7 =	sld [smem:$0x3FA9]  }
0x2d: {  	s3 =	simm.s32 $0x108;
	s8 =	sld [smem:$0x3FAA]  }
0x2e: {  	s3 =	simm.s32 @!p0 $0x1082;
	s9 =	sld [smem:$0x3FAB]  }
0x2f: {  	lr =	sadd.s32 s0, s3;
	s0 =	sld [smem:$0x3FA2]  }
0x30: {  	s3 =	sld [smem:$0x3FA5]  }
0x31: {  	[smem:$0x3FAE] =	sst s10  }
0x32: {  	s10 =	sld [smem:$0x3FAC];
	_ =	sdelay $0x3  }
0x33: {  	p0 =	seq.s32 s10, $0x1;
	s10 =	sld [smem:$0x3FAE];
	_ =	sdelay $0x3  }
0x34: {  	[smem:$0x3FAE] =	sst s10  }
0x35: {  	s10 =	sld [smem:$0x3FAD];
	_ =	sdelay $0x3  }
0x36: {  	p1 =	seq.s32 s10, $0x1;
	s10 =	sld [smem:$0x3FAE];
	_ =	sdelay $0x3  }
0x37: {  	[smem:$0x3FAE] =	sst s10  }
0x38: {  	s10 =	sld [smem:$0x3FAF]  }
0x39: {  	_ = 	snop;
	(pc) =	sbr.ind lr, $3  }
0x3a: {  	_ = 	snop  }
0x3b: {  	_ = 	snop  }
0x3c: {  	p2 =	seq.s32 s10, $0x1;
	s10 =	sld [smem:$0x3FAE]  }
0x3d: {  	_ =	shalt  }
0x3e: {  	_ =	shalt  }
0x3f: {  	_ =	shalt  }
0x40: {  	_ =	shalt  }
0x41: {  	_ =	shalt  }
0x42: {  	_ =	shalt  }
0x43: {  	_ =	shalt  }
0x44: {  	_ =	shalt  }
0x45: {  	_ =	shalt  }
0x46: {  	_ =	shalt  }
0x47: {  	_ =	shalt  }
0x48: {  	_ =	shalt  }
0x49: {  	_ =	shalt  }
0x4a: {  	_ =	shalt  }
0x4b: {  	_ =	shalt  }
0x4c: {  	_ =	shalt  }
0x4d: {  	_ =	shalt  }
0x4e: {  	_ =	shalt  }
0x4f: {  	_ =	shalt  }
0x50: {  	_ =	shalt  }
0x51: {  	_ =	shalt  }
0x52: {  	_ =	shalt  }
0x53: {  	_ =	shalt  }
0x54: {  	_ =	shalt  }
0x55: {  	_ =	shalt  }
0x56: {  	_ =	shalt  }
0x57: {  	_ =	shalt  }
0x58: {  	_ =	shalt  }
0x59: {  	_ =	shalt  }
0x5a: {  	_ =	shalt  }
0x5b: {  	_ =	shalt  }
0x5c: {  	_ =	shalt  }
0x5d: {  	_ =	shalt  }
0x5e: {  	_ =	shalt  }
0x5f: {  	_ =	shalt  }
0x60: {  	_ =	shalt  }
0x61: {  	_ =	shalt  }
0x62: {  	_ =	shalt  }
0x63: {  	_ =	shalt  }
0x64: {  	_ =	shalt  }
0x65: {  	_ =	shalt  }
0x66: {  	_ =	shalt  }
0x67: {  	_ =	shalt  }
0x68: {  	_ =	shalt  }
0x69: {  	_ =	shalt  }
0x6a: {  	_ =	shalt  }
0x6b: {  	_ =	shalt  }
0x6c: {  	_ =	shalt  }
0x6d: {  	_ =	shalt  }
0x6e: {  	_ =	shalt  }
0x6f: {  	_ =	shalt  }
0x70: {  	_ =	shalt  }
0x71: {  	_ =	shalt  }
0x72: {  	_ =	shalt  }
0x73: {  	_ =	shalt  }
0x74: {  	_ =	shalt  }
0x75: {  	_ =	shalt  }
0x76: {  	_ =	shalt  }
0x77: {  	_ =	shalt  }
0x78: {  	_ =	shalt  }
0x79: {  	_ =	shalt  }
0x7a: {  	_ =	shalt  }
0x7b: {  	_ =	shalt  }
0x7c: {  	_ =	shalt  }
0x7d: {  	_ =	shalt  }
0x7e: {  	_ =	shalt  }
0x7f: {  	_ =	shalt  }
0x80: {  	_ =	shalt  }
0x81: {  	_ =	shalt  }
0x82: {  	_ =	shalt  }
0x83: {  	_ =	shalt  }
0x84: {  	_ =	shalt  }
0x85: {  	_ =	shalt  }
0x86: {  	_ =	shalt  }
0x87: {  	_ =	shalt  }
.Lfunc_end0:
.L_simem_size_0:
called_computation.1_lowered:
.L_overlay_start_0:
0x88: {  	s2 =	sld [smem:$0x3FD9]  }
0x89: {  	s3 =	sld [smem:$0x3FFE];
	_ =	sdelay $0x1  }
0x8a: {  	s1 =	srdreg.scid  }
0x8b: {  	s0 =	sand.u32 $0x1, s1  }
0x8c: {  	s16 =	sshll.u32 s0, $0xA;
	s2 =	sadd.s32 s3, s2  }
0x8d: {  	s2 =	sadd.s32 s2, s16  }
0x8e: {  	[smem:$0x3FBA] =	sst s2  }
0x8f: {  	_ = 	snop  }
0x90: {  	(tm) =	ssettm $0x1  }
0x91: {  	s17 =	sld [smem:$0x3FFB];
	_ =	sdelay $0x3  }
0x92: {  	_ =	strace s17  }
0x93: {  	s2 =	sld [smem:$0x3FFC];
	_ =	sdelay $0x3  }
0x94: {  	_ =	strace s2  }
0x95: {  	s2 =	sld [smem:$0x3FFD];
	_ =	sdelay $0x3  }
0x96: {  	_ =	strace s2  }
0x97: {  	_ =	strace $0x8FFFFFFF  }
0x98: {  	s18 =	sld [smem:$0x3FDB];
	_ =	sdelay $0x1  }
0x99: {  	s19 =	simm.s32 $_scs_section_size  }
0x9a: {  	s4 =	simm.s32 $_size__tile_overlayer_lowered;
	s5 =	simm.s32 $_tile_overlayer_lowered  }
0x9b: {  	s22 =	simm.s32 $0x1BFF;
	s21 =	sshll.u32 s5, $0x1;
	s2 =	sadd.s32 s19, s18  }
0x9c: {  	s6 =	simm.s32 $0x0;
	s20 =	sshll.u32 s4, $0x1;
	s4 =	sadd.s32 s21, s2  }
0x9d: {  	[timem:s6], [sflag:s22] =	dma.local [hbm:s4], s20  }
0x9e: {  	_ =	swait.ge [sflag:s22], s20  }
0x9f: {  	s3 =	ssub.s32 $0x0, s20;
	[sflag:s22] =	ssyncset.done $0x0  }
0xa0: {  	[sflag:s22] =	ssyncadd.s32 s3;
	_ =	sdelay $0x1  }
0xa1: {  	s23 =	simm.s32 $0x1B8B  }
0xa2: {  	_ =	swait.ge [sflag:s23], $0x1  }
0xa3: {  	[sflag:s23] =	ssyncset.done $0x0  }
0xa4: {  	s25 =	simm.s32 $0x1B8E;
	s24 =	sld [smem:$0x3FFE];
	[sflag:s23] =	ssyncadd.s32 $0xFFFFFFFF  }
0xa5: {  	s26 =	simm.s32 $execute0_lowered;
	[smem:$0x3FD2] =	sst s25  }
0xa6: {  	s4 =	sshll.u32 s26, $0x1;
	_ =	strace $0x80000049;
	[dreg:$0x1] =	wrdreg $0xFFFFFFFF  }
0xa7: {  	s28 =	simm.s32 $_size_execute0_lowered;
	s2 =	sadd.s32 s2, s4;
	[dreg:$0x0] =	wrdreg $0x0  }
0xa8: {  	s4 =	sshll.u32 s28, $0x1;
	[dreg:$0x2] =	wrdreg s2  }
0xa9: {  	[dreg:$0x3] =	wrdreg s4  }
0xaa: {  	[dreg:$0x4] =	wrdreg $0xC0  }
0xab: {  	_ =	task [dreg:s6], $0x5FFFF  }
0xac: {  	[dreg:$0x1] =	wrdreg $0xFFFFFFFF  }
0xad: {  	[dreg:$0x0] =	wrdreg $0x60  }
0xae: {  	[dreg:$0x2] =	wrdreg s24  }
0xaf: {  	[dreg:$0x3] =	wrdreg $0x63000  }
0xb0: {  	[dreg:$0x4] =	wrdreg $0x9  }
0xb1: {  	_ =	task.clear_ibuf [dreg:s6], $0x5FFFF;
	_ =	strace $0x90000049  }
0xb2: {  	s29 =	simm.s32 $0x9;
	_ =	strace $0x8000004B  }
0xb3: {  	_ =	swait.ge [sflag:s29], $0x1  }
0xb4: {  	[sflag:s29] =	ssyncadd.s32 $0xFFFFFFFF  }
0xb5: {  	_ =	strace $0x9000004B  }
0xb6: {  	_ =	sfence  }
0xb7: {  	s30 =	sld [smem:$0x0];
	_ =	sdelay $0x2  }
0xb8: {  	s31 =	sshll.u32 s1, $0xD;
	s1 =	sshrl.u32 s1, $0x2  }
0xb9: {  	s3 =	sand.u32 $0x4000, s31;
	s1 =	sadd.s32 s1, s30  }
0xba: {  	s0 =	sor.u32 s3, s0;
	s1 =	sshll.u32 s1, $0x11  }
0xbb: {  	s0 =	sor.u32 s1, s0  }
0xbc: {  	s0 =	sadd.s32 $0x8F2B, s0  }
0xbd: {  	[sflag:s0] =	ssyncadd.remote.s32 $0x1  }
0xbe: {  	_ =	sfence.sel $0xFFFF  }
0xbf: {  	[dreg:$0x0] =	wrdreg $0xFFFFFFFF;
	(pc) =	sbr.abs _section_cstart, $3  }
0xc0: {  	[dreg:$0x1] =	wrdreg $0xFFFFFFFF  }
0xc1: {  	_ =	task.clear_ibuf [dreg:s6], $0x2FFFF;
	_ =	strace $0x9FFFFFFF  }
0xc2: {  	(tm) =	ssettm $0x7FFFFFFF  }
0xc3: {  	_ =	shalt  }
tec
execute0_lowered:
.L_overlay_start_1:
0x0: {  	(tag) =	ssettag $0x1  }
0x1: {  	s0 =	rddreg [dreg:$0x0]  }
0x2: {  	s1 =	rddreg [dreg:$0x1];
	s3 =	simm.s32 $0x0  }
0x3: {  	s2 =	srdreg.scid;
	s13 =	stileid.u32;
	s16 =	simm.s32 $0x5  }
0x4: {  	s18 =	simm.s32 $0x80;
	s22 =	simm.s32 $0x4;
	s23 =	simm.s32 $0x1  }
0x5: {  	[smem:$0x7FF] =	sst s3;
	s2 =	sand.u32 $0x1, s2;
	s6 =	smul.u32 $0x620, s13  }
0x6: {  	s4 =	sadd.s32 $0x1600, s0;
	s7 =	sadd.s32 $0x7BE00, s0;
	s8 =	smul.u32 $0x63000, s13  }
0x7: {  	s9 =	sadd.s32 $0x63600, s0;
	s10 =	sadd.s32 $0x94600, s0;
	s11 =	smul.u32 $0x1880, s13  }
0x8: {  	s26 =	sshll.u32 s13, $0x6;
	s28 =	sshll.u32 s13, $0x4;
	s13 =	smul.u32 $0x62000, s13  }
0x9: {  	s5 =	smul.u32 $0x6200, s2;
	_ =	strace $0x8000004A;
	[dreg:$0x3] =	wrdreg s10  }
0xa: {  	s2 =	ssub.s32 $0x2, s2;
	s12 =	sor.u32 $0x6200, s28;
	s10 =	simm.s32 $0x200  }
0xb: {  	s24 =	sshrl.u32 s2, $0x1;
	s8 =	sshrl.u32 s8, $0x2;
	s14 =	sadd.s32 s7, s11  }
0xc: {  	s29 =	sshrl.u32 s13, $0x2;
	s6 =	sadd.s32 s6, s5;
	s2 =	ssub.s32 s2, s24  }
0xd: {  	s25 =	sadd.s32 s8, s1;
	s8 =	sadd.s32 s9, s11;
	s11 =	sor.u32 $0x10, s11  }
0xe: {  	s15 =	sadd.s32 $0x6200, s5;
	s30 =	sadd.s32 s29, s1;
	[dreg:$0x4] =	wrdreg s14  }
0xf: {  	s14 =	sadd.s32 $0x20, s14;
	s24 =	simm.s32 $0x2;
	s6 =	sshll.u32 s6, $0x3  }
0x10: {  	s7 =	sadd.s32 s7, s11;
	s9 =	sadd.s32 s9, s11;
	s2 =	smax.u32 s2, $0x1  }
0x11: {  	s13 =	sadd.s32 $0x20, s8;
	s31 =	sshrl.u32 s25, $0x3;
	[dreg:$0x5] =	wrdreg s7  }
0x12: {  	s11 =	simm.s32 $0x2300;
	s25 =	sshrl.u32 s30, $0x3;
	[dreg:$0x6] =	wrdreg s9  }
0x13: {  	s0 =	sadd.s32 s6, s0;
	s6 =	sor.u32 $0x1C05, s26;
	[dreg:$0x8] =	wrdreg s2  }
0x14: {  	v0 =	vlaneseq.u32;
	[dreg:$0x9] =	wrdreg s31;
	s7 =	simm.s32 $0x180;
	s0 =	sadd.s32 $0x97800, s0  }
0x15: {  	v0 =	vor.u32 s12, v0;
	v1 =	vmov s5;
	v2 =	vmov s15;
	s9 =	simm.s32 $0x300;
	s26 =	simm.s32 $0x0;
	[dreg:$0x7] =	wrdreg s0  }
.LBB2_1:
0x16: {  	s0 =	rddreg [dreg:$0x3]  }
0x17: {  	s2 =	rddreg [dreg:$0x9]  }
0x18: {  	[spmem:s2], [sflag:s6] =	dma.local [hbm:s0], $0x3180  }
0x19: {  	_ =	swait.ge [sflag:s16], $0x3180  }
0x1a: {  	[sflag:s16] =	ssyncset.done $0x0  }
0x1b: {  	[sflag:s16] =	ssyncadd.s32 $0xFFFFCE80  }
0x1c: {  	[bflag:$0x0] =	sbarrier.arrive $0xFFFF  }
0x1d: {  	s21 =	rddreg [dreg:$0x4]  }
0x1e: {  	[tilespmem:s3], [sflag:$0x5] =	stream.linear.gather [hbm4b:s21+s3], $0x80, $0x38;
	[tilespmem:$0x1EF00] =	vst v63  }
0x1f: {  	_ =	swait.ge [sflag:s16], $0x80  }
0x20: {  	[sflag:s16] =	ssyncset.done $0x0  }
0x21: {  	[sflag:s16] =	ssyncadd.s32 $0xFFFFFF80  }
0x22: {  	[tilespmem:s7], [sflag:$0x5] =	stream.linear.gather [hbm4b:s8+s3], $0x80, $0x38;
	[tilespmem:$0x1EF00] =	vst v63  }
0x23: {  	_ =	swait.ge [sflag:s16], $0x80  }
0x24: {  	[sflag:s16] =	ssyncset.done $0x0  }
0x25: {  	[sflag:s16] =	ssyncadd.s32 $0xFFFFFF80  }
0x26: {  	v3 =	vld [tilespmem:$0x180];
	_ =	sdelay $0x1  }
0x27: {  	v4 =	vld [tilespmem:$0x190]  }
0x28: {  	v5 =	vld [tilespmem:$0x0]  }
0x29: {  	v6 =	vld [tilespmem:$0x1A0]  }
0x2a: {  	v7 =	vld [tilespmem:$0x10];
	vm0 =	vge.s32 v3, v1;
	vm1 =	vlt.s32 v3, v2  }
0x2b: {  	v8 =	vld [tilespmem:$0x1B0];
	v3 =	vsub.s32 v3, v1;
	vm0 =	vmand vm0, vm1  }
0x2c: {  	v9 =	vld [tilespmem:$0x20];
	vm13 =	vge.s32 v4, v1;
	vm2 =	vlt.s32 v4, v2;
	v3 =	vsel vm0, v3, v0  }
0x2d: {  	v4 =	vsub.s32 v4, v1;
	vm14 =	vmand vm13, vm2;
	[tilespmem:$0x180] =	vst v3;
	v3 =	vnsel vm0, $0x0, v5;
	v5 =	vld [tilespmem:$0x1C0]  }
0x2e: {  	vm15 =	vge.s32 v6, v1;
	vm4 =	vlt.s32 v6, v2;
	[tilespmem:$0x0] =	vst v3;
	v3 =	vsel vm14, v4, v0;
	v4 =	vld [tilespmem:$0x30]  }
0x2f: {  	v6 =	vsub.s32 v6, v1;
	vm5 =	vmand vm15, vm4;
	[tilespmem:$0x190] =	vst v3;
	v3 =	vnsel vm14, $0x0, v7;
	v7 =	vld [tilespmem:$0x1D0]  }
0x30: {  	vm6 =	vge.s32 v8, v1;
	vm7 =	vlt.s32 v8, v2;
	[tilespmem:$0x10] =	vst v3;
	v3 =	vsel vm5, v6, v0;
	v6 =	vld [tilespmem:$0x40]  }
0x31: {  	v55 =	vld [tilespmem:$0x1E0];
	v8 =	vsub.s32 v8, v1;
	vm8 =	vmand vm6, vm7;
	[tilespmem:$0x1A0] =	vst v3;
	v3 =	vnsel vm5, $0x0, v9  }
0x32: {  	v56 =	vld [tilespmem:$0x50];
	[tilespmem:$0x20] =	vst v3;
	v3 =	vsel vm8, v8, v0;
	vm9 =	vge.s32 v5, v1;
	vm10 =	vlt.s32 v5, v2  }
0x33: {  	[tilespmem:$0x1B0] =	vst v3;
	v3 =	vnsel vm8, $0x0, v4;
	vm11 =	vmand vm9, vm10;
	v4 =	vsub.s32 v5, v1;
	v5 =	vld [tilespmem:$0x1F0]  }
0x34: {  	[tilespmem:$0x30] =	vst v3;
	v3 =	vsel vm11, v4, v0;
	vm12 =	vge.s32 v7, v1;
	vm13 =	vlt.s32 v7, v2;
	v4 =	vld [tilespmem:$0x60]  }
0x35: {  	[tilespmem:$0x1C0] =	vst v3;
	v3 =	vnsel vm11, $0x0, v6;
	vm14 =	vmand vm12, vm13;
	v6 =	vsub.s32 v7, v1  }
0x36: {  	vm15 =	vge.s32 v55, v1;
	vm4 =	vlt.s32 v55, v2;
	[tilespmem:$0x40] =	vst v3;
	v3 =	vsel vm14, v6, v0;
	v6 =	vld [tilespmem:$0x70]  }
0x37: {  	vm5 =	vmand vm15, vm4;
	v7 =	vsub.s32 v55, v1;
	[tilespmem:$0x1D0] =	vst v3;
	v3 =	vnsel vm14, $0x0, v56  }
0x38: {  	[tilespmem:$0x50] =	vst v3;
	v3 =	vsel vm5, v7, v0;
	vm6 =	vge.s32 v5, v1;
	vm7 =	vlt.s32 v5, v2  }
0x39: {  	[tilespmem:$0x1E0] =	vst v3;
	v3 =	vnsel vm5, $0x0, v4;
	vm8 =	vmand vm6, vm7;
	v4 =	vsub.s32 v5, v1  }
0x3a: {  	[tilespmem:$0x60] =	vst v3;
	v3 =	vsel vm8, v4, v0  }
0x3b: {  	[tilespmem:$0x1F0] =	vst v3;
	v3 =	vnsel vm8, $0x0, v6  }
0x3c: {  	[tilespmem:$0x70] =	vst v3  }
0x3d: {  	[tilespmem:s9], [sflag:$0x1] =	stream.indirect.gather [hbm4b:s4+s18], $0x40, s3, s18, $0xb8;
	[tilespmem:$0x1EF00] =	vst v63  }
0x3e: {  	s2 =	rddreg [dreg:$0x5]  }
0x3f: {  	[tilespmem:s18], [sflag:$0x5] =	stream.linear.gather [hbm4b:s2+s3], $0x80, $0x38;
	[tilespmem:$0x1EF00] =	vst v63  }
0x40: {  	_ =	swait.ge [sflag:s16], $0x80  }
0x41: {  	[sflag:s16] =	ssyncset.done $0x0  }
0x42: {  	s5 =	rddreg [dreg:$0x6];
	[sflag:s16] =	ssyncadd.s32 $0xFFFFFF80  }
0x43: {  	[tilespmem:s10], [sflag:$0x5] =	stream.linear.gather [hbm4b:s5+s3], $0x80, $0x38;
	[tilespmem:$0x1EF00] =	vst v63  }
0x44: {  	_ =	swait.ge [sflag:s16], $0x80  }
0x45: {  	[sflag:s16] =	ssyncset.done $0x0  }
0x46: {  	[sflag:s16] =	ssyncadd.s32 $0xFFFFFF80  }
0x47: {  	v3 =	vld [tilespmem:$0x200];
	_ =	sdelay $0x1  }
0x48: {  	v4 =	vld [tilespmem:$0x210]  }
0x49: {  	v5 =	vld [tilespmem:$0x80]  }
0x4a: {  	v6 =	vld [tilespmem:$0x220]  }
0x4b: {  	v7 =	vld [tilespmem:$0x90];
	vm9 =	vge.s32 v3, v1;
	vm10 =	vlt.s32 v3, v2  }
0x4c: {  	v57 =	vld [tilespmem:$0x230];
	v3 =	vsub.s32 v3, v1;
	vm0 =	vmand vm9, vm10  }
0x4d: {  	v58 =	vld [tilespmem:$0xA0];
	vm11 =	vge.s32 v4, v1;
	vm12 =	vlt.s32 v4, v2;
	v3 =	vsel vm0, v3, v0  }
0x4e: {  	v4 =	vsub.s32 v4, v1;
	vm13 =	vmand vm11, vm12;
	[tilespmem:$0x200] =	vst v3;
	v3 =	vnsel vm0, $0x0, v5;
	v5 =	vld [tilespmem:$0x240]  }
0x4f: {  	vm14 =	vge.s32 v6, v1;
	vm15 =	vlt.s32 v6, v2;
	[tilespmem:$0x80] =	vst v3;
	v3 =	vsel vm13, v4, v0;
	v4 =	vld [tilespmem:$0xB0]  }
0x50: {  	v6 =	vsub.s32 v6, v1;
	vm4 =	vmand vm14, vm15;
	[tilespmem:$0x210] =	vst v3;
	v3 =	vnsel vm13, $0x0, v7;
	v7 =	vld [tilespmem:$0x250]  }
0x51: {  	vm5 =	vge.s32 v57, v1;
	vm6 =	vlt.s32 v57, v2;
	[tilespmem:$0x90] =	vst v3;
	v3 =	vsel vm4, v6, v0;
	v6 =	vld [tilespmem:$0xC0]  }
0x52: {  	v59 =	vld [tilespmem:$0x260];
	v8 =	vsub.s32 v57, v1;
	vm7 =	vmand vm5, vm6;
	[tilespmem:$0x220] =	vst v3;
	v3 =	vnsel vm4, $0x0, v58  }
0x53: {  	v60 =	vld [tilespmem:$0xD0];
	[tilespmem:$0xA0] =	vst v3;
	v3 =	vsel vm7, v8, v0;
	vm8 =	vge.s32 v5, v1;
	vm9 =	vlt.s32 v5, v2  }
0x54: {  	[tilespmem:$0x230] =	vst v3;
	v3 =	vnsel vm7, $0x0, v4;
	vm10 =	vmand vm8, vm9;
	v4 =	vsub.s32 v5, v1;
	v5 =	vld [tilespmem:$0x270]  }
0x55: {  	[tilespmem:$0xB0] =	vst v3;
	v3 =	vsel vm10, v4, v0;
	vm11 =	vge.s32 v7, v1;
	vm12 =	vlt.s32 v7, v2;
	v4 =	vld [tilespmem:$0xE0]  }
0x56: {  	[tilespmem:$0x240] =	vst v3;
	v3 =	vnsel vm10, $0x0, v6;
	vm13 =	vmand vm11, vm12;
	v6 =	vsub.s32 v7, v1  }
0x57: {  	s7 =	smul.u32 $0xAAAB, s3;
	vm14 =	vge.s32 v59, v1;
	vm15 =	vlt.s32 v59, v2;
	[tilespmem:$0xC0] =	vst v3;
	v3 =	vsel vm13, v6, v0;
	v6 =	vld [tilespmem:$0xF0]  }
0x58: {  	vm4 =	vmand vm14, vm15;
	v7 =	vsub.s32 v59, v1;
	[tilespmem:$0x250] =	vst v3;
	v3 =	vnsel vm13, $0x0, v60  }
0x59: {  	s9 =	sadd.s32 $0x15556, s7;
	[tilespmem:$0xD0] =	vst v3;
	v3 =	vsel vm4, v7, v0;
	vm5 =	vge.s32 v5, v1;
	vm6 =	vlt.s32 v5, v2  }
0x5a: {  	s2 =	sshrl.u32 s9, $0x11;
	[tilespmem:$0x260] =	vst v3;
	v3 =	vnsel vm4, $0x0, v4;
	vm7 =	vmand vm5, vm6;
	v4 =	vsub.s32 v5, v1  }
0x5b: {  	s2 =	smul.u32 $0x3, s2;
	[tilespmem:$0xE0] =	vst v3;
	v3 =	vsel vm7, v4, v0  }
0x5c: {  	p0 =	por $0x1, $0x1;
	[tilespmem:$0x270] =	vst v3;
	v3 =	vnsel vm7, $0x0, v6  }
0x5d: {  	s2 =	ssub.s32 $0x0, s2;
	s5 =	simm.s32 @!p0 $0x4;
	[tilespmem:$0xF0] =	vst v3  }
0x5e: {  	[tilespmem:s11], [sflag:$0x2] =	stream.indirect.gather [hbm4b:s4+s18], $0x40, s18, s18, $0xb8;
	[tilespmem:$0x1EF00] =	vst v63  }
0x5f: {  	s2 =	sadd.s32 $0x2, s2;
	_ =	swait.ge @!p0 [sflag:s5], $0x2000  }
0x60: {  	s29 =	sand.u32 $0xFFFF, s2;
	[sflag:s5] =	ssyncset.done @!p0 $0x0  }
0x61: {  	s30 =	sshll.u32 s29, $0x7;
	[sflag:s5] =	ssyncadd.s32 @!p0 $0xFFFFE000  }
0x62: {  	[tilespmem:s30], [sflag:$0x5] =	stream.linear.gather [hbm4b:s14+s3], $0x80, $0x38;
	[tilespmem:$0x1EF00] =	vst v63  }
0x63: {  	_ =	swait.ge [sflag:s16], $0x80  }
0x64: {  	[sflag:s16] =	ssyncset.done $0x0  }
0x65: {  	s10 =	sadd.s32 $0x180, s30;
	[sflag:s16] =	ssyncadd.s32 $0xFFFFFF80  }
0x66: {  	[tilespmem:s10], [sflag:$0x5] =	stream.linear.gather [hbm4b:s13+s3], $0x80, $0x38;
	[tilespmem:$0x1EF00] =	vst v63  }
0x67: {  	_ =	swait.ge [sflag:s16], $0x80  }
0x68: {  	[sflag:s16] =	ssyncset.done $0x0  }
0x69: {  	[sflag:s16] =	ssyncadd.s32 $0xFFFFFF80  }
0x6a: {  	v3 =	vld [tilespmem:s30+$0x20]  }
0x6b: {  	v5 =	vld [tilespmem:s30+$0x1A0]  }
0x6c: {  	v6 =	vld [tilespmem:s30+$0x1B0]  }
0x6d: {  	v61 =	vld [tilespmem:s30+$0x180]  }
0x6e: {  	v4 =	vld [tilespmem:s30+$0x190]  }
0x6f: {  	v7 =	vld [tilespmem:s30+$0x1C0]  }
0x70: {  	v62 =	vld [tilespmem:s30+$0x0];
	vm8 =	vge.s32 v5, v1;
	v11 =	vsub.s32 v5, v1  }
0x71: {  	vm9 =	vlt.s32 v5, v2;
	vm10 =	vge.s32 v6, v1;
	vm3 =	vlt.s32 v6, v2  }
0x72: {  	v10 =	vld [tilespmem:s30+$0x1D0];
	vm11 =	vge.s32 v61, v1;
	vm12 =	vlt.s32 v61, v2;
	vm1 =	vmand vm8, vm9  }
0x73: {  	v14 =	vld [tilespmem:s30+$0x1E0];
	v6 =	vsub.s32 v6, v1;
	vm14 =	vge.s32 v4, v1;
	v11 =	vsel vm1, v11, v0  }
0x74: {  	v13 =	vld [tilespmem:s30+$0x10];
	v8 =	vsub.s32 v61, v1;
	vm13 =	vmand vm11, vm12;
	v3 =	vnsel vm1, $0x0, v3;
	[tilespmem:s30+$0x1A0] =	vst v11  }
0x75: {  	v5 =	vld [tilespmem:s30+$0x40];
	vm15 =	vge.s32 v7, v1;
	vm0 =	vmand vm10, vm3;
	v9 =	vnsel vm13, $0x0, v62;
	[tilespmem:s30+$0x20] =	vst v3  }
0x76: {  	s0 =	sshrl.u32 s7, $0x11;
	vm4 =	vlt.s32 v7, v2;
	v8 =	vsel vm13, v8, v0;
	v3 =	vsel vm0, v6, v0;
	v6 =	vld [tilespmem:s30+$0x60];
	[tilespmem:s30+$0x0] =	vst v9  }
0x77: {  	s0 =	smul.u32 $0x3, s0;
	s11 =	simm.s32 $0x1;
	v12 =	vld [tilespmem:s30+$0x30];
	v7 =	vsub.s32 v7, v1;
	vm8 =	vlt.s32 v4, v2;
	vm3 =	vmand vm15, vm4;
	[tilespmem:s30+$0x180] =	vst v8  }
0x78: {  	s2 =	smul.u32 $0xAAAB, s11;
	vm9 =	vge.s32 v14, v1;
	vm2 =	vmand vm14, vm8;
	v7 =	vsel vm3, v7, v0;
	[tilespmem:s30+$0x1B0] =	vst v3;
	v3 =	vld [tilespmem:s30+$0x1F0]  }
0x79: {  	s20 =	sadd.s32 $0x10, s13;
	vm10 =	vlt.s32 v14, v2;
	v4 =	vsub.s32 v4, v1;
	[tilespmem:s30+$0x1C0] =	vst v7;
	v7 =	vnsel vm2, $0x0, v13  }
0x7a: {  	s0 =	ssub.s32 $0x0, s0;
	s12 =	sadd.s32 $0x15556, s2;
	s2 =	sshrl.u32 s2, $0x11;
	vm11 =	vge.s32 v10, v1;
	vm1 =	vmand vm9, vm10;
	[tilespmem:s30+$0x10] =	vst v7;
	v5 =	vnsel vm3, $0x0, v5  }
0x7b: {  	s15 =	sand.u32 $0xFFFF, s0;
	s5 =	sshrl.u32 s12, $0x11;
	s2 =	smul.u32 $0x3, s2;
	vm12 =	vlt.s32 v10, v2;
	v4 =	vsel vm2, v4, v0;
	[tilespmem:s30+$0x40] =	vst v5;
	v5 =	vnsel vm1, $0x0, v6;
	v6 =	vld [tilespmem:s30+$0x70]  }
0x7c: {  	s17 =	sshll.u32 s15, $0xD;
	s7 =	sadd.s32 $0x1, s15;
	s21 =	smul.u32 $0x3, s5;
	v63 =	vld [tilespmem:s30+$0x50];
	vm13 =	vmand vm11, vm12;
	v7 =	vnsel vm0, $0x0, v12;
	[tilespmem:s30+$0x190] =	vst v4  }
0x7d: {  	s9 =	sshll.u32 s15, $0x7;
	s19 =	sshll.u32 s29, $0xD;
	s11 =	sadd.s32 $0x10, s14;
	[tilespmem:s30+$0x60] =	vst v5;
	v5 =	vsub.s32 v10, v1;
	vm14 =	vge.s32 v3, v1;
	vm15 =	vlt.s32 v3, v2  }
0x7e: {  	p0 =	por $0x0, $0x0;
	s2 =	ssub.s32 $0x1, s2;
	s0 =	ssub.s32 $0x1, s21;
	[tilespmem:s30+$0x30] =	vst v7;
	v3 =	vsub.s32 v3, v1;
	v4 =	vsel vm13, v5, v0;
	vm2 =	vmand vm14, vm15  }
0x7f: {  	s12 =	smov.u32 s20;
	s28 =	sand.u32 $0xFFFF, s2;
	s0 =	sadd.s32 $0x2, s0;
	[tilespmem:s30+$0x1D0] =	vst v4;
	v3 =	vsel vm2, v3, v0  }
0x80: {  	s21 =	smov.u32 s11;
	s10 =	simm.s32 $0x2;
	s0 =	sand.u32 $0xFFFF, s0;
	v4 =	vsub.s32 v14, v1;
	[tilespmem:s30+$0x1F0] =	vst v3;
	v5 =	vnsel vm2, $0x0, v6  }
0x81: {  	s31 =	sshll.u32 s28, $0xD;
	s2 =	sshll.u32 s28, $0x7;
	s5 =	sshll.u32 s0, $0xD;
	v3 =	vsel vm1, v4, v0;
	v4 =	vnsel vm13, $0x0, v63;
	[tilespmem:s30+$0x70] =	vst v5  }
.LBB2_2:
0x82: {  	s20 =	sadd.s32 $0x10, s20  }
0x83: {  	s11 =	sadd.s32 $0x10, s11;
	[tilespmem:s30+$0x50] =	vst v4;
	s15 =	smov.u32 s10;
	s10 =	sadd.s32 $0x1, s10  }
0x84: {  	s19 =	sor.u32 $0x300, s19;
	s29 =	sadd.s32 $0x1, s29;
	p1 =	sne.s32 s10, $0x186;
	[tilespmem:s30+$0x1E0] =	vst v3  }
0x85: {  	[tilespmem:s19], [sflag:s29] =	stream.indirect.gather [hbm4b:s4+s18], $0x40, s30, s18, $0xb8;
	[tilespmem:$0x1EF00] =	vst v63  }
0x86: {  	s29 =	smov.u32 s0;
	s19 =	smov.u32 s5;
	_ =	swait.ge [sflag:s7], $0x2000  }
0x87: {  	s0 =	sadd.s32 $0x180, s9;
	s9 =	smov.u32 s2;
	[sflag:s7] =	ssyncset.done $0x0  }
0x88: {  	s2 =	simm.s32 @!p0 $0x4;
	s5 =	sor.u32 $0x300, s17;
	[sflag:s7] =	ssyncadd.s32 $0xFFFFE000  }
0x89: {  	[spmem:s1] =	stream.indirect.scatter.add.f32 [tilespmem:s5], [sflag:$0x4], $0x40, s0, s18, $0xb8;
	[tilespmem:$0x1EF00] =	vst v63  }
0x8a: {  	s17 =	smov.u32 s31;
	_ =	swait.ge @!p0 [sflag:s2], $0x2000  }
0x8b: {  	[sflag:s2] =	ssyncset.done @!p0 $0x0  }
0x8c: {  	s30 =	sshll.u32 s29, $0x7;
	[sflag:s2] =	ssyncadd.s32 @!p0 $0xFFFFE000  }
0x8d: {  	[tilespmem:s30], [sflag:$0x5] =	stream.linear.gather [hbm4b:s21+s3], $0x80, $0x38;
	[tilespmem:$0x1EF00] =	vst v63  }
0x8e: {  	s21 =	smov.u32 s11;
	_ =	swait.ge [sflag:s16], $0x80  }
0x8f: {  	s0 =	smul.u32 $0xAAAB, s15;
	[sflag:s16] =	ssyncset.done $0x0  }
0x90: {  	s2 =	sadd.s32 $0x180, s30;
	[sflag:s16] =	ssyncadd.s32 $0xFFFFFF80  }
0x91: {  	[tilespmem:s2], [sflag:$0x5] =	stream.linear.gather [hbm4b:s12+s3], $0x80, $0x38;
	[tilespmem:$0x1EF00] =	vst v63  }
0x92: {  	s2 =	sshrl.u32 s0, $0x11;
	s0 =	sadd.s32 $0x15556, s0;
	_ =	swait.ge [sflag:s16], $0x80  }
0x93: {  	p0 =	seq.s32 s15, $0x0;
	s0 =	sshrl.u32 s0, $0x11;
	[sflag:s16] =	ssyncset.done $0x0  }
0x94: {  	s12 =	smov.u32 s20;
	s0 =	smul.u32 $0x3, s0;
	[sflag:s16] =	ssyncadd.s32 $0xFFFFFF80  }
0x95: {  	s2 =	smul.u32 $0x3, s2;
	v3 =	vld [tilespmem:s30+$0x20]  }
0x96: {  	s0 =	ssub.s32 s15, s0;
	v4 =	vld [tilespmem:s30+$0x190]  }
0x97: {  	s2 =	ssub.s32 s15, s2;
	s0 =	sadd.s32 $0x2, s0;
	v5 =	vld [tilespmem:s30+$0x1A0]  }
0x98: {  	s15 =	sand.u32 $0xFFFF, s2;
	s0 =	sand.u32 $0xFFFF, s0;
	v6 =	vld [tilespmem:s30+$0x1B0]  }
0x99: {  	s31 =	sshll.u32 s15, $0xD;
	s2 =	sshll.u32 s15, $0x7;
	s5 =	sshll.u32 s0, $0xD;
	v7 =	vld [tilespmem:s30+$0x1C0]  }
0x9a: {  	v8 =	vld [tilespmem:s30+$0x180]  }
0x9b: {  	vm0 =	vge.s32 v4, v1;
	vm1 =	vlt.s32 v4, v2;
	v4 =	vsub.s32 v4, v1;
	v9 =	vld [tilespmem:s30+$0x1E0]  }
0x9c: {  	v10 =	vld [tilespmem:s30+$0x0];
	vm0 =	vmand vm0, vm1;
	vm1 =	vge.s32 v5, v1;
	v11 =	vsub.s32 v5, v1  }
0x9d: {  	vm2 =	vlt.s32 v5, v2;
	vm3 =	vge.s32 v6, v1;
	vm4 =	vlt.s32 v6, v2;
	v5 =	vld [tilespmem:s30+$0x1D0]  }
0x9e: {  	vm2 =	vmand vm1, vm2;
	vm1 =	vmand vm3, vm4;
	vm3 =	vge.s32 v7, v1;
	v12 =	vld [tilespmem:s30+$0x40]  }
0x9f: {  	v11 =	vsel vm2, v11, v0;
	vm4 =	vge.s32 v8, v1;
	vm5 =	vlt.s32 v8, v2;
	v13 =	vld [tilespmem:s30+$0x30]  }
0xa0: {  	v6 =	vsub.s32 v6, v1;
	v3 =	vnsel vm2, $0x0, v3;
	vm4 =	vmand vm4, vm5;
	v14 =	vld [tilespmem:s30+$0x10];
	[tilespmem:s30+$0x1A0] =	vst v11  }
0xa1: {  	vm2 =	vlt.s32 v7, v2;
	v10 =	vnsel vm4, $0x0, v10;
	[tilespmem:s30+$0x20] =	vst v3;
	v3 =	vsel vm1, v6, v0;
	v6 =	vld [tilespmem:s30+$0x60]  }
0xa2: {  	v8 =	vsub.s32 v8, v1;
	vm2 =	vmand vm3, vm2;
	[tilespmem:s30+$0x1B0] =	vst v3;
	v3 =	vsub.s32 v7, v1;
	v7 =	vld [tilespmem:s30+$0x1F0]  }
0xa3: {  	v8 =	vsel vm4, v8, v0;
	[tilespmem:s30+$0x0] =	vst v10;
	v3 =	vsel vm2, v3, v0;
	v10 =	vnsel vm2, $0x0, v12  }
0xa4: {  	vm2 =	vlt.s32 v9, v2;
	[tilespmem:s30+$0x180] =	vst v8;
	v8 =	vnsel vm1, $0x0, v13;
	v11 =	vld [tilespmem:s30+$0x50];
	vm1 =	vge.s32 v9, v1  }
0xa5: {  	v4 =	vsel vm0, v4, v0;
	[tilespmem:s30+$0x1C0] =	vst v3;
	vm1 =	vmand vm1, vm2;
	v3 =	vsub.s32 v9, v1  }
0xa6: {  	v9 =	vnsel vm0, $0x0, v14;
	[tilespmem:s30+$0x40] =	vst v10;
	v3 =	vsel vm1, v3, v0;
	v6 =	vnsel vm1, $0x0, v6;
	v10 =	vld [tilespmem:s30+$0x70]  }
0xa7: {  	vm0 =	vge.s32 v5, v1;
	vm1 =	vlt.s32 v5, v2;
	[tilespmem:s30+$0x10] =	vst v9;
	v9 =	vsub.s32 v7, v1  }
0xa8: {  	v5 =	vsub.s32 v5, v1;
	vm0 =	vmand vm0, vm1;
	vm1 =	vge.s32 v7, v1;
	[tilespmem:s30+$0x60] =	vst v6  }
.Ltmp0:
0xa9: {  	v5 =	vsel vm0, v5, v0;
	[tilespmem:s30+$0x190] =	vst v4;
	v4 =	vnsel vm0, $0x0, v11;
	vm0 =	vlt.s32 v7, v2;
	(pc) =	sbr.rel @p1 .LBB2_2-.Ltmp0, $4  }
0xaa: {  	[tilespmem:s30+$0x30] =	vst v8;
	vm0 =	vmand vm1, vm0  }
0xab: {  	[tilespmem:s30+$0x1D0] =	vst v5;
	v5 =	vsel vm0, v9, v0;
	v6 =	vnsel vm0, $0x0, v10  }
0xac: {  	[tilespmem:s30+$0x1F0] =	vst v5  }
0xad: {  	s7 =	sadd.s32 $0x1, s28;
	s28 =	smov.u32 s15;
	[tilespmem:s30+$0x70] =	vst v6  }
0xae: {  	[tilespmem:s30+$0x50] =	vst v4  }
0xaf: {  	[tilespmem:s30+$0x1E0] =	vst v3;
	s10 =	sor.u32 $0x300, s19;
	s11 =	sadd.s32 $0x1, s29  }
0xb0: {  	[tilespmem:s10], [sflag:s11] =	stream.indirect.gather [hbm4b:s4+s18], $0x40, s30, s18, $0xb8;
	[tilespmem:$0x1EF00] =	vst v63  }
0xb1: {  	_ =	swait.ge [sflag:s7], $0x2000  }
0xb2: {  	s15 =	sor.u32 $0x300, s17;
	[sflag:s7] =	ssyncset.done $0x0  }
0xb3: {  	s11 =	sadd.s32 $0x180, s9;
	[sflag:s7] =	ssyncadd.s32 $0xFFFFE000;
	s7 =	simm.s32 @!p0 $0x4  }
0xb4: {  	[spmem:s1] =	stream.indirect.scatter.add.f32 [tilespmem:s15], [sflag:$0x4], $0x40, s11, s18, $0xb8;
	[tilespmem:$0x1EF00] =	vst v63  }
0xb5: {  	_ =	swait.ge @!p0 [sflag:s7], $0x2000  }
0xb6: {  	[sflag:s7] =	ssyncset.done @!p0 $0x0  }
0xb7: {  	s17 =	sshll.u32 s0, $0x7;
	[sflag:s7] =	ssyncadd.s32 @!p0 $0xFFFFE000  }
0xb8: {  	[tilespmem:s17], [sflag:$0x5] =	stream.linear.gather [hbm4b:s21+s3], $0x80, $0x38;
	[tilespmem:$0x1EF00] =	vst v63  }
0xb9: {  	_ =	swait.ge [sflag:s16], $0x80  }
0xba: {  	[sflag:s16] =	ssyncset.done $0x0  }
0xbb: {  	s19 =	sadd.s32 $0x180, s17;
	[sflag:s16] =	ssyncadd.s32 $0xFFFFFF80  }
0xbc: {  	[tilespmem:s19], [sflag:$0x5] =	stream.linear.gather [hbm4b:s12+s3], $0x80, $0x38;
	[tilespmem:$0x1EF00] =	vst v63  }
0xbd: {  	_ =	swait.ge [sflag:s16], $0x80  }
0xbe: {  	[sflag:s16] =	ssyncset.done $0x0  }
0xbf: {  	[sflag:s16] =	ssyncadd.s32 $0xFFFFFF80  }
0xc0: {  	v3 =	vld [tilespmem:s17+$0x190]  }
0xc1: {  	v49 =	vld [tilespmem:s17+$0x1A0]  }
0xc2: {  	v5 =	vld [tilespmem:s17+$0x1B0]  }
0xc3: {  	v6 =	vld [tilespmem:s17+$0x180]  }
0xc4: {  	v7 =	vld [tilespmem:s17+$0x20]  }
0xc5: {  	v8 =	vld [tilespmem:s17+$0x1C0]  }
0xc6: {  	v9 =	vld [tilespmem:s17+$0x0];
	vm1 =	vge.s32 v3, v1;
	vm2 =	vlt.s32 v3, v2  }
0xc7: {  	v50 =	vld [tilespmem:s17+$0x1E0];
	vm0 =	vge.s32 v49, v1;
	v10 =	vsub.s32 v49, v1;
	vm3 =	vlt.s32 v49, v2  }
0xc8: {  	v11 =	vld [tilespmem:s17+$0x1D0];
	vm4 =	vge.s32 v5, v1;
	vm5 =	vlt.s32 v5, v2;
	vm3 =	vmand vm0, vm3  }
0xc9: {  	v51 =	vld [tilespmem:s17+$0x10];
	vm13 =	vge.s32 v6, v1;
	vm14 =	vlt.s32 v6, v2;
	v10 =	vsel vm3, v10, v0  }
0xca: {  	v53 =	vld [tilespmem:s17+$0x60];
	v5 =	vsub.s32 v5, v1;
	vm0 =	vmand vm4, vm5;
	v7 =	vnsel vm3, $0x0, v7;
	[tilespmem:s17+$0x1A0] =	vst v10  }
0xcb: {  	vm15 =	vge.s32 v8, v1;
	vm4 =	vmand vm13, vm14;
	v5 =	vsel vm0, v5, v0;
	[tilespmem:s17+$0x20] =	vst v7  }
0xcc: {  	v60 =	vld [tilespmem:s17+$0x50];
	v6 =	vsub.s32 v6, v1;
	vm9 =	vge.s32 v50, v1;
	v52 =	vnsel vm4, $0x0, v9;
	[tilespmem:s17+$0x1B0] =	vst v5  }
0xcd: {  	v12 =	vld [tilespmem:s17+$0x40];
	vm10 =	vlt.s32 v50, v2;
	vm1 =	vmand vm1, vm2;
	v6 =	vsel vm4, v6, v0;
	[tilespmem:s17+$0x0] =	vst v52  }
0xce: {  	v54 =	vld [tilespmem:s17+$0x30];
	v3 =	vsub.s32 v3, v1;
	vm2 =	vmand vm9, vm10;
	v57 =	vnsel vm1, $0x0, v51;
	[tilespmem:s17+$0x180] =	vst v6  }
0xcf: {  	v55 =	vld [tilespmem:s17+$0x1F0];
	vm11 =	vge.s32 v11, v1;
	vm12 =	vlt.s32 v11, v2;
	v58 =	vnsel vm2, $0x0, v53;
	[tilespmem:s17+$0x10] =	vst v57  }
0xd0: {  	vm8 =	vlt.s32 v8, v2;
	vm13 =	vmand vm11, vm12;
	v3 =	vsel vm1, v3, v0;
	[tilespmem:s17+$0x60] =	vst v58  }
0xd1: {  	v8 =	vsub.s32 v8, v1;
	vm3 =	vmand vm15, vm8;
	v63 =	vnsel vm13, $0x0, v60;
	[tilespmem:s17+$0x190] =	vst v3  }
0xd2: {  	v59 =	vld [tilespmem:s17+$0x70];
	v8 =	vsel vm3, v8, v0;
	[tilespmem:s17+$0x50] =	vst v63  }
0xd3: {  	v61 =	vsub.s32 v11, v1;
	v56 =	vnsel vm3, $0x0, v12;
	[tilespmem:s17+$0x1C0] =	vst v8  }
0xd4: {  	vm14 =	vge.s32 v55, v1;
	vm15 =	vlt.s32 v55, v2;
	v5 =	vnsel vm0, $0x0, v54;
	[tilespmem:s17+$0x40] =	vst v56  }
0xd5: {  	v3 =	vsub.s32 v55, v1;
	v6 =	vsel vm13, v61, v0;
	vm1 =	vmand vm14, vm15;
	[tilespmem:s17+$0x30] =	vst v5  }
0xd6: {  	[tilespmem:s17+$0x1D0] =	vst v6;
	v3 =	vsel vm1, v3, v0  }
0xd7: {  	v62 =	vnsel vm1, $0x0, v59;
	[tilespmem:s17+$0x1F0] =	vst v3;
	v3 =	vsub.s32 v50, v1  }
0xd8: {  	[tilespmem:s17+$0x70] =	vst v62;
	v3 =	vsel vm2, v3, v0  }
0xd9: {  	s5 =	sor.u32 $0x300, s5;
	s20 =	sadd.s32 $0x1, s0;
	s21 =	sadd.s32 $0x1, s28;
	[tilespmem:s17+$0x1E0] =	vst v3  }
0xda: {  	[tilespmem:s5], [sflag:s20] =	stream.indirect.gather [hbm4b:s4+s18], $0x40, s17, s18, $0xb8;
	[tilespmem:$0x1EF00] =	vst v63  }
0xdb: {  	_ =	swait.ge [sflag:s21], $0x2000  }
0xdc: {  	[sflag:s21] =	ssyncset.done $0x0  }
0xdd: {  	s29 =	sor.u32 $0x300, s31;
	s28 =	sadd.s32 $0x180, s2;
	[sflag:s21] =	ssyncadd.s32 $0xFFFFE000  }
0xde: {  	[spmem:s1] =	stream.indirect.scatter.add.f32 [tilespmem:s29], [sflag:$0x4], $0x40, s28, s18, $0xb8;
	[tilespmem:$0x1EF00] =	vst v63  }
0xdf: {  	_ =	swait.ge [sflag:s22], $0x2000  }
0xe0: {  	[sflag:s22] =	ssyncset.done $0x0  }
0xe1: {  	[sflag:s22] =	ssyncadd.s32 $0xFFFFE000  }
0xe2: {  	_ =	swait.ge [sflag:s23], $0x2000  }
0xe3: {  	[sflag:s23] =	ssyncset.done $0x0  }
0xe4: {  	s9 =	simm.s32 $0x300;
	s7 =	simm.s32 $0x180;
	[sflag:s23] =	ssyncadd.s32 $0xFFFFE000  }
0xe5: {  	[spmem:s1] =	stream.indirect.scatter.add.f32 [tilespmem:s9], [sflag:$0x4], $0x40, s7, s18, $0xb8;
	[tilespmem:$0x1EF00] =	vst v63  }
0xe6: {  	_ =	swait.ge [sflag:s22], $0x2000  }
0xe7: {  	[sflag:s22] =	ssyncset.done $0x0  }
0xe8: {  	[sflag:s22] =	ssyncadd.s32 $0xFFFFE000  }
0xe9: {  	_ =	swait.ge [sflag:s24], $0x2000  }
0xea: {  	[sflag:s24] =	ssyncset.done $0x0  }
0xeb: {  	s10 =	simm.s32 $0x200;
	s11 =	simm.s32 $0x2300;
	[sflag:s24] =	ssyncadd.s32 $0xFFFFE000  }
0xec: {  	[spmem:s1] =	stream.indirect.scatter.add.f32 [tilespmem:s11], [sflag:$0x4], $0x40, s10, s18, $0xb8;
	[tilespmem:$0x1EF00] =	vst v63  }
0xed: {  	_ =	swait.ge [sflag:s22], $0x2000  }
0xee: {  	[sflag:s22] =	ssyncset.done $0x0  }
0xef: {  	[sflag:s22] =	ssyncadd.s32 $0xFFFFE000  }
0xf0: {  	[bflag:$0x0] =	sbarrier.arrive $0xFFFF  }
0xf1: {  	s30 =	rddreg [dreg:$0x7]  }
0xf2: {  	[hbm:s30], [sflag:s6] =	dma.local [spmem:s25], $0x3100  }
0xf3: {  	_ =	swait.ge [sflag:s16], $0x3100  }
0xf4: {  	s26 =	sadd.s32 $0x1, s26;
	s31 =	rddreg [dreg:$0x8]  }
0xf5: {  	p0 =	sne.s32 s26, s31  }
.Ltmp1:
0xf6: {  	_ = 	snop;
	(pc) =	sbr.rel @p0 .LBB2_1-.Ltmp1, $3  }
0xf7: {  	_ =	sdelay $0x1  }
0xf8: {  	[sflag:s16] =	ssyncset.done $0x0  }
0xf9: {  	[sflag:s16] =	ssyncadd.s32 $0xFFFFCF00  }
0xfa: {  	_ =	sfence.sel $0x180000  }
0xfb: {  	[bflag:$0x0] =	sbarrier.arrive $0xFFFF  }
0xfc: {  	_ =	strace $0x9000004A  }
0xfd: {  	s0 =	stileid.u32;
	[bflag:$0x2] =	sbarrier.arrive $0xFFFF  }
0xfe: {  	p0 =	sne.s32 s0, $0x0;
	s0 =	rddreg [dreg:$0x2]  }
0xff: {  	s0 =	sadd.s32 @!p0 $0x100000, s0  }
0x100: {  	[sflag:s0] =	ssyncadd.tile.s32 @!p0 $0x1;
	_ =	shalt  }
.Lfunc_end2:
_tile_overlayer_lowered:
.L_overlay_start_2:
0x101: {  	(tag) =	ssettag $0x2  }
0x102: {  	s0 =	rddreg [dreg:$0x0];
	s2 =	stileid.u32  }
0x103: {  	s1 =	rddreg [dreg:$0x1];
	p0 =	sne.s32 s2, $0x0  }
0x104: {  	s3 =	rddreg [dreg:$0x2];
	[bflag:$0x3] =	sbarrier.arrive $0xFFFF;
	s2 =	simm.s32 @!p0 $0x1C05  }
0x105: {  	[timem:s3], [sflag:s2] =	dma.local @!p0 [hbm:s0], s1  }
0x106: {  	s0 =	simm.s32 @!p0 $0x5  }
0x107: {  	_ =	swait.ge @!p0 [sflag:s0], s1  }
0x108: {  	s1 =	ssub.s32 @!p0 $0x0, s1;
	[sflag:s0] =	ssyncset.done @!p0 $0x0  }
0x109: {  	[sflag:s0] =	ssyncadd.s32 @!p0 s1  }
0x10a: {  	[bflag:$0x3] =	sbarrier.arrive $0xFFFF  }
0x10b: {  	_ =	shalt  }

// kernel: kernel.8.cloned.1.call-start
scs
__scs_entry_jumppad:
0x0: {  	(pc) =	sbr.rel $0x88, $3  }
0x1: {  	(tag) =	ssettag $0x0;
	lr =	simm.s32 $0x1  }
0x2: {  	[smem:$0x3F93] =	sst lr;
	_ =	strace $0xD0000000  }
0x3: {  	_ = 	snop  }
0x4: {  	_ = 	snop  }
0x5: {  	_ = 	snop  }
0x6: {  	_ = 	snop  }
0x7: {  	_ = 	snop  }
__scs_overlays_trampoline_lowered:
0x8: {  	[smem:$0x3FA2] =	sst s0  }
0x9: {  	[smem:$0x3FA3] =	sst s1  }
0xa: {  	[smem:$0x3FA4] =	sst s2  }
0xb: {  	[smem:$0x3FA5] =	sst s3  }
0xc: {  	[smem:$0x3FA6] =	sst s4  }
0xd: {  	[smem:$0x3FA7] =	sst s5  }
0xe: {  	[smem:$0x3FA8] =	sst s6  }
0xf: {  	[smem:$0x3FA9] =	sst s7  }
0x10: {  	[smem:$0x3FAA] =	sst s8  }
0x11: {  	[smem:$0x3FAB] =	sst s9;
	s0 =	simm.s32 @!p0 $0x0  }
0x12: {  	s1 =	sld [smem:$0x3F91];
	s0 =	simm.s32 @p0 $0x1  }
0x13: {  	[smem:$0x3FAC] =	sst s0;
	s0 =	simm.s32 @!p1 $0x0  }
0x14: {  	s2 =	sld [smem:$0x3F90];
	s0 =	simm.s32 @p1 $0x1  }
0x15: {  	[smem:$0x3FAD] =	sst s0;
	s0 =	simm.s32 @!p2 $0x0  }
0x16: {  	s3 =	sld [smem:$0x3FDB];
	s0 =	simm.s32 @p2 $0x1  }
0x17: {  	s4 =	simm.s32 $0x1BF5;
	[smem:$0x3FAF] =	sst s0  }
0x18: {  	s0 =	sld [smem:$0x3F92];
	_ =	swait.ge [sflag:s4], $0x0  }
0x19: {  	s7 =	sld [smem:$0x3F93]  }
0x1a: {  	s8 =	sadd.s32 $0xFFFFE003, lr  }
0x1b: {  	s9 =	sadd.s32 $0xFFFFFEF7, lr;
	s5 =	simm.s32 $0xFFFFFFFF;
	p2 =	slt.u32 s8, $0xFFFFF086  }
0x1c: {  	p1 =	slt.u32 s9, $0xF7A;
	s5 =	simm.s32 @!p2 $0x0  }
0x1d: {  	s5 =	simm.s32 @p1 $0x1;
	p0 =	seq.s32 s7, s2  }
0x1e: {  	s7 =	smul.u32 @!p0 $0xF7A, s2;
	p2 =	seq.s32 @!p0 s5, $0x0  }
0x1f: {  	s9 =	smul.u32 $0xF7A, s1;
	s8 =	simm.s32 @!p0 $0x1BF5;
	p2 =	por !p2, p0  }
0x20: {  	[sflag:s8] =	ssyncset.s32 @!p0 $0xFFFFF086;
	s6 =	sadd.s32 @!p0 s3, s7;
	s7 =	simm.s32 @!p0 $0x108  }
0x21: {  	s3 =	sadd.s32 s3, s9;
	s6 =	sadd.s32 @!p0 $0x88, s6;
	s7 =	simm.s32 @p2 $0x1082  }
0x22: {  	[simem:s7], [sflag:s8] =	dma.local @!p0 [hbm:s6], $0xF7A  }
0x23: {  	s9 =	sor.u32 $0xD0000000, s2;
	s6 =	simm.s32 $0x108;
	_ =	swait.ge @!p0 [sflag:s8], $0x0  }
0x24: {  	s3 =	sadd.s32 $0x88, s3;
	s6 =	simm.s32 @!p1 $0x1082;
	[sflag:s4] =	ssyncset.s32 $0xFFFFF086  }
0x25: {  	[simem:s6], [sflag:s4] =	dma.local [hbm:s3], $0xF7A  }
0x26: {  	[smem:$0x3F93] =	sst s1;
	(tag) =	ssettag s2;
	_ =	strace s9  }
0x27: {  	s1 =	sld [smem:$0x3FA3]  }
0x28: {  	s2 =	sld [smem:$0x3FA4]  }
0x29: {  	s4 =	sld [smem:$0x3FA6]  }
0x2a: {  	p0 =	seq.s32 s5, $0x0;
	s5 =	sld [smem:$0x3FA7]  }
0x2b: {  	s6 =	sld [smem:$0x3FA8]  }
0x2c: {  	s7 =	sld [smem:$0x3FA9]  }
0x2d: {  	s3 =	simm.s32 $0x108;
	s8 =	sld [smem:$0x3FAA]  }
0x2e: {  	s3 =	simm.s32 @!p0 $0x1082;
	s9 =	sld [smem:$0x3FAB]  }
0x2f: {  	lr =	sadd.s32 s0, s3;
	s0 =	sld [smem:$0x3FA2]  }
0x30: {  	s3 =	sld [smem:$0x3FA5]  }
0x31: {  	[smem:$0x3FAE] =	sst s10  }
0x32: {  	s10 =	sld [smem:$0x3FAC];
	_ =	sdelay $0x3  }
0x33: {  	p0 =	seq.s32 s10, $0x1;
	s10 =	sld [smem:$0x3FAE];
	_ =	sdelay $0x3  }
0x34: {  	[smem:$0x3FAE] =	sst s10  }
0x35: {  	s10 =	sld [smem:$0x3FAD];
	_ =	sdelay $0x3  }
0x36: {  	p1 =	seq.s32 s10, $0x1;
	s10 =	sld [smem:$0x3FAE];
	_ =	sdelay $0x3  }
0x37: {  	[smem:$0x3FAE] =	sst s10  }
0x38: {  	s10 =	sld [smem:$0x3FAF]  }
0x39: {  	_ = 	snop;
	(pc) =	sbr.ind lr, $3  }
0x3a: {  	_ = 	snop  }
0x3b: {  	_ = 	snop  }
0x3c: {  	p2 =	seq.s32 s10, $0x1;
	s10 =	sld [smem:$0x3FAE]  }
0x3d: {  	_ =	shalt  }
0x3e: {  	_ =	shalt  }
0x3f: {  	_ =	shalt  }
0x40: {  	_ =	shalt  }
0x41: {  	_ =	shalt  }
0x42: {  	_ =	shalt  }
0x43: {  	_ =	shalt  }
0x44: {  	_ =	shalt  }
0x45: {  	_ =	shalt  }
0x46: {  	_ =	shalt  }
0x47: {  	_ =	shalt  }
0x48: {  	_ =	shalt  }
0x49: {  	_ =	shalt  }
0x4a: {  	_ =	shalt  }
0x4b: {  	_ =	shalt  }
0x4c: {  	_ =	shalt  }
0x4d: {  	_ =	shalt  }
0x4e: {  	_ =	shalt  }
0x4f: {  	_ =	shalt  }
0x50: {  	_ =	shalt  }
0x51: {  	_ =	shalt  }
0x52: {  	_ =	shalt  }
0x53: {  	_ =	shalt  }
0x54: {  	_ =	shalt  }
0x55: {  	_ =	shalt  }
0x56: {  	_ =	shalt  }
0x57: {  	_ =	shalt  }
0x58: {  	_ =	shalt  }
0x59: {  	_ =	shalt  }
0x5a: {  	_ =	shalt  }
0x5b: {  	_ =	shalt  }
0x5c: {  	_ =	shalt  }
0x5d: {  	_ =	shalt  }
0x5e: {  	_ =	shalt  }
0x5f: {  	_ =	shalt  }
0x60: {  	_ =	shalt  }
0x61: {  	_ =	shalt  }
0x62: {  	_ =	shalt  }
0x63: {  	_ =	shalt  }
0x64: {  	_ =	shalt  }
0x65: {  	_ =	shalt  }
0x66: {  	_ =	shalt  }
0x67: {  	_ =	shalt  }
0x68: {  	_ =	shalt  }
0x69: {  	_ =	shalt  }
0x6a: {  	_ =	shalt  }
0x6b: {  	_ =	shalt  }
0x6c: {  	_ =	shalt  }
0x6d: {  	_ =	shalt  }
0x6e: {  	_ =	shalt  }
0x6f: {  	_ =	shalt  }
0x70: {  	_ =	shalt  }
0x71: {  	_ =	shalt  }
0x72: {  	_ =	shalt  }
0x73: {  	_ =	shalt  }
0x74: {  	_ =	shalt  }
0x75: {  	_ =	shalt  }
0x76: {  	_ =	shalt  }
0x77: {  	_ =	shalt  }
0x78: {  	_ =	shalt  }
0x79: {  	_ =	shalt  }
0x7a: {  	_ =	shalt  }
0x7b: {  	_ =	shalt  }
0x7c: {  	_ =	shalt  }
0x7d: {  	_ =	shalt  }
0x7e: {  	_ =	shalt  }
0x7f: {  	_ =	shalt  }
0x80: {  	_ =	shalt  }
0x81: {  	_ =	shalt  }
0x82: {  	_ =	shalt  }
0x83: {  	_ =	shalt  }
0x84: {  	_ =	shalt  }
0x85: {  	_ =	shalt  }
0x86: {  	_ =	shalt  }
0x87: {  	_ =	shalt  }
.Lfunc_end0:
.L_simem_size_0:
called_computation_lowered:
.L_overlay_start_0:
0x88: {  	s2 =	sld [smem:$0x3FD9]  }
0x89: {  	s3 =	sld [smem:$0x3FFE];
	_ =	sdelay $0x1  }
0x8a: {  	s1 =	srdreg.scid  }
0x8b: {  	s0 =	sand.u32 $0x1, s1  }
0x8c: {  	s16 =	sshll.u32 s0, $0xA;
	s2 =	sadd.s32 s3, s2  }
0x8d: {  	s2 =	sadd.s32 s2, s16  }
0x8e: {  	[smem:$0x3FBA] =	sst s2  }
0x8f: {  	_ = 	snop  }
0x90: {  	(tm) =	ssettm $0x1  }
0x91: {  	s17 =	sld [smem:$0x3FFB];
	_ =	sdelay $0x3  }
0x92: {  	_ =	strace s17  }
0x93: {  	s2 =	sld [smem:$0x3FFC];
	_ =	sdelay $0x3  }
0x94: {  	_ =	strace s2  }
0x95: {  	s2 =	sld [smem:$0x3FFD];
	_ =	sdelay $0x3  }
0x96: {  	_ =	strace s2  }
0x97: {  	_ =	strace $0x8FFFFFFF  }
0x98: {  	s18 =	sld [smem:$0x3FDB];
	_ =	sdelay $0x1  }
0x99: {  	s19 =	simm.s32 $_scs_section_size  }
0x9a: {  	s4 =	simm.s32 $_size__tile_overlayer_lowered;
	s5 =	simm.s32 $_tile_overlayer_lowered  }
0x9b: {  	s22 =	simm.s32 $0x1BFF;
	s21 =	sshll.u32 s5, $0x1;
	s2 =	sadd.s32 s19, s18  }
0x9c: {  	s6 =	simm.s32 $0x0;
	s20 =	sshll.u32 s4, $0x1;
	s4 =	sadd.s32 s21, s2  }
0x9d: {  	[timem:s6], [sflag:s22] =	dma.local [hbm:s4], s20  }
0x9e: {  	_ =	swait.ge [sflag:s22], s20  }
0x9f: {  	s3 =	ssub.s32 $0x0, s20;
	[sflag:s22] =	ssyncset.done $0x0  }
0xa0: {  	[sflag:s22] =	ssyncadd.s32 s3;
	_ =	sdelay $0x1  }
0xa1: {  	s23 =	simm.s32 $0x1B8B  }
0xa2: {  	_ =	swait.ge [sflag:s23], $0x1  }
0xa3: {  	[sflag:s23] =	ssyncset.done $0x0  }
0xa4: {  	s25 =	simm.s32 $0x1B8E;
	s24 =	sld [smem:$0x3FFE];
	[sflag:s23] =	ssyncadd.s32 $0xFFFFFFFF  }
0xa5: {  	s26 =	simm.s32 $execute0_lowered;
	[smem:$0x3FD2] =	sst s25  }
0xa6: {  	s4 =	sshll.u32 s26, $0x1;
	_ =	strace $0x80000046;
	[dreg:$0x1] =	wrdreg $0xFFFFFFFF  }
0xa7: {  	s28 =	simm.s32 $_size_execute0_lowered;
	s2 =	sadd.s32 s2, s4;
	[dreg:$0x0] =	wrdreg $0x0  }
0xa8: {  	s4 =	sshll.u32 s28, $0x1;
	[dreg:$0x2] =	wrdreg s2  }
0xa9: {  	[dreg:$0x3] =	wrdreg s4  }
0xaa: {  	[dreg:$0x4] =	wrdreg $0xC0  }
0xab: {  	_ =	task [dreg:s6], $0x5FFFF  }
0xac: {  	[dreg:$0x1] =	wrdreg $0xFFFFFFFF  }
0xad: {  	[dreg:$0x0] =	wrdreg $0x60  }
0xae: {  	[dreg:$0x2] =	wrdreg s24  }
0xaf: {  	[dreg:$0x3] =	wrdreg $0x63000  }
0xb0: {  	[dreg:$0x4] =	wrdreg $0x9  }
0xb1: {  	_ =	task.clear_ibuf [dreg:s6], $0x5FFFF;
	_ =	strace $0x90000046  }
0xb2: {  	s29 =	simm.s32 $0x9;
	_ =	strace $0x80000048  }
0xb3: {  	_ =	swait.ge [sflag:s29], $0x1  }
0xb4: {  	[sflag:s29] =	ssyncadd.s32 $0xFFFFFFFF  }
0xb5: {  	_ =	strace $0x90000048  }
0xb6: {  	_ =	sfence  }
0xb7: {  	s30 =	sld [smem:$0x0];
	_ =	sdelay $0x2  }
0xb8: {  	s31 =	sshll.u32 s1, $0xD;
	s1 =	sshrl.u32 s1, $0x2  }
0xb9: {  	s3 =	sand.u32 $0x4000, s31;
	s1 =	sadd.s32 s1, s30  }
0xba: {  	s0 =	sor.u32 s3, s0;
	s1 =	sshll.u32 s1, $0x11  }
0xbb: {  	s0 =	sor.u32 s1, s0  }
0xbc: {  	s0 =	sadd.s32 $0x8F2B, s0  }
0xbd: {  	[sflag:s0] =	ssyncadd.remote.s32 $0x1  }
0xbe: {  	_ =	sfence.sel $0xFFFF  }
0xbf: {  	[dreg:$0x0] =	wrdreg $0xFFFFFFFF;
	(pc) =	sbr.abs _section_cstart, $3  }
0xc0: {  	[dreg:$0x1] =	wrdreg $0xFFFFFFFF  }
0xc1: {  	_ =	task.clear_ibuf [dreg:s6], $0x2FFFF;
	_ =	strace $0x9FFFFFFF  }
0xc2: {  	(tm) =	ssettm $0x7FFFFFFF  }
0xc3: {  	_ =	shalt  }
tec
execute0_lowered:
.L_overlay_start_1:
0x0: {  	(tag) =	ssettag $0x1  }
0x1: {  	s0 =	rddreg [dreg:$0x0]  }
0x2: {  	s1 =	rddreg [dreg:$0x1];
	s3 =	simm.s32 $0x0  }
0x3: {  	s2 =	srdreg.scid;
	s13 =	stileid.u32;
	s16 =	simm.s32 $0x5  }
0x4: {  	s18 =	simm.s32 $0x80;
	s22 =	simm.s32 $0x4;
	s23 =	simm.s32 $0x1  }
0x5: {  	[smem:$0x7FF] =	sst s3;
	s2 =	sand.u32 $0x1, s2;
	s6 =	smul.u32 $0x620, s13  }
0x6: {  	s4 =	sadd.s32 $0x1600, s0;
	s7 =	sadd.s32 $0x7BE00, s0;
	s8 =	smul.u32 $0x63000, s13  }
0x7: {  	s9 =	sadd.s32 $0x63600, s0;
	s10 =	sadd.s32 $0x94600, s0;
	s11 =	smul.u32 $0x1880, s13  }
0x8: {  	s26 =	sshll.u32 s13, $0x6;
	s28 =	sshll.u32 s13, $0x4;
	s13 =	smul.u32 $0x62000, s13  }
0x9: {  	s5 =	smul.u32 $0x6200, s2;
	_ =	strace $0x80000047;
	[dreg:$0x3] =	wrdreg s10  }
0xa: {  	s2 =	ssub.s32 $0x2, s2;
	s12 =	sor.u32 $0x6200, s28;
	s10 =	simm.s32 $0x200  }
0xb: {  	s24 =	sshrl.u32 s2, $0x1;
	s8 =	sshrl.u32 s8, $0x2;
	s14 =	sadd.s32 s7, s11  }
0xc: {  	s29 =	sshrl.u32 s13, $0x2;
	s6 =	sadd.s32 s6, s5;
	s2 =	ssub.s32 s2, s24  }
0xd: {  	s25 =	sadd.s32 s8, s1;
	s8 =	sadd.s32 s9, s11;
	s11 =	sor.u32 $0x10, s11  }
0xe: {  	s15 =	sadd.s32 $0x6200, s5;
	s30 =	sadd.s32 s29, s1;
	[dreg:$0x4] =	wrdreg s14  }
0xf: {  	s14 =	sadd.s32 $0x20, s14;
	s24 =	simm.s32 $0x2;
	s6 =	sshll.u32 s6, $0x3  }
0x10: {  	s7 =	sadd.s32 s7, s11;
	s9 =	sadd.s32 s9, s11;
	s2 =	smax.u32 s2, $0x1  }
0x11: {  	s13 =	sadd.s32 $0x20, s8;
	s31 =	sshrl.u32 s25, $0x3;
	[dreg:$0x5] =	wrdreg s7  }
0x12: {  	s11 =	simm.s32 $0x2300;
	s25 =	sshrl.u32 s30, $0x3;
	[dreg:$0x6] =	wrdreg s9  }
0x13: {  	s0 =	sadd.s32 s6, s0;
	s6 =	sor.u32 $0x1C05, s26;
	[dreg:$0x8] =	wrdreg s2  }
0x14: {  	v0 =	vlaneseq.u32;
	[dreg:$0x9] =	wrdreg s31;
	s7 =	simm.s32 $0x180;
	s0 =	sadd.s32 $0x188C00, s0  }
0x15: {  	v0 =	vor.u32 s12, v0;
	v1 =	vmov s5;
	v2 =	vmov s15;
	s9 =	simm.s32 $0x300;
	s26 =	simm.s32 $0x0;
	[dreg:$0x7] =	wrdreg s0  }
.LBB2_1:
0x16: {  	s0 =	rddreg [dreg:$0x3]  }
0x17: {  	s2 =	rddreg [dreg:$0x9]  }
0x18: {  	[spmem:s2], [sflag:s6] =	dma.local [hbm:s0], $0x3180  }
0x19: {  	_ =	swait.ge [sflag:s16], $0x3180  }
0x1a: {  	[sflag:s16] =	ssyncset.done $0x0  }
0x1b: {  	[sflag:s16] =	ssyncadd.s32 $0xFFFFCE80  }
0x1c: {  	[bflag:$0x0] =	sbarrier.arrive $0xFFFF  }
0x1d: {  	s21 =	rddreg [dreg:$0x4]  }
0x1e: {  	[tilespmem:s3], [sflag:$0x5] =	stream.linear.gather [hbm4b:s21+s3], $0x80, $0x38;
	[tilespmem:$0x1EF00] =	vst v63  }
0x1f: {  	_ =	swait.ge [sflag:s16], $0x80  }
0x20: {  	[sflag:s16] =	ssyncset.done $0x0  }
0x21: {  	[sflag:s16] =	ssyncadd.s32 $0xFFFFFF80  }
0x22: {  	[tilespmem:s7], [sflag:$0x5] =	stream.linear.gather [hbm4b:s8+s3], $0x80, $0x38;
	[tilespmem:$0x1EF00] =	vst v63  }
0x23: {  	_ =	swait.ge [sflag:s16], $0x80  }
0x24: {  	[sflag:s16] =	ssyncset.done $0x0  }
0x25: {  	[sflag:s16] =	ssyncadd.s32 $0xFFFFFF80  }
0x26: {  	v3 =	vld [tilespmem:$0x180];
	_ =	sdelay $0x1  }
0x27: {  	v4 =	vld [tilespmem:$0x190]  }
0x28: {  	v5 =	vld [tilespmem:$0x0]  }
0x29: {  	v6 =	vld [tilespmem:$0x1A0]  }
0x2a: {  	v7 =	vld [tilespmem:$0x10];
	vm0 =	vge.s32 v3, v1;
	vm1 =	vlt.s32 v3, v2  }
0x2b: {  	v8 =	vld [tilespmem:$0x1B0];
	v3 =	vsub.s32 v3, v1;
	vm0 =	vmand vm0, vm1  }
0x2c: {  	v9 =	vld [tilespmem:$0x20];
	vm13 =	vge.s32 v4, v1;
	vm2 =	vlt.s32 v4, v2;
	v3 =	vsel vm0, v3, v0  }
0x2d: {  	v4 =	vsub.s32 v4, v1;
	vm14 =	vmand vm13, vm2;
	[tilespmem:$0x180] =	vst v3;
	v3 =	vnsel vm0, $0x0, v5;
	v5 =	vld [tilespmem:$0x1C0]  }
0x2e: {  	vm15 =	vge.s32 v6, v1;
	vm4 =	vlt.s32 v6, v2;
	[tilespmem:$0x0] =	vst v3;
	v3 =	vsel vm14, v4, v0;
	v4 =	vld [tilespmem:$0x30]  }
0x2f: {  	v6 =	vsub.s32 v6, v1;
	vm5 =	vmand vm15, vm4;
	[tilespmem:$0x190] =	vst v3;
	v3 =	vnsel vm14, $0x0, v7;
	v7 =	vld [tilespmem:$0x1D0]  }
0x30: {  	vm6 =	vge.s32 v8, v1;
	vm7 =	vlt.s32 v8, v2;
	[tilespmem:$0x10] =	vst v3;
	v3 =	vsel vm5, v6, v0;
	v6 =	vld [tilespmem:$0x40]  }
0x31: {  	v55 =	vld [tilespmem:$0x1E0];
	v8 =	vsub.s32 v8, v1;
	vm8 =	vmand vm6, vm7;
	[tilespmem:$0x1A0] =	vst v3;
	v3 =	vnsel vm5, $0x0, v9  }
0x32: {  	v56 =	vld [tilespmem:$0x50];
	[tilespmem:$0x20] =	vst v3;
	v3 =	vsel vm8, v8, v0;
	vm9 =	vge.s32 v5, v1;
	vm10 =	vlt.s32 v5, v2  }
0x33: {  	[tilespmem:$0x1B0] =	vst v3;
	v3 =	vnsel vm8, $0x0, v4;
	vm11 =	vmand vm9, vm10;
	v4 =	vsub.s32 v5, v1;
	v5 =	vld [tilespmem:$0x1F0]  }
0x34: {  	[tilespmem:$0x30] =	vst v3;
	v3 =	vsel vm11, v4, v0;
	vm12 =	vge.s32 v7, v1;
	vm13 =	vlt.s32 v7, v2;
	v4 =	vld [tilespmem:$0x60]  }
0x35: {  	[tilespmem:$0x1C0] =	vst v3;
	v3 =	vnsel vm11, $0x0, v6;
	vm14 =	vmand vm12, vm13;
	v6 =	vsub.s32 v7, v1  }
0x36: {  	vm15 =	vge.s32 v55, v1;
	vm4 =	vlt.s32 v55, v2;
	[tilespmem:$0x40] =	vst v3;
	v3 =	vsel vm14, v6, v0;
	v6 =	vld [tilespmem:$0x70]  }
0x37: {  	vm5 =	vmand vm15, vm4;
	v7 =	vsub.s32 v55, v1;
	[tilespmem:$0x1D0] =	vst v3;
	v3 =	vnsel vm14, $0x0, v56  }
0x38: {  	[tilespmem:$0x50] =	vst v3;
	v3 =	vsel vm5, v7, v0;
	vm6 =	vge.s32 v5, v1;
	vm7 =	vlt.s32 v5, v2  }
0x39: {  	[tilespmem:$0x1E0] =	vst v3;
	v3 =	vnsel vm5, $0x0, v4;
	vm8 =	vmand vm6, vm7;
	v4 =	vsub.s32 v5, v1  }
0x3a: {  	[tilespmem:$0x60] =	vst v3;
	v3 =	vsel vm8, v4, v0  }
0x3b: {  	[tilespmem:$0x1F0] =	vst v3;
	v3 =	vnsel vm8, $0x0, v6  }
0x3c: {  	[tilespmem:$0x70] =	vst v3  }
0x3d: {  	[tilespmem:s9], [sflag:$0x1] =	stream.indirect.gather [hbm4b:s4+s18], $0x40, s3, s18, $0xb8;
	[tilespmem:$0x1EF00] =	vst v63  }
0x3e: {  	s2 =	rddreg [dreg:$0x5]  }
0x3f: {  	[tilespmem:s18], [sflag:$0x5] =	stream.linear.gather [hbm4b:s2+s3], $0x80, $0x38;
	[tilespmem:$0x1EF00] =	vst v63  }
0x40: {  	_ =	swait.ge [sflag:s16], $0x80  }
0x41: {  	[sflag:s16] =	ssyncset.done $0x0  }
0x42: {  	s5 =	rddreg [dreg:$0x6];
	[sflag:s16] =	ssyncadd.s32 $0xFFFFFF80  }
0x43: {  	[tilespmem:s10], [sflag:$0x5] =	stream.linear.gather [hbm4b:s5+s3], $0x80, $0x38;
	[tilespmem:$0x1EF00] =	vst v63  }
0x44: {  	_ =	swait.ge [sflag:s16], $0x80  }
0x45: {  	[sflag:s16] =	ssyncset.done $0x0  }
0x46: {  	[sflag:s16] =	ssyncadd.s32 $0xFFFFFF80  }
0x47: {  	v3 =	vld [tilespmem:$0x200];
	_ =	sdelay $0x1  }
0x48: {  	v4 =	vld [tilespmem:$0x210]  }
0x49: {  	v5 =	vld [tilespmem:$0x80]  }
0x4a: {  	v6 =	vld [tilespmem:$0x220]  }
0x4b: {  	v7 =	vld [tilespmem:$0x90];
	vm9 =	vge.s32 v3, v1;
	vm10 =	vlt.s32 v3, v2  }
0x4c: {  	v57 =	vld [tilespmem:$0x230];
	v3 =	vsub.s32 v3, v1;
	vm0 =	vmand vm9, vm10  }
0x4d: {  	v58 =	vld [tilespmem:$0xA0];
	vm11 =	vge.s32 v4, v1;
	vm12 =	vlt.s32 v4, v2;
	v3 =	vsel vm0, v3, v0  }
0x4e: {  	v4 =	vsub.s32 v4, v1;
	vm13 =	vmand vm11, vm12;
	[tilespmem:$0x200] =	vst v3;
	v3 =	vnsel vm0, $0x0, v5;
	v5 =	vld [tilespmem:$0x240]  }
0x4f: {  	vm14 =	vge.s32 v6, v1;
	vm15 =	vlt.s32 v6, v2;
	[tilespmem:$0x80] =	vst v3;
	v3 =	vsel vm13, v4, v0;
	v4 =	vld [tilespmem:$0xB0]  }
0x50: {  	v6 =	vsub.s32 v6, v1;
	vm4 =	vmand vm14, vm15;
	[tilespmem:$0x210] =	vst v3;
	v3 =	vnsel vm13, $0x0, v7;
	v7 =	vld [tilespmem:$0x250]  }
0x51: {  	vm5 =	vge.s32 v57, v1;
	vm6 =	vlt.s32 v57, v2;
	[tilespmem:$0x90] =	vst v3;
	v3 =	vsel vm4, v6, v0;
	v6 =	vld [tilespmem:$0xC0]  }
0x52: {  	v59 =	vld [tilespmem:$0x260];
	v8 =	vsub.s32 v57, v1;
	vm7 =	vmand vm5, vm6;
	[tilespmem:$0x220] =	vst v3;
	v3 =	vnsel vm4, $0x0, v58  }
0x53: {  	v60 =	vld [tilespmem:$0xD0];
	[tilespmem:$0xA0] =	vst v3;
	v3 =	vsel vm7, v8, v0;
	vm8 =	vge.s32 v5, v1;
	vm9 =	vlt.s32 v5, v2  }
0x54: {  	[tilespmem:$0x230] =	vst v3;
	v3 =	vnsel vm7, $0x0, v4;
	vm10 =	vmand vm8, vm9;
	v4 =	vsub.s32 v5, v1;
	v5 =	vld [tilespmem:$0x270]  }
0x55: {  	[tilespmem:$0xB0] =	vst v3;
	v3 =	vsel vm10, v4, v0;
	vm11 =	vge.s32 v7, v1;
	vm12 =	vlt.s32 v7, v2;
	v4 =	vld [tilespmem:$0xE0]  }
0x56: {  	[tilespmem:$0x240] =	vst v3;
	v3 =	vnsel vm10, $0x0, v6;
	vm13 =	vmand vm11, vm12;
	v6 =	vsub.s32 v7, v1  }
0x57: {  	s7 =	smul.u32 $0xAAAB, s3;
	vm14 =	vge.s32 v59, v1;
	vm15 =	vlt.s32 v59, v2;
	[tilespmem:$0xC0] =	vst v3;
	v3 =	vsel vm13, v6, v0;
	v6 =	vld [tilespmem:$0xF0]  }
0x58: {  	vm4 =	vmand vm14, vm15;
	v7 =	vsub.s32 v59, v1;
	[tilespmem:$0x250] =	vst v3;
	v3 =	vnsel vm13, $0x0, v60  }
0x59: {  	s9 =	sadd.s32 $0x15556, s7;
	[tilespmem:$0xD0] =	vst v3;
	v3 =	vsel vm4, v7, v0;
	vm5 =	vge.s32 v5, v1;
	vm6 =	vlt.s32 v5, v2  }
0x5a: {  	s2 =	sshrl.u32 s9, $0x11;
	[tilespmem:$0x260] =	vst v3;
	v3 =	vnsel vm4, $0x0, v4;
	vm7 =	vmand vm5, vm6;
	v4 =	vsub.s32 v5, v1  }
0x5b: {  	s2 =	smul.u32 $0x3, s2;
	[tilespmem:$0xE0] =	vst v3;
	v3 =	vsel vm7, v4, v0  }
0x5c: {  	p0 =	por $0x1, $0x1;
	[tilespmem:$0x270] =	vst v3;
	v3 =	vnsel vm7, $0x0, v6  }
0x5d: {  	s2 =	ssub.s32 $0x0, s2;
	s5 =	simm.s32 @!p0 $0x4;
	[tilespmem:$0xF0] =	vst v3  }
0x5e: {  	[tilespmem:s11], [sflag:$0x2] =	stream.indirect.gather [hbm4b:s4+s18], $0x40, s18, s18, $0xb8;
	[tilespmem:$0x1EF00] =	vst v63  }
0x5f: {  	s2 =	sadd.s32 $0x2, s2;
	_ =	swait.ge @!p0 [sflag:s5], $0x2000  }
0x60: {  	s29 =	sand.u32 $0xFFFF, s2;
	[sflag:s5] =	ssyncset.done @!p0 $0x0  }
0x61: {  	s30 =	sshll.u32 s29, $0x7;
	[sflag:s5] =	ssyncadd.s32 @!p0 $0xFFFFE000  }
0x62: {  	[tilespmem:s30], [sflag:$0x5] =	stream.linear.gather [hbm4b:s14+s3], $0x80, $0x38;
	[tilespmem:$0x1EF00] =	vst v63  }
0x63: {  	_ =	swait.ge [sflag:s16], $0x80  }
0x64: {  	[sflag:s16] =	ssyncset.done $0x0  }
0x65: {  	s10 =	sadd.s32 $0x180, s30;
	[sflag:s16] =	ssyncadd.s32 $0xFFFFFF80  }
0x66: {  	[tilespmem:s10], [sflag:$0x5] =	stream.linear.gather [hbm4b:s13+s3], $0x80, $0x38;
	[tilespmem:$0x1EF00] =	vst v63  }
0x67: {  	_ =	swait.ge [sflag:s16], $0x80  }
0x68: {  	[sflag:s16] =	ssyncset.done $0x0  }
0x69: {  	[sflag:s16] =	ssyncadd.s32 $0xFFFFFF80  }
0x6a: {  	v3 =	vld [tilespmem:s30+$0x20]  }
0x6b: {  	v5 =	vld [tilespmem:s30+$0x1A0]  }
0x6c: {  	v6 =	vld [tilespmem:s30+$0x1B0]  }
0x6d: {  	v61 =	vld [tilespmem:s30+$0x180]  }
0x6e: {  	v4 =	vld [tilespmem:s30+$0x190]  }
0x6f: {  	v7 =	vld [tilespmem:s30+$0x1C0]  }
0x70: {  	v62 =	vld [tilespmem:s30+$0x0];
	vm8 =	vge.s32 v5, v1;
	v11 =	vsub.s32 v5, v1  }
0x71: {  	vm9 =	vlt.s32 v5, v2;
	vm10 =	vge.s32 v6, v1;
	vm3 =	vlt.s32 v6, v2  }
0x72: {  	v10 =	vld [tilespmem:s30+$0x1D0];
	vm11 =	vge.s32 v61, v1;
	vm12 =	vlt.s32 v61, v2;
	vm1 =	vmand vm8, vm9  }
0x73: {  	v14 =	vld [tilespmem:s30+$0x1E0];
	v6 =	vsub.s32 v6, v1;
	vm14 =	vge.s32 v4, v1;
	v11 =	vsel vm1, v11, v0  }
0x74: {  	v13 =	vld [tilespmem:s30+$0x10];
	v8 =	vsub.s32 v61, v1;
	vm13 =	vmand vm11, vm12;
	v3 =	vnsel vm1, $0x0, v3;
	[tilespmem:s30+$0x1A0] =	vst v11  }
0x75: {  	v5 =	vld [tilespmem:s30+$0x40];
	vm15 =	vge.s32 v7, v1;
	vm0 =	vmand vm10, vm3;
	v9 =	vnsel vm13, $0x0, v62;
	[tilespmem:s30+$0x20] =	vst v3  }
0x76: {  	s0 =	sshrl.u32 s7, $0x11;
	vm4 =	vlt.s32 v7, v2;
	v8 =	vsel vm13, v8, v0;
	v3 =	vsel vm0, v6, v0;
	v6 =	vld [tilespmem:s30+$0x60];
	[tilespmem:s30+$0x0] =	vst v9  }
0x77: {  	s0 =	smul.u32 $0x3, s0;
	s11 =	simm.s32 $0x1;
	v12 =	vld [tilespmem:s30+$0x30];
	v7 =	vsub.s32 v7, v1;
	vm8 =	vlt.s32 v4, v2;
	vm3 =	vmand vm15, vm4;
	[tilespmem:s30+$0x180] =	vst v8  }
0x78: {  	s2 =	smul.u32 $0xAAAB, s11;
	vm9 =	vge.s32 v14, v1;
	vm2 =	vmand vm14, vm8;
	v7 =	vsel vm3, v7, v0;
	[tilespmem:s30+$0x1B0] =	vst v3;
	v3 =	vld [tilespmem:s30+$0x1F0]  }
0x79: {  	s20 =	sadd.s32 $0x10, s13;
	vm10 =	vlt.s32 v14, v2;
	v4 =	vsub.s32 v4, v1;
	[tilespmem:s30+$0x1C0] =	vst v7;
	v7 =	vnsel vm2, $0x0, v13  }
0x7a: {  	s0 =	ssub.s32 $0x0, s0;
	s12 =	sadd.s32 $0x15556, s2;
	s2 =	sshrl.u32 s2, $0x11;
	vm11 =	vge.s32 v10, v1;
	vm1 =	vmand vm9, vm10;
	[tilespmem:s30+$0x10] =	vst v7;
	v5 =	vnsel vm3, $0x0, v5  }
0x7b: {  	s15 =	sand.u32 $0xFFFF, s0;
	s5 =	sshrl.u32 s12, $0x11;
	s2 =	smul.u32 $0x3, s2;
	vm12 =	vlt.s32 v10, v2;
	v4 =	vsel vm2, v4, v0;
	[tilespmem:s30+$0x40] =	vst v5;
	v5 =	vnsel vm1, $0x0, v6;
	v6 =	vld [tilespmem:s30+$0x70]  }
0x7c: {  	s17 =	sshll.u32 s15, $0xD;
	s7 =	sadd.s32 $0x1, s15;
	s21 =	smul.u32 $0x3, s5;
	v63 =	vld [tilespmem:s30+$0x50];
	vm13 =	vmand vm11, vm12;
	v7 =	vnsel vm0, $0x0, v12;
	[tilespmem:s30+$0x190] =	vst v4  }
0x7d: {  	s9 =	sshll.u32 s15, $0x7;
	s19 =	sshll.u32 s29, $0xD;
	s11 =	sadd.s32 $0x10, s14;
	[tilespmem:s30+$0x60] =	vst v5;
	v5 =	vsub.s32 v10, v1;
	vm14 =	vge.s32 v3, v1;
	vm15 =	vlt.s32 v3, v2  }
0x7e: {  	p0 =	por $0x0, $0x0;
	s2 =	ssub.s32 $0x1, s2;
	s0 =	ssub.s32 $0x1, s21;
	[tilespmem:s30+$0x30] =	vst v7;
	v3 =	vsub.s32 v3, v1;
	v4 =	vsel vm13, v5, v0;
	vm2 =	vmand vm14, vm15  }
0x7f: {  	s12 =	smov.u32 s20;
	s28 =	sand.u32 $0xFFFF, s2;
	s0 =	sadd.s32 $0x2, s0;
	[tilespmem:s30+$0x1D0] =	vst v4;
	v3 =	vsel vm2, v3, v0  }
0x80: {  	s21 =	smov.u32 s11;
	s10 =	simm.s32 $0x2;
	s0 =	sand.u32 $0xFFFF, s0;
	v4 =	vsub.s32 v14, v1;
	[tilespmem:s30+$0x1F0] =	vst v3;
	v5 =	vnsel vm2, $0x0, v6  }
0x81: {  	s31 =	sshll.u32 s28, $0xD;
	s2 =	sshll.u32 s28, $0x7;
	s5 =	sshll.u32 s0, $0xD;
	v3 =	vsel vm1, v4, v0;
	v4 =	vnsel vm13, $0x0, v63;
	[tilespmem:s30+$0x70] =	vst v5  }
.LBB2_2:
0x82: {  	s20 =	sadd.s32 $0x10, s20  }
0x83: {  	s11 =	sadd.s32 $0x10, s11;
	[tilespmem:s30+$0x50] =	vst v4;
	s15 =	smov.u32 s10;
	s10 =	sadd.s32 $0x1, s10  }
0x84: {  	s19 =	sor.u32 $0x300, s19;
	s29 =	sadd.s32 $0x1, s29;
	p1 =	sne.s32 s10, $0x186;
	[tilespmem:s30+$0x1E0] =	vst v3  }
0x85: {  	[tilespmem:s19], [sflag:s29] =	stream.indirect.gather [hbm4b:s4+s18], $0x40, s30, s18, $0xb8;
	[tilespmem:$0x1EF00] =	vst v63  }
0x86: {  	s29 =	smov.u32 s0;
	s19 =	smov.u32 s5;
	_ =	swait.ge [sflag:s7], $0x2000  }
0x87: {  	s0 =	sadd.s32 $0x180, s9;
	s9 =	smov.u32 s2;
	[sflag:s7] =	ssyncset.done $0x0  }
0x88: {  	s2 =	simm.s32 @!p0 $0x4;
	s5 =	sor.u32 $0x300, s17;
	[sflag:s7] =	ssyncadd.s32 $0xFFFFE000  }
0x89: {  	[spmem:s1] =	stream.indirect.scatter.add.f32 [tilespmem:s5], [sflag:$0x4], $0x40, s0, s18, $0xb8;
	[tilespmem:$0x1EF00] =	vst v63  }
0x8a: {  	s17 =	smov.u32 s31;
	_ =	swait.ge @!p0 [sflag:s2], $0x2000  }
0x8b: {  	[sflag:s2] =	ssyncset.done @!p0 $0x0  }
0x8c: {  	s30 =	sshll.u32 s29, $0x7;
	[sflag:s2] =	ssyncadd.s32 @!p0 $0xFFFFE000  }
0x8d: {  	[tilespmem:s30], [sflag:$0x5] =	stream.linear.gather [hbm4b:s21+s3], $0x80, $0x38;
	[tilespmem:$0x1EF00] =	vst v63  }
0x8e: {  	s21 =	smov.u32 s11;
	_ =	swait.ge [sflag:s16], $0x80  }
0x8f: {  	s0 =	smul.u32 $0xAAAB, s15;
	[sflag:s16] =	ssyncset.done $0x0  }
0x90: {  	s2 =	sadd.s32 $0x180, s30;
	[sflag:s16] =	ssyncadd.s32 $0xFFFFFF80  }
0x91: {  	[tilespmem:s2], [sflag:$0x5] =	stream.linear.gather [hbm4b:s12+s3], $0x80, $0x38;
	[tilespmem:$0x1EF00] =	vst v63  }
0x92: {  	s2 =	sshrl.u32 s0, $0x11;
	s0 =	sadd.s32 $0x15556, s0;
	_ =	swait.ge [sflag:s16], $0x80  }
0x93: {  	p0 =	seq.s32 s15, $0x0;
	s0 =	sshrl.u32 s0, $0x11;
	[sflag:s16] =	ssyncset.done $0x0  }
0x94: {  	s12 =	smov.u32 s20;
	s0 =	smul.u32 $0x3, s0;
	[sflag:s16] =	ssyncadd.s32 $0xFFFFFF80  }
0x95: {  	s2 =	smul.u32 $0x3, s2;
	v3 =	vld [tilespmem:s30+$0x20]  }
0x96: {  	s0 =	ssub.s32 s15, s0;
	v4 =	vld [tilespmem:s30+$0x190]  }
0x97: {  	s2 =	ssub.s32 s15, s2;
	s0 =	sadd.s32 $0x2, s0;
	v5 =	vld [tilespmem:s30+$0x1A0]  }
0x98: {  	s15 =	sand.u32 $0xFFFF, s2;
	s0 =	sand.u32 $0xFFFF, s0;
	v6 =	vld [tilespmem:s30+$0x1B0]  }
0x99: {  	s31 =	sshll.u32 s15, $0xD;
	s2 =	sshll.u32 s15, $0x7;
	s5 =	sshll.u32 s0, $0xD;
	v7 =	vld [tilespmem:s30+$0x1C0]  }
0x9a: {  	v8 =	vld [tilespmem:s30+$0x180]  }
0x9b: {  	vm0 =	vge.s32 v4, v1;
	vm1 =	vlt.s32 v4, v2;
	v4 =	vsub.s32 v4, v1;
	v9 =	vld [tilespmem:s30+$0x1E0]  }
0x9c: {  	v10 =	vld [tilespmem:s30+$0x0];
	vm0 =	vmand vm0, vm1;
	vm1 =	vge.s32 v5, v1;
	v11 =	vsub.s32 v5, v1  }
0x9d: {  	vm2 =	vlt.s32 v5, v2;
	vm3 =	vge.s32 v6, v1;
	vm4 =	vlt.s32 v6, v2;
	v5 =	vld [tilespmem:s30+$0x1D0]  }
0x9e: {  	vm2 =	vmand vm1, vm2;
	vm1 =	vmand vm3, vm4;
	vm3 =	vge.s32 v7, v1;
	v12 =	vld [tilespmem:s30+$0x40]  }
0x9f: {  	v11 =	vsel vm2, v11, v0;
	vm4 =	vge.s32 v8, v1;
	vm5 =	vlt.s32 v8, v2;
	v13 =	vld [tilespmem:s30+$0x30]  }
0xa0: {  	v6 =	vsub.s32 v6, v1;
	v3 =	vnsel vm2, $0x0, v3;
	vm4 =	vmand vm4, vm5;
	v14 =	vld [tilespmem:s30+$0x10];
	[tilespmem:s30+$0x1A0] =	vst v11  }
0xa1: {  	vm2 =	vlt.s32 v7, v2;
	v10 =	vnsel vm4, $0x0, v10;
	[tilespmem:s30+$0x20] =	vst v3;
	v3 =	vsel vm1, v6, v0;
	v6 =	vld [tilespmem:s30+$0x60]  }
0xa2: {  	v8 =	vsub.s32 v8, v1;
	vm2 =	vmand vm3, vm2;
	[tilespmem:s30+$0x1B0] =	vst v3;
	v3 =	vsub.s32 v7, v1;
	v7 =	vld [tilespmem:s30+$0x1F0]  }
0xa3: {  	v8 =	vsel vm4, v8, v0;
	[tilespmem:s30+$0x0] =	vst v10;
	v3 =	vsel vm2, v3, v0;
	v10 =	vnsel vm2, $0x0, v12  }
0xa4: {  	vm2 =	vlt.s32 v9, v2;
	[tilespmem:s30+$0x180] =	vst v8;
	v8 =	vnsel vm1, $0x0, v13;
	v11 =	vld [tilespmem:s30+$0x50];
	vm1 =	vge.s32 v9, v1  }
0xa5: {  	v4 =	vsel vm0, v4, v0;
	[tilespmem:s30+$0x1C0] =	vst v3;
	vm1 =	vmand vm1, vm2;
	v3 =	vsub.s32 v9, v1  }
0xa6: {  	v9 =	vnsel vm0, $0x0, v14;
	[tilespmem:s30+$0x40] =	vst v10;
	v3 =	vsel vm1, v3, v0;
	v6 =	vnsel vm1, $0x0, v6;
	v10 =	vld [tilespmem:s30+$0x70]  }
0xa7: {  	vm0 =	vge.s32 v5, v1;
	vm1 =	vlt.s32 v5, v2;
	[tilespmem:s30+$0x10] =	vst v9;
	v9 =	vsub.s32 v7, v1  }
0xa8: {  	v5 =	vsub.s32 v5, v1;
	vm0 =	vmand vm0, vm1;
	vm1 =	vge.s32 v7, v1;
	[tilespmem:s30+$0x60] =	vst v6  }
.Ltmp0:
0xa9: {  	v5 =	vsel vm0, v5, v0;
	[tilespmem:s30+$0x190] =	vst v4;
	v4 =	vnsel vm0, $0x0, v11;
	vm0 =	vlt.s32 v7, v2;
	(pc) =	sbr.rel @p1 .LBB2_2-.Ltmp0, $4  }
0xaa: {  	[tilespmem:s30+$0x30] =	vst v8;
	vm0 =	vmand vm1, vm0  }
0xab: {  	[tilespmem:s30+$0x1D0] =	vst v5;
	v5 =	vsel vm0, v9, v0;
	v6 =	vnsel vm0, $0x0, v10  }
0xac: {  	[tilespmem:s30+$0x1F0] =	vst v5  }
0xad: {  	s7 =	sadd.s32 $0x1, s28;
	s28 =	smov.u32 s15;
	[tilespmem:s30+$0x70] =	vst v6  }
0xae: {  	[tilespmem:s30+$0x50] =	vst v4  }
0xaf: {  	[tilespmem:s30+$0x1E0] =	vst v3;
	s10 =	sor.u32 $0x300, s19;
	s11 =	sadd.s32 $0x1, s29  }
0xb0: {  	[tilespmem:s10], [sflag:s11] =	stream.indirect.gather [hbm4b:s4+s18], $0x40, s30, s18, $0xb8;
	[tilespmem:$0x1EF00] =	vst v63  }
0xb1: {  	_ =	swait.ge [sflag:s7], $0x2000  }
0xb2: {  	s15 =	sor.u32 $0x300, s17;
	[sflag:s7] =	ssyncset.done $0x0  }
0xb3: {  	s11 =	sadd.s32 $0x180, s9;
	[sflag:s7] =	ssyncadd.s32 $0xFFFFE000;
	s7 =	simm.s32 @!p0 $0x4  }
0xb4: {  	[spmem:s1] =	stream.indirect.scatter.add.f32 [tilespmem:s15], [sflag:$0x4], $0x40, s11, s18, $0xb8;
	[tilespmem:$0x1EF00] =	vst v63  }
0xb5: {  	_ =	swait.ge @!p0 [sflag:s7], $0x2000  }
0xb6: {  	[sflag:s7] =	ssyncset.done @!p0 $0x0  }
0xb7: {  	s17 =	sshll.u32 s0, $0x7;
	[sflag:s7] =	ssyncadd.s32 @!p0 $0xFFFFE000  }
0xb8: {  	[tilespmem:s17], [sflag:$0x5] =	stream.linear.gather [hbm4b:s21+s3], $0x80, $0x38;
	[tilespmem:$0x1EF00] =	vst v63  }
0xb9: {  	_ =	swait.ge [sflag:s16], $0x80  }
0xba: {  	[sflag:s16] =	ssyncset.done $0x0  }
0xbb: {  	s19 =	sadd.s32 $0x180, s17;
	[sflag:s16] =	ssyncadd.s32 $0xFFFFFF80  }
0xbc: {  	[tilespmem:s19], [sflag:$0x5] =	stream.linear.gather [hbm4b:s12+s3], $0x80, $0x38;
	[tilespmem:$0x1EF00] =	vst v63  }
0xbd: {  	_ =	swait.ge [sflag:s16], $0x80  }
0xbe: {  	[sflag:s16] =	ssyncset.done $0x0  }
0xbf: {  	[sflag:s16] =	ssyncadd.s32 $0xFFFFFF80  }
0xc0: {  	v3 =	vld [tilespmem:s17+$0x190]  }
0xc1: {  	v49 =	vld [tilespmem:s17+$0x1A0]  }
0xc2: {  	v5 =	vld [tilespmem:s17+$0x1B0]  }
0xc3: {  	v6 =	vld [tilespmem:s17+$0x180]  }
0xc4: {  	v7 =	vld [tilespmem:s17+$0x20]  }
0xc5: {  	v8 =	vld [tilespmem:s17+$0x1C0]  }
0xc6: {  	v9 =	vld [tilespmem:s17+$0x0];
	vm1 =	vge.s32 v3, v1;
	vm2 =	vlt.s32 v3, v2  }
0xc7: {  	v50 =	vld [tilespmem:s17+$0x1E0];
	vm0 =	vge.s32 v49, v1;
	v10 =	vsub.s32 v49, v1;
	vm3 =	vlt.s32 v49, v2  }
0xc8: {  	v11 =	vld [tilespmem:s17+$0x1D0];
	vm4 =	vge.s32 v5, v1;
	vm5 =	vlt.s32 v5, v2;
	vm3 =	vmand vm0, vm3  }
0xc9: {  	v51 =	vld [tilespmem:s17+$0x10];
	vm13 =	vge.s32 v6, v1;
	vm14 =	vlt.s32 v6, v2;
	v10 =	vsel vm3, v10, v0  }
0xca: {  	v53 =	vld [tilespmem:s17+$0x60];
	v5 =	vsub.s32 v5, v1;
	vm0 =	vmand vm4, vm5;
	v7 =	vnsel vm3, $0x0, v7;
	[tilespmem:s17+$0x1A0] =	vst v10  }
0xcb: {  	vm15 =	vge.s32 v8, v1;
	vm4 =	vmand vm13, vm14;
	v5 =	vsel vm0, v5, v0;
	[tilespmem:s17+$0x20] =	vst v7  }
0xcc: {  	v60 =	vld [tilespmem:s17+$0x50];
	v6 =	vsub.s32 v6, v1;
	vm9 =	vge.s32 v50, v1;
	v52 =	vnsel vm4, $0x0, v9;
	[tilespmem:s17+$0x1B0] =	vst v5  }
0xcd: {  	v12 =	vld [tilespmem:s17+$0x40];
	vm10 =	vlt.s32 v50, v2;
	vm1 =	vmand vm1, vm2;
	v6 =	vsel vm4, v6, v0;
	[tilespmem:s17+$0x0] =	vst v52  }
0xce: {  	v54 =	vld [tilespmem:s17+$0x30];
	v3 =	vsub.s32 v3, v1;
	vm2 =	vmand vm9, vm10;
	v57 =	vnsel vm1, $0x0, v51;
	[tilespmem:s17+$0x180] =	vst v6  }
0xcf: {  	v55 =	vld [tilespmem:s17+$0x1F0];
	vm11 =	vge.s32 v11, v1;
	vm12 =	vlt.s32 v11, v2;
	v58 =	vnsel vm2, $0x0, v53;
	[tilespmem:s17+$0x10] =	vst v57  }
0xd0: {  	vm8 =	vlt.s32 v8, v2;
	vm13 =	vmand vm11, vm12;
	v3 =	vsel vm1, v3, v0;
	[tilespmem:s17+$0x60] =	vst v58  }
0xd1: {  	v8 =	vsub.s32 v8, v1;
	vm3 =	vmand vm15, vm8;
	v63 =	vnsel vm13, $0x0, v60;
	[tilespmem:s17+$0x190] =	vst v3  }
0xd2: {  	v59 =	vld [tilespmem:s17+$0x70];
	v8 =	vsel vm3, v8, v0;
	[tilespmem:s17+$0x50] =	vst v63  }
0xd3: {  	v61 =	vsub.s32 v11, v1;
	v56 =	vnsel vm3, $0x0, v12;
	[tilespmem:s17+$0x1C0] =	vst v8  }
0xd4: {  	vm14 =	vge.s32 v55, v1;
	vm15 =	vlt.s32 v55, v2;
	v5 =	vnsel vm0, $0x0, v54;
	[tilespmem:s17+$0x40] =	vst v56  }
0xd5: {  	v3 =	vsub.s32 v55, v1;
	v6 =	vsel vm13, v61, v0;
	vm1 =	vmand vm14, vm15;
	[tilespmem:s17+$0x30] =	vst v5  }
0xd6: {  	[tilespmem:s17+$0x1D0] =	vst v6;
	v3 =	vsel vm1, v3, v0  }
0xd7: {  	v62 =	vnsel vm1, $0x0, v59;
	[tilespmem:s17+$0x1F0] =	vst v3;
	v3 =	vsub.s32 v50, v1  }
0xd8: {  	[tilespmem:s17+$0x70] =	vst v62;
	v3 =	vsel vm2, v3, v0  }
0xd9: {  	s5 =	sor.u32 $0x300, s5;
	s20 =	sadd.s32 $0x1, s0;
	s21 =	sadd.s32 $0x1, s28;
	[tilespmem:s17+$0x1E0] =	vst v3  }
0xda: {  	[tilespmem:s5], [sflag:s20] =	stream.indirect.gather [hbm4b:s4+s18], $0x40, s17, s18, $0xb8;
	[tilespmem:$0x1EF00] =	vst v63  }
0xdb: {  	_ =	swait.ge [sflag:s21], $0x2000  }
0xdc: {  	[sflag:s21] =	ssyncset.done $0x0  }
0xdd: {  	s29 =	sor.u32 $0x300, s31;
	s28 =	sadd.s32 $0x180, s2;
	[sflag:s21] =	ssyncadd.s32 $0xFFFFE000  }
0xde: {  	[spmem:s1] =	stream.indirect.scatter.add.f32 [tilespmem:s29], [sflag:$0x4], $0x40, s28, s18, $0xb8;
	[tilespmem:$0x1EF00] =	vst v63  }
0xdf: {  	_ =	swait.ge [sflag:s22], $0x2000  }
0xe0: {  	[sflag:s22] =	ssyncset.done $0x0  }
0xe1: {  	[sflag:s22] =	ssyncadd.s32 $0xFFFFE000  }
0xe2: {  	_ =	swait.ge [sflag:s23], $0x2000  }
0xe3: {  	[sflag:s23] =	ssyncset.done $0x0  }
0xe4: {  	s9 =	simm.s32 $0x300;
	s7 =	simm.s32 $0x180;
	[sflag:s23] =	ssyncadd.s32 $0xFFFFE000  }
0xe5: {  	[spmem:s1] =	stream.indirect.scatter.add.f32 [tilespmem:s9], [sflag:$0x4], $0x40, s7, s18, $0xb8;
	[tilespmem:$0x1EF00] =	vst v63  }
0xe6: {  	_ =	swait.ge [sflag:s22], $0x2000  }
0xe7: {  	[sflag:s22] =	ssyncset.done $0x0  }
0xe8: {  	[sflag:s22] =	ssyncadd.s32 $0xFFFFE000  }
0xe9: {  	_ =	swait.ge [sflag:s24], $0x2000  }
0xea: {  	[sflag:s24] =	ssyncset.done $0x0  }
0xeb: {  	s10 =	simm.s32 $0x200;
	s11 =	simm.s32 $0x2300;
	[sflag:s24] =	ssyncadd.s32 $0xFFFFE000  }
0xec: {  	[spmem:s1] =	stream.indirect.scatter.add.f32 [tilespmem:s11], [sflag:$0x4], $0x40, s10, s18, $0xb8;
	[tilespmem:$0x1EF00] =	vst v63  }
0xed: {  	_ =	swait.ge [sflag:s22], $0x2000  }
0xee: {  	[sflag:s22] =	ssyncset.done $0x0  }
0xef: {  	[sflag:s22] =	ssyncadd.s32 $0xFFFFE000  }
0xf0: {  	[bflag:$0x0] =	sbarrier.arrive $0xFFFF  }
0xf1: {  	s30 =	rddreg [dreg:$0x7]  }
0xf2: {  	[hbm:s30], [sflag:s6] =	dma.local [spmem:s25], $0x3100  }
0xf3: {  	_ =	swait.ge [sflag:s16], $0x3100  }
0xf4: {  	s26 =	sadd.s32 $0x1, s26;
	s31 =	rddreg [dreg:$0x8]  }
0xf5: {  	p0 =	sne.s32 s26, s31  }
.Ltmp1:
0xf6: {  	_ = 	snop;
	(pc) =	sbr.rel @p0 .LBB2_1-.Ltmp1, $3  }
0xf7: {  	_ =	sdelay $0x1  }
0xf8: {  	[sflag:s16] =	ssyncset.done $0x0  }
0xf9: {  	[sflag:s16] =	ssyncadd.s32 $0xFFFFCF00  }
0xfa: {  	_ =	sfence.sel $0x180000  }
0xfb: {  	[bflag:$0x0] =	sbarrier.arrive $0xFFFF  }
0xfc: {  	_ =	strace $0x90000047  }
0xfd: {  	s0 =	stileid.u32;
	[bflag:$0x2] =	sbarrier.arrive $0xFFFF  }
0xfe: {  	p0 =	sne.s32 s0, $0x0;
	s0 =	rddreg [dreg:$0x2]  }
0xff: {  	s0 =	sadd.s32 @!p0 $0x100000, s0  }
0x100: {  	[sflag:s0] =	ssyncadd.tile.s32 @!p0 $0x1;
	_ =	shalt  }
.Lfunc_end2:
_tile_overlayer_lowered:
.L_overlay_start_2:
0x101: {  	(tag) =	ssettag $0x2  }
0x102: {  	s0 =	rddreg [dreg:$0x0];
	s2 =	stileid.u32  }
0x103: {  	s1 =	rddreg [dreg:$0x1];
	p0 =	sne.s32 s2, $0x0  }
0x104: {  	s3 =	rddreg [dreg:$0x2];
	[bflag:$0x3] =	sbarrier.arrive $0xFFFF;
	s2 =	simm.s32 @!p0 $0x1C05  }
0x105: {  	[timem:s3], [sflag:s2] =	dma.local @!p0 [hbm:s0], s1  }
0x106: {  	s0 =	simm.s32 @!p0 $0x5  }
0x107: {  	_ =	swait.ge @!p0 [sflag:s0], s1  }
0x108: {  	s1 =	ssub.s32 @!p0 $0x0, s1;
	[sflag:s0] =	ssyncset.done @!p0 $0x0  }
0x109: {  	[sflag:s0] =	ssyncadd.s32 @!p0 s1  }
0x10a: {  	[bflag:$0x3] =	sbarrier.arrive $0xFFFF  }
0x10b: {  	_ =	shalt  }

</sc_bundles>
